<compile_context>
chip_gen: v7x
topology: tpu7x:2x2x1
jax: 0.10.2.dev20260603
libtpu: 0.0.44.dev20260713+nightly
codegen_flags: <defaults>
</compile_context>

<pallas_src>
import functools

import jax
import jax.numpy as jnp
from jax import lax
from jax.experimental import pallas as pl
from jax.experimental.pallas import tpu as pltpu
from jax.experimental.pallas import tpu_sc as plsc

N = 10000
E = 320000
IN_C = 128
HID_C = 256
OUT_C = 64
K = 10
ALPHA = 0.1

NP_ = 10240
D = OUT_C
NT = 32
CH = 79
CW = 128
EP = NT * CH * CW
RPT = NP_ // 16

_MESH = plsc.VectorSubcoreMesh(core_axis_name="c", subcore_axis_name="s")
_SC_PARAMS = pltpu.CompilerParams(use_tc_tiling_on_sc=False)



@functools.partial(
    pl.kernel,
    out_type=jax.ShapeDtypeStruct((2, NP_, 16), jnp.float32),
    mesh=_MESH,
    scratch_types=[
        pltpu.VMEM((CH, CW), jnp.int32),
        pltpu.VMEM((CW, 16), jnp.float32),
        pltpu.VMEM_SHARED((NP_, 16), jnp.float32),
    ],
    compiler_params=_SC_PARAMS,
)
def _deg_sc(dst3, ones_rows, zrows16, out, idx_v, ones_v, table_sh):
    c = lax.axis_index("c")
    s = lax.axis_index("s")
    wid = c * 16 + s
    pltpu.sync_copy(dst3.at[wid], idx_v)
    pltpu.sync_copy(ones_rows, ones_v)
    pltpu.sync_copy(zrows16, table_sh.at[pl.ds(s * RPT, RPT)])
    plsc.subcore_barrier()

    def body(j, carry):
        pltpu.sync_copy(ones_v, table_sh.at[idx_v.at[j]], add=True)
        return carry

    lax.fori_loop(0, CH, body, 0)
    plsc.subcore_barrier()
    pltpu.sync_copy(table_sh.at[pl.ds(s * RPT, RPT)],
                    out.at[c, pl.ds(s * RPT, RPT)])


@functools.partial(
    pl.kernel,
    out_type=jax.ShapeDtypeStruct((2, NP_, D), jnp.float32),
    mesh=_MESH,
    scratch_types=[
        pltpu.VMEM((CH, CW), jnp.int32),
        pltpu.VMEM((CH, CW), jnp.int32),
        pltpu.VMEM((CW, D), jnp.float32),
        pltpu.VMEM_SHARED((NP_, D), jnp.float32),
        pltpu.VMEM_SHARED((NP_, D), jnp.float32),
        pltpu.SemaphoreType.DMA,
    ],
    compiler_params=_SC_PARAMS,
)
def _hop_sc(u, src3, dst3, zrows64, out, src_v, dst_v, rows_v, u_sh, agg_sh,
            sem):
    c = lax.axis_index("c")
    s = lax.axis_index("s")
    wid = c * 16 + s
    pltpu.sync_copy(src3.at[wid], src_v)
    pltpu.sync_copy(dst3.at[wid], dst_v)
    pltpu.sync_copy(u.at[pl.ds(s * RPT, RPT)], u_sh.at[pl.ds(s * RPT, RPT)])

    @pl.when(c == 0)
    def _():
        pltpu.sync_copy(u.at[pl.ds(s * RPT, RPT)],
                        agg_sh.at[pl.ds(s * RPT, RPT)])

    @pl.when(c != 0)
    def _():
        pltpu.sync_copy(zrows64, agg_sh.at[pl.ds(s * RPT, RPT)])

    plsc.subcore_barrier()

    def body(j, carry):
        pltpu.async_copy(u_sh.at[src_v.at[j]], rows_v, sem).wait()
        pltpu.sync_copy(rows_v, agg_sh.at[dst_v.at[j]], add=True)
        return carry

    lax.fori_loop(0, CH, body, 0)
    plsc.subcore_barrier()
    pltpu.sync_copy(agg_sh.at[pl.ds(s * RPT, RPT)],
                    out.at[c, pl.ds(s * RPT, RPT)])



_BR = 256


def _mlp_tc(xp, w1t, b1, w2t, b2):
    def body(x_ref, w1_ref, b1_ref, w2_ref, b2_ref, o_ref):
        h = jnp.dot(x_ref[...], w1_ref[...], preferred_element_type=jnp.float32)
        h = jnp.maximum(h + b1_ref[...], 0.0)
        o_ref[...] = (
            jnp.dot(h, w2_ref[...], preferred_element_type=jnp.float32)
            + b2_ref[...]
        )

    return pl.pallas_call(
        body,
        grid=(NP_ // _BR,),
        in_specs=[
            pl.BlockSpec((_BR, IN_C), lambda i: (i, 0)),
            pl.BlockSpec((IN_C, HID_C), lambda i: (0, 0)),
            pl.BlockSpec((1, HID_C), lambda i: (0, 0)),
            pl.BlockSpec((HID_C, D), lambda i: (0, 0)),
            pl.BlockSpec((1, D), lambda i: (0, 0)),
        ],
        out_specs=pl.BlockSpec((_BR, D), lambda i: (i, 0)),
        out_shape=jax.ShapeDtypeStruct((NP_, D), jnp.float32),
    )(xp, w1t, b1, w2t, b2)


def _prep_tc(degp, h0):
    def body(dp_ref, h0_ref, u0_ref, w09_ref, u0s_ref, sq_ref):
        deg = dp_ref[0, :, 0:1] + dp_ref[1, :, 0:1] + 1.0
        dinv = lax.rsqrt(deg)
        u0 = dinv * h0_ref[...]
        u0_ref[...] = u0
        w09_ref[...] = jnp.broadcast_to((1.0 - ALPHA) / deg, (_BR, D))
        u0s_ref[...] = ALPHA * u0
        sq_ref[...] = jnp.broadcast_to(jnp.sqrt(deg), (_BR, D))

    o = jax.ShapeDtypeStruct((NP_, D), jnp.float32)
    return pl.pallas_call(
        body,
        grid=(NP_ // _BR,),
        in_specs=[
            pl.BlockSpec((2, _BR, 16), lambda i: (0, i, 0)),
            pl.BlockSpec((_BR, D), lambda i: (i, 0)),
        ],
        out_specs=[pl.BlockSpec((_BR, D), lambda i: (i, 0))] * 4,
        out_shape=[o, o, o, o],
    )(degp, h0)


def _combine_tc(p, w09, u0s, sq=None):
    final = sq is not None

    def body(*refs):
        if final:
            p_ref, w09_ref, u0s_ref, sq_ref, o_ref = refs
        else:
            p_ref, w09_ref, u0s_ref, o_ref = refs
        v = w09_ref[...] * (p_ref[0] + p_ref[1]) + u0s_ref[...]
        if final:
            v = sq_ref[...] * v
        o_ref[...] = v

    in_specs = [
        pl.BlockSpec((2, _BR, D), lambda i: (0, i, 0)),
        pl.BlockSpec((_BR, D), lambda i: (i, 0)),
        pl.BlockSpec((_BR, D), lambda i: (i, 0)),
    ]
    args = [p, w09, u0s]
    if final:
        in_specs.append(pl.BlockSpec((_BR, D), lambda i: (i, 0)))
        args.append(sq)
    return pl.pallas_call(
        body,
        grid=(NP_ // _BR,),
        in_specs=in_specs,
        out_specs=pl.BlockSpec((_BR, D), lambda i: (i, 0)),
        out_shape=jax.ShapeDtypeStruct((NP_, D), jnp.float32),
    )(*args)



def kernel(x, edge_index, W1, b1, W2, b2):
    xp = jnp.zeros((NP_, IN_C), jnp.float32).at[:N].set(x)
    pad = jnp.full((EP - E,), N, jnp.int32)
    src3 = jnp.concatenate([edge_index[0], pad]).reshape(NT, CH, CW)
    dst3 = jnp.concatenate([edge_index[1], pad]).reshape(NT, CH, CW)
    ones_rows = jnp.ones((CW, 16), jnp.float32)
    zrows16 = jnp.zeros((RPT, 16), jnp.float32)
    zrows64 = jnp.zeros((RPT, D), jnp.float32)

    degp = _deg_sc(dst3, ones_rows, zrows16)
    h0 = _mlp_tc(xp, W1.T, b1.reshape(1, HID_C), W2.T, b2.reshape(1, D))
    u, w09, u0s, sq = _prep_tc(degp, h0)

    for k in range(K):
        p = _hop_sc(u, src3, dst3, zrows64)
        if k < K - 1:
            u = _combine_tc(p, w09, u0s)
        else:
            h = _combine_tc(p, w09, u0s, sq)
    return h[:N]

# --- scband reference (transcript-rebuilt; emitter-appended) ---
"""Pipeline reference for scband-net-8435315769443 (READ-ONLY COPY).

The authoritative reference and input builder live on the scoring server;
editing this copy changes nothing except your own understanding.
"""

import jax, jax.numpy as jnp
import numpy as np

N = 10000
E = 320000
IN_C = 128
HID_C = 256
OUT_C = 64
K = 10
ALPHA = 0.1


def setup_inputs(seed: int = 0) -> dict:
    key = jax.random.key(seed)
    ks = jax.random.split(key, 6)
    x = jax.random.normal(ks[0], (N, IN_C), dtype=jnp.float32)
    edge_index = jax.random.randint(ks[1], (2, E), 0, N, dtype=jnp.int32)
    # Xavier-uniform-initialized linear weights (torch Linear layout: [out, in])
    lim1 = float(np.sqrt(6.0 / (IN_C + HID_C)))
    W1 = jax.random.uniform(ks[2], (HID_C, IN_C), dtype=jnp.float32, minval=-lim1, maxval=lim1)
    b1 = jnp.zeros((HID_C,), dtype=jnp.float32)
    lim2 = float(np.sqrt(6.0 / (HID_C + OUT_C)))
    W2 = jax.random.uniform(ks[3], (OUT_C, HID_C), dtype=jnp.float32, minval=-lim2, maxval=lim2)
    b2 = jnp.zeros((OUT_C,), dtype=jnp.float32)
    return {"x": x, "edge_index": edge_index, "W1": W1, "b1": b1, "W2": W2, "b2": b2}


def _appnp(h0, edge_index, num_nodes):
    # gcn_norm with self-loops (PyG APPNP default)
    src = edge_index[0]
    dst = edge_index[1]
    loop = jnp.arange(num_nodes, dtype=src.dtype)
    src = jnp.concatenate([src, loop])
    dst = jnp.concatenate([dst, loop])
    ones = jnp.ones(src.shape[0], dtype=h0.dtype)
    deg = jnp.zeros((num_nodes,), dtype=h0.dtype).at[dst].add(ones)
    deg_inv_sqrt = jnp.where(deg > 0, 1.0 / jnp.sqrt(deg), 0.0)
    norm = deg_inv_sqrt[src] * deg_inv_sqrt[dst]
    h = h0
    for _ in range(K):
        msg = norm[:, None] * h[src]                      # gather
        agg = jnp.zeros_like(h).at[dst].add(msg)          # scatter-add
        h = (1.0 - ALPHA) * agg + ALPHA * h0
    return h


def reference(x, edge_index, W1, b1, W2, b2):
    # eval mode: dropout is a no-op
    h = jax.nn.relu(x @ W1.T + b1)
    h = h @ W2.T + b2
    return _appnp(h, edge_index, N)

if __name__ == "__main__":
    import jax
    _d = setup_inputs()
    print(jax.jit(kernel)(*tuple(_d.values())))

</pallas_src>

<mosaic_0001>
#map = affine_map<(d0, d1) -> (0, 0)>
#map1 = affine_map<(d0, d1) -> (0, 0, 0)>
module attributes {stable_mosaic.version = 14 : i64} {
  func.func @_hop_sc(%arg0: i32, %arg1: i32, %arg2: memref<10240x64xf32, #tpu.memory_space<hbm>>, %arg3: memref<32x79x128xi32, #tpu.memory_space<hbm>>, %arg4: memref<32x79x128xi32, #tpu.memory_space<hbm>>, %arg5: memref<640x64xf32, #tpu.memory_space<hbm>>, %arg6: memref<2x10240x64xf32, #tpu.memory_space<hbm>>, %arg7: memref<79x128xi32, #tpu.memory_space<vmem>>, %arg8: memref<79x128xi32, #tpu.memory_space<vmem>>, %arg9: memref<128x64xf32, #tpu.memory_space<vmem>>, %arg10: memref<10240x64xf32, #tpu.memory_space<vmem_shared>>, %arg11: memref<10240x64xf32, #tpu.memory_space<vmem_shared>>, %arg12: memref<!tpu.dma_semaphore, #tpu.memory_space<semaphore_mem>>) attributes {dimension_semantics = [#tpu.dimension_semantics<core_parallel>, #tpu.dimension_semantics<subcore_parallel>], iteration_bounds = array<i64: 2, 16>, scalar_prefetch = 0 : i64, scratch_operands = 6 : i64, tpu.core_type = #tpu.core_type<sc_vector_subcore>, window_params = [{transform_indices = #map}, {transform_indices = #map1}, {transform_indices = #map1}, {transform_indices = #map}, {transform_indices = #map1}]} {
    %mul3A = arith.constant 16 : i32
    %mul3A_0 = arith.muli %arg0, %mul3A : i32
    %add3A = arith.addi %mul3A_0, %arg1 : i32
    "tpu.region"() ({
      %run_scoped3A = tpu.sem_alloc : memref<!tpu.dma_semaphore, #tpu.memory_space<semaphore_mem>>
      %dma_start3A = arith.constant 0 : i32
      %dma_start3A_21 = arith.constant 0 : i32
      %dma_start3A_22 = tpu.memref_slice %arg3[%add3A, %dma_start3A, %dma_start3A_21] : memref<32x79x128xi32, #tpu.memory_space<hbm>> -> memref<1x79x128xi32, #tpu.memory_space<hbm>>
      %dma_start3A_23 = tpu.memref_squeeze %dma_start3A_22 : memref<1x79x128xi32, #tpu.memory_space<hbm>> -> memref<79x128xi32, #tpu.memory_space<hbm>>
      %dma_start3A_24 = arith.constant 0 : i32
      %dma_start3A_25 = arith.constant 0 : i32
      %dma_start3A_26 = tpu.memref_slice %arg3[%add3A, %dma_start3A_24, %dma_start3A_25] : memref<32x79x128xi32, #tpu.memory_space<hbm>> -> memref<1x79x128xi32, #tpu.memory_space<hbm>>
      %dma_start3A_27 = tpu.memref_squeeze %dma_start3A_26 : memref<1x79x128xi32, #tpu.memory_space<hbm>> -> memref<79x128xi32, #tpu.memory_space<hbm>>
      tpu.enqueue_dma source(%dma_start3A_27 : memref<79x128xi32, #tpu.memory_space<hbm>>) target(%arg7 : memref<79x128xi32, #tpu.memory_space<vmem>>) target_semaphore(%run_scoped3A : memref<!tpu.dma_semaphore, #tpu.memory_space<semaphore_mem>>)
      %dma_wait3A = arith.constant 0 : i32
      %dma_wait3A_28 = arith.constant 0 : i32
      %dma_wait3A_29 = tpu.memref_slice %arg3[%add3A, %dma_wait3A, %dma_wait3A_28] : memref<32x79x128xi32, #tpu.memory_space<hbm>> -> memref<1x79x128xi32, #tpu.memory_space<hbm>>
      %dma_wait3A_30 = tpu.memref_squeeze %dma_wait3A_29 : memref<1x79x128xi32, #tpu.memory_space<hbm>> -> memref<79x128xi32, #tpu.memory_space<hbm>>
      %dma_wait3A_31 = arith.constant 0 : i32
      %dma_wait3A_32 = arith.constant 0 : i32
      %dma_wait3A_33 = tpu.memref_slice %arg3[%add3A, %dma_wait3A_31, %dma_wait3A_32] : memref<32x79x128xi32, #tpu.memory_space<hbm>> -> memref<1x79x128xi32, #tpu.memory_space<hbm>>
      %dma_wait3A_34 = tpu.memref_squeeze %dma_wait3A_33 : memref<1x79x128xi32, #tpu.memory_space<hbm>> -> memref<79x128xi32, #tpu.memory_space<hbm>>
      tpu.wait_dma2 semaphore(%run_scoped3A : memref<!tpu.dma_semaphore, #tpu.memory_space<semaphore_mem>>) src(%dma_wait3A_34 : memref<79x128xi32, #tpu.memory_space<hbm>>) dst(%arg7 : memref<79x128xi32, #tpu.memory_space<vmem>>)
      tpu.yield
    }) : () -> ()
    "tpu.region"() ({
      %run_scoped3A = tpu.sem_alloc : memref<!tpu.dma_semaphore, #tpu.memory_space<semaphore_mem>>
      %dma_start3A = arith.constant 0 : i32
      %dma_start3A_21 = arith.constant 0 : i32
      %dma_start3A_22 = tpu.memref_slice %arg4[%add3A, %dma_start3A, %dma_start3A_21] : memref<32x79x128xi32, #tpu.memory_space<hbm>> -> memref<1x79x128xi32, #tpu.memory_space<hbm>>
      %dma_start3A_23 = tpu.memref_squeeze %dma_start3A_22 : memref<1x79x128xi32, #tpu.memory_space<hbm>> -> memref<79x128xi32, #tpu.memory_space<hbm>>
      %dma_start3A_24 = arith.constant 0 : i32
      %dma_start3A_25 = arith.constant 0 : i32
      %dma_start3A_26 = tpu.memref_slice %arg4[%add3A, %dma_start3A_24, %dma_start3A_25] : memref<32x79x128xi32, #tpu.memory_space<hbm>> -> memref<1x79x128xi32, #tpu.memory_space<hbm>>
      %dma_start3A_27 = tpu.memref_squeeze %dma_start3A_26 : memref<1x79x128xi32, #tpu.memory_space<hbm>> -> memref<79x128xi32, #tpu.memory_space<hbm>>
      tpu.enqueue_dma source(%dma_start3A_27 : memref<79x128xi32, #tpu.memory_space<hbm>>) target(%arg8 : memref<79x128xi32, #tpu.memory_space<vmem>>) target_semaphore(%run_scoped3A : memref<!tpu.dma_semaphore, #tpu.memory_space<semaphore_mem>>)
      %dma_wait3A = arith.constant 0 : i32
      %dma_wait3A_28 = arith.constant 0 : i32
      %dma_wait3A_29 = tpu.memref_slice %arg4[%add3A, %dma_wait3A, %dma_wait3A_28] : memref<32x79x128xi32, #tpu.memory_space<hbm>> -> memref<1x79x128xi32, #tpu.memory_space<hbm>>
      %dma_wait3A_30 = tpu.memref_squeeze %dma_wait3A_29 : memref<1x79x128xi32, #tpu.memory_space<hbm>> -> memref<79x128xi32, #tpu.memory_space<hbm>>
      %dma_wait3A_31 = arith.constant 0 : i32
      %dma_wait3A_32 = arith.constant 0 : i32
      %dma_wait3A_33 = tpu.memref_slice %arg4[%add3A, %dma_wait3A_31, %dma_wait3A_32] : memref<32x79x128xi32, #tpu.memory_space<hbm>> -> memref<1x79x128xi32, #tpu.memory_space<hbm>>
      %dma_wait3A_34 = tpu.memref_squeeze %dma_wait3A_33 : memref<1x79x128xi32, #tpu.memory_space<hbm>> -> memref<79x128xi32, #tpu.memory_space<hbm>>
      tpu.wait_dma2 semaphore(%run_scoped3A : memref<!tpu.dma_semaphore, #tpu.memory_space<semaphore_mem>>) src(%dma_wait3A_34 : memref<79x128xi32, #tpu.memory_space<hbm>>) dst(%arg8 : memref<79x128xi32, #tpu.memory_space<vmem>>)
      tpu.yield
    }) : () -> ()
    %mul3A_1 = arith.constant 640 : i32
    %mul3A_2 = arith.muli %arg1, %mul3A_1 : i32
    %mul3A_3 = arith.constant 640 : i32
    %mul3A_4 = arith.muli %arg1, %mul3A_3 : i32
    "tpu.region"() ({
      %run_scoped3A = tpu.sem_alloc : memref<!tpu.dma_semaphore, #tpu.memory_space<semaphore_mem>>
      %dma_start3A = arith.constant 0 : i32
      %dma_start3A_21 = tpu.memref_slice %arg10[%mul3A_4, %dma_start3A] : memref<10240x64xf32, #tpu.memory_space<vmem_shared>> -> memref<640x64xf32, #tpu.memory_space<vmem_shared>>
      %dma_start3A_22 = arith.constant 0 : i32
      %dma_start3A_23 = tpu.memref_slice %arg2[%mul3A_2, %dma_start3A_22] : memref<10240x64xf32, #tpu.memory_space<hbm>> -> memref<640x64xf32, #tpu.memory_space<hbm>>
      tpu.enqueue_dma source(%dma_start3A_23 : memref<640x64xf32, #tpu.memory_space<hbm>>) target(%dma_start3A_21 : memref<640x64xf32, #tpu.memory_space<vmem_shared>>) target_semaphore(%run_scoped3A : memref<!tpu.dma_semaphore, #tpu.memory_space<semaphore_mem>>)
      %dma_wait3A = arith.constant 0 : i32
      %dma_wait3A_24 = tpu.memref_slice %arg10[%mul3A_4, %dma_wait3A] : memref<10240x64xf32, #tpu.memory_space<vmem_shared>> -> memref<640x64xf32, #tpu.memory_space<vmem_shared>>
      %dma_wait3A_25 = arith.constant 0 : i32
      %dma_wait3A_26 = tpu.memref_slice %arg2[%mul3A_2, %dma_wait3A_25] : memref<10240x64xf32, #tpu.memory_space<hbm>> -> memref<640x64xf32, #tpu.memory_space<hbm>>
      tpu.wait_dma2 semaphore(%run_scoped3A : memref<!tpu.dma_semaphore, #tpu.memory_space<semaphore_mem>>) src(%dma_wait3A_26 : memref<640x64xf32, #tpu.memory_space<hbm>>) dst(%dma_wait3A_24 : memref<640x64xf32, #tpu.memory_space<vmem_shared>>)
      tpu.yield
    }) : () -> ()
    %eq3A = arith.constant 0 : i32
    %eq3A_5 = arith.cmpi eq, %arg0, %eq3A : i32
    %convert_element_type3A = arith.extui %eq3A_5 : i1 to i32
    %cond3A = arith.constant 0 : i32
    %cond3A_6 = arith.cmpi ne, %convert_element_type3A, %cond3A : i32
    scf.if %cond3A_6 {
      %mul3A_21 = arith.constant 640 : i32
      %mul3A_22 = arith.muli %arg1, %mul3A_21 : i32
      %mul3A_23 = arith.constant 640 : i32
      %mul3A_24 = arith.muli %arg1, %mul3A_23 : i32
      "tpu.region"() ({
        %run_scoped3A = tpu.sem_alloc : memref<!tpu.dma_semaphore, #tpu.memory_space<semaphore_mem>>
        %dma_start3A = arith.constant 0 : i32
        %dma_start3A_25 = tpu.memref_slice %arg11[%mul3A_24, %dma_start3A] : memref<10240x64xf32, #tpu.memory_space<vmem_shared>> -> memref<640x64xf32, #tpu.memory_space<vmem_shared>>
        %dma_start3A_26 = arith.constant 0 : i32
        %dma_start3A_27 = tpu.memref_slice %arg2[%mul3A_22, %dma_start3A_26] : memref<10240x64xf32, #tpu.memory_space<hbm>> -> memref<640x64xf32, #tpu.memory_space<hbm>>
        tpu.enqueue_dma source(%dma_start3A_27 : memref<640x64xf32, #tpu.memory_space<hbm>>) target(%dma_start3A_25 : memref<640x64xf32, #tpu.memory_space<vmem_shared>>) target_semaphore(%run_scoped3A : memref<!tpu.dma_semaphore, #tpu.memory_space<semaphore_mem>>)
        %dma_wait3A = arith.constant 0 : i32
        %dma_wait3A_28 = tpu.memref_slice %arg11[%mul3A_24, %dma_wait3A] : memref<10240x64xf32, #tpu.memory_space<vmem_shared>> -> memref<640x64xf32, #tpu.memory_space<vmem_shared>>
        %dma_wait3A_29 = arith.constant 0 : i32
        %dma_wait3A_30 = tpu.memref_slice %arg2[%mul3A_22, %dma_wait3A_29] : memref<10240x64xf32, #tpu.memory_space<hbm>> -> memref<640x64xf32, #tpu.memory_space<hbm>>
        tpu.wait_dma2 semaphore(%run_scoped3A : memref<!tpu.dma_semaphore, #tpu.memory_space<semaphore_mem>>) src(%dma_wait3A_30 : memref<640x64xf32, #tpu.memory_space<hbm>>) dst(%dma_wait3A_28 : memref<640x64xf32, #tpu.memory_space<vmem_shared>>)
        tpu.yield
      }) : () -> ()
    } else {
    }
    %ne3A = arith.constant 0 : i32
    %ne3A_7 = arith.cmpi ne, %arg0, %ne3A : i32
    %convert_element_type3A_8 = arith.extui %ne3A_7 : i1 to i32
    %cond3A_9 = arith.constant 0 : i32
    %cond3A_10 = arith.cmpi ne, %convert_element_type3A_8, %cond3A_9 : i32
    scf.if %cond3A_10 {
      %mul3A_21 = arith.constant 640 : i32
      %mul3A_22 = arith.muli %arg1, %mul3A_21 : i32
      "tpu.region"() ({
        %run_scoped3A = tpu.sem_alloc : memref<!tpu.dma_semaphore, #tpu.memory_space<semaphore_mem>>
        %dma_start3A = arith.constant 0 : i32
        %dma_start3A_23 = tpu.memref_slice %arg11[%mul3A_22, %dma_start3A] : memref<10240x64xf32, #tpu.memory_space<vmem_shared>> -> memref<640x64xf32, #tpu.memory_space<vmem_shared>>
        tpu.enqueue_dma source(%arg5 : memref<640x64xf32, #tpu.memory_space<hbm>>) target(%dma_start3A_23 : memref<640x64xf32, #tpu.memory_space<vmem_shared>>) target_semaphore(%run_scoped3A : memref<!tpu.dma_semaphore, #tpu.memory_space<semaphore_mem>>)
        %dma_wait3A = arith.constant 0 : i32
        %dma_wait3A_24 = tpu.memref_slice %arg11[%mul3A_22, %dma_wait3A] : memref<10240x64xf32, #tpu.memory_space<vmem_shared>> -> memref<640x64xf32, #tpu.memory_space<vmem_shared>>
        tpu.wait_dma2 semaphore(%run_scoped3A : memref<!tpu.dma_semaphore, #tpu.memory_space<semaphore_mem>>) src(%arg5 : memref<640x64xf32, #tpu.memory_space<hbm>>) dst(%dma_wait3A_24 : memref<640x64xf32, #tpu.memory_space<vmem_shared>>)
        tpu.yield
      }) : () -> ()
    } else {
    }
    %barrier3A = arith.constant 0 : index
    tpu.barrier barrier_id(%barrier3A)
    %scan3A = arith.constant 0 : i32
    %scan3A_11 = arith.constant 0 : i32
    %scan3A_12 = arith.constant 79 : i32
    %scan3A_13 = arith.addi %scan3A_11, %scan3A_12 : i32
    %scan3A_14 = arith.constant 1 : i32
    scf.for %scan3A_21 = %scan3A_11 to %scan3A_13 step %scan3A_14  : i32 {
      %dma_start3A = arith.constant 0 : i32
      %dma_start3A_22 = tpu.memref_slice %arg7[%scan3A_21, %dma_start3A] : memref<79x128xi32, #tpu.memory_space<vmem>> -> memref<1x128xi32, #tpu.memory_space<vmem>>
      %dma_start3A_23 = tpu.memref_squeeze %dma_start3A_22 : memref<1x128xi32, #tpu.memory_space<vmem>> -> memref<128xi32, #tpu.memory_space<vmem>>
      %dma_start3A_24 = arith.constant 0 : i32
      %dma_start3A_25 = arith.constant 0 : i32
      %dma_start3A_26 = tpu.memref_slice %arg10[%dma_start3A_24, %dma_start3A_25] : memref<10240x64xf32, #tpu.memory_space<vmem_shared>> -> memref<10240x64xf32, #tpu.memory_space<vmem_shared>>
      tpu.enqueue_indirect_dma source(%dma_start3A_26 : memref<10240x64xf32, #tpu.memory_space<vmem_shared>>) target(%arg9 : memref<128x64xf32, #tpu.memory_space<vmem>>) offsets(%dma_start3A_23 : memref<128xi32, #tpu.memory_space<vmem>>) semaphore(%arg12 : memref<!tpu.dma_semaphore, #tpu.memory_space<semaphore_mem>>)
      %dma_wait3A = arith.constant 0 : i32
      %dma_wait3A_27 = tpu.memref_slice %arg7[%scan3A_21, %dma_wait3A] : memref<79x128xi32, #tpu.memory_space<vmem>> -> memref<1x128xi32, #tpu.memory_space<vmem>>
      %dma_wait3A_28 = tpu.memref_squeeze %dma_wait3A_27 : memref<1x128xi32, #tpu.memory_space<vmem>> -> memref<128xi32, #tpu.memory_space<vmem>>
      %dma_wait3A_29 = arith.constant 0 : i32
      %dma_wait3A_30 = arith.constant 0 : i32
      %dma_wait3A_31 = tpu.memref_slice %arg10[%dma_wait3A_29, %dma_wait3A_30] : memref<10240x64xf32, #tpu.memory_space<vmem_shared>> -> memref<10240x64xf32, #tpu.memory_space<vmem_shared>>
      tpu.wait_indirect_dma semaphore(%arg12 : memref<!tpu.dma_semaphore, #tpu.memory_space<semaphore_mem>>) src(%dma_wait3A_31 : memref<10240x64xf32, #tpu.memory_space<vmem_shared>>) dst(%arg9 : memref<128x64xf32, #tpu.memory_space<vmem>>)
      "tpu.region"() ({
        %run_scoped3A = tpu.sem_alloc : memref<!tpu.dma_semaphore, #tpu.memory_space<semaphore_mem>>
        %dma_start3A_32 = arith.constant 0 : i32
        %dma_start3A_33 = tpu.memref_slice %arg8[%scan3A_21, %dma_start3A_32] : memref<79x128xi32, #tpu.memory_space<vmem>> -> memref<1x128xi32, #tpu.memory_space<vmem>>
        %dma_start3A_34 = tpu.memref_squeeze %dma_start3A_33 : memref<1x128xi32, #tpu.memory_space<vmem>> -> memref<128xi32, #tpu.memory_space<vmem>>
        %dma_start3A_35 = arith.constant 0 : i32
        %dma_start3A_36 = arith.constant 0 : i32
        %dma_start3A_37 = tpu.memref_slice %arg11[%dma_start3A_35, %dma_start3A_36] : memref<10240x64xf32, #tpu.memory_space<vmem_shared>> -> memref<10240x64xf32, #tpu.memory_space<vmem_shared>>
        tpu.enqueue_indirect_dma source(%arg9 : memref<128x64xf32, #tpu.memory_space<vmem>>) target(%dma_start3A_37 : memref<10240x64xf32, #tpu.memory_space<vmem_shared>>) offsets(%dma_start3A_34 : memref<128xi32, #tpu.memory_space<vmem>>) semaphore(%run_scoped3A : memref<!tpu.dma_semaphore, #tpu.memory_space<semaphore_mem>>) {add = true}
        %dma_wait3A_38 = arith.constant 0 : i32
        %dma_wait3A_39 = tpu.memref_slice %arg8[%scan3A_21, %dma_wait3A_38] : memref<79x128xi32, #tpu.memory_space<vmem>> -> memref<1x128xi32, #tpu.memory_space<vmem>>
        %dma_wait3A_40 = tpu.memref_squeeze %dma_wait3A_39 : memref<1x128xi32, #tpu.memory_space<vmem>> -> memref<128xi32, #tpu.memory_space<vmem>>
        %dma_wait3A_41 = arith.constant 0 : i32
        %dma_wait3A_42 = arith.constant 0 : i32
        %dma_wait3A_43 = tpu.memref_slice %arg11[%dma_wait3A_41, %dma_wait3A_42] : memref<10240x64xf32, #tpu.memory_space<vmem_shared>> -> memref<10240x64xf32, #tpu.memory_space<vmem_shared>>
        tpu.wait_indirect_dma semaphore(%run_scoped3A : memref<!tpu.dma_semaphore, #tpu.memory_space<semaphore_mem>>) src(%arg9 : memref<128x64xf32, #tpu.memory_space<vmem>>) dst(%dma_wait3A_43 : memref<10240x64xf32, #tpu.memory_space<vmem_shared>>)
        tpu.yield
      }) : () -> ()
    }
    %scan3A_15 = arith.constant 79 : i32
    %barrier3A_16 = arith.constant 0 : index
    tpu.barrier barrier_id(%barrier3A_16)
    %mul3A_17 = arith.constant 640 : i32
    %mul3A_18 = arith.muli %arg1, %mul3A_17 : i32
    %mul3A_19 = arith.constant 640 : i32
    %mul3A_20 = arith.muli %arg1, %mul3A_19 : i32
    "tpu.region"() ({
      %run_scoped3A = tpu.sem_alloc : memref<!tpu.dma_semaphore, #tpu.memory_space<semaphore_mem>>
      %dma_start3A = arith.constant 0 : i32
      %dma_start3A_21 = tpu.memref_slice %arg6[%arg0, %mul3A_20, %dma_start3A] : memref<2x10240x64xf32, #tpu.memory_space<hbm>> -> memref<1x640x64xf32, #tpu.memory_space<hbm>>
      %dma_start3A_22 = tpu.memref_squeeze %dma_start3A_21 : memref<1x640x64xf32, #tpu.memory_space<hbm>> -> memref<640x64xf32, #tpu.memory_space<hbm>>
      %dma_start3A_23 = arith.constant 0 : i32
      %dma_start3A_24 = tpu.memref_slice %arg11[%mul3A_18, %dma_start3A_23] : memref<10240x64xf32, #tpu.memory_space<vmem_shared>> -> memref<640x64xf32, #tpu.memory_space<vmem_shared>>
      tpu.enqueue_dma source(%dma_start3A_24 : memref<640x64xf32, #tpu.memory_space<vmem_shared>>) target(%dma_start3A_22 : memref<640x64xf32, #tpu.memory_space<hbm>>) target_semaphore(%run_scoped3A : memref<!tpu.dma_semaphore, #tpu.memory_space<semaphore_mem>>)
      %dma_wait3A = arith.constant 0 : i32
      %dma_wait3A_25 = tpu.memref_slice %arg6[%arg0, %mul3A_20, %dma_wait3A] : memref<2x10240x64xf32, #tpu.memory_space<hbm>> -> memref<1x640x64xf32, #tpu.memory_space<hbm>>
      %dma_wait3A_26 = tpu.memref_squeeze %dma_wait3A_25 : memref<1x640x64xf32, #tpu.memory_space<hbm>> -> memref<640x64xf32, #tpu.memory_space<hbm>>
      %dma_wait3A_27 = arith.constant 0 : i32
      %dma_wait3A_28 = tpu.memref_slice %arg11[%mul3A_18, %dma_wait3A_27] : memref<10240x64xf32, #tpu.memory_space<vmem_shared>> -> memref<640x64xf32, #tpu.memory_space<vmem_shared>>
      tpu.wait_dma2 semaphore(%run_scoped3A : memref<!tpu.dma_semaphore, #tpu.memory_space<semaphore_mem>>) src(%dma_wait3A_28 : memref<640x64xf32, #tpu.memory_space<vmem_shared>>) dst(%dma_wait3A_26 : memref<640x64xf32, #tpu.memory_space<hbm>>)
      tpu.yield
    }) : () -> ()
    return
  }
}

#map = affine_map<(d0, d1) -> (0, 0, 0)>
#map1 = affine_map<(d0, d1) -> (0, 0)>
module attributes {stable_mosaic.version = 14 : i64} {
  func.func @_deg_sc(%arg0: i32, %arg1: i32, %arg2: memref<32x79x128xi32, #tpu.memory_space<hbm>>, %arg3: memref<128x16xf32, #tpu.memory_space<hbm>>, %arg4: memref<640x16xf32, #tpu.memory_space<hbm>>, %arg5: memref<2x10240x16xf32, #tpu.memory_space<hbm>>, %arg6: memref<79x128xi32, #tpu.memory_space<vmem>>, %arg7: memref<128x16xf32, #tpu.memory_space<vmem>>, %arg8: memref<10240x16xf32, #tpu.memory_space<vmem_shared>>) attributes {dimension_semantics = [#tpu.dimension_semantics<core_parallel>, #tpu.dimension_semantics<subcore_parallel>], iteration_bounds = array<i64: 2, 16>, scalar_prefetch = 0 : i64, scratch_operands = 3 : i64, tpu.core_type = #tpu.core_type<sc_vector_subcore>, window_params = [{transform_indices = #map}, {transform_indices = #map1}, {transform_indices = #map1}, {transform_indices = #map}]} {
    %mul3A = arith.constant 16 : i32
    %mul3A_0 = arith.muli %arg0, %mul3A : i32
    %add3A = arith.addi %mul3A_0, %arg1 : i32
    "tpu.region"() ({
      %run_scoped3A = tpu.sem_alloc : memref<!tpu.dma_semaphore, #tpu.memory_space<semaphore_mem>>
      %dma_start3A = arith.constant 0 : i32
      %dma_start3A_13 = arith.constant 0 : i32
      %dma_start3A_14 = tpu.memref_slice %arg2[%add3A, %dma_start3A, %dma_start3A_13] : memref<32x79x128xi32, #tpu.memory_space<hbm>> -> memref<1x79x128xi32, #tpu.memory_space<hbm>>
      %dma_start3A_15 = tpu.memref_squeeze %dma_start3A_14 : memref<1x79x128xi32, #tpu.memory_space<hbm>> -> memref<79x128xi32, #tpu.memory_space<hbm>>
      %dma_start3A_16 = arith.constant 0 : i32
      %dma_start3A_17 = arith.constant 0 : i32
      %dma_start3A_18 = tpu.memref_slice %arg2[%add3A, %dma_start3A_16, %dma_start3A_17] : memref<32x79x128xi32, #tpu.memory_space<hbm>> -> memref<1x79x128xi32, #tpu.memory_space<hbm>>
      %dma_start3A_19 = tpu.memref_squeeze %dma_start3A_18 : memref<1x79x128xi32, #tpu.memory_space<hbm>> -> memref<79x128xi32, #tpu.memory_space<hbm>>
      tpu.enqueue_dma source(%dma_start3A_19 : memref<79x128xi32, #tpu.memory_space<hbm>>) target(%arg6 : memref<79x128xi32, #tpu.memory_space<vmem>>) target_semaphore(%run_scoped3A : memref<!tpu.dma_semaphore, #tpu.memory_space<semaphore_mem>>)
      %dma_wait3A = arith.constant 0 : i32
      %dma_wait3A_20 = arith.constant 0 : i32
      %dma_wait3A_21 = tpu.memref_slice %arg2[%add3A, %dma_wait3A, %dma_wait3A_20] : memref<32x79x128xi32, #tpu.memory_space<hbm>> -> memref<1x79x128xi32, #tpu.memory_space<hbm>>
      %dma_wait3A_22 = tpu.memref_squeeze %dma_wait3A_21 : memref<1x79x128xi32, #tpu.memory_space<hbm>> -> memref<79x128xi32, #tpu.memory_space<hbm>>
      %dma_wait3A_23 = arith.constant 0 : i32
      %dma_wait3A_24 = arith.constant 0 : i32
      %dma_wait3A_25 = tpu.memref_slice %arg2[%add3A, %dma_wait3A_23, %dma_wait3A_24] : memref<32x79x128xi32, #tpu.memory_space<hbm>> -> memref<1x79x128xi32, #tpu.memory_space<hbm>>
      %dma_wait3A_26 = tpu.memref_squeeze %dma_wait3A_25 : memref<1x79x128xi32, #tpu.memory_space<hbm>> -> memref<79x128xi32, #tpu.memory_space<hbm>>
      tpu.wait_dma2 semaphore(%run_scoped3A : memref<!tpu.dma_semaphore, #tpu.memory_space<semaphore_mem>>) src(%dma_wait3A_26 : memref<79x128xi32, #tpu.memory_space<hbm>>) dst(%arg6 : memref<79x128xi32, #tpu.memory_space<vmem>>)
      tpu.yield
    }) : () -> ()
    "tpu.region"() ({
      %run_scoped3A = tpu.sem_alloc : memref<!tpu.dma_semaphore, #tpu.memory_space<semaphore_mem>>
      tpu.enqueue_dma source(%arg3 : memref<128x16xf32, #tpu.memory_space<hbm>>) target(%arg7 : memref<128x16xf32, #tpu.memory_space<vmem>>) target_semaphore(%run_scoped3A : memref<!tpu.dma_semaphore, #tpu.memory_space<semaphore_mem>>)
      tpu.wait_dma2 semaphore(%run_scoped3A : memref<!tpu.dma_semaphore, #tpu.memory_space<semaphore_mem>>) src(%arg3 : memref<128x16xf32, #tpu.memory_space<hbm>>) dst(%arg7 : memref<128x16xf32, #tpu.memory_space<vmem>>)
      tpu.yield
    }) : () -> ()
    %mul3A_1 = arith.constant 640 : i32
    %mul3A_2 = arith.muli %arg1, %mul3A_1 : i32
    "tpu.region"() ({
      %run_scoped3A = tpu.sem_alloc : memref<!tpu.dma_semaphore, #tpu.memory_space<semaphore_mem>>
      %dma_start3A = arith.constant 0 : i32
      %dma_start3A_13 = tpu.memref_slice %arg8[%mul3A_2, %dma_start3A] : memref<10240x16xf32, #tpu.memory_space<vmem_shared>> -> memref<640x16xf32, #tpu.memory_space<vmem_shared>>
      tpu.enqueue_dma source(%arg4 : memref<640x16xf32, #tpu.memory_space<hbm>>) target(%dma_start3A_13 : memref<640x16xf32, #tpu.memory_space<vmem_shared>>) target_semaphore(%run_scoped3A : memref<!tpu.dma_semaphore, #tpu.memory_space<semaphore_mem>>)
      %dma_wait3A = arith.constant 0 : i32
      %dma_wait3A_14 = tpu.memref_slice %arg8[%mul3A_2, %dma_wait3A] : memref<10240x16xf32, #tpu.memory_space<vmem_shared>> -> memref<640x16xf32, #tpu.memory_space<vmem_shared>>
      tpu.wait_dma2 semaphore(%run_scoped3A : memref<!tpu.dma_semaphore, #tpu.memory_space<semaphore_mem>>) src(%arg4 : memref<640x16xf32, #tpu.memory_space<hbm>>) dst(%dma_wait3A_14 : memref<640x16xf32, #tpu.memory_space<vmem_shared>>)
      tpu.yield
    }) : () -> ()
    %barrier3A = arith.constant 0 : index
    tpu.barrier barrier_id(%barrier3A)
    %scan3A = arith.constant 0 : i32
    %scan3A_3 = arith.constant 0 : i32
    %scan3A_4 = arith.constant 79 : i32
    %scan3A_5 = arith.addi %scan3A_3, %scan3A_4 : i32
    %scan3A_6 = arith.constant 1 : i32
    scf.for %scan3A_13 = %scan3A_3 to %scan3A_5 step %scan3A_6  : i32 {
      "tpu.region"() ({
        %run_scoped3A = tpu.sem_alloc : memref<!tpu.dma_semaphore, #tpu.memory_space<semaphore_mem>>
        %dma_start3A = arith.constant 0 : i32
        %dma_start3A_14 = tpu.memref_slice %arg6[%scan3A_13, %dma_start3A] : memref<79x128xi32, #tpu.memory_space<vmem>> -> memref<1x128xi32, #tpu.memory_space<vmem>>
        %dma_start3A_15 = tpu.memref_squeeze %dma_start3A_14 : memref<1x128xi32, #tpu.memory_space<vmem>> -> memref<128xi32, #tpu.memory_space<vmem>>
        %dma_start3A_16 = arith.constant 0 : i32
        %dma_start3A_17 = arith.constant 0 : i32
        %dma_start3A_18 = tpu.memref_slice %arg8[%dma_start3A_16, %dma_start3A_17] : memref<10240x16xf32, #tpu.memory_space<vmem_shared>> -> memref<10240x16xf32, #tpu.memory_space<vmem_shared>>
        tpu.enqueue_indirect_dma source(%arg7 : memref<128x16xf32, #tpu.memory_space<vmem>>) target(%dma_start3A_18 : memref<10240x16xf32, #tpu.memory_space<vmem_shared>>) offsets(%dma_start3A_15 : memref<128xi32, #tpu.memory_space<vmem>>) semaphore(%run_scoped3A : memref<!tpu.dma_semaphore, #tpu.memory_space<semaphore_mem>>) {add = true}
        %dma_wait3A = arith.constant 0 : i32
        %dma_wait3A_19 = tpu.memref_slice %arg6[%scan3A_13, %dma_wait3A] : memref<79x128xi32, #tpu.memory_space<vmem>> -> memref<1x128xi32, #tpu.memory_space<vmem>>
        %dma_wait3A_20 = tpu.memref_squeeze %dma_wait3A_19 : memref<1x128xi32, #tpu.memory_space<vmem>> -> memref<128xi32, #tpu.memory_space<vmem>>
        %dma_wait3A_21 = arith.constant 0 : i32
        %dma_wait3A_22 = arith.constant 0 : i32
        %dma_wait3A_23 = tpu.memref_slice %arg8[%dma_wait3A_21, %dma_wait3A_22] : memref<10240x16xf32, #tpu.memory_space<vmem_shared>> -> memref<10240x16xf32, #tpu.memory_space<vmem_shared>>
        tpu.wait_indirect_dma semaphore(%run_scoped3A : memref<!tpu.dma_semaphore, #tpu.memory_space<semaphore_mem>>) src(%arg7 : memref<128x16xf32, #tpu.memory_space<vmem>>) dst(%dma_wait3A_23 : memref<10240x16xf32, #tpu.memory_space<vmem_shared>>)
        tpu.yield
      }) : () -> ()
    }
    %scan3A_7 = arith.constant 79 : i32
    %barrier3A_8 = arith.constant 0 : index
    tpu.barrier barrier_id(%barrier3A_8)
    %mul3A_9 = arith.constant 640 : i32
    %mul3A_10 = arith.muli %arg1, %mul3A_9 : i32
    %mul3A_11 = arith.constant 640 : i32
    %mul3A_12 = arith.muli %arg1, %mul3A_11 : i32
    "tpu.region"() ({
      %run_scoped3A = tpu.sem_alloc : memref<!tpu.dma_semaphore, #tpu.memory_space<semaphore_mem>>
      %dma_start3A = arith.constant 0 : i32
      %dma_start3A_13 = tpu.memref_slice %arg5[%arg0, %mul3A_12, %dma_start3A] : memref<2x10240x16xf32, #tpu.memory_space<hbm>> -> memref<1x640x16xf32, #tpu.memory_space<hbm>>
      %dma_start3A_14 = tpu.memref_squeeze %dma_start3A_13 : memref<1x640x16xf32, #tpu.memory_space<hbm>> -> memref<640x16xf32, #tpu.memory_space<hbm>>
      %dma_start3A_15 = arith.constant 0 : i32
      %dma_start3A_16 = tpu.memref_slice %arg8[%mul3A_10, %dma_start3A_15] : memref<10240x16xf32, #tpu.memory_space<vmem_shared>> -> memref<640x16xf32, #tpu.memory_space<vmem_shared>>
      tpu.enqueue_dma source(%dma_start3A_16 : memref<640x16xf32, #tpu.memory_space<vmem_shared>>) target(%dma_start3A_14 : memref<640x16xf32, #tpu.memory_space<hbm>>) target_semaphore(%run_scoped3A : memref<!tpu.dma_semaphore, #tpu.memory_space<semaphore_mem>>)
      %dma_wait3A = arith.constant 0 : i32
      %dma_wait3A_17 = tpu.memref_slice %arg5[%arg0, %mul3A_12, %dma_wait3A] : memref<2x10240x16xf32, #tpu.memory_space<hbm>> -> memref<1x640x16xf32, #tpu.memory_space<hbm>>
      %dma_wait3A_18 = tpu.memref_squeeze %dma_wait3A_17 : memref<1x640x16xf32, #tpu.memory_space<hbm>> -> memref<640x16xf32, #tpu.memory_space<hbm>>
      %dma_wait3A_19 = arith.constant 0 : i32
      %dma_wait3A_20 = tpu.memref_slice %arg8[%mul3A_10, %dma_wait3A_19] : memref<10240x16xf32, #tpu.memory_space<vmem_shared>> -> memref<640x16xf32, #tpu.memory_space<vmem_shared>>
      tpu.wait_dma2 semaphore(%run_scoped3A : memref<!tpu.dma_semaphore, #tpu.memory_space<semaphore_mem>>) src(%dma_wait3A_20 : memref<640x16xf32, #tpu.memory_space<vmem_shared>>) dst(%dma_wait3A_18 : memref<640x16xf32, #tpu.memory_space<hbm>>)
      tpu.yield
    }) : () -> ()
    return
  }
}

#map = affine_map<(d0, d1) -> (0, 0)>
#map1 = affine_map<(d0, d1) -> (0, 0, 0)>
module attributes {stable_mosaic.version = 14 : i64} {
  func.func @_hop_sc(%arg0: i32, %arg1: i32, %arg2: memref<10240x64xf32, #tpu.memory_space<hbm>>, %arg3: memref<32x79x128xi32, #tpu.memory_space<hbm>>, %arg4: memref<32x79x128xi32, #tpu.memory_space<hbm>>, %arg5: memref<640x64xf32, #tpu.memory_space<hbm>>, %arg6: memref<2x10240x64xf32, #tpu.memory_space<hbm>>, %arg7: memref<79x128xi32, #tpu.memory_space<vmem>>, %arg8: memref<79x128xi32, #tpu.memory_space<vmem>>, %arg9: memref<128x64xf32, #tpu.memory_space<vmem>>, %arg10: memref<10240x64xf32, #tpu.memory_space<vmem_shared>>, %arg11: memref<10240x64xf32, #tpu.memory_space<vmem_shared>>, %arg12: memref<!tpu.dma_semaphore, #tpu.memory_space<semaphore_mem>>) attributes {dimension_semantics = [#tpu.dimension_semantics<core_parallel>, #tpu.dimension_semantics<subcore_parallel>], iteration_bounds = array<i64: 2, 16>, scalar_prefetch = 0 : i64, scratch_operands = 6 : i64, tpu.core_type = #tpu.core_type<sc_vector_subcore>, window_params = [{transform_indices = #map}, {transform_indices = #map1}, {transform_indices = #map1}, {transform_indices = #map}, {transform_indices = #map1}]} {
    %mul3A = arith.constant 16 : i32
    %mul3A_0 = arith.muli %arg0, %mul3A : i32
    %add3A = arith.addi %mul3A_0, %arg1 : i32
    "tpu.region"() ({
      %run_scoped3A = tpu.sem_alloc : memref<!tpu.dma_semaphore, #tpu.memory_space<semaphore_mem>>
      %dma_start3A = arith.constant 0 : i32
      %dma_start3A_21 = arith.constant 0 : i32
      %dma_start3A_22 = tpu.memref_slice %arg3[%add3A, %dma_start3A, %dma_start3A_21] : memref<32x79x128xi32, #tpu.memory_space<hbm>> -> memref<1x79x128xi32, #tpu.memory_space<hbm>>
      %dma_start3A_23 = tpu.memref_squeeze %dma_start3A_22 : memref<1x79x128xi32, #tpu.memory_space<hbm>> -> memref<79x128xi32, #tpu.memory_space<hbm>>
      %dma_start3A_24 = arith.constant 0 : i32
      %dma_start3A_25 = arith.constant 0 : i32
      %dma_start3A_26 = tpu.memref_slice %arg3[%add3A, %dma_start3A_24, %dma_start3A_25] : memref<32x79x128xi32, #tpu.memory_space<hbm>> -> memref<1x79x128xi32, #tpu.memory_space<hbm>>
      %dma_start3A_27 = tpu.memref_squeeze %dma_start3A_26 : memref<1x79x128xi32, #tpu.memory_space<hbm>> -> memref<79x128xi32, #tpu.memory_space<hbm>>
      tpu.enqueue_dma source(%dma_start3A_27 : memref<79x128xi32, #tpu.memory_space<hbm>>) target(%arg7 : memref<79x128xi32, #tpu.memory_space<vmem>>) target_semaphore(%run_scoped3A : memref<!tpu.dma_semaphore, #tpu.memory_space<semaphore_mem>>)
      %dma_wait3A = arith.constant 0 : i32
      %dma_wait3A_28 = arith.constant 0 : i32
      %dma_wait3A_29 = tpu.memref_slice %arg3[%add3A, %dma_wait3A, %dma_wait3A_28] : memref<32x79x128xi32, #tpu.memory_space<hbm>> -> memref<1x79x128xi32, #tpu.memory_space<hbm>>
      %dma_wait3A_30 = tpu.memref_squeeze %dma_wait3A_29 : memref<1x79x128xi32, #tpu.memory_space<hbm>> -> memref<79x128xi32, #tpu.memory_space<hbm>>
      %dma_wait3A_31 = arith.constant 0 : i32
      %dma_wait3A_32 = arith.constant 0 : i32
      %dma_wait3A_33 = tpu.memref_slice %arg3[%add3A, %dma_wait3A_31, %dma_wait3A_32] : memref<32x79x128xi32, #tpu.memory_space<hbm>> -> memref<1x79x128xi32, #tpu.memory_space<hbm>>
      %dma_wait3A_34 = tpu.memref_squeeze %dma_wait3A_33 : memref<1x79x128xi32, #tpu.memory_space<hbm>> -> memref<79x128xi32, #tpu.memory_space<hbm>>
      tpu.wait_dma2 semaphore(%run_scoped3A : memref<!tpu.dma_semaphore, #tpu.memory_space<semaphore_mem>>) src(%dma_wait3A_34 : memref<79x128xi32, #tpu.memory_space<hbm>>) dst(%arg7 : memref<79x128xi32, #tpu.memory_space<vmem>>)
      tpu.yield
    }) : () -> ()
    "tpu.region"() ({
      %run_scoped3A = tpu.sem_alloc : memref<!tpu.dma_semaphore, #tpu.memory_space<semaphore_mem>>
      %dma_start3A = arith.constant 0 : i32
      %dma_start3A_21 = arith.constant 0 : i32
      %dma_start3A_22 = tpu.memref_slice %arg4[%add3A, %dma_start3A, %dma_start3A_21] : memref<32x79x128xi32, #tpu.memory_space<hbm>> -> memref<1x79x128xi32, #tpu.memory_space<hbm>>
      %dma_start3A_23 = tpu.memref_squeeze %dma_start3A_22 : memref<1x79x128xi32, #tpu.memory_space<hbm>> -> memref<79x128xi32, #tpu.memory_space<hbm>>
      %dma_start3A_24 = arith.constant 0 : i32
      %dma_start3A_25 = arith.constant 0 : i32
      %dma_start3A_26 = tpu.memref_slice %arg4[%add3A, %dma_start3A_24, %dma_start3A_25] : memref<32x79x128xi32, #tpu.memory_space<hbm>> -> memref<1x79x128xi32, #tpu.memory_space<hbm>>
      %dma_start3A_27 = tpu.memref_squeeze %dma_start3A_26 : memref<1x79x128xi32, #tpu.memory_space<hbm>> -> memref<79x128xi32, #tpu.memory_space<hbm>>
      tpu.enqueue_dma source(%dma_start3A_27 : memref<79x128xi32, #tpu.memory_space<hbm>>) target(%arg8 : memref<79x128xi32, #tpu.memory_space<vmem>>) target_semaphore(%run_scoped3A : memref<!tpu.dma_semaphore, #tpu.memory_space<semaphore_mem>>)
      %dma_wait3A = arith.constant 0 : i32
      %dma_wait3A_28 = arith.constant 0 : i32
      %dma_wait3A_29 = tpu.memref_slice %arg4[%add3A, %dma_wait3A, %dma_wait3A_28] : memref<32x79x128xi32, #tpu.memory_space<hbm>> -> memref<1x79x128xi32, #tpu.memory_space<hbm>>
      %dma_wait3A_30 = tpu.memref_squeeze %dma_wait3A_29 : memref<1x79x128xi32, #tpu.memory_space<hbm>> -> memref<79x128xi32, #tpu.memory_space<hbm>>
      %dma_wait3A_31 = arith.constant 0 : i32
      %dma_wait3A_32 = arith.constant 0 : i32
      %dma_wait3A_33 = tpu.memref_slice %arg4[%add3A, %dma_wait3A_31, %dma_wait3A_32] : memref<32x79x128xi32, #tpu.memory_space<hbm>> -> memref<1x79x128xi32, #tpu.memory_space<hbm>>
      %dma_wait3A_34 = tpu.memref_squeeze %dma_wait3A_33 : memref<1x79x128xi32, #tpu.memory_space<hbm>> -> memref<79x128xi32, #tpu.memory_space<hbm>>
      tpu.wait_dma2 semaphore(%run_scoped3A : memref<!tpu.dma_semaphore, #tpu.memory_space<semaphore_mem>>) src(%dma_wait3A_34 : memref<79x128xi32, #tpu.memory_space<hbm>>) dst(%arg8 : memref<79x128xi32, #tpu.memory_space<vmem>>)
      tpu.yield
    }) : () -> ()
    %mul3A_1 = arith.constant 640 : i32
    %mul3A_2 = arith.muli %arg1, %mul3A_1 : i32
    %mul3A_3 = arith.constant 640 : i32
    %mul3A_4 = arith.muli %arg1, %mul3A_3 : i32
    "tpu.region"() ({
      %run_scoped3A = tpu.sem_alloc : memref<!tpu.dma_semaphore, #tpu.memory_space<semaphore_mem>>
      %dma_start3A = arith.constant 0 : i32
      %dma_start3A_21 = tpu.memref_slice %arg10[%mul3A_4, %dma_start3A] : memref<10240x64xf32, #tpu.memory_space<vmem_shared>> -> memref<640x64xf32, #tpu.memory_space<vmem_shared>>
      %dma_start3A_22 = arith.constant 0 : i32
      %dma_start3A_23 = tpu.memref_slice %arg2[%mul3A_2, %dma_start3A_22] : memref<10240x64xf32, #tpu.memory_space<hbm>> -> memref<640x64xf32, #tpu.memory_space<hbm>>
      tpu.enqueue_dma source(%dma_start3A_23 : memref<640x64xf32, #tpu.memory_space<hbm>>) target(%dma_start3A_21 : memref<640x64xf32, #tpu.memory_space<vmem_shared>>) target_semaphore(%run_scoped3A : memref<!tpu.dma_semaphore, #tpu.memory_space<semaphore_mem>>)
      %dma_wait3A = arith.constant 0 : i32
      %dma_wait3A_24 = tpu.memref_slice %arg10[%mul3A_4, %dma_wait3A] : memref<10240x64xf32, #tpu.memory_space<vmem_shared>> -> memref<640x64xf32, #tpu.memory_space<vmem_shared>>
      %dma_wait3A_25 = arith.constant 0 : i32
      %dma_wait3A_26 = tpu.memref_slice %arg2[%mul3A_2, %dma_wait3A_25] : memref<10240x64xf32, #tpu.memory_space<hbm>> -> memref<640x64xf32, #tpu.memory_space<hbm>>
      tpu.wait_dma2 semaphore(%run_scoped3A : memref<!tpu.dma_semaphore, #tpu.memory_space<semaphore_mem>>) src(%dma_wait3A_26 : memref<640x64xf32, #tpu.memory_space<hbm>>) dst(%dma_wait3A_24 : memref<640x64xf32, #tpu.memory_space<vmem_shared>>)
      tpu.yield
    }) : () -> ()
    %eq3A = arith.constant 0 : i32
    %eq3A_5 = arith.cmpi eq, %arg0, %eq3A : i32
    %convert_element_type3A = arith.extui %eq3A_5 : i1 to i32
    %cond3A = arith.constant 0 : i32
    %cond3A_6 = arith.cmpi ne, %convert_element_type3A, %cond3A : i32
    scf.if %cond3A_6 {
      %mul3A_21 = arith.constant 640 : i32
      %mul3A_22 = arith.muli %arg1, %mul3A_21 : i32
      %mul3A_23 = arith.constant 640 : i32
      %mul3A_24 = arith.muli %arg1, %mul3A_23 : i32
      "tpu.region"() ({
        %run_scoped3A = tpu.sem_alloc : memref<!tpu.dma_semaphore, #tpu.memory_space<semaphore_mem>>
        %dma_start3A = arith.constant 0 : i32
        %dma_start3A_25 = tpu.memref_slice %arg11[%mul3A_24, %dma_start3A] : memref<10240x64xf32, #tpu.memory_space<vmem_shared>> -> memref<640x64xf32, #tpu.memory_space<vmem_shared>>
        %dma_start3A_26 = arith.constant 0 : i32
        %dma_start3A_27 = tpu.memref_slice %arg2[%mul3A_22, %dma_start3A_26] : memref<10240x64xf32, #tpu.memory_space<hbm>> -> memref<640x64xf32, #tpu.memory_space<hbm>>
        tpu.enqueue_dma source(%dma_start3A_27 : memref<640x64xf32, #tpu.memory_space<hbm>>) target(%dma_start3A_25 : memref<640x64xf32, #tpu.memory_space<vmem_shared>>) target_semaphore(%run_scoped3A : memref<!tpu.dma_semaphore, #tpu.memory_space<semaphore_mem>>)
        %dma_wait3A = arith.constant 0 : i32
        %dma_wait3A_28 = tpu.memref_slice %arg11[%mul3A_24, %dma_wait3A] : memref<10240x64xf32, #tpu.memory_space<vmem_shared>> -> memref<640x64xf32, #tpu.memory_space<vmem_shared>>
        %dma_wait3A_29 = arith.constant 0 : i32
        %dma_wait3A_30 = tpu.memref_slice %arg2[%mul3A_22, %dma_wait3A_29] : memref<10240x64xf32, #tpu.memory_space<hbm>> -> memref<640x64xf32, #tpu.memory_space<hbm>>
        tpu.wait_dma2 semaphore(%run_scoped3A : memref<!tpu.dma_semaphore, #tpu.memory_space<semaphore_mem>>) src(%dma_wait3A_30 : memref<640x64xf32, #tpu.memory_space<hbm>>) dst(%dma_wait3A_28 : memref<640x64xf32, #tpu.memory_space<vmem_shared>>)
        tpu.yield
      }) : () -> ()
    } else {
    }
    %ne3A = arith.constant 0 : i32
    %ne3A_7 = arith.cmpi ne, %arg0, %ne3A : i32
    %convert_element_type3A_8 = arith.extui %ne3A_7 : i1 to i32
    %cond3A_9 = arith.constant 0 : i32
    %cond3A_10 = arith.cmpi ne, %convert_element_type3A_8, %cond3A_9 : i32
    scf.if %cond3A_10 {
      %mul3A_21 = arith.constant 640 : i32
      %mul3A_22 = arith.muli %arg1, %mul3A_21 : i32
      "tpu.region"() ({
        %run_scoped3A = tpu.sem_alloc : memref<!tpu.dma_semaphore, #tpu.memory_space<semaphore_mem>>
        %dma_start3A = arith.constant 0 : i32
        %dma_start3A_23 = tpu.memref_slice %arg11[%mul3A_22, %dma_start3A] : memref<10240x64xf32, #tpu.memory_space<vmem_shared>> -> memref<640x64xf32, #tpu.memory_space<vmem_shared>>
        tpu.enqueue_dma source(%arg5 : memref<640x64xf32, #tpu.memory_space<hbm>>) target(%dma_start3A_23 : memref<640x64xf32, #tpu.memory_space<vmem_shared>>) target_semaphore(%run_scoped3A : memref<!tpu.dma_semaphore, #tpu.memory_space<semaphore_mem>>)
        %dma_wait3A = arith.constant 0 : i32
        %dma_wait3A_24 = tpu.memref_slice %arg11[%mul3A_22, %dma_wait3A] : memref<10240x64xf32, #tpu.memory_space<vmem_shared>> -> memref<640x64xf32, #tpu.memory_space<vmem_shared>>
        tpu.wait_dma2 semaphore(%run_scoped3A : memref<!tpu.dma_semaphore, #tpu.memory_space<semaphore_mem>>) src(%arg5 : memref<640x64xf32, #tpu.memory_space<hbm>>) dst(%dma_wait3A_24 : memref<640x64xf32, #tpu.memory_space<vmem_shared>>)
        tpu.yield
      }) : () -> ()
    } else {
    }
    %barrier3A = arith.constant 0 : index
    tpu.barrier barrier_id(%barrier3A)
    %scan3A = arith.constant 0 : i32
    %scan3A_11 = arith.constant 0 : i32
    %scan3A_12 = arith.constant 79 : i32
    %scan3A_13 = arith.addi %scan3A_11, %scan3A_12 : i32
    %scan3A_14 = arith.constant 1 : i32
    scf.for %scan3A_21 = %scan3A_11 to %scan3A_13 step %scan3A_14  : i32 {
      %dma_start3A = arith.constant 0 : i32
      %dma_start3A_22 = tpu.memref_slice %arg7[%scan3A_21, %dma_start3A] : memref<79x128xi32, #tpu.memory_space<vmem>> -> memref<1x128xi32, #tpu.memory_space<vmem>>
      %dma_start3A_23 = tpu.memref_squeeze %dma_start3A_22 : memref<1x128xi32, #tpu.memory_space<vmem>> -> memref<128xi32, #tpu.memory_space<vmem>>
      %dma_start3A_24 = arith.constant 0 : i32
      %dma_start3A_25 = arith.constant 0 : i32
      %dma_start3A_26 = tpu.memref_slice %arg10[%dma_start3A_24, %dma_start3A_25] : memref<10240x64xf32, #tpu.memory_space<vmem_shared>> -> memref<10240x64xf32, #tpu.memory_space<vmem_shared>>
      tpu.enqueue_indirect_dma source(%dma_start3A_26 : memref<10240x64xf32, #tpu.memory_space<vmem_shared>>) target(%arg9 : memref<128x64xf32, #tpu.memory_space<vmem>>) offsets(%dma_start3A_23 : memref<128xi32, #tpu.memory_space<vmem>>) semaphore(%arg12 : memref<!tpu.dma_semaphore, #tpu.memory_space<semaphore_mem>>)
      %dma_wait3A = arith.constant 0 : i32
      %dma_wait3A_27 = tpu.memref_slice %arg7[%scan3A_21, %dma_wait3A] : memref<79x128xi32, #tpu.memory_space<vmem>> -> memref<1x128xi32, #tpu.memory_space<vmem>>
      %dma_wait3A_28 = tpu.memref_squeeze %dma_wait3A_27 : memref<1x128xi32, #tpu.memory_space<vmem>> -> memref<128xi32, #tpu.memory_space<vmem>>
      %dma_wait3A_29 = arith.constant 0 : i32
      %dma_wait3A_30 = arith.constant 0 : i32
      %dma_wait3A_31 = tpu.memref_slice %arg10[%dma_wait3A_29, %dma_wait3A_30] : memref<10240x64xf32, #tpu.memory_space<vmem_shared>> -> memref<10240x64xf32, #tpu.memory_space<vmem_shared>>
      tpu.wait_indirect_dma semaphore(%arg12 : memref<!tpu.dma_semaphore, #tpu.memory_space<semaphore_mem>>) src(%dma_wait3A_31 : memref<10240x64xf32, #tpu.memory_space<vmem_shared>>) dst(%arg9 : memref<128x64xf32, #tpu.memory_space<vmem>>)
      "tpu.region"() ({
        %run_scoped3A = tpu.sem_alloc : memref<!tpu.dma_semaphore, #tpu.memory_space<semaphore_mem>>
        %dma_start3A_32 = arith.constant 0 : i32
        %dma_start3A_33 = tpu.memref_slice %arg8[%scan3A_21, %dma_start3A_32] : memref<79x128xi32, #tpu.memory_space<vmem>> -> memref<1x128xi32, #tpu.memory_space<vmem>>
        %dma_start3A_34 = tpu.memref_squeeze %dma_start3A_33 : memref<1x128xi32, #tpu.memory_space<vmem>> -> memref<128xi32, #tpu.memory_space<vmem>>
        %dma_start3A_35 = arith.constant 0 : i32
        %dma_start3A_36 = arith.constant 0 : i32
        %dma_start3A_37 = tpu.memref_slice %arg11[%dma_start3A_35, %dma_start3A_36] : memref<10240x64xf32, #tpu.memory_space<vmem_shared>> -> memref<10240x64xf32, #tpu.memory_space<vmem_shared>>
        tpu.enqueue_indirect_dma source(%arg9 : memref<128x64xf32, #tpu.memory_space<vmem>>) target(%dma_start3A_37 : memref<10240x64xf32, #tpu.memory_space<vmem_shared>>) offsets(%dma_start3A_34 : memref<128xi32, #tpu.memory_space<vmem>>) semaphore(%run_scoped3A : memref<!tpu.dma_semaphore, #tpu.memory_space<semaphore_mem>>) {add = true}
        %dma_wait3A_38 = arith.constant 0 : i32
        %dma_wait3A_39 = tpu.memref_slice %arg8[%scan3A_21, %dma_wait3A_38] : memref<79x128xi32, #tpu.memory_space<vmem>> -> memref<1x128xi32, #tpu.memory_space<vmem>>
        %dma_wait3A_40 = tpu.memref_squeeze %dma_wait3A_39 : memref<1x128xi32, #tpu.memory_space<vmem>> -> memref<128xi32, #tpu.memory_space<vmem>>
        %dma_wait3A_41 = arith.constant 0 : i32
        %dma_wait3A_42 = arith.constant 0 : i32
        %dma_wait3A_43 = tpu.memref_slice %arg11[%dma_wait3A_41, %dma_wait3A_42] : memref<10240x64xf32, #tpu.memory_space<vmem_shared>> -> memref<10240x64xf32, #tpu.memory_space<vmem_shared>>
        tpu.wait_indirect_dma semaphore(%run_scoped3A : memref<!tpu.dma_semaphore, #tpu.memory_space<semaphore_mem>>) src(%arg9 : memref<128x64xf32, #tpu.memory_space<vmem>>) dst(%dma_wait3A_43 : memref<10240x64xf32, #tpu.memory_space<vmem_shared>>)
        tpu.yield
      }) : () -> ()
    }
    %scan3A_15 = arith.constant 79 : i32
    %barrier3A_16 = arith.constant 0 : index
    tpu.barrier barrier_id(%barrier3A_16)
    %mul3A_17 = arith.constant 640 : i32
    %mul3A_18 = arith.muli %arg1, %mul3A_17 : i32
    %mul3A_19 = arith.constant 640 : i32
    %mul3A_20 = arith.muli %arg1, %mul3A_19 : i32
    "tpu.region"() ({
      %run_scoped3A = tpu.sem_alloc : memref<!tpu.dma_semaphore, #tpu.memory_space<semaphore_mem>>
      %dma_start3A = arith.constant 0 : i32
      %dma_start3A_21 = tpu.memref_slice %arg6[%arg0, %mul3A_20, %dma_start3A] : memref<2x10240x64xf32, #tpu.memory_space<hbm>> -> memref<1x640x64xf32, #tpu.memory_space<hbm>>
      %dma_start3A_22 = tpu.memref_squeeze %dma_start3A_21 : memref<1x640x64xf32, #tpu.memory_space<hbm>> -> memref<640x64xf32, #tpu.memory_space<hbm>>
      %dma_start3A_23 = arith.constant 0 : i32
      %dma_start3A_24 = tpu.memref_slice %arg11[%mul3A_18, %dma_start3A_23] : memref<10240x64xf32, #tpu.memory_space<vmem_shared>> -> memref<640x64xf32, #tpu.memory_space<vmem_shared>>
      tpu.enqueue_dma source(%dma_start3A_24 : memref<640x64xf32, #tpu.memory_space<vmem_shared>>) target(%dma_start3A_22 : memref<640x64xf32, #tpu.memory_space<hbm>>) target_semaphore(%run_scoped3A : memref<!tpu.dma_semaphore, #tpu.memory_space<semaphore_mem>>)
      %dma_wait3A = arith.constant 0 : i32
      %dma_wait3A_25 = tpu.memref_slice %arg6[%arg0, %mul3A_20, %dma_wait3A] : memref<2x10240x64xf32, #tpu.memory_space<hbm>> -> memref<1x640x64xf32, #tpu.memory_space<hbm>>
      %dma_wait3A_26 = tpu.memref_squeeze %dma_wait3A_25 : memref<1x640x64xf32, #tpu.memory_space<hbm>> -> memref<640x64xf32, #tpu.memory_space<hbm>>
      %dma_wait3A_27 = arith.constant 0 : i32
      %dma_wait3A_28 = tpu.memref_slice %arg11[%mul3A_18, %dma_wait3A_27] : memref<10240x64xf32, #tpu.memory_space<vmem_shared>> -> memref<640x64xf32, #tpu.memory_space<vmem_shared>>
      tpu.wait_dma2 semaphore(%run_scoped3A : memref<!tpu.dma_semaphore, #tpu.memory_space<semaphore_mem>>) src(%dma_wait3A_28 : memref<640x64xf32, #tpu.memory_space<vmem_shared>>) dst(%dma_wait3A_26 : memref<640x64xf32, #tpu.memory_space<hbm>>)
      tpu.yield
    }) : () -> ()
    return
  }
}

#map = affine_map<(d0, d1) -> (0, 0)>
#map1 = affine_map<(d0, d1) -> (0, 0, 0)>
module attributes {stable_mosaic.version = 14 : i64} {
  func.func @_hop_sc(%arg0: i32, %arg1: i32, %arg2: memref<10240x64xf32, #tpu.memory_space<hbm>>, %arg3: memref<32x79x128xi32, #tpu.memory_space<hbm>>, %arg4: memref<32x79x128xi32, #tpu.memory_space<hbm>>, %arg5: memref<640x64xf32, #tpu.memory_space<hbm>>, %arg6: memref<2x10240x64xf32, #tpu.memory_space<hbm>>, %arg7: memref<79x128xi32, #tpu.memory_space<vmem>>, %arg8: memref<79x128xi32, #tpu.memory_space<vmem>>, %arg9: memref<128x64xf32, #tpu.memory_space<vmem>>, %arg10: memref<10240x64xf32, #tpu.memory_space<vmem_shared>>, %arg11: memref<10240x64xf32, #tpu.memory_space<vmem_shared>>, %arg12: memref<!tpu.dma_semaphore, #tpu.memory_space<semaphore_mem>>) attributes {dimension_semantics = [#tpu.dimension_semantics<core_parallel>, #tpu.dimension_semantics<subcore_parallel>], iteration_bounds = array<i64: 2, 16>, scalar_prefetch = 0 : i64, scratch_operands = 6 : i64, tpu.core_type = #tpu.core_type<sc_vector_subcore>, window_params = [{transform_indices = #map}, {transform_indices = #map1}, {transform_indices = #map1}, {transform_indices = #map}, {transform_indices = #map1}]} {
    %mul3A = arith.constant 16 : i32
    %mul3A_0 = arith.muli %arg0, %mul3A : i32
    %add3A = arith.addi %mul3A_0, %arg1 : i32
    "tpu.region"() ({
      %run_scoped3A = tpu.sem_alloc : memref<!tpu.dma_semaphore, #tpu.memory_space<semaphore_mem>>
      %dma_start3A = arith.constant 0 : i32
      %dma_start3A_21 = arith.constant 0 : i32
      %dma_start3A_22 = tpu.memref_slice %arg3[%add3A, %dma_start3A, %dma_start3A_21] : memref<32x79x128xi32, #tpu.memory_space<hbm>> -> memref<1x79x128xi32, #tpu.memory_space<hbm>>
      %dma_start3A_23 = tpu.memref_squeeze %dma_start3A_22 : memref<1x79x128xi32, #tpu.memory_space<hbm>> -> memref<79x128xi32, #tpu.memory_space<hbm>>
      %dma_start3A_24 = arith.constant 0 : i32
      %dma_start3A_25 = arith.constant 0 : i32
      %dma_start3A_26 = tpu.memref_slice %arg3[%add3A, %dma_start3A_24, %dma_start3A_25] : memref<32x79x128xi32, #tpu.memory_space<hbm>> -> memref<1x79x128xi32, #tpu.memory_space<hbm>>
      %dma_start3A_27 = tpu.memref_squeeze %dma_start3A_26 : memref<1x79x128xi32, #tpu.memory_space<hbm>> -> memref<79x128xi32, #tpu.memory_space<hbm>>
      tpu.enqueue_dma source(%dma_start3A_27 : memref<79x128xi32, #tpu.memory_space<hbm>>) target(%arg7 : memref<79x128xi32, #tpu.memory_space<vmem>>) target_semaphore(%run_scoped3A : memref<!tpu.dma_semaphore, #tpu.memory_space<semaphore_mem>>)
      %dma_wait3A = arith.constant 0 : i32
      %dma_wait3A_28 = arith.constant 0 : i32
      %dma_wait3A_29 = tpu.memref_slice %arg3[%add3A, %dma_wait3A, %dma_wait3A_28] : memref<32x79x128xi32, #tpu.memory_space<hbm>> -> memref<1x79x128xi32, #tpu.memory_space<hbm>>
      %dma_wait3A_30 = tpu.memref_squeeze %dma_wait3A_29 : memref<1x79x128xi32, #tpu.memory_space<hbm>> -> memref<79x128xi32, #tpu.memory_space<hbm>>
      %dma_wait3A_31 = arith.constant 0 : i32
      %dma_wait3A_32 = arith.constant 0 : i32
      %dma_wait3A_33 = tpu.memref_slice %arg3[%add3A, %dma_wait3A_31, %dma_wait3A_32] : memref<32x79x128xi32, #tpu.memory_space<hbm>> -> memref<1x79x128xi32, #tpu.memory_space<hbm>>
      %dma_wait3A_34 = tpu.memref_squeeze %dma_wait3A_33 : memref<1x79x128xi32, #tpu.memory_space<hbm>> -> memref<79x128xi32, #tpu.memory_space<hbm>>
      tpu.wait_dma2 semaphore(%run_scoped3A : memref<!tpu.dma_semaphore, #tpu.memory_space<semaphore_mem>>) src(%dma_wait3A_34 : memref<79x128xi32, #tpu.memory_space<hbm>>) dst(%arg7 : memref<79x128xi32, #tpu.memory_space<vmem>>)
      tpu.yield
    }) : () -> ()
    "tpu.region"() ({
      %run_scoped3A = tpu.sem_alloc : memref<!tpu.dma_semaphore, #tpu.memory_space<semaphore_mem>>
      %dma_start3A = arith.constant 0 : i32
      %dma_start3A_21 = arith.constant 0 : i32
      %dma_start3A_22 = tpu.memref_slice %arg4[%add3A, %dma_start3A, %dma_start3A_21] : memref<32x79x128xi32, #tpu.memory_space<hbm>> -> memref<1x79x128xi32, #tpu.memory_space<hbm>>
      %dma_start3A_23 = tpu.memref_squeeze %dma_start3A_22 : memref<1x79x128xi32, #tpu.memory_space<hbm>> -> memref<79x128xi32, #tpu.memory_space<hbm>>
      %dma_start3A_24 = arith.constant 0 : i32
      %dma_start3A_25 = arith.constant 0 : i32
      %dma_start3A_26 = tpu.memref_slice %arg4[%add3A, %dma_start3A_24, %dma_start3A_25] : memref<32x79x128xi32, #tpu.memory_space<hbm>> -> memref<1x79x128xi32, #tpu.memory_space<hbm>>
      %dma_start3A_27 = tpu.memref_squeeze %dma_start3A_26 : memref<1x79x128xi32, #tpu.memory_space<hbm>> -> memref<79x128xi32, #tpu.memory_space<hbm>>
      tpu.enqueue_dma source(%dma_start3A_27 : memref<79x128xi32, #tpu.memory_space<hbm>>) target(%arg8 : memref<79x128xi32, #tpu.memory_space<vmem>>) target_semaphore(%run_scoped3A : memref<!tpu.dma_semaphore, #tpu.memory_space<semaphore_mem>>)
      %dma_wait3A = arith.constant 0 : i32
      %dma_wait3A_28 = arith.constant 0 : i32
      %dma_wait3A_29 = tpu.memref_slice %arg4[%add3A, %dma_wait3A, %dma_wait3A_28] : memref<32x79x128xi32, #tpu.memory_space<hbm>> -> memref<1x79x128xi32, #tpu.memory_space<hbm>>
      %dma_wait3A_30 = tpu.memref_squeeze %dma_wait3A_29 : memref<1x79x128xi32, #tpu.memory_space<hbm>> -> memref<79x128xi32, #tpu.memory_space<hbm>>
      %dma_wait3A_31 = arith.constant 0 : i32
      %dma_wait3A_32 = arith.constant 0 : i32
      %dma_wait3A_33 = tpu.memref_slice %arg4[%add3A, %dma_wait3A_31, %dma_wait3A_32] : memref<32x79x128xi32, #tpu.memory_space<hbm>> -> memref<1x79x128xi32, #tpu.memory_space<hbm>>
      %dma_wait3A_34 = tpu.memref_squeeze %dma_wait3A_33 : memref<1x79x128xi32, #tpu.memory_space<hbm>> -> memref<79x128xi32, #tpu.memory_space<hbm>>
      tpu.wait_dma2 semaphore(%run_scoped3A : memref<!tpu.dma_semaphore, #tpu.memory_space<semaphore_mem>>) src(%dma_wait3A_34 : memref<79x128xi32, #tpu.memory_space<hbm>>) dst(%arg8 : memref<79x128xi32, #tpu.memory_space<vmem>>)
      tpu.yield
    }) : () -> ()
    %mul3A_1 = arith.constant 640 : i32
    %mul3A_2 = arith.muli %arg1, %mul3A_1 : i32
    %mul3A_3 = arith.constant 640 : i32
    %mul3A_4 = arith.muli %arg1, %mul3A_3 : i32
    "tpu.region"() ({
      %run_scoped3A = tpu.sem_alloc : memref<!tpu.dma_semaphore, #tpu.memory_space<semaphore_mem>>
      %dma_start3A = arith.constant 0 : i32
      %dma_start3A_21 = tpu.memref_slice %arg10[%mul3A_4, %dma_start3A] : memref<10240x64xf32, #tpu.memory_space<vmem_shared>> -> memref<640x64xf32, #tpu.memory_space<vmem_shared>>
      %dma_start3A_22 = arith.constant 0 : i32
      %dma_start3A_23 = tpu.memref_slice %arg2[%mul3A_2, %dma_start3A_22] : memref<10240x64xf32, #tpu.memory_space<hbm>> -> memref<640x64xf32, #tpu.memory_space<hbm>>
      tpu.enqueue_dma source(%dma_start3A_23 : memref<640x64xf32, #tpu.memory_space<hbm>>) target(%dma_start3A_21 : memref<640x64xf32, #tpu.memory_space<vmem_shared>>) target_semaphore(%run_scoped3A : memref<!tpu.dma_semaphore, #tpu.memory_space<semaphore_mem>>)
      %dma_wait3A = arith.constant 0 : i32
      %dma_wait3A_24 = tpu.memref_slice %arg10[%mul3A_4, %dma_wait3A] : memref<10240x64xf32, #tpu.memory_space<vmem_shared>> -> memref<640x64xf32, #tpu.memory_space<vmem_shared>>
      %dma_wait3A_25 = arith.constant 0 : i32
      %dma_wait3A_26 = tpu.memref_slice %arg2[%mul3A_2, %dma_wait3A_25] : memref<10240x64xf32, #tpu.memory_space<hbm>> -> memref<640x64xf32, #tpu.memory_space<hbm>>
      tpu.wait_dma2 semaphore(%run_scoped3A : memref<!tpu.dma_semaphore, #tpu.memory_space<semaphore_mem>>) src(%dma_wait3A_26 : memref<640x64xf32, #tpu.memory_space<hbm>>) dst(%dma_wait3A_24 : memref<640x64xf32, #tpu.memory_space<vmem_shared>>)
      tpu.yield
    }) : () -> ()
    %eq3A = arith.constant 0 : i32
    %eq3A_5 = arith.cmpi eq, %arg0, %eq3A : i32
    %convert_element_type3A = arith.extui %eq3A_5 : i1 to i32
    %cond3A = arith.constant 0 : i32
    %cond3A_6 = arith.cmpi ne, %convert_element_type3A, %cond3A : i32
    scf.if %cond3A_6 {
      %mul3A_21 = arith.constant 640 : i32
      %mul3A_22 = arith.muli %arg1, %mul3A_21 : i32
      %mul3A_23 = arith.constant 640 : i32
      %mul3A_24 = arith.muli %arg1, %mul3A_23 : i32
      "tpu.region"() ({
        %run_scoped3A = tpu.sem_alloc : memref<!tpu.dma_semaphore, #tpu.memory_space<semaphore_mem>>
        %dma_start3A = arith.constant 0 : i32
        %dma_start3A_25 = tpu.memref_slice %arg11[%mul3A_24, %dma_start3A] : memref<10240x64xf32, #tpu.memory_space<vmem_shared>> -> memref<640x64xf32, #tpu.memory_space<vmem_shared>>
        %dma_start3A_26 = arith.constant 0 : i32
        %dma_start3A_27 = tpu.memref_slice %arg2[%mul3A_22, %dma_start3A_26] : memref<10240x64xf32, #tpu.memory_space<hbm>> -> memref<640x64xf32, #tpu.memory_space<hbm>>
        tpu.enqueue_dma source(%dma_start3A_27 : memref<640x64xf32, #tpu.memory_space<hbm>>) target(%dma_start3A_25 : memref<640x64xf32, #tpu.memory_space<vmem_shared>>) target_semaphore(%run_scoped3A : memref<!tpu.dma_semaphore, #tpu.memory_space<semaphore_mem>>)
        %dma_wait3A = arith.constant 0 : i32
        %dma_wait3A_28 = tpu.memref_slice %arg11[%mul3A_24, %dma_wait3A] : memref<10240x64xf32, #tpu.memory_space<vmem_shared>> -> memref<640x64xf32, #tpu.memory_space<vmem_shared>>
        %dma_wait3A_29 = arith.constant 0 : i32
        %dma_wait3A_30 = tpu.memref_slice %arg2[%mul3A_22, %dma_wait3A_29] : memref<10240x64xf32, #tpu.memory_space<hbm>> -> memref<640x64xf32, #tpu.memory_space<hbm>>
        tpu.wait_dma2 semaphore(%run_scoped3A : memref<!tpu.dma_semaphore, #tpu.memory_space<semaphore_mem>>) src(%dma_wait3A_30 : memref<640x64xf32, #tpu.memory_space<hbm>>) dst(%dma_wait3A_28 : memref<640x64xf32, #tpu.memory_space<vmem_shared>>)
        tpu.yield
      }) : () -> ()
    } else {
    }
    %ne3A = arith.constant 0 : i32
    %ne3A_7 = arith.cmpi ne, %arg0, %ne3A : i32
    %convert_element_type3A_8 = arith.extui %ne3A_7 : i1 to i32
    %cond3A_9 = arith.constant 0 : i32
    %cond3A_10 = arith.cmpi ne, %convert_element_type3A_8, %cond3A_9 : i32
    scf.if %cond3A_10 {
      %mul3A_21 = arith.constant 640 : i32
      %mul3A_22 = arith.muli %arg1, %mul3A_21 : i32
      "tpu.region"() ({
        %run_scoped3A = tpu.sem_alloc : memref<!tpu.dma_semaphore, #tpu.memory_space<semaphore_mem>>
        %dma_start3A = arith.constant 0 : i32
        %dma_start3A_23 = tpu.memref_slice %arg11[%mul3A_22, %dma_start3A] : memref<10240x64xf32, #tpu.memory_space<vmem_shared>> -> memref<640x64xf32, #tpu.memory_space<vmem_shared>>
        tpu.enqueue_dma source(%arg5 : memref<640x64xf32, #tpu.memory_space<hbm>>) target(%dma_start3A_23 : memref<640x64xf32, #tpu.memory_space<vmem_shared>>) target_semaphore(%run_scoped3A : memref<!tpu.dma_semaphore, #tpu.memory_space<semaphore_mem>>)
        %dma_wait3A = arith.constant 0 : i32
        %dma_wait3A_24 = tpu.memref_slice %arg11[%mul3A_22, %dma_wait3A] : memref<10240x64xf32, #tpu.memory_space<vmem_shared>> -> memref<640x64xf32, #tpu.memory_space<vmem_shared>>
        tpu.wait_dma2 semaphore(%run_scoped3A : memref<!tpu.dma_semaphore, #tpu.memory_space<semaphore_mem>>) src(%arg5 : memref<640x64xf32, #tpu.memory_space<hbm>>) dst(%dma_wait3A_24 : memref<640x64xf32, #tpu.memory_space<vmem_shared>>)
        tpu.yield
      }) : () -> ()
    } else {
    }
    %barrier3A = arith.constant 0 : index
    tpu.barrier barrier_id(%barrier3A)
    %scan3A = arith.constant 0 : i32
    %scan3A_11 = arith.constant 0 : i32
    %scan3A_12 = arith.constant 79 : i32
    %scan3A_13 = arith.addi %scan3A_11, %scan3A_12 : i32
    %scan3A_14 = arith.constant 1 : i32
    scf.for %scan3A_21 = %scan3A_11 to %scan3A_13 step %scan3A_14  : i32 {
      %dma_start3A = arith.constant 0 : i32
      %dma_start3A_22 = tpu.memref_slice %arg7[%scan3A_21, %dma_start3A] : memref<79x128xi32, #tpu.memory_space<vmem>> -> memref<1x128xi32, #tpu.memory_space<vmem>>
      %dma_start3A_23 = tpu.memref_squeeze %dma_start3A_22 : memref<1x128xi32, #tpu.memory_space<vmem>> -> memref<128xi32, #tpu.memory_space<vmem>>
      %dma_start3A_24 = arith.constant 0 : i32
      %dma_start3A_25 = arith.constant 0 : i32
      %dma_start3A_26 = tpu.memref_slice %arg10[%dma_start3A_24, %dma_start3A_25] : memref<10240x64xf32, #tpu.memory_space<vmem_shared>> -> memref<10240x64xf32, #tpu.memory_space<vmem_shared>>
      tpu.enqueue_indirect_dma source(%dma_start3A_26 : memref<10240x64xf32, #tpu.memory_space<vmem_shared>>) target(%arg9 : memref<128x64xf32, #tpu.memory_space<vmem>>) offsets(%dma_start3A_23 : memref<128xi32, #tpu.memory_space<vmem>>) semaphore(%arg12 : memref<!tpu.dma_semaphore, #tpu.memory_space<semaphore_mem>>)
      %dma_wait3A = arith.constant 0 : i32
      %dma_wait3A_27 = tpu.memref_slice %arg7[%scan3A_21, %dma_wait3A] : memref<79x128xi32, #tpu.memory_space<vmem>> -> memref<1x128xi32, #tpu.memory_space<vmem>>
      %dma_wait3A_28 = tpu.memref_squeeze %dma_wait3A_27 : memref<1x128xi32, #tpu.memory_space<vmem>> -> memref<128xi32, #tpu.memory_space<vmem>>
      %dma_wait3A_29 = arith.constant 0 : i32
      %dma_wait3A_30 = arith.constant 0 : i32
      %dma_wait3A_31 = tpu.memref_slice %arg10[%dma_wait3A_29, %dma_wait3A_30] : memref<10240x64xf32, #tpu.memory_space<vmem_shared>> -> memref<10240x64xf32, #tpu.memory_space<vmem_shared>>
      tpu.wait_indirect_dma semaphore(%arg12 : memref<!tpu.dma_semaphore, #tpu.memory_space<semaphore_mem>>) src(%dma_wait3A_31 : memref<10240x64xf32, #tpu.memory_space<vmem_shared>>) dst(%arg9 : memref<128x64xf32, #tpu.memory_space<vmem>>)
      "tpu.region"() ({
        %run_scoped3A = tpu.sem_alloc : memref<!tpu.dma_semaphore, #tpu.memory_space<semaphore_mem>>
        %dma_start3A_32 = arith.constant 0 : i32
        %dma_start3A_33 = tpu.memref_slice %arg8[%scan3A_21, %dma_start3A_32] : memref<79x128xi32, #tpu.memory_space<vmem>> -> memref<1x128xi32, #tpu.memory_space<vmem>>
        %dma_start3A_34 = tpu.memref_squeeze %dma_start3A_33 : memref<1x128xi32, #tpu.memory_space<vmem>> -> memref<128xi32, #tpu.memory_space<vmem>>
        %dma_start3A_35 = arith.constant 0 : i32
        %dma_start3A_36 = arith.constant 0 : i32
        %dma_start3A_37 = tpu.memref_slice %arg11[%dma_start3A_35, %dma_start3A_36] : memref<10240x64xf32, #tpu.memory_space<vmem_shared>> -> memref<10240x64xf32, #tpu.memory_space<vmem_shared>>
        tpu.enqueue_indirect_dma source(%arg9 : memref<128x64xf32, #tpu.memory_space<vmem>>) target(%dma_start3A_37 : memref<10240x64xf32, #tpu.memory_space<vmem_shared>>) offsets(%dma_start3A_34 : memref<128xi32, #tpu.memory_space<vmem>>) semaphore(%run_scoped3A : memref<!tpu.dma_semaphore, #tpu.memory_space<semaphore_mem>>) {add = true}
        %dma_wait3A_38 = arith.constant 0 : i32
        %dma_wait3A_39 = tpu.memref_slice %arg8[%scan3A_21, %dma_wait3A_38] : memref<79x128xi32, #tpu.memory_space<vmem>> -> memref<1x128xi32, #tpu.memory_space<vmem>>
        %dma_wait3A_40 = tpu.memref_squeeze %dma_wait3A_39 : memref<1x128xi32, #tpu.memory_space<vmem>> -> memref<128xi32, #tpu.memory_space<vmem>>
        %dma_wait3A_41 = arith.constant 0 : i32
        %dma_wait3A_42 = arith.constant 0 : i32
        %dma_wait3A_43 = tpu.memref_slice %arg11[%dma_wait3A_41, %dma_wait3A_42] : memref<10240x64xf32, #tpu.memory_space<vmem_shared>> -> memref<10240x64xf32, #tpu.memory_space<vmem_shared>>
        tpu.wait_indirect_dma semaphore(%run_scoped3A : memref<!tpu.dma_semaphore, #tpu.memory_space<semaphore_mem>>) src(%arg9 : memref<128x64xf32, #tpu.memory_space<vmem>>) dst(%dma_wait3A_43 : memref<10240x64xf32, #tpu.memory_space<vmem_shared>>)
        tpu.yield
      }) : () -> ()
    }
    %scan3A_15 = arith.constant 79 : i32
    %barrier3A_16 = arith.constant 0 : index
    tpu.barrier barrier_id(%barrier3A_16)
    %mul3A_17 = arith.constant 640 : i32
    %mul3A_18 = arith.muli %arg1, %mul3A_17 : i32
    %mul3A_19 = arith.constant 640 : i32
    %mul3A_20 = arith.muli %arg1, %mul3A_19 : i32
    "tpu.region"() ({
      %run_scoped3A = tpu.sem_alloc : memref<!tpu.dma_semaphore, #tpu.memory_space<semaphore_mem>>
      %dma_start3A = arith.constant 0 : i32
      %dma_start3A_21 = tpu.memref_slice %arg6[%arg0, %mul3A_20, %dma_start3A] : memref<2x10240x64xf32, #tpu.memory_space<hbm>> -> memref<1x640x64xf32, #tpu.memory_space<hbm>>
      %dma_start3A_22 = tpu.memref_squeeze %dma_start3A_21 : memref<1x640x64xf32, #tpu.memory_space<hbm>> -> memref<640x64xf32, #tpu.memory_space<hbm>>
      %dma_start3A_23 = arith.constant 0 : i32
      %dma_start3A_24 = tpu.memref_slice %arg11[%mul3A_18, %dma_start3A_23] : memref<10240x64xf32, #tpu.memory_space<vmem_shared>> -> memref<640x64xf32, #tpu.memory_space<vmem_shared>>
      tpu.enqueue_dma source(%dma_start3A_24 : memref<640x64xf32, #tpu.memory_space<vmem_shared>>) target(%dma_start3A_22 : memref<640x64xf32, #tpu.memory_space<hbm>>) target_semaphore(%run_scoped3A : memref<!tpu.dma_semaphore, #tpu.memory_space<semaphore_mem>>)
      %dma_wait3A = arith.constant 0 : i32
      %dma_wait3A_25 = tpu.memref_slice %arg6[%arg0, %mul3A_20, %dma_wait3A] : memref<2x10240x64xf32, #tpu.memory_space<hbm>> -> memref<1x640x64xf32, #tpu.memory_space<hbm>>
      %dma_wait3A_26 = tpu.memref_squeeze %dma_wait3A_25 : memref<1x640x64xf32, #tpu.memory_space<hbm>> -> memref<640x64xf32, #tpu.memory_space<hbm>>
      %dma_wait3A_27 = arith.constant 0 : i32
      %dma_wait3A_28 = tpu.memref_slice %arg11[%mul3A_18, %dma_wait3A_27] : memref<10240x64xf32, #tpu.memory_space<vmem_shared>> -> memref<640x64xf32, #tpu.memory_space<vmem_shared>>
      tpu.wait_dma2 semaphore(%run_scoped3A : memref<!tpu.dma_semaphore, #tpu.memory_space<semaphore_mem>>) src(%dma_wait3A_28 : memref<640x64xf32, #tpu.memory_space<vmem_shared>>) dst(%dma_wait3A_26 : memref<640x64xf32, #tpu.memory_space<hbm>>)
      tpu.yield
    }) : () -> ()
    return
  }
}

#map = affine_map<(d0, d1) -> (0, 0)>
#map1 = affine_map<(d0, d1) -> (0, 0, 0)>
module attributes {stable_mosaic.version = 14 : i64} {
  func.func @_hop_sc(%arg0: i32, %arg1: i32, %arg2: memref<10240x64xf32, #tpu.memory_space<hbm>>, %arg3: memref<32x79x128xi32, #tpu.memory_space<hbm>>, %arg4: memref<32x79x128xi32, #tpu.memory_space<hbm>>, %arg5: memref<640x64xf32, #tpu.memory_space<hbm>>, %arg6: memref<2x10240x64xf32, #tpu.memory_space<hbm>>, %arg7: memref<79x128xi32, #tpu.memory_space<vmem>>, %arg8: memref<79x128xi32, #tpu.memory_space<vmem>>, %arg9: memref<128x64xf32, #tpu.memory_space<vmem>>, %arg10: memref<10240x64xf32, #tpu.memory_space<vmem_shared>>, %arg11: memref<10240x64xf32, #tpu.memory_space<vmem_shared>>, %arg12: memref<!tpu.dma_semaphore, #tpu.memory_space<semaphore_mem>>) attributes {dimension_semantics = [#tpu.dimension_semantics<core_parallel>, #tpu.dimension_semantics<subcore_parallel>], iteration_bounds = array<i64: 2, 16>, scalar_prefetch = 0 : i64, scratch_operands = 6 : i64, tpu.core_type = #tpu.core_type<sc_vector_subcore>, window_params = [{transform_indices = #map}, {transform_indices = #map1}, {transform_indices = #map1}, {transform_indices = #map}, {transform_indices = #map1}]} {
    %mul3A = arith.constant 16 : i32
    %mul3A_0 = arith.muli %arg0, %mul3A : i32
    %add3A = arith.addi %mul3A_0, %arg1 : i32
    "tpu.region"() ({
      %run_scoped3A = tpu.sem_alloc : memref<!tpu.dma_semaphore, #tpu.memory_space<semaphore_mem>>
      %dma_start3A = arith.constant 0 : i32
      %dma_start3A_21 = arith.constant 0 : i32
      %dma_start3A_22 = tpu.memref_slice %arg3[%add3A, %dma_start3A, %dma_start3A_21] : memref<32x79x128xi32, #tpu.memory_space<hbm>> -> memref<1x79x128xi32, #tpu.memory_space<hbm>>
      %dma_start3A_23 = tpu.memref_squeeze %dma_start3A_22 : memref<1x79x128xi32, #tpu.memory_space<hbm>> -> memref<79x128xi32, #tpu.memory_space<hbm>>
      %dma_start3A_24 = arith.constant 0 : i32
      %dma_start3A_25 = arith.constant 0 : i32
      %dma_start3A_26 = tpu.memref_slice %arg3[%add3A, %dma_start3A_24, %dma_start3A_25] : memref<32x79x128xi32, #tpu.memory_space<hbm>> -> memref<1x79x128xi32, #tpu.memory_space<hbm>>
      %dma_start3A_27 = tpu.memref_squeeze %dma_start3A_26 : memref<1x79x128xi32, #tpu.memory_space<hbm>> -> memref<79x128xi32, #tpu.memory_space<hbm>>
      tpu.enqueue_dma source(%dma_start3A_27 : memref<79x128xi32, #tpu.memory_space<hbm>>) target(%arg7 : memref<79x128xi32, #tpu.memory_space<vmem>>) target_semaphore(%run_scoped3A : memref<!tpu.dma_semaphore, #tpu.memory_space<semaphore_mem>>)
      %dma_wait3A = arith.constant 0 : i32
      %dma_wait3A_28 = arith.constant 0 : i32
      %dma_wait3A_29 = tpu.memref_slice %arg3[%add3A, %dma_wait3A, %dma_wait3A_28] : memref<32x79x128xi32, #tpu.memory_space<hbm>> -> memref<1x79x128xi32, #tpu.memory_space<hbm>>
      %dma_wait3A_30 = tpu.memref_squeeze %dma_wait3A_29 : memref<1x79x128xi32, #tpu.memory_space<hbm>> -> memref<79x128xi32, #tpu.memory_space<hbm>>
      %dma_wait3A_31 = arith.constant 0 : i32
      %dma_wait3A_32 = arith.constant 0 : i32
      %dma_wait3A_33 = tpu.memref_slice %arg3[%add3A, %dma_wait3A_31, %dma_wait3A_32] : memref<32x79x128xi32, #tpu.memory_space<hbm>> -> memref<1x79x128xi32, #tpu.memory_space<hbm>>
      %dma_wait3A_34 = tpu.memref_squeeze %dma_wait3A_33 : memref<1x79x128xi32, #tpu.memory_space<hbm>> -> memref<79x128xi32, #tpu.memory_space<hbm>>
      tpu.wait_dma2 semaphore(%run_scoped3A : memref<!tpu.dma_semaphore, #tpu.memory_space<semaphore_mem>>) src(%dma_wait3A_34 : memref<79x128xi32, #tpu.memory_space<hbm>>) dst(%arg7 : memref<79x128xi32, #tpu.memory_space<vmem>>)
      tpu.yield
    }) : () -> ()
    "tpu.region"() ({
      %run_scoped3A = tpu.sem_alloc : memref<!tpu.dma_semaphore, #tpu.memory_space<semaphore_mem>>
      %dma_start3A = arith.constant 0 : i32
      %dma_start3A_21 = arith.constant 0 : i32
      %dma_start3A_22 = tpu.memref_slice %arg4[%add3A, %dma_start3A, %dma_start3A_21] : memref<32x79x128xi32, #tpu.memory_space<hbm>> -> memref<1x79x128xi32, #tpu.memory_space<hbm>>
      %dma_start3A_23 = tpu.memref_squeeze %dma_start3A_22 : memref<1x79x128xi32, #tpu.memory_space<hbm>> -> memref<79x128xi32, #tpu.memory_space<hbm>>
      %dma_start3A_24 = arith.constant 0 : i32
      %dma_start3A_25 = arith.constant 0 : i32
      %dma_start3A_26 = tpu.memref_slice %arg4[%add3A, %dma_start3A_24, %dma_start3A_25] : memref<32x79x128xi32, #tpu.memory_space<hbm>> -> memref<1x79x128xi32, #tpu.memory_space<hbm>>
      %dma_start3A_27 = tpu.memref_squeeze %dma_start3A_26 : memref<1x79x128xi32, #tpu.memory_space<hbm>> -> memref<79x128xi32, #tpu.memory_space<hbm>>
      tpu.enqueue_dma source(%dma_start3A_27 : memref<79x128xi32, #tpu.memory_space<hbm>>) target(%arg8 : memref<79x128xi32, #tpu.memory_space<vmem>>) target_semaphore(%run_scoped3A : memref<!tpu.dma_semaphore, #tpu.memory_space<semaphore_mem>>)
      %dma_wait3A = arith.constant 0 : i32
      %dma_wait3A_28 = arith.constant 0 : i32
      %dma_wait3A_29 = tpu.memref_slice %arg4[%add3A, %dma_wait3A, %dma_wait3A_28] : memref<32x79x128xi32, #tpu.memory_space<hbm>> -> memref<1x79x128xi32, #tpu.memory_space<hbm>>
      %dma_wait3A_30 = tpu.memref_squeeze %dma_wait3A_29 : memref<1x79x128xi32, #tpu.memory_space<hbm>> -> memref<79x128xi32, #tpu.memory_space<hbm>>
      %dma_wait3A_31 = arith.constant 0 : i32
      %dma_wait3A_32 = arith.constant 0 : i32
      %dma_wait3A_33 = tpu.memref_slice %arg4[%add3A, %dma_wait3A_31, %dma_wait3A_32] : memref<32x79x128xi32, #tpu.memory_space<hbm>> -> memref<1x79x128xi32, #tpu.memory_space<hbm>>
      %dma_wait3A_34 = tpu.memref_squeeze %dma_wait3A_33 : memref<1x79x128xi32, #tpu.memory_space<hbm>> -> memref<79x128xi32, #tpu.memory_space<hbm>>
      tpu.wait_dma2 semaphore(%run_scoped3A : memref<!tpu.dma_semaphore, #tpu.memory_space<semaphore_mem>>) src(%dma_wait3A_34 : memref<79x128xi32, #tpu.memory_space<hbm>>) dst(%arg8 : memref<79x128xi32, #tpu.memory_space<vmem>>)
      tpu.yield
    }) : () -> ()
    %mul3A_1 = arith.constant 640 : i32
    %mul3A_2 = arith.muli %arg1, %mul3A_1 : i32
    %mul3A_3 = arith.constant 640 : i32
    %mul3A_4 = arith.muli %arg1, %mul3A_3 : i32
    "tpu.region"() ({
      %run_scoped3A = tpu.sem_alloc : memref<!tpu.dma_semaphore, #tpu.memory_space<semaphore_mem>>
      %dma_start3A = arith.constant 0 : i32
      %dma_start3A_21 = tpu.memref_slice %arg10[%mul3A_4, %dma_start3A] : memref<10240x64xf32, #tpu.memory_space<vmem_shared>> -> memref<640x64xf32, #tpu.memory_space<vmem_shared>>
      %dma_start3A_22 = arith.constant 0 : i32
      %dma_start3A_23 = tpu.memref_slice %arg2[%mul3A_2, %dma_start3A_22] : memref<10240x64xf32, #tpu.memory_space<hbm>> -> memref<640x64xf32, #tpu.memory_space<hbm>>
      tpu.enqueue_dma source(%dma_start3A_23 : memref<640x64xf32, #tpu.memory_space<hbm>>) target(%dma_start3A_21 : memref<640x64xf32, #tpu.memory_space<vmem_shared>>) target_semaphore(%run_scoped3A : memref<!tpu.dma_semaphore, #tpu.memory_space<semaphore_mem>>)
      %dma_wait3A = arith.constant 0 : i32
      %dma_wait3A_24 = tpu.memref_slice %arg10[%mul3A_4, %dma_wait3A] : memref<10240x64xf32, #tpu.memory_space<vmem_shared>> -> memref<640x64xf32, #tpu.memory_space<vmem_shared>>
      %dma_wait3A_25 = arith.constant 0 : i32
      %dma_wait3A_26 = tpu.memref_slice %arg2[%mul3A_2, %dma_wait3A_25] : memref<10240x64xf32, #tpu.memory_space<hbm>> -> memref<640x64xf32, #tpu.memory_space<hbm>>
      tpu.wait_dma2 semaphore(%run_scoped3A : memref<!tpu.dma_semaphore, #tpu.memory_space<semaphore_mem>>) src(%dma_wait3A_26 : memref<640x64xf32, #tpu.memory_space<hbm>>) dst(%dma_wait3A_24 : memref<640x64xf32, #tpu.memory_space<vmem_shared>>)
      tpu.yield
    }) : () -> ()
    %eq3A = arith.constant 0 : i32
    %eq3A_5 = arith.cmpi eq, %arg0, %eq3A : i32
    %convert_element_type3A = arith.extui %eq3A_5 : i1 to i32
    %cond3A = arith.constant 0 : i32
    %cond3A_6 = arith.cmpi ne, %convert_element_type3A, %cond3A : i32
    scf.if %cond3A_6 {
      %mul3A_21 = arith.constant 640 : i32
      %mul3A_22 = arith.muli %arg1, %mul3A_21 : i32
      %mul3A_23 = arith.constant 640 : i32
      %mul3A_24 = arith.muli %arg1, %mul3A_23 : i32
      "tpu.region"() ({
        %run_scoped3A = tpu.sem_alloc : memref<!tpu.dma_semaphore, #tpu.memory_space<semaphore_mem>>
        %dma_start3A = arith.constant 0 : i32
        %dma_start3A_25 = tpu.memref_slice %arg11[%mul3A_24, %dma_start3A] : memref<10240x64xf32, #tpu.memory_space<vmem_shared>> -> memref<640x64xf32, #tpu.memory_space<vmem_shared>>
        %dma_start3A_26 = arith.constant 0 : i32
        %dma_start3A_27 = tpu.memref_slice %arg2[%mul3A_22, %dma_start3A_26] : memref<10240x64xf32, #tpu.memory_space<hbm>> -> memref<640x64xf32, #tpu.memory_space<hbm>>
        tpu.enqueue_dma source(%dma_start3A_27 : memref<640x64xf32, #tpu.memory_space<hbm>>) target(%dma_start3A_25 : memref<640x64xf32, #tpu.memory_space<vmem_shared>>) target_semaphore(%run_scoped3A : memref<!tpu.dma_semaphore, #tpu.memory_space<semaphore_mem>>)
        %dma_wait3A = arith.constant 0 : i32
        %dma_wait3A_28 = tpu.memref_slice %arg11[%mul3A_24, %dma_wait3A] : memref<10240x64xf32, #tpu.memory_space<vmem_shared>> -> memref<640x64xf32, #tpu.memory_space<vmem_shared>>
        %dma_wait3A_29 = arith.constant 0 : i32
        %dma_wait3A_30 = tpu.memref_slice %arg2[%mul3A_22, %dma_wait3A_29] : memref<10240x64xf32, #tpu.memory_space<hbm>> -> memref<640x64xf32, #tpu.memory_space<hbm>>
        tpu.wait_dma2 semaphore(%run_scoped3A : memref<!tpu.dma_semaphore, #tpu.memory_space<semaphore_mem>>) src(%dma_wait3A_30 : memref<640x64xf32, #tpu.memory_space<hbm>>) dst(%dma_wait3A_28 : memref<640x64xf32, #tpu.memory_space<vmem_shared>>)
        tpu.yield
      }) : () -> ()
    } else {
    }
    %ne3A = arith.constant 0 : i32
    %ne3A_7 = arith.cmpi ne, %arg0, %ne3A : i32
    %convert_element_type3A_8 = arith.extui %ne3A_7 : i1 to i32
    %cond3A_9 = arith.constant 0 : i32
    %cond3A_10 = arith.cmpi ne, %convert_element_type3A_8, %cond3A_9 : i32
    scf.if %cond3A_10 {
      %mul3A_21 = arith.constant 640 : i32
      %mul3A_22 = arith.muli %arg1, %mul3A_21 : i32
      "tpu.region"() ({
        %run_scoped3A = tpu.sem_alloc : memref<!tpu.dma_semaphore, #tpu.memory_space<semaphore_mem>>
        %dma_start3A = arith.constant 0 : i32
        %dma_start3A_23 = tpu.memref_slice %arg11[%mul3A_22, %dma_start3A] : memref<10240x64xf32, #tpu.memory_space<vmem_shared>> -> memref<640x64xf32, #tpu.memory_space<vmem_shared>>
        tpu.enqueue_dma source(%arg5 : memref<640x64xf32, #tpu.memory_space<hbm>>) target(%dma_start3A_23 : memref<640x64xf32, #tpu.memory_space<vmem_shared>>) target_semaphore(%run_scoped3A : memref<!tpu.dma_semaphore, #tpu.memory_space<semaphore_mem>>)
        %dma_wait3A = arith.constant 0 : i32
        %dma_wait3A_24 = tpu.memref_slice %arg11[%mul3A_22, %dma_wait3A] : memref<10240x64xf32, #tpu.memory_space<vmem_shared>> -> memref<640x64xf32, #tpu.memory_space<vmem_shared>>
        tpu.wait_dma2 semaphore(%run_scoped3A : memref<!tpu.dma_semaphore, #tpu.memory_space<semaphore_mem>>) src(%arg5 : memref<640x64xf32, #tpu.memory_space<hbm>>) dst(%dma_wait3A_24 : memref<640x64xf32, #tpu.memory_space<vmem_shared>>)
        tpu.yield
      }) : () -> ()
    } else {
    }
    %barrier3A = arith.constant 0 : index
    tpu.barrier barrier_id(%barrier3A)
    %scan3A = arith.constant 0 : i32
    %scan3A_11 = arith.constant 0 : i32
    %scan3A_12 = arith.constant 79 : i32
    %scan3A_13 = arith.addi %scan3A_11, %scan3A_12 : i32
    %scan3A_14 = arith.constant 1 : i32
    scf.for %scan3A_21 = %scan3A_11 to %scan3A_13 step %scan3A_14  : i32 {
      %dma_start3A = arith.constant 0 : i32
      %dma_start3A_22 = tpu.memref_slice %arg7[%scan3A_21, %dma_start3A] : memref<79x128xi32, #tpu.memory_space<vmem>> -> memref<1x128xi32, #tpu.memory_space<vmem>>
      %dma_start3A_23 = tpu.memref_squeeze %dma_start3A_22 : memref<1x128xi32, #tpu.memory_space<vmem>> -> memref<128xi32, #tpu.memory_space<vmem>>
      %dma_start3A_24 = arith.constant 0 : i32
      %dma_start3A_25 = arith.constant 0 : i32
      %dma_start3A_26 = tpu.memref_slice %arg10[%dma_start3A_24, %dma_start3A_25] : memref<10240x64xf32, #tpu.memory_space<vmem_shared>> -> memref<10240x64xf32, #tpu.memory_space<vmem_shared>>
      tpu.enqueue_indirect_dma source(%dma_start3A_26 : memref<10240x64xf32, #tpu.memory_space<vmem_shared>>) target(%arg9 : memref<128x64xf32, #tpu.memory_space<vmem>>) offsets(%dma_start3A_23 : memref<128xi32, #tpu.memory_space<vmem>>) semaphore(%arg12 : memref<!tpu.dma_semaphore, #tpu.memory_space<semaphore_mem>>)
      %dma_wait3A = arith.constant 0 : i32
      %dma_wait3A_27 = tpu.memref_slice %arg7[%scan3A_21, %dma_wait3A] : memref<79x128xi32, #tpu.memory_space<vmem>> -> memref<1x128xi32, #tpu.memory_space<vmem>>
      %dma_wait3A_28 = tpu.memref_squeeze %dma_wait3A_27 : memref<1x128xi32, #tpu.memory_space<vmem>> -> memref<128xi32, #tpu.memory_space<vmem>>
      %dma_wait3A_29 = arith.constant 0 : i32
      %dma_wait3A_30 = arith.constant 0 : i32
      %dma_wait3A_31 = tpu.memref_slice %arg10[%dma_wait3A_29, %dma_wait3A_30] : memref<10240x64xf32, #tpu.memory_space<vmem_shared>> -> memref<10240x64xf32, #tpu.memory_space<vmem_shared>>
      tpu.wait_indirect_dma semaphore(%arg12 : memref<!tpu.dma_semaphore, #tpu.memory_space<semaphore_mem>>) src(%dma_wait3A_31 : memref<10240x64xf32, #tpu.memory_space<vmem_shared>>) dst(%arg9 : memref<128x64xf32, #tpu.memory_space<vmem>>)
      "tpu.region"() ({
        %run_scoped3A = tpu.sem_alloc : memref<!tpu.dma_semaphore, #tpu.memory_space<semaphore_mem>>
        %dma_start3A_32 = arith.constant 0 : i32
        %dma_start3A_33 = tpu.memref_slice %arg8[%scan3A_21, %dma_start3A_32] : memref<79x128xi32, #tpu.memory_space<vmem>> -> memref<1x128xi32, #tpu.memory_space<vmem>>
        %dma_start3A_34 = tpu.memref_squeeze %dma_start3A_33 : memref<1x128xi32, #tpu.memory_space<vmem>> -> memref<128xi32, #tpu.memory_space<vmem>>
        %dma_start3A_35 = arith.constant 0 : i32
        %dma_start3A_36 = arith.constant 0 : i32
        %dma_start3A_37 = tpu.memref_slice %arg11[%dma_start3A_35, %dma_start3A_36] : memref<10240x64xf32, #tpu.memory_space<vmem_shared>> -> memref<10240x64xf32, #tpu.memory_space<vmem_shared>>
        tpu.enqueue_indirect_dma source(%arg9 : memref<128x64xf32, #tpu.memory_space<vmem>>) target(%dma_start3A_37 : memref<10240x64xf32, #tpu.memory_space<vmem_shared>>) offsets(%dma_start3A_34 : memref<128xi32, #tpu.memory_space<vmem>>) semaphore(%run_scoped3A : memref<!tpu.dma_semaphore, #tpu.memory_space<semaphore_mem>>) {add = true}
        %dma_wait3A_38 = arith.constant 0 : i32
        %dma_wait3A_39 = tpu.memref_slice %arg8[%scan3A_21, %dma_wait3A_38] : memref<79x128xi32, #tpu.memory_space<vmem>> -> memref<1x128xi32, #tpu.memory_space<vmem>>
        %dma_wait3A_40 = tpu.memref_squeeze %dma_wait3A_39 : memref<1x128xi32, #tpu.memory_space<vmem>> -> memref<128xi32, #tpu.memory_space<vmem>>
        %dma_wait3A_41 = arith.constant 0 : i32
        %dma_wait3A_42 = arith.constant 0 : i32
        %dma_wait3A_43 = tpu.memref_slice %arg11[%dma_wait3A_41, %dma_wait3A_42] : memref<10240x64xf32, #tpu.memory_space<vmem_shared>> -> memref<10240x64xf32, #tpu.memory_space<vmem_shared>>
        tpu.wait_indirect_dma semaphore(%run_scoped3A : memref<!tpu.dma_semaphore, #tpu.memory_space<semaphore_mem>>) src(%arg9 : memref<128x64xf32, #tpu.memory_space<vmem>>) dst(%dma_wait3A_43 : memref<10240x64xf32, #tpu.memory_space<vmem_shared>>)
        tpu.yield
      }) : () -> ()
    }
    %scan3A_15 = arith.constant 79 : i32
    %barrier3A_16 = arith.constant 0 : index
    tpu.barrier barrier_id(%barrier3A_16)
    %mul3A_17 = arith.constant 640 : i32
    %mul3A_18 = arith.muli %arg1, %mul3A_17 : i32
    %mul3A_19 = arith.constant 640 : i32
    %mul3A_20 = arith.muli %arg1, %mul3A_19 : i32
    "tpu.region"() ({
      %run_scoped3A = tpu.sem_alloc : memref<!tpu.dma_semaphore, #tpu.memory_space<semaphore_mem>>
      %dma_start3A = arith.constant 0 : i32
      %dma_start3A_21 = tpu.memref_slice %arg6[%arg0, %mul3A_20, %dma_start3A] : memref<2x10240x64xf32, #tpu.memory_space<hbm>> -> memref<1x640x64xf32, #tpu.memory_space<hbm>>
      %dma_start3A_22 = tpu.memref_squeeze %dma_start3A_21 : memref<1x640x64xf32, #tpu.memory_space<hbm>> -> memref<640x64xf32, #tpu.memory_space<hbm>>
      %dma_start3A_23 = arith.constant 0 : i32
      %dma_start3A_24 = tpu.memref_slice %arg11[%mul3A_18, %dma_start3A_23] : memref<10240x64xf32, #tpu.memory_space<vmem_shared>> -> memref<640x64xf32, #tpu.memory_space<vmem_shared>>
      tpu.enqueue_dma source(%dma_start3A_24 : memref<640x64xf32, #tpu.memory_space<vmem_shared>>) target(%dma_start3A_22 : memref<640x64xf32, #tpu.memory_space<hbm>>) target_semaphore(%run_scoped3A : memref<!tpu.dma_semaphore, #tpu.memory_space<semaphore_mem>>)
      %dma_wait3A = arith.constant 0 : i32
      %dma_wait3A_25 = tpu.memref_slice %arg6[%arg0, %mul3A_20, %dma_wait3A] : memref<2x10240x64xf32, #tpu.memory_space<hbm>> -> memref<1x640x64xf32, #tpu.memory_space<hbm>>
      %dma_wait3A_26 = tpu.memref_squeeze %dma_wait3A_25 : memref<1x640x64xf32, #tpu.memory_space<hbm>> -> memref<640x64xf32, #tpu.memory_space<hbm>>
      %dma_wait3A_27 = arith.constant 0 : i32
      %dma_wait3A_28 = tpu.memref_slice %arg11[%mul3A_18, %dma_wait3A_27] : memref<10240x64xf32, #tpu.memory_space<vmem_shared>> -> memref<640x64xf32, #tpu.memory_space<vmem_shared>>
      tpu.wait_dma2 semaphore(%run_scoped3A : memref<!tpu.dma_semaphore, #tpu.memory_space<semaphore_mem>>) src(%dma_wait3A_28 : memref<640x64xf32, #tpu.memory_space<vmem_shared>>) dst(%dma_wait3A_26 : memref<640x64xf32, #tpu.memory_space<hbm>>)
      tpu.yield
    }) : () -> ()
    return
  }
}

#map = affine_map<(d0, d1) -> (0, 0)>
#map1 = affine_map<(d0, d1) -> (0, 0, 0)>
module attributes {stable_mosaic.version = 14 : i64} {
  func.func @_hop_sc(%arg0: i32, %arg1: i32, %arg2: memref<10240x64xf32, #tpu.memory_space<hbm>>, %arg3: memref<32x79x128xi32, #tpu.memory_space<hbm>>, %arg4: memref<32x79x128xi32, #tpu.memory_space<hbm>>, %arg5: memref<640x64xf32, #tpu.memory_space<hbm>>, %arg6: memref<2x10240x64xf32, #tpu.memory_space<hbm>>, %arg7: memref<79x128xi32, #tpu.memory_space<vmem>>, %arg8: memref<79x128xi32, #tpu.memory_space<vmem>>, %arg9: memref<128x64xf32, #tpu.memory_space<vmem>>, %arg10: memref<10240x64xf32, #tpu.memory_space<vmem_shared>>, %arg11: memref<10240x64xf32, #tpu.memory_space<vmem_shared>>, %arg12: memref<!tpu.dma_semaphore, #tpu.memory_space<semaphore_mem>>) attributes {dimension_semantics = [#tpu.dimension_semantics<core_parallel>, #tpu.dimension_semantics<subcore_parallel>], iteration_bounds = array<i64: 2, 16>, scalar_prefetch = 0 : i64, scratch_operands = 6 : i64, tpu.core_type = #tpu.core_type<sc_vector_subcore>, window_params = [{transform_indices = #map}, {transform_indices = #map1}, {transform_indices = #map1}, {transform_indices = #map}, {transform_indices = #map1}]} {
    %mul3A = arith.constant 16 : i32
    %mul3A_0 = arith.muli %arg0, %mul3A : i32
    %add3A = arith.addi %mul3A_0, %arg1 : i32
    "tpu.region"() ({
      %run_scoped3A = tpu.sem_alloc : memref<!tpu.dma_semaphore, #tpu.memory_space<semaphore_mem>>
      %dma_start3A = arith.constant 0 : i32
      %dma_start3A_21 = arith.constant 0 : i32
      %dma_start3A_22 = tpu.memref_slice %arg3[%add3A, %dma_start3A, %dma_start3A_21] : memref<32x79x128xi32, #tpu.memory_space<hbm>> -> memref<1x79x128xi32, #tpu.memory_space<hbm>>
      %dma_start3A_23 = tpu.memref_squeeze %dma_start3A_22 : memref<1x79x128xi32, #tpu.memory_space<hbm>> -> memref<79x128xi32, #tpu.memory_space<hbm>>
      %dma_start3A_24 = arith.constant 0 : i32
      %dma_start3A_25 = arith.constant 0 : i32
      %dma_start3A_26 = tpu.memref_slice %arg3[%add3A, %dma_start3A_24, %dma_start3A_25] : memref<32x79x128xi32, #tpu.memory_space<hbm>> -> memref<1x79x128xi32, #tpu.memory_space<hbm>>
      %dma_start3A_27 = tpu.memref_squeeze %dma_start3A_26 : memref<1x79x128xi32, #tpu.memory_space<hbm>> -> memref<79x128xi32, #tpu.memory_space<hbm>>
      tpu.enqueue_dma source(%dma_start3A_27 : memref<79x128xi32, #tpu.memory_space<hbm>>) target(%arg7 : memref<79x128xi32, #tpu.memory_space<vmem>>) target_semaphore(%run_scoped3A : memref<!tpu.dma_semaphore, #tpu.memory_space<semaphore_mem>>)
      %dma_wait3A = arith.constant 0 : i32
      %dma_wait3A_28 = arith.constant 0 : i32
      %dma_wait3A_29 = tpu.memref_slice %arg3[%add3A, %dma_wait3A, %dma_wait3A_28] : memref<32x79x128xi32, #tpu.memory_space<hbm>> -> memref<1x79x128xi32, #tpu.memory_space<hbm>>
      %dma_wait3A_30 = tpu.memref_squeeze %dma_wait3A_29 : memref<1x79x128xi32, #tpu.memory_space<hbm>> -> memref<79x128xi32, #tpu.memory_space<hbm>>
      %dma_wait3A_31 = arith.constant 0 : i32
      %dma_wait3A_32 = arith.constant 0 : i32
      %dma_wait3A_33 = tpu.memref_slice %arg3[%add3A, %dma_wait3A_31, %dma_wait3A_32] : memref<32x79x128xi32, #tpu.memory_space<hbm>> -> memref<1x79x128xi32, #tpu.memory_space<hbm>>
      %dma_wait3A_34 = tpu.memref_squeeze %dma_wait3A_33 : memref<1x79x128xi32, #tpu.memory_space<hbm>> -> memref<79x128xi32, #tpu.memory_space<hbm>>
      tpu.wait_dma2 semaphore(%run_scoped3A : memref<!tpu.dma_semaphore, #tpu.memory_space<semaphore_mem>>) src(%dma_wait3A_34 : memref<79x128xi32, #tpu.memory_space<hbm>>) dst(%arg7 : memref<79x128xi32, #tpu.memory_space<vmem>>)
      tpu.yield
    }) : () -> ()
    "tpu.region"() ({
      %run_scoped3A = tpu.sem_alloc : memref<!tpu.dma_semaphore, #tpu.memory_space<semaphore_mem>>
      %dma_start3A = arith.constant 0 : i32
      %dma_start3A_21 = arith.constant 0 : i32
      %dma_start3A_22 = tpu.memref_slice %arg4[%add3A, %dma_start3A, %dma_start3A_21] : memref<32x79x128xi32, #tpu.memory_space<hbm>> -> memref<1x79x128xi32, #tpu.memory_space<hbm>>
      %dma_start3A_23 = tpu.memref_squeeze %dma_start3A_22 : memref<1x79x128xi32, #tpu.memory_space<hbm>> -> memref<79x128xi32, #tpu.memory_space<hbm>>
      %dma_start3A_24 = arith.constant 0 : i32
      %dma_start3A_25 = arith.constant 0 : i32
      %dma_start3A_26 = tpu.memref_slice %arg4[%add3A, %dma_start3A_24, %dma_start3A_25] : memref<32x79x128xi32, #tpu.memory_space<hbm>> -> memref<1x79x128xi32, #tpu.memory_space<hbm>>
      %dma_start3A_27 = tpu.memref_squeeze %dma_start3A_26 : memref<1x79x128xi32, #tpu.memory_space<hbm>> -> memref<79x128xi32, #tpu.memory_space<hbm>>
      tpu.enqueue_dma source(%dma_start3A_27 : memref<79x128xi32, #tpu.memory_space<hbm>>) target(%arg8 : memref<79x128xi32, #tpu.memory_space<vmem>>) target_semaphore(%run_scoped3A : memref<!tpu.dma_semaphore, #tpu.memory_space<semaphore_mem>>)
      %dma_wait3A = arith.constant 0 : i32
      %dma_wait3A_28 = arith.constant 0 : i32
      %dma_wait3A_29 = tpu.memref_slice %arg4[%add3A, %dma_wait3A, %dma_wait3A_28] : memref<32x79x128xi32, #tpu.memory_space<hbm>> -> memref<1x79x128xi32, #tpu.memory_space<hbm>>
      %dma_wait3A_30 = tpu.memref_squeeze %dma_wait3A_29 : memref<1x79x128xi32, #tpu.memory_space<hbm>> -> memref<79x128xi32, #tpu.memory_space<hbm>>
      %dma_wait3A_31 = arith.constant 0 : i32
      %dma_wait3A_32 = arith.constant 0 : i32
      %dma_wait3A_33 = tpu.memref_slice %arg4[%add3A, %dma_wait3A_31, %dma_wait3A_32] : memref<32x79x128xi32, #tpu.memory_space<hbm>> -> memref<1x79x128xi32, #tpu.memory_space<hbm>>
      %dma_wait3A_34 = tpu.memref_squeeze %dma_wait3A_33 : memref<1x79x128xi32, #tpu.memory_space<hbm>> -> memref<79x128xi32, #tpu.memory_space<hbm>>
      tpu.wait_dma2 semaphore(%run_scoped3A : memref<!tpu.dma_semaphore, #tpu.memory_space<semaphore_mem>>) src(%dma_wait3A_34 : memref<79x128xi32, #tpu.memory_space<hbm>>) dst(%arg8 : memref<79x128xi32, #tpu.memory_space<vmem>>)
      tpu.yield
    }) : () -> ()
    %mul3A_1 = arith.constant 640 : i32
    %mul3A_2 = arith.muli %arg1, %mul3A_1 : i32
    %mul3A_3 = arith.constant 640 : i32
    %mul3A_4 = arith.muli %arg1, %mul3A_3 : i32
    "tpu.region"() ({
      %run_scoped3A = tpu.sem_alloc : memref<!tpu.dma_semaphore, #tpu.memory_space<semaphore_mem>>
      %dma_start3A = arith.constant 0 : i32
      %dma_start3A_21 = tpu.memref_slice %arg10[%mul3A_4, %dma_start3A] : memref<10240x64xf32, #tpu.memory_space<vmem_shared>> -> memref<640x64xf32, #tpu.memory_space<vmem_shared>>
      %dma_start3A_22 = arith.constant 0 : i32
      %dma_start3A_23 = tpu.memref_slice %arg2[%mul3A_2, %dma_start3A_22] : memref<10240x64xf32, #tpu.memory_space<hbm>> -> memref<640x64xf32, #tpu.memory_space<hbm>>
      tpu.enqueue_dma source(%dma_start3A_23 : memref<640x64xf32, #tpu.memory_space<hbm>>) target(%dma_start3A_21 : memref<640x64xf32, #tpu.memory_space<vmem_shared>>) target_semaphore(%run_scoped3A : memref<!tpu.dma_semaphore, #tpu.memory_space<semaphore_mem>>)
      %dma_wait3A = arith.constant 0 : i32
      %dma_wait3A_24 = tpu.memref_slice %arg10[%mul3A_4, %dma_wait3A] : memref<10240x64xf32, #tpu.memory_space<vmem_shared>> -> memref<640x64xf32, #tpu.memory_space<vmem_shared>>
      %dma_wait3A_25 = arith.constant 0 : i32
      %dma_wait3A_26 = tpu.memref_slice %arg2[%mul3A_2, %dma_wait3A_25] : memref<10240x64xf32, #tpu.memory_space<hbm>> -> memref<640x64xf32, #tpu.memory_space<hbm>>
      tpu.wait_dma2 semaphore(%run_scoped3A : memref<!tpu.dma_semaphore, #tpu.memory_space<semaphore_mem>>) src(%dma_wait3A_26 : memref<640x64xf32, #tpu.memory_space<hbm>>) dst(%dma_wait3A_24 : memref<640x64xf32, #tpu.memory_space<vmem_shared>>)
      tpu.yield
    }) : () -> ()
    %eq3A = arith.constant 0 : i32
    %eq3A_5 = arith.cmpi eq, %arg0, %eq3A : i32
    %convert_element_type3A = arith.extui %eq3A_5 : i1 to i32
    %cond3A = arith.constant 0 : i32
    %cond3A_6 = arith.cmpi ne, %convert_element_type3A, %cond3A : i32
    scf.if %cond3A_6 {
      %mul3A_21 = arith.constant 640 : i32
      %mul3A_22 = arith.muli %arg1, %mul3A_21 : i32
      %mul3A_23 = arith.constant 640 : i32
      %mul3A_24 = arith.muli %arg1, %mul3A_23 : i32
      "tpu.region"() ({
        %run_scoped3A = tpu.sem_alloc : memref<!tpu.dma_semaphore, #tpu.memory_space<semaphore_mem>>
        %dma_start3A = arith.constant 0 : i32
        %dma_start3A_25 = tpu.memref_slice %arg11[%mul3A_24, %dma_start3A] : memref<10240x64xf32, #tpu.memory_space<vmem_shared>> -> memref<640x64xf32, #tpu.memory_space<vmem_shared>>
        %dma_start3A_26 = arith.constant 0 : i32
        %dma_start3A_27 = tpu.memref_slice %arg2[%mul3A_22, %dma_start3A_26] : memref<10240x64xf32, #tpu.memory_space<hbm>> -> memref<640x64xf32, #tpu.memory_space<hbm>>
        tpu.enqueue_dma source(%dma_start3A_27 : memref<640x64xf32, #tpu.memory_space<hbm>>) target(%dma_start3A_25 : memref<640x64xf32, #tpu.memory_space<vmem_shared>>) target_semaphore(%run_scoped3A : memref<!tpu.dma_semaphore, #tpu.memory_space<semaphore_mem>>)
        %dma_wait3A = arith.constant 0 : i32
        %dma_wait3A_28 = tpu.memref_slice %arg11[%mul3A_24, %dma_wait3A] : memref<10240x64xf32, #tpu.memory_space<vmem_shared>> -> memref<640x64xf32, #tpu.memory_space<vmem_shared>>
        %dma_wait3A_29 = arith.constant 0 : i32
        %dma_wait3A_30 = tpu.memref_slice %arg2[%mul3A_22, %dma_wait3A_29] : memref<10240x64xf32, #tpu.memory_space<hbm>> -> memref<640x64xf32, #tpu.memory_space<hbm>>
        tpu.wait_dma2 semaphore(%run_scoped3A : memref<!tpu.dma_semaphore, #tpu.memory_space<semaphore_mem>>) src(%dma_wait3A_30 : memref<640x64xf32, #tpu.memory_space<hbm>>) dst(%dma_wait3A_28 : memref<640x64xf32, #tpu.memory_space<vmem_shared>>)
        tpu.yield
      }) : () -> ()
    } else {
    }
    %ne3A = arith.constant 0 : i32
    %ne3A_7 = arith.cmpi ne, %arg0, %ne3A : i32
    %convert_element_type3A_8 = arith.extui %ne3A_7 : i1 to i32
    %cond3A_9 = arith.constant 0 : i32
    %cond3A_10 = arith.cmpi ne, %convert_element_type3A_8, %cond3A_9 : i32
    scf.if %cond3A_10 {
      %mul3A_21 = arith.constant 640 : i32
      %mul3A_22 = arith.muli %arg1, %mul3A_21 : i32
      "tpu.region"() ({
        %run_scoped3A = tpu.sem_alloc : memref<!tpu.dma_semaphore, #tpu.memory_space<semaphore_mem>>
        %dma_start3A = arith.constant 0 : i32
        %dma_start3A_23 = tpu.memref_slice %arg11[%mul3A_22, %dma_start3A] : memref<10240x64xf32, #tpu.memory_space<vmem_shared>> -> memref<640x64xf32, #tpu.memory_space<vmem_shared>>
        tpu.enqueue_dma source(%arg5 : memref<640x64xf32, #tpu.memory_space<hbm>>) target(%dma_start3A_23 : memref<640x64xf32, #tpu.memory_space<vmem_shared>>) target_semaphore(%run_scoped3A : memref<!tpu.dma_semaphore, #tpu.memory_space<semaphore_mem>>)
        %dma_wait3A = arith.constant 0 : i32
        %dma_wait3A_24 = tpu.memref_slice %arg11[%mul3A_22, %dma_wait3A] : memref<10240x64xf32, #tpu.memory_space<vmem_shared>> -> memref<640x64xf32, #tpu.memory_space<vmem_shared>>
        tpu.wait_dma2 semaphore(%run_scoped3A : memref<!tpu.dma_semaphore, #tpu.memory_space<semaphore_mem>>) src(%arg5 : memref<640x64xf32, #tpu.memory_space<hbm>>) dst(%dma_wait3A_24 : memref<640x64xf32, #tpu.memory_space<vmem_shared>>)
        tpu.yield
      }) : () -> ()
    } else {
    }
    %barrier3A = arith.constant 0 : index
    tpu.barrier barrier_id(%barrier3A)
    %scan3A = arith.constant 0 : i32
    %scan3A_11 = arith.constant 0 : i32
    %scan3A_12 = arith.constant 79 : i32
    %scan3A_13 = arith.addi %scan3A_11, %scan3A_12 : i32
    %scan3A_14 = arith.constant 1 : i32
    scf.for %scan3A_21 = %scan3A_11 to %scan3A_13 step %scan3A_14  : i32 {
      %dma_start3A = arith.constant 0 : i32
      %dma_start3A_22 = tpu.memref_slice %arg7[%scan3A_21, %dma_start3A] : memref<79x128xi32, #tpu.memory_space<vmem>> -> memref<1x128xi32, #tpu.memory_space<vmem>>
      %dma_start3A_23 = tpu.memref_squeeze %dma_start3A_22 : memref<1x128xi32, #tpu.memory_space<vmem>> -> memref<128xi32, #tpu.memory_space<vmem>>
      %dma_start3A_24 = arith.constant 0 : i32
      %dma_start3A_25 = arith.constant 0 : i32
      %dma_start3A_26 = tpu.memref_slice %arg10[%dma_start3A_24, %dma_start3A_25] : memref<10240x64xf32, #tpu.memory_space<vmem_shared>> -> memref<10240x64xf32, #tpu.memory_space<vmem_shared>>
      tpu.enqueue_indirect_dma source(%dma_start3A_26 : memref<10240x64xf32, #tpu.memory_space<vmem_shared>>) target(%arg9 : memref<128x64xf32, #tpu.memory_space<vmem>>) offsets(%dma_start3A_23 : memref<128xi32, #tpu.memory_space<vmem>>) semaphore(%arg12 : memref<!tpu.dma_semaphore, #tpu.memory_space<semaphore_mem>>)
      %dma_wait3A = arith.constant 0 : i32
      %dma_wait3A_27 = tpu.memref_slice %arg7[%scan3A_21, %dma_wait3A] : memref<79x128xi32, #tpu.memory_space<vmem>> -> memref<1x128xi32, #tpu.memory_space<vmem>>
      %dma_wait3A_28 = tpu.memref_squeeze %dma_wait3A_27 : memref<1x128xi32, #tpu.memory_space<vmem>> -> memref<128xi32, #tpu.memory_space<vmem>>
      %dma_wait3A_29 = arith.constant 0 : i32
      %dma_wait3A_30 = arith.constant 0 : i32
      %dma_wait3A_31 = tpu.memref_slice %arg10[%dma_wait3A_29, %dma_wait3A_30] : memref<10240x64xf32, #tpu.memory_space<vmem_shared>> -> memref<10240x64xf32, #tpu.memory_space<vmem_shared>>
      tpu.wait_indirect_dma semaphore(%arg12 : memref<!tpu.dma_semaphore, #tpu.memory_space<semaphore_mem>>) src(%dma_wait3A_31 : memref<10240x64xf32, #tpu.memory_space<vmem_shared>>) dst(%arg9 : memref<128x64xf32, #tpu.memory_space<vmem>>)
      "tpu.region"() ({
        %run_scoped3A = tpu.sem_alloc : memref<!tpu.dma_semaphore, #tpu.memory_space<semaphore_mem>>
        %dma_start3A_32 = arith.constant 0 : i32
        %dma_start3A_33 = tpu.memref_slice %arg8[%scan3A_21, %dma_start3A_32] : memref<79x128xi32, #tpu.memory_space<vmem>> -> memref<1x128xi32, #tpu.memory_space<vmem>>
        %dma_start3A_34 = tpu.memref_squeeze %dma_start3A_33 : memref<1x128xi32, #tpu.memory_space<vmem>> -> memref<128xi32, #tpu.memory_space<vmem>>
        %dma_start3A_35 = arith.constant 0 : i32
        %dma_start3A_36 = arith.constant 0 : i32
        %dma_start3A_37 = tpu.memref_slice %arg11[%dma_start3A_35, %dma_start3A_36] : memref<10240x64xf32, #tpu.memory_space<vmem_shared>> -> memref<10240x64xf32, #tpu.memory_space<vmem_shared>>
        tpu.enqueue_indirect_dma source(%arg9 : memref<128x64xf32, #tpu.memory_space<vmem>>) target(%dma_start3A_37 : memref<10240x64xf32, #tpu.memory_space<vmem_shared>>) offsets(%dma_start3A_34 : memref<128xi32, #tpu.memory_space<vmem>>) semaphore(%run_scoped3A : memref<!tpu.dma_semaphore, #tpu.memory_space<semaphore_mem>>) {add = true}
        %dma_wait3A_38 = arith.constant 0 : i32
        %dma_wait3A_39 = tpu.memref_slice %arg8[%scan3A_21, %dma_wait3A_38] : memref<79x128xi32, #tpu.memory_space<vmem>> -> memref<1x128xi32, #tpu.memory_space<vmem>>
        %dma_wait3A_40 = tpu.memref_squeeze %dma_wait3A_39 : memref<1x128xi32, #tpu.memory_space<vmem>> -> memref<128xi32, #tpu.memory_space<vmem>>
        %dma_wait3A_41 = arith.constant 0 : i32
        %dma_wait3A_42 = arith.constant 0 : i32
        %dma_wait3A_43 = tpu.memref_slice %arg11[%dma_wait3A_41, %dma_wait3A_42] : memref<10240x64xf32, #tpu.memory_space<vmem_shared>> -> memref<10240x64xf32, #tpu.memory_space<vmem_shared>>
        tpu.wait_indirect_dma semaphore(%run_scoped3A : memref<!tpu.dma_semaphore, #tpu.memory_space<semaphore_mem>>) src(%arg9 : memref<128x64xf32, #tpu.memory_space<vmem>>) dst(%dma_wait3A_43 : memref<10240x64xf32, #tpu.memory_space<vmem_shared>>)
        tpu.yield
      }) : () -> ()
    }
    %scan3A_15 = arith.constant 79 : i32
    %barrier3A_16 = arith.constant 0 : index
    tpu.barrier barrier_id(%barrier3A_16)
    %mul3A_17 = arith.constant 640 : i32
    %mul3A_18 = arith.muli %arg1, %mul3A_17 : i32
    %mul3A_19 = arith.constant 640 : i32
    %mul3A_20 = arith.muli %arg1, %mul3A_19 : i32
    "tpu.region"() ({
      %run_scoped3A = tpu.sem_alloc : memref<!tpu.dma_semaphore, #tpu.memory_space<semaphore_mem>>
      %dma_start3A = arith.constant 0 : i32
      %dma_start3A_21 = tpu.memref_slice %arg6[%arg0, %mul3A_20, %dma_start3A] : memref<2x10240x64xf32, #tpu.memory_space<hbm>> -> memref<1x640x64xf32, #tpu.memory_space<hbm>>
      %dma_start3A_22 = tpu.memref_squeeze %dma_start3A_21 : memref<1x640x64xf32, #tpu.memory_space<hbm>> -> memref<640x64xf32, #tpu.memory_space<hbm>>
      %dma_start3A_23 = arith.constant 0 : i32
      %dma_start3A_24 = tpu.memref_slice %arg11[%mul3A_18, %dma_start3A_23] : memref<10240x64xf32, #tpu.memory_space<vmem_shared>> -> memref<640x64xf32, #tpu.memory_space<vmem_shared>>
      tpu.enqueue_dma source(%dma_start3A_24 : memref<640x64xf32, #tpu.memory_space<vmem_shared>>) target(%dma_start3A_22 : memref<640x64xf32, #tpu.memory_space<hbm>>) target_semaphore(%run_scoped3A : memref<!tpu.dma_semaphore, #tpu.memory_space<semaphore_mem>>)
      %dma_wait3A = arith.constant 0 : i32
      %dma_wait3A_25 = tpu.memref_slice %arg6[%arg0, %mul3A_20, %dma_wait3A] : memref<2x10240x64xf32, #tpu.memory_space<hbm>> -> memref<1x640x64xf32, #tpu.memory_space<hbm>>
      %dma_wait3A_26 = tpu.memref_squeeze %dma_wait3A_25 : memref<1x640x64xf32, #tpu.memory_space<hbm>> -> memref<640x64xf32, #tpu.memory_space<hbm>>
      %dma_wait3A_27 = arith.constant 0 : i32
      %dma_wait3A_28 = tpu.memref_slice %arg11[%mul3A_18, %dma_wait3A_27] : memref<10240x64xf32, #tpu.memory_space<vmem_shared>> -> memref<640x64xf32, #tpu.memory_space<vmem_shared>>
      tpu.wait_dma2 semaphore(%run_scoped3A : memref<!tpu.dma_semaphore, #tpu.memory_space<semaphore_mem>>) src(%dma_wait3A_28 : memref<640x64xf32, #tpu.memory_space<vmem_shared>>) dst(%dma_wait3A_26 : memref<640x64xf32, #tpu.memory_space<hbm>>)
      tpu.yield
    }) : () -> ()
    return
  }
}

#map = affine_map<(d0, d1) -> (0, 0)>
#map1 = affine_map<(d0, d1) -> (0, 0, 0)>
module attributes {stable_mosaic.version = 14 : i64} {
  func.func @_hop_sc(%arg0: i32, %arg1: i32, %arg2: memref<10240x64xf32, #tpu.memory_space<hbm>>, %arg3: memref<32x79x128xi32, #tpu.memory_space<hbm>>, %arg4: memref<32x79x128xi32, #tpu.memory_space<hbm>>, %arg5: memref<640x64xf32, #tpu.memory_space<hbm>>, %arg6: memref<2x10240x64xf32, #tpu.memory_space<hbm>>, %arg7: memref<79x128xi32, #tpu.memory_space<vmem>>, %arg8: memref<79x128xi32, #tpu.memory_space<vmem>>, %arg9: memref<128x64xf32, #tpu.memory_space<vmem>>, %arg10: memref<10240x64xf32, #tpu.memory_space<vmem_shared>>, %arg11: memref<10240x64xf32, #tpu.memory_space<vmem_shared>>, %arg12: memref<!tpu.dma_semaphore, #tpu.memory_space<semaphore_mem>>) attributes {dimension_semantics = [#tpu.dimension_semantics<core_parallel>, #tpu.dimension_semantics<subcore_parallel>], iteration_bounds = array<i64: 2, 16>, scalar_prefetch = 0 : i64, scratch_operands = 6 : i64, tpu.core_type = #tpu.core_type<sc_vector_subcore>, window_params = [{transform_indices = #map}, {transform_indices = #map1}, {transform_indices = #map1}, {transform_indices = #map}, {transform_indices = #map1}]} {
    %mul3A = arith.constant 16 : i32
    %mul3A_0 = arith.muli %arg0, %mul3A : i32
    %add3A = arith.addi %mul3A_0, %arg1 : i32
    "tpu.region"() ({
      %run_scoped3A = tpu.sem_alloc : memref<!tpu.dma_semaphore, #tpu.memory_space<semaphore_mem>>
      %dma_start3A = arith.constant 0 : i32
      %dma_start3A_21 = arith.constant 0 : i32
      %dma_start3A_22 = tpu.memref_slice %arg3[%add3A, %dma_start3A, %dma_start3A_21] : memref<32x79x128xi32, #tpu.memory_space<hbm>> -> memref<1x79x128xi32, #tpu.memory_space<hbm>>
      %dma_start3A_23 = tpu.memref_squeeze %dma_start3A_22 : memref<1x79x128xi32, #tpu.memory_space<hbm>> -> memref<79x128xi32, #tpu.memory_space<hbm>>
      %dma_start3A_24 = arith.constant 0 : i32
      %dma_start3A_25 = arith.constant 0 : i32
      %dma_start3A_26 = tpu.memref_slice %arg3[%add3A, %dma_start3A_24, %dma_start3A_25] : memref<32x79x128xi32, #tpu.memory_space<hbm>> -> memref<1x79x128xi32, #tpu.memory_space<hbm>>
      %dma_start3A_27 = tpu.memref_squeeze %dma_start3A_26 : memref<1x79x128xi32, #tpu.memory_space<hbm>> -> memref<79x128xi32, #tpu.memory_space<hbm>>
      tpu.enqueue_dma source(%dma_start3A_27 : memref<79x128xi32, #tpu.memory_space<hbm>>) target(%arg7 : memref<79x128xi32, #tpu.memory_space<vmem>>) target_semaphore(%run_scoped3A : memref<!tpu.dma_semaphore, #tpu.memory_space<semaphore_mem>>)
      %dma_wait3A = arith.constant 0 : i32
      %dma_wait3A_28 = arith.constant 0 : i32
      %dma_wait3A_29 = tpu.memref_slice %arg3[%add3A, %dma_wait3A, %dma_wait3A_28] : memref<32x79x128xi32, #tpu.memory_space<hbm>> -> memref<1x79x128xi32, #tpu.memory_space<hbm>>
      %dma_wait3A_30 = tpu.memref_squeeze %dma_wait3A_29 : memref<1x79x128xi32, #tpu.memory_space<hbm>> -> memref<79x128xi32, #tpu.memory_space<hbm>>
      %dma_wait3A_31 = arith.constant 0 : i32
      %dma_wait3A_32 = arith.constant 0 : i32
      %dma_wait3A_33 = tpu.memref_slice %arg3[%add3A, %dma_wait3A_31, %dma_wait3A_32] : memref<32x79x128xi32, #tpu.memory_space<hbm>> -> memref<1x79x128xi32, #tpu.memory_space<hbm>>
      %dma_wait3A_34 = tpu.memref_squeeze %dma_wait3A_33 : memref<1x79x128xi32, #tpu.memory_space<hbm>> -> memref<79x128xi32, #tpu.memory_space<hbm>>
      tpu.wait_dma2 semaphore(%run_scoped3A : memref<!tpu.dma_semaphore, #tpu.memory_space<semaphore_mem>>) src(%dma_wait3A_34 : memref<79x128xi32, #tpu.memory_space<hbm>>) dst(%arg7 : memref<79x128xi32, #tpu.memory_space<vmem>>)
      tpu.yield
    }) : () -> ()
    "tpu.region"() ({
      %run_scoped3A = tpu.sem_alloc : memref<!tpu.dma_semaphore, #tpu.memory_space<semaphore_mem>>
      %dma_start3A = arith.constant 0 : i32
      %dma_start3A_21 = arith.constant 0 : i32
      %dma_start3A_22 = tpu.memref_slice %arg4[%add3A, %dma_start3A, %dma_start3A_21] : memref<32x79x128xi32, #tpu.memory_space<hbm>> -> memref<1x79x128xi32, #tpu.memory_space<hbm>>
      %dma_start3A_23 = tpu.memref_squeeze %dma_start3A_22 : memref<1x79x128xi32, #tpu.memory_space<hbm>> -> memref<79x128xi32, #tpu.memory_space<hbm>>
      %dma_start3A_24 = arith.constant 0 : i32
      %dma_start3A_25 = arith.constant 0 : i32
      %dma_start3A_26 = tpu.memref_slice %arg4[%add3A, %dma_start3A_24, %dma_start3A_25] : memref<32x79x128xi32, #tpu.memory_space<hbm>> -> memref<1x79x128xi32, #tpu.memory_space<hbm>>
      %dma_start3A_27 = tpu.memref_squeeze %dma_start3A_26 : memref<1x79x128xi32, #tpu.memory_space<hbm>> -> memref<79x128xi32, #tpu.memory_space<hbm>>
      tpu.enqueue_dma source(%dma_start3A_27 : memref<79x128xi32, #tpu.memory_space<hbm>>) target(%arg8 : memref<79x128xi32, #tpu.memory_space<vmem>>) target_semaphore(%run_scoped3A : memref<!tpu.dma_semaphore, #tpu.memory_space<semaphore_mem>>)
      %dma_wait3A = arith.constant 0 : i32
      %dma_wait3A_28 = arith.constant 0 : i32
      %dma_wait3A_29 = tpu.memref_slice %arg4[%add3A, %dma_wait3A, %dma_wait3A_28] : memref<32x79x128xi32, #tpu.memory_space<hbm>> -> memref<1x79x128xi32, #tpu.memory_space<hbm>>
      %dma_wait3A_30 = tpu.memref_squeeze %dma_wait3A_29 : memref<1x79x128xi32, #tpu.memory_space<hbm>> -> memref<79x128xi32, #tpu.memory_space<hbm>>
      %dma_wait3A_31 = arith.constant 0 : i32
      %dma_wait3A_32 = arith.constant 0 : i32
      %dma_wait3A_33 = tpu.memref_slice %arg4[%add3A, %dma_wait3A_31, %dma_wait3A_32] : memref<32x79x128xi32, #tpu.memory_space<hbm>> -> memref<1x79x128xi32, #tpu.memory_space<hbm>>
      %dma_wait3A_34 = tpu.memref_squeeze %dma_wait3A_33 : memref<1x79x128xi32, #tpu.memory_space<hbm>> -> memref<79x128xi32, #tpu.memory_space<hbm>>
      tpu.wait_dma2 semaphore(%run_scoped3A : memref<!tpu.dma_semaphore, #tpu.memory_space<semaphore_mem>>) src(%dma_wait3A_34 : memref<79x128xi32, #tpu.memory_space<hbm>>) dst(%arg8 : memref<79x128xi32, #tpu.memory_space<vmem>>)
      tpu.yield
    }) : () -> ()
    %mul3A_1 = arith.constant 640 : i32
    %mul3A_2 = arith.muli %arg1, %mul3A_1 : i32
    %mul3A_3 = arith.constant 640 : i32
    %mul3A_4 = arith.muli %arg1, %mul3A_3 : i32
    "tpu.region"() ({
      %run_scoped3A = tpu.sem_alloc : memref<!tpu.dma_semaphore, #tpu.memory_space<semaphore_mem>>
      %dma_start3A = arith.constant 0 : i32
      %dma_start3A_21 = tpu.memref_slice %arg10[%mul3A_4, %dma_start3A] : memref<10240x64xf32, #tpu.memory_space<vmem_shared>> -> memref<640x64xf32, #tpu.memory_space<vmem_shared>>
      %dma_start3A_22 = arith.constant 0 : i32
      %dma_start3A_23 = tpu.memref_slice %arg2[%mul3A_2, %dma_start3A_22] : memref<10240x64xf32, #tpu.memory_space<hbm>> -> memref<640x64xf32, #tpu.memory_space<hbm>>
      tpu.enqueue_dma source(%dma_start3A_23 : memref<640x64xf32, #tpu.memory_space<hbm>>) target(%dma_start3A_21 : memref<640x64xf32, #tpu.memory_space<vmem_shared>>) target_semaphore(%run_scoped3A : memref<!tpu.dma_semaphore, #tpu.memory_space<semaphore_mem>>)
      %dma_wait3A = arith.constant 0 : i32
      %dma_wait3A_24 = tpu.memref_slice %arg10[%mul3A_4, %dma_wait3A] : memref<10240x64xf32, #tpu.memory_space<vmem_shared>> -> memref<640x64xf32, #tpu.memory_space<vmem_shared>>
      %dma_wait3A_25 = arith.constant 0 : i32
      %dma_wait3A_26 = tpu.memref_slice %arg2[%mul3A_2, %dma_wait3A_25] : memref<10240x64xf32, #tpu.memory_space<hbm>> -> memref<640x64xf32, #tpu.memory_space<hbm>>
      tpu.wait_dma2 semaphore(%run_scoped3A : memref<!tpu.dma_semaphore, #tpu.memory_space<semaphore_mem>>) src(%dma_wait3A_26 : memref<640x64xf32, #tpu.memory_space<hbm>>) dst(%dma_wait3A_24 : memref<640x64xf32, #tpu.memory_space<vmem_shared>>)
      tpu.yield
    }) : () -> ()
    %eq3A = arith.constant 0 : i32
    %eq3A_5 = arith.cmpi eq, %arg0, %eq3A : i32
    %convert_element_type3A = arith.extui %eq3A_5 : i1 to i32
    %cond3A = arith.constant 0 : i32
    %cond3A_6 = arith.cmpi ne, %convert_element_type3A, %cond3A : i32
    scf.if %cond3A_6 {
      %mul3A_21 = arith.constant 640 : i32
      %mul3A_22 = arith.muli %arg1, %mul3A_21 : i32
      %mul3A_23 = arith.constant 640 : i32
      %mul3A_24 = arith.muli %arg1, %mul3A_23 : i32
      "tpu.region"() ({
        %run_scoped3A = tpu.sem_alloc : memref<!tpu.dma_semaphore, #tpu.memory_space<semaphore_mem>>
        %dma_start3A = arith.constant 0 : i32
        %dma_start3A_25 = tpu.memref_slice %arg11[%mul3A_24, %dma_start3A] : memref<10240x64xf32, #tpu.memory_space<vmem_shared>> -> memref<640x64xf32, #tpu.memory_space<vmem_shared>>
        %dma_start3A_26 = arith.constant 0 : i32
        %dma_start3A_27 = tpu.memref_slice %arg2[%mul3A_22, %dma_start3A_26] : memref<10240x64xf32, #tpu.memory_space<hbm>> -> memref<640x64xf32, #tpu.memory_space<hbm>>
        tpu.enqueue_dma source(%dma_start3A_27 : memref<640x64xf32, #tpu.memory_space<hbm>>) target(%dma_start3A_25 : memref<640x64xf32, #tpu.memory_space<vmem_shared>>) target_semaphore(%run_scoped3A : memref<!tpu.dma_semaphore, #tpu.memory_space<semaphore_mem>>)
        %dma_wait3A = arith.constant 0 : i32
        %dma_wait3A_28 = tpu.memref_slice %arg11[%mul3A_24, %dma_wait3A] : memref<10240x64xf32, #tpu.memory_space<vmem_shared>> -> memref<640x64xf32, #tpu.memory_space<vmem_shared>>
        %dma_wait3A_29 = arith.constant 0 : i32
        %dma_wait3A_30 = tpu.memref_slice %arg2[%mul3A_22, %dma_wait3A_29] : memref<10240x64xf32, #tpu.memory_space<hbm>> -> memref<640x64xf32, #tpu.memory_space<hbm>>
        tpu.wait_dma2 semaphore(%run_scoped3A : memref<!tpu.dma_semaphore, #tpu.memory_space<semaphore_mem>>) src(%dma_wait3A_30 : memref<640x64xf32, #tpu.memory_space<hbm>>) dst(%dma_wait3A_28 : memref<640x64xf32, #tpu.memory_space<vmem_shared>>)
        tpu.yield
      }) : () -> ()
    } else {
    }
    %ne3A = arith.constant 0 : i32
    %ne3A_7 = arith.cmpi ne, %arg0, %ne3A : i32
    %convert_element_type3A_8 = arith.extui %ne3A_7 : i1 to i32
    %cond3A_9 = arith.constant 0 : i32
    %cond3A_10 = arith.cmpi ne, %convert_element_type3A_8, %cond3A_9 : i32
    scf.if %cond3A_10 {
      %mul3A_21 = arith.constant 640 : i32
      %mul3A_22 = arith.muli %arg1, %mul3A_21 : i32
      "tpu.region"() ({
        %run_scoped3A = tpu.sem_alloc : memref<!tpu.dma_semaphore, #tpu.memory_space<semaphore_mem>>
        %dma_start3A = arith.constant 0 : i32
        %dma_start3A_23 = tpu.memref_slice %arg11[%mul3A_22, %dma_start3A] : memref<10240x64xf32, #tpu.memory_space<vmem_shared>> -> memref<640x64xf32, #tpu.memory_space<vmem_shared>>
        tpu.enqueue_dma source(%arg5 : memref<640x64xf32, #tpu.memory_space<hbm>>) target(%dma_start3A_23 : memref<640x64xf32, #tpu.memory_space<vmem_shared>>) target_semaphore(%run_scoped3A : memref<!tpu.dma_semaphore, #tpu.memory_space<semaphore_mem>>)
        %dma_wait3A = arith.constant 0 : i32
        %dma_wait3A_24 = tpu.memref_slice %arg11[%mul3A_22, %dma_wait3A] : memref<10240x64xf32, #tpu.memory_space<vmem_shared>> -> memref<640x64xf32, #tpu.memory_space<vmem_shared>>
        tpu.wait_dma2 semaphore(%run_scoped3A : memref<!tpu.dma_semaphore, #tpu.memory_space<semaphore_mem>>) src(%arg5 : memref<640x64xf32, #tpu.memory_space<hbm>>) dst(%dma_wait3A_24 : memref<640x64xf32, #tpu.memory_space<vmem_shared>>)
        tpu.yield
      }) : () -> ()
    } else {
    }
    %barrier3A = arith.constant 0 : index
    tpu.barrier barrier_id(%barrier3A)
    %scan3A = arith.constant 0 : i32
    %scan3A_11 = arith.constant 0 : i32
    %scan3A_12 = arith.constant 79 : i32
    %scan3A_13 = arith.addi %scan3A_11, %scan3A_12 : i32
    %scan3A_14 = arith.constant 1 : i32
    scf.for %scan3A_21 = %scan3A_11 to %scan3A_13 step %scan3A_14  : i32 {
      %dma_start3A = arith.constant 0 : i32
      %dma_start3A_22 = tpu.memref_slice %arg7[%scan3A_21, %dma_start3A] : memref<79x128xi32, #tpu.memory_space<vmem>> -> memref<1x128xi32, #tpu.memory_space<vmem>>
      %dma_start3A_23 = tpu.memref_squeeze %dma_start3A_22 : memref<1x128xi32, #tpu.memory_space<vmem>> -> memref<128xi32, #tpu.memory_space<vmem>>
      %dma_start3A_24 = arith.constant 0 : i32
      %dma_start3A_25 = arith.constant 0 : i32
      %dma_start3A_26 = tpu.memref_slice %arg10[%dma_start3A_24, %dma_start3A_25] : memref<10240x64xf32, #tpu.memory_space<vmem_shared>> -> memref<10240x64xf32, #tpu.memory_space<vmem_shared>>
      tpu.enqueue_indirect_dma source(%dma_start3A_26 : memref<10240x64xf32, #tpu.memory_space<vmem_shared>>) target(%arg9 : memref<128x64xf32, #tpu.memory_space<vmem>>) offsets(%dma_start3A_23 : memref<128xi32, #tpu.memory_space<vmem>>) semaphore(%arg12 : memref<!tpu.dma_semaphore, #tpu.memory_space<semaphore_mem>>)
      %dma_wait3A = arith.constant 0 : i32
      %dma_wait3A_27 = tpu.memref_slice %arg7[%scan3A_21, %dma_wait3A] : memref<79x128xi32, #tpu.memory_space<vmem>> -> memref<1x128xi32, #tpu.memory_space<vmem>>
      %dma_wait3A_28 = tpu.memref_squeeze %dma_wait3A_27 : memref<1x128xi32, #tpu.memory_space<vmem>> -> memref<128xi32, #tpu.memory_space<vmem>>
      %dma_wait3A_29 = arith.constant 0 : i32
      %dma_wait3A_30 = arith.constant 0 : i32
      %dma_wait3A_31 = tpu.memref_slice %arg10[%dma_wait3A_29, %dma_wait3A_30] : memref<10240x64xf32, #tpu.memory_space<vmem_shared>> -> memref<10240x64xf32, #tpu.memory_space<vmem_shared>>
      tpu.wait_indirect_dma semaphore(%arg12 : memref<!tpu.dma_semaphore, #tpu.memory_space<semaphore_mem>>) src(%dma_wait3A_31 : memref<10240x64xf32, #tpu.memory_space<vmem_shared>>) dst(%arg9 : memref<128x64xf32, #tpu.memory_space<vmem>>)
      "tpu.region"() ({
        %run_scoped3A = tpu.sem_alloc : memref<!tpu.dma_semaphore, #tpu.memory_space<semaphore_mem>>
        %dma_start3A_32 = arith.constant 0 : i32
        %dma_start3A_33 = tpu.memref_slice %arg8[%scan3A_21, %dma_start3A_32] : memref<79x128xi32, #tpu.memory_space<vmem>> -> memref<1x128xi32, #tpu.memory_space<vmem>>
        %dma_start3A_34 = tpu.memref_squeeze %dma_start3A_33 : memref<1x128xi32, #tpu.memory_space<vmem>> -> memref<128xi32, #tpu.memory_space<vmem>>
        %dma_start3A_35 = arith.constant 0 : i32
        %dma_start3A_36 = arith.constant 0 : i32
        %dma_start3A_37 = tpu.memref_slice %arg11[%dma_start3A_35, %dma_start3A_36] : memref<10240x64xf32, #tpu.memory_space<vmem_shared>> -> memref<10240x64xf32, #tpu.memory_space<vmem_shared>>
        tpu.enqueue_indirect_dma source(%arg9 : memref<128x64xf32, #tpu.memory_space<vmem>>) target(%dma_start3A_37 : memref<10240x64xf32, #tpu.memory_space<vmem_shared>>) offsets(%dma_start3A_34 : memref<128xi32, #tpu.memory_space<vmem>>) semaphore(%run_scoped3A : memref<!tpu.dma_semaphore, #tpu.memory_space<semaphore_mem>>) {add = true}
        %dma_wait3A_38 = arith.constant 0 : i32
        %dma_wait3A_39 = tpu.memref_slice %arg8[%scan3A_21, %dma_wait3A_38] : memref<79x128xi32, #tpu.memory_space<vmem>> -> memref<1x128xi32, #tpu.memory_space<vmem>>
        %dma_wait3A_40 = tpu.memref_squeeze %dma_wait3A_39 : memref<1x128xi32, #tpu.memory_space<vmem>> -> memref<128xi32, #tpu.memory_space<vmem>>
        %dma_wait3A_41 = arith.constant 0 : i32
        %dma_wait3A_42 = arith.constant 0 : i32
        %dma_wait3A_43 = tpu.memref_slice %arg11[%dma_wait3A_41, %dma_wait3A_42] : memref<10240x64xf32, #tpu.memory_space<vmem_shared>> -> memref<10240x64xf32, #tpu.memory_space<vmem_shared>>
        tpu.wait_indirect_dma semaphore(%run_scoped3A : memref<!tpu.dma_semaphore, #tpu.memory_space<semaphore_mem>>) src(%arg9 : memref<128x64xf32, #tpu.memory_space<vmem>>) dst(%dma_wait3A_43 : memref<10240x64xf32, #tpu.memory_space<vmem_shared>>)
        tpu.yield
      }) : () -> ()
    }
    %scan3A_15 = arith.constant 79 : i32
    %barrier3A_16 = arith.constant 0 : index
    tpu.barrier barrier_id(%barrier3A_16)
    %mul3A_17 = arith.constant 640 : i32
    %mul3A_18 = arith.muli %arg1, %mul3A_17 : i32
    %mul3A_19 = arith.constant 640 : i32
    %mul3A_20 = arith.muli %arg1, %mul3A_19 : i32
    "tpu.region"() ({
      %run_scoped3A = tpu.sem_alloc : memref<!tpu.dma_semaphore, #tpu.memory_space<semaphore_mem>>
      %dma_start3A = arith.constant 0 : i32
      %dma_start3A_21 = tpu.memref_slice %arg6[%arg0, %mul3A_20, %dma_start3A] : memref<2x10240x64xf32, #tpu.memory_space<hbm>> -> memref<1x640x64xf32, #tpu.memory_space<hbm>>
      %dma_start3A_22 = tpu.memref_squeeze %dma_start3A_21 : memref<1x640x64xf32, #tpu.memory_space<hbm>> -> memref<640x64xf32, #tpu.memory_space<hbm>>
      %dma_start3A_23 = arith.constant 0 : i32
      %dma_start3A_24 = tpu.memref_slice %arg11[%mul3A_18, %dma_start3A_23] : memref<10240x64xf32, #tpu.memory_space<vmem_shared>> -> memref<640x64xf32, #tpu.memory_space<vmem_shared>>
      tpu.enqueue_dma source(%dma_start3A_24 : memref<640x64xf32, #tpu.memory_space<vmem_shared>>) target(%dma_start3A_22 : memref<640x64xf32, #tpu.memory_space<hbm>>) target_semaphore(%run_scoped3A : memref<!tpu.dma_semaphore, #tpu.memory_space<semaphore_mem>>)
      %dma_wait3A = arith.constant 0 : i32
      %dma_wait3A_25 = tpu.memref_slice %arg6[%arg0, %mul3A_20, %dma_wait3A] : memref<2x10240x64xf32, #tpu.memory_space<hbm>> -> memref<1x640x64xf32, #tpu.memory_space<hbm>>
      %dma_wait3A_26 = tpu.memref_squeeze %dma_wait3A_25 : memref<1x640x64xf32, #tpu.memory_space<hbm>> -> memref<640x64xf32, #tpu.memory_space<hbm>>
      %dma_wait3A_27 = arith.constant 0 : i32
      %dma_wait3A_28 = tpu.memref_slice %arg11[%mul3A_18, %dma_wait3A_27] : memref<10240x64xf32, #tpu.memory_space<vmem_shared>> -> memref<640x64xf32, #tpu.memory_space<vmem_shared>>
      tpu.wait_dma2 semaphore(%run_scoped3A : memref<!tpu.dma_semaphore, #tpu.memory_space<semaphore_mem>>) src(%dma_wait3A_28 : memref<640x64xf32, #tpu.memory_space<vmem_shared>>) dst(%dma_wait3A_26 : memref<640x64xf32, #tpu.memory_space<hbm>>)
      tpu.yield
    }) : () -> ()
    return
  }
}

#map = affine_map<(d0, d1) -> (0, 0)>
#map1 = affine_map<(d0, d1) -> (0, 0, 0)>
module attributes {stable_mosaic.version = 14 : i64} {
  func.func @_hop_sc(%arg0: i32, %arg1: i32, %arg2: memref<10240x64xf32, #tpu.memory_space<hbm>>, %arg3: memref<32x79x128xi32, #tpu.memory_space<hbm>>, %arg4: memref<32x79x128xi32, #tpu.memory_space<hbm>>, %arg5: memref<640x64xf32, #tpu.memory_space<hbm>>, %arg6: memref<2x10240x64xf32, #tpu.memory_space<hbm>>, %arg7: memref<79x128xi32, #tpu.memory_space<vmem>>, %arg8: memref<79x128xi32, #tpu.memory_space<vmem>>, %arg9: memref<128x64xf32, #tpu.memory_space<vmem>>, %arg10: memref<10240x64xf32, #tpu.memory_space<vmem_shared>>, %arg11: memref<10240x64xf32, #tpu.memory_space<vmem_shared>>, %arg12: memref<!tpu.dma_semaphore, #tpu.memory_space<semaphore_mem>>) attributes {dimension_semantics = [#tpu.dimension_semantics<core_parallel>, #tpu.dimension_semantics<subcore_parallel>], iteration_bounds = array<i64: 2, 16>, scalar_prefetch = 0 : i64, scratch_operands = 6 : i64, tpu.core_type = #tpu.core_type<sc_vector_subcore>, window_params = [{transform_indices = #map}, {transform_indices = #map1}, {transform_indices = #map1}, {transform_indices = #map}, {transform_indices = #map1}]} {
    %mul3A = arith.constant 16 : i32
    %mul3A_0 = arith.muli %arg0, %mul3A : i32
    %add3A = arith.addi %mul3A_0, %arg1 : i32
    "tpu.region"() ({
      %run_scoped3A = tpu.sem_alloc : memref<!tpu.dma_semaphore, #tpu.memory_space<semaphore_mem>>
      %dma_start3A = arith.constant 0 : i32
      %dma_start3A_21 = arith.constant 0 : i32
      %dma_start3A_22 = tpu.memref_slice %arg3[%add3A, %dma_start3A, %dma_start3A_21] : memref<32x79x128xi32, #tpu.memory_space<hbm>> -> memref<1x79x128xi32, #tpu.memory_space<hbm>>
      %dma_start3A_23 = tpu.memref_squeeze %dma_start3A_22 : memref<1x79x128xi32, #tpu.memory_space<hbm>> -> memref<79x128xi32, #tpu.memory_space<hbm>>
      %dma_start3A_24 = arith.constant 0 : i32
      %dma_start3A_25 = arith.constant 0 : i32
      %dma_start3A_26 = tpu.memref_slice %arg3[%add3A, %dma_start3A_24, %dma_start3A_25] : memref<32x79x128xi32, #tpu.memory_space<hbm>> -> memref<1x79x128xi32, #tpu.memory_space<hbm>>
      %dma_start3A_27 = tpu.memref_squeeze %dma_start3A_26 : memref<1x79x128xi32, #tpu.memory_space<hbm>> -> memref<79x128xi32, #tpu.memory_space<hbm>>
      tpu.enqueue_dma source(%dma_start3A_27 : memref<79x128xi32, #tpu.memory_space<hbm>>) target(%arg7 : memref<79x128xi32, #tpu.memory_space<vmem>>) target_semaphore(%run_scoped3A : memref<!tpu.dma_semaphore, #tpu.memory_space<semaphore_mem>>)
      %dma_wait3A = arith.constant 0 : i32
      %dma_wait3A_28 = arith.constant 0 : i32
      %dma_wait3A_29 = tpu.memref_slice %arg3[%add3A, %dma_wait3A, %dma_wait3A_28] : memref<32x79x128xi32, #tpu.memory_space<hbm>> -> memref<1x79x128xi32, #tpu.memory_space<hbm>>
      %dma_wait3A_30 = tpu.memref_squeeze %dma_wait3A_29 : memref<1x79x128xi32, #tpu.memory_space<hbm>> -> memref<79x128xi32, #tpu.memory_space<hbm>>
      %dma_wait3A_31 = arith.constant 0 : i32
      %dma_wait3A_32 = arith.constant 0 : i32
      %dma_wait3A_33 = tpu.memref_slice %arg3[%add3A, %dma_wait3A_31, %dma_wait3A_32] : memref<32x79x128xi32, #tpu.memory_space<hbm>> -> memref<1x79x128xi32, #tpu.memory_space<hbm>>
      %dma_wait3A_34 = tpu.memref_squeeze %dma_wait3A_33 : memref<1x79x128xi32, #tpu.memory_space<hbm>> -> memref<79x128xi32, #tpu.memory_space<hbm>>
      tpu.wait_dma2 semaphore(%run_scoped3A : memref<!tpu.dma_semaphore, #tpu.memory_space<semaphore_mem>>) src(%dma_wait3A_34 : memref<79x128xi32, #tpu.memory_space<hbm>>) dst(%arg7 : memref<79x128xi32, #tpu.memory_space<vmem>>)
      tpu.yield
    }) : () -> ()
    "tpu.region"() ({
      %run_scoped3A = tpu.sem_alloc : memref<!tpu.dma_semaphore, #tpu.memory_space<semaphore_mem>>
      %dma_start3A = arith.constant 0 : i32
      %dma_start3A_21 = arith.constant 0 : i32
      %dma_start3A_22 = tpu.memref_slice %arg4[%add3A, %dma_start3A, %dma_start3A_21] : memref<32x79x128xi32, #tpu.memory_space<hbm>> -> memref<1x79x128xi32, #tpu.memory_space<hbm>>
      %dma_start3A_23 = tpu.memref_squeeze %dma_start3A_22 : memref<1x79x128xi32, #tpu.memory_space<hbm>> -> memref<79x128xi32, #tpu.memory_space<hbm>>
      %dma_start3A_24 = arith.constant 0 : i32
      %dma_start3A_25 = arith.constant 0 : i32
      %dma_start3A_26 = tpu.memref_slice %arg4[%add3A, %dma_start3A_24, %dma_start3A_25] : memref<32x79x128xi32, #tpu.memory_space<hbm>> -> memref<1x79x128xi32, #tpu.memory_space<hbm>>
      %dma_start3A_27 = tpu.memref_squeeze %dma_start3A_26 : memref<1x79x128xi32, #tpu.memory_space<hbm>> -> memref<79x128xi32, #tpu.memory_space<hbm>>
      tpu.enqueue_dma source(%dma_start3A_27 : memref<79x128xi32, #tpu.memory_space<hbm>>) target(%arg8 : memref<79x128xi32, #tpu.memory_space<vmem>>) target_semaphore(%run_scoped3A : memref<!tpu.dma_semaphore, #tpu.memory_space<semaphore_mem>>)
      %dma_wait3A = arith.constant 0 : i32
      %dma_wait3A_28 = arith.constant 0 : i32
      %dma_wait3A_29 = tpu.memref_slice %arg4[%add3A, %dma_wait3A, %dma_wait3A_28] : memref<32x79x128xi32, #tpu.memory_space<hbm>> -> memref<1x79x128xi32, #tpu.memory_space<hbm>>
      %dma_wait3A_30 = tpu.memref_squeeze %dma_wait3A_29 : memref<1x79x128xi32, #tpu.memory_space<hbm>> -> memref<79x128xi32, #tpu.memory_space<hbm>>
      %dma_wait3A_31 = arith.constant 0 : i32
      %dma_wait3A_32 = arith.constant 0 : i32
      %dma_wait3A_33 = tpu.memref_slice %arg4[%add3A, %dma_wait3A_31, %dma_wait3A_32] : memref<32x79x128xi32, #tpu.memory_space<hbm>> -> memref<1x79x128xi32, #tpu.memory_space<hbm>>
      %dma_wait3A_34 = tpu.memref_squeeze %dma_wait3A_33 : memref<1x79x128xi32, #tpu.memory_space<hbm>> -> memref<79x128xi32, #tpu.memory_space<hbm>>
      tpu.wait_dma2 semaphore(%run_scoped3A : memref<!tpu.dma_semaphore, #tpu.memory_space<semaphore_mem>>) src(%dma_wait3A_34 : memref<79x128xi32, #tpu.memory_space<hbm>>) dst(%arg8 : memref<79x128xi32, #tpu.memory_space<vmem>>)
      tpu.yield
    }) : () -> ()
    %mul3A_1 = arith.constant 640 : i32
    %mul3A_2 = arith.muli %arg1, %mul3A_1 : i32
    %mul3A_3 = arith.constant 640 : i32
    %mul3A_4 = arith.muli %arg1, %mul3A_3 : i32
    "tpu.region"() ({
      %run_scoped3A = tpu.sem_alloc : memref<!tpu.dma_semaphore, #tpu.memory_space<semaphore_mem>>
      %dma_start3A = arith.constant 0 : i32
      %dma_start3A_21 = tpu.memref_slice %arg10[%mul3A_4, %dma_start3A] : memref<10240x64xf32, #tpu.memory_space<vmem_shared>> -> memref<640x64xf32, #tpu.memory_space<vmem_shared>>
      %dma_start3A_22 = arith.constant 0 : i32
      %dma_start3A_23 = tpu.memref_slice %arg2[%mul3A_2, %dma_start3A_22] : memref<10240x64xf32, #tpu.memory_space<hbm>> -> memref<640x64xf32, #tpu.memory_space<hbm>>
      tpu.enqueue_dma source(%dma_start3A_23 : memref<640x64xf32, #tpu.memory_space<hbm>>) target(%dma_start3A_21 : memref<640x64xf32, #tpu.memory_space<vmem_shared>>) target_semaphore(%run_scoped3A : memref<!tpu.dma_semaphore, #tpu.memory_space<semaphore_mem>>)
      %dma_wait3A = arith.constant 0 : i32
      %dma_wait3A_24 = tpu.memref_slice %arg10[%mul3A_4, %dma_wait3A] : memref<10240x64xf32, #tpu.memory_space<vmem_shared>> -> memref<640x64xf32, #tpu.memory_space<vmem_shared>>
      %dma_wait3A_25 = arith.constant 0 : i32
      %dma_wait3A_26 = tpu.memref_slice %arg2[%mul3A_2, %dma_wait3A_25] : memref<10240x64xf32, #tpu.memory_space<hbm>> -> memref<640x64xf32, #tpu.memory_space<hbm>>
      tpu.wait_dma2 semaphore(%run_scoped3A : memref<!tpu.dma_semaphore, #tpu.memory_space<semaphore_mem>>) src(%dma_wait3A_26 : memref<640x64xf32, #tpu.memory_space<hbm>>) dst(%dma_wait3A_24 : memref<640x64xf32, #tpu.memory_space<vmem_shared>>)
      tpu.yield
    }) : () -> ()
    %eq3A = arith.constant 0 : i32
    %eq3A_5 = arith.cmpi eq, %arg0, %eq3A : i32
    %convert_element_type3A = arith.extui %eq3A_5 : i1 to i32
    %cond3A = arith.constant 0 : i32
    %cond3A_6 = arith.cmpi ne, %convert_element_type3A, %cond3A : i32
    scf.if %cond3A_6 {
      %mul3A_21 = arith.constant 640 : i32
      %mul3A_22 = arith.muli %arg1, %mul3A_21 : i32
      %mul3A_23 = arith.constant 640 : i32
      %mul3A_24 = arith.muli %arg1, %mul3A_23 : i32
      "tpu.region"() ({
        %run_scoped3A = tpu.sem_alloc : memref<!tpu.dma_semaphore, #tpu.memory_space<semaphore_mem>>
        %dma_start3A = arith.constant 0 : i32
        %dma_start3A_25 = tpu.memref_slice %arg11[%mul3A_24, %dma_start3A] : memref<10240x64xf32, #tpu.memory_space<vmem_shared>> -> memref<640x64xf32, #tpu.memory_space<vmem_shared>>
        %dma_start3A_26 = arith.constant 0 : i32
        %dma_start3A_27 = tpu.memref_slice %arg2[%mul3A_22, %dma_start3A_26] : memref<10240x64xf32, #tpu.memory_space<hbm>> -> memref<640x64xf32, #tpu.memory_space<hbm>>
        tpu.enqueue_dma source(%dma_start3A_27 : memref<640x64xf32, #tpu.memory_space<hbm>>) target(%dma_start3A_25 : memref<640x64xf32, #tpu.memory_space<vmem_shared>>) target_semaphore(%run_scoped3A : memref<!tpu.dma_semaphore, #tpu.memory_space<semaphore_mem>>)
        %dma_wait3A = arith.constant 0 : i32
        %dma_wait3A_28 = tpu.memref_slice %arg11[%mul3A_24, %dma_wait3A] : memref<10240x64xf32, #tpu.memory_space<vmem_shared>> -> memref<640x64xf32, #tpu.memory_space<vmem_shared>>
        %dma_wait3A_29 = arith.constant 0 : i32
        %dma_wait3A_30 = tpu.memref_slice %arg2[%mul3A_22, %dma_wait3A_29] : memref<10240x64xf32, #tpu.memory_space<hbm>> -> memref<640x64xf32, #tpu.memory_space<hbm>>
        tpu.wait_dma2 semaphore(%run_scoped3A : memref<!tpu.dma_semaphore, #tpu.memory_space<semaphore_mem>>) src(%dma_wait3A_30 : memref<640x64xf32, #tpu.memory_space<hbm>>) dst(%dma_wait3A_28 : memref<640x64xf32, #tpu.memory_space<vmem_shared>>)
        tpu.yield
      }) : () -> ()
    } else {
    }
    %ne3A = arith.constant 0 : i32
    %ne3A_7 = arith.cmpi ne, %arg0, %ne3A : i32
    %convert_element_type3A_8 = arith.extui %ne3A_7 : i1 to i32
    %cond3A_9 = arith.constant 0 : i32
    %cond3A_10 = arith.cmpi ne, %convert_element_type3A_8, %cond3A_9 : i32
    scf.if %cond3A_10 {
      %mul3A_21 = arith.constant 640 : i32
      %mul3A_22 = arith.muli %arg1, %mul3A_21 : i32
      "tpu.region"() ({
        %run_scoped3A = tpu.sem_alloc : memref<!tpu.dma_semaphore, #tpu.memory_space<semaphore_mem>>
        %dma_start3A = arith.constant 0 : i32
        %dma_start3A_23 = tpu.memref_slice %arg11[%mul3A_22, %dma_start3A] : memref<10240x64xf32, #tpu.memory_space<vmem_shared>> -> memref<640x64xf32, #tpu.memory_space<vmem_shared>>
        tpu.enqueue_dma source(%arg5 : memref<640x64xf32, #tpu.memory_space<hbm>>) target(%dma_start3A_23 : memref<640x64xf32, #tpu.memory_space<vmem_shared>>) target_semaphore(%run_scoped3A : memref<!tpu.dma_semaphore, #tpu.memory_space<semaphore_mem>>)
        %dma_wait3A = arith.constant 0 : i32
        %dma_wait3A_24 = tpu.memref_slice %arg11[%mul3A_22, %dma_wait3A] : memref<10240x64xf32, #tpu.memory_space<vmem_shared>> -> memref<640x64xf32, #tpu.memory_space<vmem_shared>>
        tpu.wait_dma2 semaphore(%run_scoped3A : memref<!tpu.dma_semaphore, #tpu.memory_space<semaphore_mem>>) src(%arg5 : memref<640x64xf32, #tpu.memory_space<hbm>>) dst(%dma_wait3A_24 : memref<640x64xf32, #tpu.memory_space<vmem_shared>>)
        tpu.yield
      }) : () -> ()
    } else {
    }
    %barrier3A = arith.constant 0 : index
    tpu.barrier barrier_id(%barrier3A)
    %scan3A = arith.constant 0 : i32
    %scan3A_11 = arith.constant 0 : i32
    %scan3A_12 = arith.constant 79 : i32
    %scan3A_13 = arith.addi %scan3A_11, %scan3A_12 : i32
    %scan3A_14 = arith.constant 1 : i32
    scf.for %scan3A_21 = %scan3A_11 to %scan3A_13 step %scan3A_14  : i32 {
      %dma_start3A = arith.constant 0 : i32
      %dma_start3A_22 = tpu.memref_slice %arg7[%scan3A_21, %dma_start3A] : memref<79x128xi32, #tpu.memory_space<vmem>> -> memref<1x128xi32, #tpu.memory_space<vmem>>
      %dma_start3A_23 = tpu.memref_squeeze %dma_start3A_22 : memref<1x128xi32, #tpu.memory_space<vmem>> -> memref<128xi32, #tpu.memory_space<vmem>>
      %dma_start3A_24 = arith.constant 0 : i32
      %dma_start3A_25 = arith.constant 0 : i32
      %dma_start3A_26 = tpu.memref_slice %arg10[%dma_start3A_24, %dma_start3A_25] : memref<10240x64xf32, #tpu.memory_space<vmem_shared>> -> memref<10240x64xf32, #tpu.memory_space<vmem_shared>>
      tpu.enqueue_indirect_dma source(%dma_start3A_26 : memref<10240x64xf32, #tpu.memory_space<vmem_shared>>) target(%arg9 : memref<128x64xf32, #tpu.memory_space<vmem>>) offsets(%dma_start3A_23 : memref<128xi32, #tpu.memory_space<vmem>>) semaphore(%arg12 : memref<!tpu.dma_semaphore, #tpu.memory_space<semaphore_mem>>)
      %dma_wait3A = arith.constant 0 : i32
      %dma_wait3A_27 = tpu.memref_slice %arg7[%scan3A_21, %dma_wait3A] : memref<79x128xi32, #tpu.memory_space<vmem>> -> memref<1x128xi32, #tpu.memory_space<vmem>>
      %dma_wait3A_28 = tpu.memref_squeeze %dma_wait3A_27 : memref<1x128xi32, #tpu.memory_space<vmem>> -> memref<128xi32, #tpu.memory_space<vmem>>
      %dma_wait3A_29 = arith.constant 0 : i32
      %dma_wait3A_30 = arith.constant 0 : i32
      %dma_wait3A_31 = tpu.memref_slice %arg10[%dma_wait3A_29, %dma_wait3A_30] : memref<10240x64xf32, #tpu.memory_space<vmem_shared>> -> memref<10240x64xf32, #tpu.memory_space<vmem_shared>>
      tpu.wait_indirect_dma semaphore(%arg12 : memref<!tpu.dma_semaphore, #tpu.memory_space<semaphore_mem>>) src(%dma_wait3A_31 : memref<10240x64xf32, #tpu.memory_space<vmem_shared>>) dst(%arg9 : memref<128x64xf32, #tpu.memory_space<vmem>>)
      "tpu.region"() ({
        %run_scoped3A = tpu.sem_alloc : memref<!tpu.dma_semaphore, #tpu.memory_space<semaphore_mem>>
        %dma_start3A_32 = arith.constant 0 : i32
        %dma_start3A_33 = tpu.memref_slice %arg8[%scan3A_21, %dma_start3A_32] : memref<79x128xi32, #tpu.memory_space<vmem>> -> memref<1x128xi32, #tpu.memory_space<vmem>>
        %dma_start3A_34 = tpu.memref_squeeze %dma_start3A_33 : memref<1x128xi32, #tpu.memory_space<vmem>> -> memref<128xi32, #tpu.memory_space<vmem>>
        %dma_start3A_35 = arith.constant 0 : i32
        %dma_start3A_36 = arith.constant 0 : i32
        %dma_start3A_37 = tpu.memref_slice %arg11[%dma_start3A_35, %dma_start3A_36] : memref<10240x64xf32, #tpu.memory_space<vmem_shared>> -> memref<10240x64xf32, #tpu.memory_space<vmem_shared>>
        tpu.enqueue_indirect_dma source(%arg9 : memref<128x64xf32, #tpu.memory_space<vmem>>) target(%dma_start3A_37 : memref<10240x64xf32, #tpu.memory_space<vmem_shared>>) offsets(%dma_start3A_34 : memref<128xi32, #tpu.memory_space<vmem>>) semaphore(%run_scoped3A : memref<!tpu.dma_semaphore, #tpu.memory_space<semaphore_mem>>) {add = true}
        %dma_wait3A_38 = arith.constant 0 : i32
        %dma_wait3A_39 = tpu.memref_slice %arg8[%scan3A_21, %dma_wait3A_38] : memref<79x128xi32, #tpu.memory_space<vmem>> -> memref<1x128xi32, #tpu.memory_space<vmem>>
        %dma_wait3A_40 = tpu.memref_squeeze %dma_wait3A_39 : memref<1x128xi32, #tpu.memory_space<vmem>> -> memref<128xi32, #tpu.memory_space<vmem>>
        %dma_wait3A_41 = arith.constant 0 : i32
        %dma_wait3A_42 = arith.constant 0 : i32
        %dma_wait3A_43 = tpu.memref_slice %arg11[%dma_wait3A_41, %dma_wait3A_42] : memref<10240x64xf32, #tpu.memory_space<vmem_shared>> -> memref<10240x64xf32, #tpu.memory_space<vmem_shared>>
        tpu.wait_indirect_dma semaphore(%run_scoped3A : memref<!tpu.dma_semaphore, #tpu.memory_space<semaphore_mem>>) src(%arg9 : memref<128x64xf32, #tpu.memory_space<vmem>>) dst(%dma_wait3A_43 : memref<10240x64xf32, #tpu.memory_space<vmem_shared>>)
        tpu.yield
      }) : () -> ()
    }
    %scan3A_15 = arith.constant 79 : i32
    %barrier3A_16 = arith.constant 0 : index
    tpu.barrier barrier_id(%barrier3A_16)
    %mul3A_17 = arith.constant 640 : i32
    %mul3A_18 = arith.muli %arg1, %mul3A_17 : i32
    %mul3A_19 = arith.constant 640 : i32
    %mul3A_20 = arith.muli %arg1, %mul3A_19 : i32
    "tpu.region"() ({
      %run_scoped3A = tpu.sem_alloc : memref<!tpu.dma_semaphore, #tpu.memory_space<semaphore_mem>>
      %dma_start3A = arith.constant 0 : i32
      %dma_start3A_21 = tpu.memref_slice %arg6[%arg0, %mul3A_20, %dma_start3A] : memref<2x10240x64xf32, #tpu.memory_space<hbm>> -> memref<1x640x64xf32, #tpu.memory_space<hbm>>
      %dma_start3A_22 = tpu.memref_squeeze %dma_start3A_21 : memref<1x640x64xf32, #tpu.memory_space<hbm>> -> memref<640x64xf32, #tpu.memory_space<hbm>>
      %dma_start3A_23 = arith.constant 0 : i32
      %dma_start3A_24 = tpu.memref_slice %arg11[%mul3A_18, %dma_start3A_23] : memref<10240x64xf32, #tpu.memory_space<vmem_shared>> -> memref<640x64xf32, #tpu.memory_space<vmem_shared>>
      tpu.enqueue_dma source(%dma_start3A_24 : memref<640x64xf32, #tpu.memory_space<vmem_shared>>) target(%dma_start3A_22 : memref<640x64xf32, #tpu.memory_space<hbm>>) target_semaphore(%run_scoped3A : memref<!tpu.dma_semaphore, #tpu.memory_space<semaphore_mem>>)
      %dma_wait3A = arith.constant 0 : i32
      %dma_wait3A_25 = tpu.memref_slice %arg6[%arg0, %mul3A_20, %dma_wait3A] : memref<2x10240x64xf32, #tpu.memory_space<hbm>> -> memref<1x640x64xf32, #tpu.memory_space<hbm>>
      %dma_wait3A_26 = tpu.memref_squeeze %dma_wait3A_25 : memref<1x640x64xf32, #tpu.memory_space<hbm>> -> memref<640x64xf32, #tpu.memory_space<hbm>>
      %dma_wait3A_27 = arith.constant 0 : i32
      %dma_wait3A_28 = tpu.memref_slice %arg11[%mul3A_18, %dma_wait3A_27] : memref<10240x64xf32, #tpu.memory_space<vmem_shared>> -> memref<640x64xf32, #tpu.memory_space<vmem_shared>>
      tpu.wait_dma2 semaphore(%run_scoped3A : memref<!tpu.dma_semaphore, #tpu.memory_space<semaphore_mem>>) src(%dma_wait3A_28 : memref<640x64xf32, #tpu.memory_space<vmem_shared>>) dst(%dma_wait3A_26 : memref<640x64xf32, #tpu.memory_space<hbm>>)
      tpu.yield
    }) : () -> ()
    return
  }
}

#map = affine_map<(d0, d1) -> (0, 0)>
#map1 = affine_map<(d0, d1) -> (0, 0, 0)>
module attributes {stable_mosaic.version = 14 : i64} {
  func.func @_hop_sc(%arg0: i32, %arg1: i32, %arg2: memref<10240x64xf32, #tpu.memory_space<hbm>>, %arg3: memref<32x79x128xi32, #tpu.memory_space<hbm>>, %arg4: memref<32x79x128xi32, #tpu.memory_space<hbm>>, %arg5: memref<640x64xf32, #tpu.memory_space<hbm>>, %arg6: memref<2x10240x64xf32, #tpu.memory_space<hbm>>, %arg7: memref<79x128xi32, #tpu.memory_space<vmem>>, %arg8: memref<79x128xi32, #tpu.memory_space<vmem>>, %arg9: memref<128x64xf32, #tpu.memory_space<vmem>>, %arg10: memref<10240x64xf32, #tpu.memory_space<vmem_shared>>, %arg11: memref<10240x64xf32, #tpu.memory_space<vmem_shared>>, %arg12: memref<!tpu.dma_semaphore, #tpu.memory_space<semaphore_mem>>) attributes {dimension_semantics = [#tpu.dimension_semantics<core_parallel>, #tpu.dimension_semantics<subcore_parallel>], iteration_bounds = array<i64: 2, 16>, scalar_prefetch = 0 : i64, scratch_operands = 6 : i64, tpu.core_type = #tpu.core_type<sc_vector_subcore>, window_params = [{transform_indices = #map}, {transform_indices = #map1}, {transform_indices = #map1}, {transform_indices = #map}, {transform_indices = #map1}]} {
    %mul3A = arith.constant 16 : i32
    %mul3A_0 = arith.muli %arg0, %mul3A : i32
    %add3A = arith.addi %mul3A_0, %arg1 : i32
    "tpu.region"() ({
      %run_scoped3A = tpu.sem_alloc : memref<!tpu.dma_semaphore, #tpu.memory_space<semaphore_mem>>
      %dma_start3A = arith.constant 0 : i32
      %dma_start3A_21 = arith.constant 0 : i32
      %dma_start3A_22 = tpu.memref_slice %arg3[%add3A, %dma_start3A, %dma_start3A_21] : memref<32x79x128xi32, #tpu.memory_space<hbm>> -> memref<1x79x128xi32, #tpu.memory_space<hbm>>
      %dma_start3A_23 = tpu.memref_squeeze %dma_start3A_22 : memref<1x79x128xi32, #tpu.memory_space<hbm>> -> memref<79x128xi32, #tpu.memory_space<hbm>>
      %dma_start3A_24 = arith.constant 0 : i32
      %dma_start3A_25 = arith.constant 0 : i32
      %dma_start3A_26 = tpu.memref_slice %arg3[%add3A, %dma_start3A_24, %dma_start3A_25] : memref<32x79x128xi32, #tpu.memory_space<hbm>> -> memref<1x79x128xi32, #tpu.memory_space<hbm>>
      %dma_start3A_27 = tpu.memref_squeeze %dma_start3A_26 : memref<1x79x128xi32, #tpu.memory_space<hbm>> -> memref<79x128xi32, #tpu.memory_space<hbm>>
      tpu.enqueue_dma source(%dma_start3A_27 : memref<79x128xi32, #tpu.memory_space<hbm>>) target(%arg7 : memref<79x128xi32, #tpu.memory_space<vmem>>) target_semaphore(%run_scoped3A : memref<!tpu.dma_semaphore, #tpu.memory_space<semaphore_mem>>)
      %dma_wait3A = arith.constant 0 : i32
      %dma_wait3A_28 = arith.constant 0 : i32
      %dma_wait3A_29 = tpu.memref_slice %arg3[%add3A, %dma_wait3A, %dma_wait3A_28] : memref<32x79x128xi32, #tpu.memory_space<hbm>> -> memref<1x79x128xi32, #tpu.memory_space<hbm>>
      %dma_wait3A_30 = tpu.memref_squeeze %dma_wait3A_29 : memref<1x79x128xi32, #tpu.memory_space<hbm>> -> memref<79x128xi32, #tpu.memory_space<hbm>>
      %dma_wait3A_31 = arith.constant 0 : i32
      %dma_wait3A_32 = arith.constant 0 : i32
      %dma_wait3A_33 = tpu.memref_slice %arg3[%add3A, %dma_wait3A_31, %dma_wait3A_32] : memref<32x79x128xi32, #tpu.memory_space<hbm>> -> memref<1x79x128xi32, #tpu.memory_space<hbm>>
      %dma_wait3A_34 = tpu.memref_squeeze %dma_wait3A_33 : memref<1x79x128xi32, #tpu.memory_space<hbm>> -> memref<79x128xi32, #tpu.memory_space<hbm>>
      tpu.wait_dma2 semaphore(%run_scoped3A : memref<!tpu.dma_semaphore, #tpu.memory_space<semaphore_mem>>) src(%dma_wait3A_34 : memref<79x128xi32, #tpu.memory_space<hbm>>) dst(%arg7 : memref<79x128xi32, #tpu.memory_space<vmem>>)
      tpu.yield
    }) : () -> ()
    "tpu.region"() ({
      %run_scoped3A = tpu.sem_alloc : memref<!tpu.dma_semaphore, #tpu.memory_space<semaphore_mem>>
      %dma_start3A = arith.constant 0 : i32
      %dma_start3A_21 = arith.constant 0 : i32
      %dma_start3A_22 = tpu.memref_slice %arg4[%add3A, %dma_start3A, %dma_start3A_21] : memref<32x79x128xi32, #tpu.memory_space<hbm>> -> memref<1x79x128xi32, #tpu.memory_space<hbm>>
      %dma_start3A_23 = tpu.memref_squeeze %dma_start3A_22 : memref<1x79x128xi32, #tpu.memory_space<hbm>> -> memref<79x128xi32, #tpu.memory_space<hbm>>
      %dma_start3A_24 = arith.constant 0 : i32
      %dma_start3A_25 = arith.constant 0 : i32
      %dma_start3A_26 = tpu.memref_slice %arg4[%add3A, %dma_start3A_24, %dma_start3A_25] : memref<32x79x128xi32, #tpu.memory_space<hbm>> -> memref<1x79x128xi32, #tpu.memory_space<hbm>>
      %dma_start3A_27 = tpu.memref_squeeze %dma_start3A_26 : memref<1x79x128xi32, #tpu.memory_space<hbm>> -> memref<79x128xi32, #tpu.memory_space<hbm>>
      tpu.enqueue_dma source(%dma_start3A_27 : memref<79x128xi32, #tpu.memory_space<hbm>>) target(%arg8 : memref<79x128xi32, #tpu.memory_space<vmem>>) target_semaphore(%run_scoped3A : memref<!tpu.dma_semaphore, #tpu.memory_space<semaphore_mem>>)
      %dma_wait3A = arith.constant 0 : i32
      %dma_wait3A_28 = arith.constant 0 : i32
      %dma_wait3A_29 = tpu.memref_slice %arg4[%add3A, %dma_wait3A, %dma_wait3A_28] : memref<32x79x128xi32, #tpu.memory_space<hbm>> -> memref<1x79x128xi32, #tpu.memory_space<hbm>>
      %dma_wait3A_30 = tpu.memref_squeeze %dma_wait3A_29 : memref<1x79x128xi32, #tpu.memory_space<hbm>> -> memref<79x128xi32, #tpu.memory_space<hbm>>
      %dma_wait3A_31 = arith.constant 0 : i32
      %dma_wait3A_32 = arith.constant 0 : i32
      %dma_wait3A_33 = tpu.memref_slice %arg4[%add3A, %dma_wait3A_31, %dma_wait3A_32] : memref<32x79x128xi32, #tpu.memory_space<hbm>> -> memref<1x79x128xi32, #tpu.memory_space<hbm>>
      %dma_wait3A_34 = tpu.memref_squeeze %dma_wait3A_33 : memref<1x79x128xi32, #tpu.memory_space<hbm>> -> memref<79x128xi32, #tpu.memory_space<hbm>>
      tpu.wait_dma2 semaphore(%run_scoped3A : memref<!tpu.dma_semaphore, #tpu.memory_space<semaphore_mem>>) src(%dma_wait3A_34 : memref<79x128xi32, #tpu.memory_space<hbm>>) dst(%arg8 : memref<79x128xi32, #tpu.memory_space<vmem>>)
      tpu.yield
    }) : () -> ()
    %mul3A_1 = arith.constant 640 : i32
    %mul3A_2 = arith.muli %arg1, %mul3A_1 : i32
    %mul3A_3 = arith.constant 640 : i32
    %mul3A_4 = arith.muli %arg1, %mul3A_3 : i32
    "tpu.region"() ({
      %run_scoped3A = tpu.sem_alloc : memref<!tpu.dma_semaphore, #tpu.memory_space<semaphore_mem>>
      %dma_start3A = arith.constant 0 : i32
      %dma_start3A_21 = tpu.memref_slice %arg10[%mul3A_4, %dma_start3A] : memref<10240x64xf32, #tpu.memory_space<vmem_shared>> -> memref<640x64xf32, #tpu.memory_space<vmem_shared>>
      %dma_start3A_22 = arith.constant 0 : i32
      %dma_start3A_23 = tpu.memref_slice %arg2[%mul3A_2, %dma_start3A_22] : memref<10240x64xf32, #tpu.memory_space<hbm>> -> memref<640x64xf32, #tpu.memory_space<hbm>>
      tpu.enqueue_dma source(%dma_start3A_23 : memref<640x64xf32, #tpu.memory_space<hbm>>) target(%dma_start3A_21 : memref<640x64xf32, #tpu.memory_space<vmem_shared>>) target_semaphore(%run_scoped3A : memref<!tpu.dma_semaphore, #tpu.memory_space<semaphore_mem>>)
      %dma_wait3A = arith.constant 0 : i32
      %dma_wait3A_24 = tpu.memref_slice %arg10[%mul3A_4, %dma_wait3A] : memref<10240x64xf32, #tpu.memory_space<vmem_shared>> -> memref<640x64xf32, #tpu.memory_space<vmem_shared>>
      %dma_wait3A_25 = arith.constant 0 : i32
      %dma_wait3A_26 = tpu.memref_slice %arg2[%mul3A_2, %dma_wait3A_25] : memref<10240x64xf32, #tpu.memory_space<hbm>> -> memref<640x64xf32, #tpu.memory_space<hbm>>
      tpu.wait_dma2 semaphore(%run_scoped3A : memref<!tpu.dma_semaphore, #tpu.memory_space<semaphore_mem>>) src(%dma_wait3A_26 : memref<640x64xf32, #tpu.memory_space<hbm>>) dst(%dma_wait3A_24 : memref<640x64xf32, #tpu.memory_space<vmem_shared>>)
      tpu.yield
    }) : () -> ()
    %eq3A = arith.constant 0 : i32
    %eq3A_5 = arith.cmpi eq, %arg0, %eq3A : i32
    %convert_element_type3A = arith.extui %eq3A_5 : i1 to i32
    %cond3A = arith.constant 0 : i32
    %cond3A_6 = arith.cmpi ne, %convert_element_type3A, %cond3A : i32
    scf.if %cond3A_6 {
      %mul3A_21 = arith.constant 640 : i32
      %mul3A_22 = arith.muli %arg1, %mul3A_21 : i32
      %mul3A_23 = arith.constant 640 : i32
      %mul3A_24 = arith.muli %arg1, %mul3A_23 : i32
      "tpu.region"() ({
        %run_scoped3A = tpu.sem_alloc : memref<!tpu.dma_semaphore, #tpu.memory_space<semaphore_mem>>
        %dma_start3A = arith.constant 0 : i32
        %dma_start3A_25 = tpu.memref_slice %arg11[%mul3A_24, %dma_start3A] : memref<10240x64xf32, #tpu.memory_space<vmem_shared>> -> memref<640x64xf32, #tpu.memory_space<vmem_shared>>
        %dma_start3A_26 = arith.constant 0 : i32
        %dma_start3A_27 = tpu.memref_slice %arg2[%mul3A_22, %dma_start3A_26] : memref<10240x64xf32, #tpu.memory_space<hbm>> -> memref<640x64xf32, #tpu.memory_space<hbm>>
        tpu.enqueue_dma source(%dma_start3A_27 : memref<640x64xf32, #tpu.memory_space<hbm>>) target(%dma_start3A_25 : memref<640x64xf32, #tpu.memory_space<vmem_shared>>) target_semaphore(%run_scoped3A : memref<!tpu.dma_semaphore, #tpu.memory_space<semaphore_mem>>)
        %dma_wait3A = arith.constant 0 : i32
        %dma_wait3A_28 = tpu.memref_slice %arg11[%mul3A_24, %dma_wait3A] : memref<10240x64xf32, #tpu.memory_space<vmem_shared>> -> memref<640x64xf32, #tpu.memory_space<vmem_shared>>
        %dma_wait3A_29 = arith.constant 0 : i32
        %dma_wait3A_30 = tpu.memref_slice %arg2[%mul3A_22, %dma_wait3A_29] : memref<10240x64xf32, #tpu.memory_space<hbm>> -> memref<640x64xf32, #tpu.memory_space<hbm>>
        tpu.wait_dma2 semaphore(%run_scoped3A : memref<!tpu.dma_semaphore, #tpu.memory_space<semaphore_mem>>) src(%dma_wait3A_30 : memref<640x64xf32, #tpu.memory_space<hbm>>) dst(%dma_wait3A_28 : memref<640x64xf32, #tpu.memory_space<vmem_shared>>)
        tpu.yield
      }) : () -> ()
    } else {
    }
    %ne3A = arith.constant 0 : i32
    %ne3A_7 = arith.cmpi ne, %arg0, %ne3A : i32
    %convert_element_type3A_8 = arith.extui %ne3A_7 : i1 to i32
    %cond3A_9 = arith.constant 0 : i32
    %cond3A_10 = arith.cmpi ne, %convert_element_type3A_8, %cond3A_9 : i32
    scf.if %cond3A_10 {
      %mul3A_21 = arith.constant 640 : i32
      %mul3A_22 = arith.muli %arg1, %mul3A_21 : i32
      "tpu.region"() ({
        %run_scoped3A = tpu.sem_alloc : memref<!tpu.dma_semaphore, #tpu.memory_space<semaphore_mem>>
        %dma_start3A = arith.constant 0 : i32
        %dma_start3A_23 = tpu.memref_slice %arg11[%mul3A_22, %dma_start3A] : memref<10240x64xf32, #tpu.memory_space<vmem_shared>> -> memref<640x64xf32, #tpu.memory_space<vmem_shared>>
        tpu.enqueue_dma source(%arg5 : memref<640x64xf32, #tpu.memory_space<hbm>>) target(%dma_start3A_23 : memref<640x64xf32, #tpu.memory_space<vmem_shared>>) target_semaphore(%run_scoped3A : memref<!tpu.dma_semaphore, #tpu.memory_space<semaphore_mem>>)
        %dma_wait3A = arith.constant 0 : i32
        %dma_wait3A_24 = tpu.memref_slice %arg11[%mul3A_22, %dma_wait3A] : memref<10240x64xf32, #tpu.memory_space<vmem_shared>> -> memref<640x64xf32, #tpu.memory_space<vmem_shared>>
        tpu.wait_dma2 semaphore(%run_scoped3A : memref<!tpu.dma_semaphore, #tpu.memory_space<semaphore_mem>>) src(%arg5 : memref<640x64xf32, #tpu.memory_space<hbm>>) dst(%dma_wait3A_24 : memref<640x64xf32, #tpu.memory_space<vmem_shared>>)
        tpu.yield
      }) : () -> ()
    } else {
    }
    %barrier3A = arith.constant 0 : index
    tpu.barrier barrier_id(%barrier3A)
    %scan3A = arith.constant 0 : i32
    %scan3A_11 = arith.constant 0 : i32
    %scan3A_12 = arith.constant 79 : i32
    %scan3A_13 = arith.addi %scan3A_11, %scan3A_12 : i32
    %scan3A_14 = arith.constant 1 : i32
    scf.for %scan3A_21 = %scan3A_11 to %scan3A_13 step %scan3A_14  : i32 {
      %dma_start3A = arith.constant 0 : i32
      %dma_start3A_22 = tpu.memref_slice %arg7[%scan3A_21, %dma_start3A] : memref<79x128xi32, #tpu.memory_space<vmem>> -> memref<1x128xi32, #tpu.memory_space<vmem>>
      %dma_start3A_23 = tpu.memref_squeeze %dma_start3A_22 : memref<1x128xi32, #tpu.memory_space<vmem>> -> memref<128xi32, #tpu.memory_space<vmem>>
      %dma_start3A_24 = arith.constant 0 : i32
      %dma_start3A_25 = arith.constant 0 : i32
      %dma_start3A_26 = tpu.memref_slice %arg10[%dma_start3A_24, %dma_start3A_25] : memref<10240x64xf32, #tpu.memory_space<vmem_shared>> -> memref<10240x64xf32, #tpu.memory_space<vmem_shared>>
      tpu.enqueue_indirect_dma source(%dma_start3A_26 : memref<10240x64xf32, #tpu.memory_space<vmem_shared>>) target(%arg9 : memref<128x64xf32, #tpu.memory_space<vmem>>) offsets(%dma_start3A_23 : memref<128xi32, #tpu.memory_space<vmem>>) semaphore(%arg12 : memref<!tpu.dma_semaphore, #tpu.memory_space<semaphore_mem>>)
      %dma_wait3A = arith.constant 0 : i32
      %dma_wait3A_27 = tpu.memref_slice %arg7[%scan3A_21, %dma_wait3A] : memref<79x128xi32, #tpu.memory_space<vmem>> -> memref<1x128xi32, #tpu.memory_space<vmem>>
      %dma_wait3A_28 = tpu.memref_squeeze %dma_wait3A_27 : memref<1x128xi32, #tpu.memory_space<vmem>> -> memref<128xi32, #tpu.memory_space<vmem>>
      %dma_wait3A_29 = arith.constant 0 : i32
      %dma_wait3A_30 = arith.constant 0 : i32
      %dma_wait3A_31 = tpu.memref_slice %arg10[%dma_wait3A_29, %dma_wait3A_30] : memref<10240x64xf32, #tpu.memory_space<vmem_shared>> -> memref<10240x64xf32, #tpu.memory_space<vmem_shared>>
      tpu.wait_indirect_dma semaphore(%arg12 : memref<!tpu.dma_semaphore, #tpu.memory_space<semaphore_mem>>) src(%dma_wait3A_31 : memref<10240x64xf32, #tpu.memory_space<vmem_shared>>) dst(%arg9 : memref<128x64xf32, #tpu.memory_space<vmem>>)
      "tpu.region"() ({
        %run_scoped3A = tpu.sem_alloc : memref<!tpu.dma_semaphore, #tpu.memory_space<semaphore_mem>>
        %dma_start3A_32 = arith.constant 0 : i32
        %dma_start3A_33 = tpu.memref_slice %arg8[%scan3A_21, %dma_start3A_32] : memref<79x128xi32, #tpu.memory_space<vmem>> -> memref<1x128xi32, #tpu.memory_space<vmem>>
        %dma_start3A_34 = tpu.memref_squeeze %dma_start3A_33 : memref<1x128xi32, #tpu.memory_space<vmem>> -> memref<128xi32, #tpu.memory_space<vmem>>
        %dma_start3A_35 = arith.constant 0 : i32
        %dma_start3A_36 = arith.constant 0 : i32
        %dma_start3A_37 = tpu.memref_slice %arg11[%dma_start3A_35, %dma_start3A_36] : memref<10240x64xf32, #tpu.memory_space<vmem_shared>> -> memref<10240x64xf32, #tpu.memory_space<vmem_shared>>
        tpu.enqueue_indirect_dma source(%arg9 : memref<128x64xf32, #tpu.memory_space<vmem>>) target(%dma_start3A_37 : memref<10240x64xf32, #tpu.memory_space<vmem_shared>>) offsets(%dma_start3A_34 : memref<128xi32, #tpu.memory_space<vmem>>) semaphore(%run_scoped3A : memref<!tpu.dma_semaphore, #tpu.memory_space<semaphore_mem>>) {add = true}
        %dma_wait3A_38 = arith.constant 0 : i32
        %dma_wait3A_39 = tpu.memref_slice %arg8[%scan3A_21, %dma_wait3A_38] : memref<79x128xi32, #tpu.memory_space<vmem>> -> memref<1x128xi32, #tpu.memory_space<vmem>>
        %dma_wait3A_40 = tpu.memref_squeeze %dma_wait3A_39 : memref<1x128xi32, #tpu.memory_space<vmem>> -> memref<128xi32, #tpu.memory_space<vmem>>
        %dma_wait3A_41 = arith.constant 0 : i32
        %dma_wait3A_42 = arith.constant 0 : i32
        %dma_wait3A_43 = tpu.memref_slice %arg11[%dma_wait3A_41, %dma_wait3A_42] : memref<10240x64xf32, #tpu.memory_space<vmem_shared>> -> memref<10240x64xf32, #tpu.memory_space<vmem_shared>>
        tpu.wait_indirect_dma semaphore(%run_scoped3A : memref<!tpu.dma_semaphore, #tpu.memory_space<semaphore_mem>>) src(%arg9 : memref<128x64xf32, #tpu.memory_space<vmem>>) dst(%dma_wait3A_43 : memref<10240x64xf32, #tpu.memory_space<vmem_shared>>)
        tpu.yield
      }) : () -> ()
    }
    %scan3A_15 = arith.constant 79 : i32
    %barrier3A_16 = arith.constant 0 : index
    tpu.barrier barrier_id(%barrier3A_16)
    %mul3A_17 = arith.constant 640 : i32
    %mul3A_18 = arith.muli %arg1, %mul3A_17 : i32
    %mul3A_19 = arith.constant 640 : i32
    %mul3A_20 = arith.muli %arg1, %mul3A_19 : i32
    "tpu.region"() ({
      %run_scoped3A = tpu.sem_alloc : memref<!tpu.dma_semaphore, #tpu.memory_space<semaphore_mem>>
      %dma_start3A = arith.constant 0 : i32
      %dma_start3A_21 = tpu.memref_slice %arg6[%arg0, %mul3A_20, %dma_start3A] : memref<2x10240x64xf32, #tpu.memory_space<hbm>> -> memref<1x640x64xf32, #tpu.memory_space<hbm>>
      %dma_start3A_22 = tpu.memref_squeeze %dma_start3A_21 : memref<1x640x64xf32, #tpu.memory_space<hbm>> -> memref<640x64xf32, #tpu.memory_space<hbm>>
      %dma_start3A_23 = arith.constant 0 : i32
      %dma_start3A_24 = tpu.memref_slice %arg11[%mul3A_18, %dma_start3A_23] : memref<10240x64xf32, #tpu.memory_space<vmem_shared>> -> memref<640x64xf32, #tpu.memory_space<vmem_shared>>
      tpu.enqueue_dma source(%dma_start3A_24 : memref<640x64xf32, #tpu.memory_space<vmem_shared>>) target(%dma_start3A_22 : memref<640x64xf32, #tpu.memory_space<hbm>>) target_semaphore(%run_scoped3A : memref<!tpu.dma_semaphore, #tpu.memory_space<semaphore_mem>>)
      %dma_wait3A = arith.constant 0 : i32
      %dma_wait3A_25 = tpu.memref_slice %arg6[%arg0, %mul3A_20, %dma_wait3A] : memref<2x10240x64xf32, #tpu.memory_space<hbm>> -> memref<1x640x64xf32, #tpu.memory_space<hbm>>
      %dma_wait3A_26 = tpu.memref_squeeze %dma_wait3A_25 : memref<1x640x64xf32, #tpu.memory_space<hbm>> -> memref<640x64xf32, #tpu.memory_space<hbm>>
      %dma_wait3A_27 = arith.constant 0 : i32
      %dma_wait3A_28 = tpu.memref_slice %arg11[%mul3A_18, %dma_wait3A_27] : memref<10240x64xf32, #tpu.memory_space<vmem_shared>> -> memref<640x64xf32, #tpu.memory_space<vmem_shared>>
      tpu.wait_dma2 semaphore(%run_scoped3A : memref<!tpu.dma_semaphore, #tpu.memory_space<semaphore_mem>>) src(%dma_wait3A_28 : memref<640x64xf32, #tpu.memory_space<vmem_shared>>) dst(%dma_wait3A_26 : memref<640x64xf32, #tpu.memory_space<hbm>>)
      tpu.yield
    }) : () -> ()
    return
  }
}

#map = affine_map<(d0, d1) -> (0, 0)>
#map1 = affine_map<(d0, d1) -> (0, 0, 0)>
module attributes {stable_mosaic.version = 14 : i64} {
  func.func @_hop_sc(%arg0: i32, %arg1: i32, %arg2: memref<10240x64xf32, #tpu.memory_space<hbm>>, %arg3: memref<32x79x128xi32, #tpu.memory_space<hbm>>, %arg4: memref<32x79x128xi32, #tpu.memory_space<hbm>>, %arg5: memref<640x64xf32, #tpu.memory_space<hbm>>, %arg6: memref<2x10240x64xf32, #tpu.memory_space<hbm>>, %arg7: memref<79x128xi32, #tpu.memory_space<vmem>>, %arg8: memref<79x128xi32, #tpu.memory_space<vmem>>, %arg9: memref<128x64xf32, #tpu.memory_space<vmem>>, %arg10: memref<10240x64xf32, #tpu.memory_space<vmem_shared>>, %arg11: memref<10240x64xf32, #tpu.memory_space<vmem_shared>>, %arg12: memref<!tpu.dma_semaphore, #tpu.memory_space<semaphore_mem>>) attributes {dimension_semantics = [#tpu.dimension_semantics<core_parallel>, #tpu.dimension_semantics<subcore_parallel>], iteration_bounds = array<i64: 2, 16>, scalar_prefetch = 0 : i64, scratch_operands = 6 : i64, tpu.core_type = #tpu.core_type<sc_vector_subcore>, window_params = [{transform_indices = #map}, {transform_indices = #map1}, {transform_indices = #map1}, {transform_indices = #map}, {transform_indices = #map1}]} {
    %mul3A = arith.constant 16 : i32
    %mul3A_0 = arith.muli %arg0, %mul3A : i32
    %add3A = arith.addi %mul3A_0, %arg1 : i32
    "tpu.region"() ({
      %run_scoped3A = tpu.sem_alloc : memref<!tpu.dma_semaphore, #tpu.memory_space<semaphore_mem>>
      %dma_start3A = arith.constant 0 : i32
      %dma_start3A_21 = arith.constant 0 : i32
      %dma_start3A_22 = tpu.memref_slice %arg3[%add3A, %dma_start3A, %dma_start3A_21] : memref<32x79x128xi32, #tpu.memory_space<hbm>> -> memref<1x79x128xi32, #tpu.memory_space<hbm>>
      %dma_start3A_23 = tpu.memref_squeeze %dma_start3A_22 : memref<1x79x128xi32, #tpu.memory_space<hbm>> -> memref<79x128xi32, #tpu.memory_space<hbm>>
      %dma_start3A_24 = arith.constant 0 : i32
      %dma_start3A_25 = arith.constant 0 : i32
      %dma_start3A_26 = tpu.memref_slice %arg3[%add3A, %dma_start3A_24, %dma_start3A_25] : memref<32x79x128xi32, #tpu.memory_space<hbm>> -> memref<1x79x128xi32, #tpu.memory_space<hbm>>
      %dma_start3A_27 = tpu.memref_squeeze %dma_start3A_26 : memref<1x79x128xi32, #tpu.memory_space<hbm>> -> memref<79x128xi32, #tpu.memory_space<hbm>>
      tpu.enqueue_dma source(%dma_start3A_27 : memref<79x128xi32, #tpu.memory_space<hbm>>) target(%arg7 : memref<79x128xi32, #tpu.memory_space<vmem>>) target_semaphore(%run_scoped3A : memref<!tpu.dma_semaphore, #tpu.memory_space<semaphore_mem>>)
      %dma_wait3A = arith.constant 0 : i32
      %dma_wait3A_28 = arith.constant 0 : i32
      %dma_wait3A_29 = tpu.memref_slice %arg3[%add3A, %dma_wait3A, %dma_wait3A_28] : memref<32x79x128xi32, #tpu.memory_space<hbm>> -> memref<1x79x128xi32, #tpu.memory_space<hbm>>
      %dma_wait3A_30 = tpu.memref_squeeze %dma_wait3A_29 : memref<1x79x128xi32, #tpu.memory_space<hbm>> -> memref<79x128xi32, #tpu.memory_space<hbm>>
      %dma_wait3A_31 = arith.constant 0 : i32
      %dma_wait3A_32 = arith.constant 0 : i32
      %dma_wait3A_33 = tpu.memref_slice %arg3[%add3A, %dma_wait3A_31, %dma_wait3A_32] : memref<32x79x128xi32, #tpu.memory_space<hbm>> -> memref<1x79x128xi32, #tpu.memory_space<hbm>>
      %dma_wait3A_34 = tpu.memref_squeeze %dma_wait3A_33 : memref<1x79x128xi32, #tpu.memory_space<hbm>> -> memref<79x128xi32, #tpu.memory_space<hbm>>
      tpu.wait_dma2 semaphore(%run_scoped3A : memref<!tpu.dma_semaphore, #tpu.memory_space<semaphore_mem>>) src(%dma_wait3A_34 : memref<79x128xi32, #tpu.memory_space<hbm>>) dst(%arg7 : memref<79x128xi32, #tpu.memory_space<vmem>>)
      tpu.yield
    }) : () -> ()
    "tpu.region"() ({
      %run_scoped3A = tpu.sem_alloc : memref<!tpu.dma_semaphore, #tpu.memory_space<semaphore_mem>>
      %dma_start3A = arith.constant 0 : i32
      %dma_start3A_21 = arith.constant 0 : i32
      %dma_start3A_22 = tpu.memref_slice %arg4[%add3A, %dma_start3A, %dma_start3A_21] : memref<32x79x128xi32, #tpu.memory_space<hbm>> -> memref<1x79x128xi32, #tpu.memory_space<hbm>>
      %dma_start3A_23 = tpu.memref_squeeze %dma_start3A_22 : memref<1x79x128xi32, #tpu.memory_space<hbm>> -> memref<79x128xi32, #tpu.memory_space<hbm>>
      %dma_start3A_24 = arith.constant 0 : i32
      %dma_start3A_25 = arith.constant 0 : i32
      %dma_start3A_26 = tpu.memref_slice %arg4[%add3A, %dma_start3A_24, %dma_start3A_25] : memref<32x79x128xi32, #tpu.memory_space<hbm>> -> memref<1x79x128xi32, #tpu.memory_space<hbm>>
      %dma_start3A_27 = tpu.memref_squeeze %dma_start3A_26 : memref<1x79x128xi32, #tpu.memory_space<hbm>> -> memref<79x128xi32, #tpu.memory_space<hbm>>
      tpu.enqueue_dma source(%dma_start3A_27 : memref<79x128xi32, #tpu.memory_space<hbm>>) target(%arg8 : memref<79x128xi32, #tpu.memory_space<vmem>>) target_semaphore(%run_scoped3A : memref<!tpu.dma_semaphore, #tpu.memory_space<semaphore_mem>>)
      %dma_wait3A = arith.constant 0 : i32
      %dma_wait3A_28 = arith.constant 0 : i32
      %dma_wait3A_29 = tpu.memref_slice %arg4[%add3A, %dma_wait3A, %dma_wait3A_28] : memref<32x79x128xi32, #tpu.memory_space<hbm>> -> memref<1x79x128xi32, #tpu.memory_space<hbm>>
      %dma_wait3A_30 = tpu.memref_squeeze %dma_wait3A_29 : memref<1x79x128xi32, #tpu.memory_space<hbm>> -> memref<79x128xi32, #tpu.memory_space<hbm>>
      %dma_wait3A_31 = arith.constant 0 : i32
      %dma_wait3A_32 = arith.constant 0 : i32
      %dma_wait3A_33 = tpu.memref_slice %arg4[%add3A, %dma_wait3A_31, %dma_wait3A_32] : memref<32x79x128xi32, #tpu.memory_space<hbm>> -> memref<1x79x128xi32, #tpu.memory_space<hbm>>
      %dma_wait3A_34 = tpu.memref_squeeze %dma_wait3A_33 : memref<1x79x128xi32, #tpu.memory_space<hbm>> -> memref<79x128xi32, #tpu.memory_space<hbm>>
      tpu.wait_dma2 semaphore(%run_scoped3A : memref<!tpu.dma_semaphore, #tpu.memory_space<semaphore_mem>>) src(%dma_wait3A_34 : memref<79x128xi32, #tpu.memory_space<hbm>>) dst(%arg8 : memref<79x128xi32, #tpu.memory_space<vmem>>)
      tpu.yield
    }) : () -> ()
    %mul3A_1 = arith.constant 640 : i32
    %mul3A_2 = arith.muli %arg1, %mul3A_1 : i32
    %mul3A_3 = arith.constant 640 : i32
    %mul3A_4 = arith.muli %arg1, %mul3A_3 : i32
    "tpu.region"() ({
      %run_scoped3A = tpu.sem_alloc : memref<!tpu.dma_semaphore, #tpu.memory_space<semaphore_mem>>
      %dma_start3A = arith.constant 0 : i32
      %dma_start3A_21 = tpu.memref_slice %arg10[%mul3A_4, %dma_start3A] : memref<10240x64xf32, #tpu.memory_space<vmem_shared>> -> memref<640x64xf32, #tpu.memory_space<vmem_shared>>
      %dma_start3A_22 = arith.constant 0 : i32
      %dma_start3A_23 = tpu.memref_slice %arg2[%mul3A_2, %dma_start3A_22] : memref<10240x64xf32, #tpu.memory_space<hbm>> -> memref<640x64xf32, #tpu.memory_space<hbm>>
      tpu.enqueue_dma source(%dma_start3A_23 : memref<640x64xf32, #tpu.memory_space<hbm>>) target(%dma_start3A_21 : memref<640x64xf32, #tpu.memory_space<vmem_shared>>) target_semaphore(%run_scoped3A : memref<!tpu.dma_semaphore, #tpu.memory_space<semaphore_mem>>)
      %dma_wait3A = arith.constant 0 : i32
      %dma_wait3A_24 = tpu.memref_slice %arg10[%mul3A_4, %dma_wait3A] : memref<10240x64xf32, #tpu.memory_space<vmem_shared>> -> memref<640x64xf32, #tpu.memory_space<vmem_shared>>
      %dma_wait3A_25 = arith.constant 0 : i32
      %dma_wait3A_26 = tpu.memref_slice %arg2[%mul3A_2, %dma_wait3A_25] : memref<10240x64xf32, #tpu.memory_space<hbm>> -> memref<640x64xf32, #tpu.memory_space<hbm>>
      tpu.wait_dma2 semaphore(%run_scoped3A : memref<!tpu.dma_semaphore, #tpu.memory_space<semaphore_mem>>) src(%dma_wait3A_26 : memref<640x64xf32, #tpu.memory_space<hbm>>) dst(%dma_wait3A_24 : memref<640x64xf32, #tpu.memory_space<vmem_shared>>)
      tpu.yield
    }) : () -> ()
    %eq3A = arith.constant 0 : i32
    %eq3A_5 = arith.cmpi eq, %arg0, %eq3A : i32
    %convert_element_type3A = arith.extui %eq3A_5 : i1 to i32
    %cond3A = arith.constant 0 : i32
    %cond3A_6 = arith.cmpi ne, %convert_element_type3A, %cond3A : i32
    scf.if %cond3A_6 {
      %mul3A_21 = arith.constant 640 : i32
      %mul3A_22 = arith.muli %arg1, %mul3A_21 : i32
      %mul3A_23 = arith.constant 640 : i32
      %mul3A_24 = arith.muli %arg1, %mul3A_23 : i32
      "tpu.region"() ({
        %run_scoped3A = tpu.sem_alloc : memref<!tpu.dma_semaphore, #tpu.memory_space<semaphore_mem>>
        %dma_start3A = arith.constant 0 : i32
        %dma_start3A_25 = tpu.memref_slice %arg11[%mul3A_24, %dma_start3A] : memref<10240x64xf32, #tpu.memory_space<vmem_shared>> -> memref<640x64xf32, #tpu.memory_space<vmem_shared>>
        %dma_start3A_26 = arith.constant 0 : i32
        %dma_start3A_27 = tpu.memref_slice %arg2[%mul3A_22, %dma_start3A_26] : memref<10240x64xf32, #tpu.memory_space<hbm>> -> memref<640x64xf32, #tpu.memory_space<hbm>>
        tpu.enqueue_dma source(%dma_start3A_27 : memref<640x64xf32, #tpu.memory_space<hbm>>) target(%dma_start3A_25 : memref<640x64xf32, #tpu.memory_space<vmem_shared>>) target_semaphore(%run_scoped3A : memref<!tpu.dma_semaphore, #tpu.memory_space<semaphore_mem>>)
        %dma_wait3A = arith.constant 0 : i32
        %dma_wait3A_28 = tpu.memref_slice %arg11[%mul3A_24, %dma_wait3A] : memref<10240x64xf32, #tpu.memory_space<vmem_shared>> -> memref<640x64xf32, #tpu.memory_space<vmem_shared>>
        %dma_wait3A_29 = arith.constant 0 : i32
        %dma_wait3A_30 = tpu.memref_slice %arg2[%mul3A_22, %dma_wait3A_29] : memref<10240x64xf32, #tpu.memory_space<hbm>> -> memref<640x64xf32, #tpu.memory_space<hbm>>
        tpu.wait_dma2 semaphore(%run_scoped3A : memref<!tpu.dma_semaphore, #tpu.memory_space<semaphore_mem>>) src(%dma_wait3A_30 : memref<640x64xf32, #tpu.memory_space<hbm>>) dst(%dma_wait3A_28 : memref<640x64xf32, #tpu.memory_space<vmem_shared>>)
        tpu.yield
      }) : () -> ()
    } else {
    }
    %ne3A = arith.constant 0 : i32
    %ne3A_7 = arith.cmpi ne, %arg0, %ne3A : i32
    %convert_element_type3A_8 = arith.extui %ne3A_7 : i1 to i32
    %cond3A_9 = arith.constant 0 : i32
    %cond3A_10 = arith.cmpi ne, %convert_element_type3A_8, %cond3A_9 : i32
    scf.if %cond3A_10 {
      %mul3A_21 = arith.constant 640 : i32
      %mul3A_22 = arith.muli %arg1, %mul3A_21 : i32
      "tpu.region"() ({
        %run_scoped3A = tpu.sem_alloc : memref<!tpu.dma_semaphore, #tpu.memory_space<semaphore_mem>>
        %dma_start3A = arith.constant 0 : i32
        %dma_start3A_23 = tpu.memref_slice %arg11[%mul3A_22, %dma_start3A] : memref<10240x64xf32, #tpu.memory_space<vmem_shared>> -> memref<640x64xf32, #tpu.memory_space<vmem_shared>>
        tpu.enqueue_dma source(%arg5 : memref<640x64xf32, #tpu.memory_space<hbm>>) target(%dma_start3A_23 : memref<640x64xf32, #tpu.memory_space<vmem_shared>>) target_semaphore(%run_scoped3A : memref<!tpu.dma_semaphore, #tpu.memory_space<semaphore_mem>>)
        %dma_wait3A = arith.constant 0 : i32
        %dma_wait3A_24 = tpu.memref_slice %arg11[%mul3A_22, %dma_wait3A] : memref<10240x64xf32, #tpu.memory_space<vmem_shared>> -> memref<640x64xf32, #tpu.memory_space<vmem_shared>>
        tpu.wait_dma2 semaphore(%run_scoped3A : memref<!tpu.dma_semaphore, #tpu.memory_space<semaphore_mem>>) src(%arg5 : memref<640x64xf32, #tpu.memory_space<hbm>>) dst(%dma_wait3A_24 : memref<640x64xf32, #tpu.memory_space<vmem_shared>>)
        tpu.yield
      }) : () -> ()
    } else {
    }
    %barrier3A = arith.constant 0 : index
    tpu.barrier barrier_id(%barrier3A)
    %scan3A = arith.constant 0 : i32
    %scan3A_11 = arith.constant 0 : i32
    %scan3A_12 = arith.constant 79 : i32
    %scan3A_13 = arith.addi %scan3A_11, %scan3A_12 : i32
    %scan3A_14 = arith.constant 1 : i32
    scf.for %scan3A_21 = %scan3A_11 to %scan3A_13 step %scan3A_14  : i32 {
      %dma_start3A = arith.constant 0 : i32
      %dma_start3A_22 = tpu.memref_slice %arg7[%scan3A_21, %dma_start3A] : memref<79x128xi32, #tpu.memory_space<vmem>> -> memref<1x128xi32, #tpu.memory_space<vmem>>
      %dma_start3A_23 = tpu.memref_squeeze %dma_start3A_22 : memref<1x128xi32, #tpu.memory_space<vmem>> -> memref<128xi32, #tpu.memory_space<vmem>>
      %dma_start3A_24 = arith.constant 0 : i32
      %dma_start3A_25 = arith.constant 0 : i32
      %dma_start3A_26 = tpu.memref_slice %arg10[%dma_start3A_24, %dma_start3A_25] : memref<10240x64xf32, #tpu.memory_space<vmem_shared>> -> memref<10240x64xf32, #tpu.memory_space<vmem_shared>>
      tpu.enqueue_indirect_dma source(%dma_start3A_26 : memref<10240x64xf32, #tpu.memory_space<vmem_shared>>) target(%arg9 : memref<128x64xf32, #tpu.memory_space<vmem>>) offsets(%dma_start3A_23 : memref<128xi32, #tpu.memory_space<vmem>>) semaphore(%arg12 : memref<!tpu.dma_semaphore, #tpu.memory_space<semaphore_mem>>)
      %dma_wait3A = arith.constant 0 : i32
      %dma_wait3A_27 = tpu.memref_slice %arg7[%scan3A_21, %dma_wait3A] : memref<79x128xi32, #tpu.memory_space<vmem>> -> memref<1x128xi32, #tpu.memory_space<vmem>>
      %dma_wait3A_28 = tpu.memref_squeeze %dma_wait3A_27 : memref<1x128xi32, #tpu.memory_space<vmem>> -> memref<128xi32, #tpu.memory_space<vmem>>
      %dma_wait3A_29 = arith.constant 0 : i32
      %dma_wait3A_30 = arith.constant 0 : i32
      %dma_wait3A_31 = tpu.memref_slice %arg10[%dma_wait3A_29, %dma_wait3A_30] : memref<10240x64xf32, #tpu.memory_space<vmem_shared>> -> memref<10240x64xf32, #tpu.memory_space<vmem_shared>>
      tpu.wait_indirect_dma semaphore(%arg12 : memref<!tpu.dma_semaphore, #tpu.memory_space<semaphore_mem>>) src(%dma_wait3A_31 : memref<10240x64xf32, #tpu.memory_space<vmem_shared>>) dst(%arg9 : memref<128x64xf32, #tpu.memory_space<vmem>>)
      "tpu.region"() ({
        %run_scoped3A = tpu.sem_alloc : memref<!tpu.dma_semaphore, #tpu.memory_space<semaphore_mem>>
        %dma_start3A_32 = arith.constant 0 : i32
        %dma_start3A_33 = tpu.memref_slice %arg8[%scan3A_21, %dma_start3A_32] : memref<79x128xi32, #tpu.memory_space<vmem>> -> memref<1x128xi32, #tpu.memory_space<vmem>>
        %dma_start3A_34 = tpu.memref_squeeze %dma_start3A_33 : memref<1x128xi32, #tpu.memory_space<vmem>> -> memref<128xi32, #tpu.memory_space<vmem>>
        %dma_start3A_35 = arith.constant 0 : i32
        %dma_start3A_36 = arith.constant 0 : i32
        %dma_start3A_37 = tpu.memref_slice %arg11[%dma_start3A_35, %dma_start3A_36] : memref<10240x64xf32, #tpu.memory_space<vmem_shared>> -> memref<10240x64xf32, #tpu.memory_space<vmem_shared>>
        tpu.enqueue_indirect_dma source(%arg9 : memref<128x64xf32, #tpu.memory_space<vmem>>) target(%dma_start3A_37 : memref<10240x64xf32, #tpu.memory_space<vmem_shared>>) offsets(%dma_start3A_34 : memref<128xi32, #tpu.memory_space<vmem>>) semaphore(%run_scoped3A : memref<!tpu.dma_semaphore, #tpu.memory_space<semaphore_mem>>) {add = true}
        %dma_wait3A_38 = arith.constant 0 : i32
        %dma_wait3A_39 = tpu.memref_slice %arg8[%scan3A_21, %dma_wait3A_38] : memref<79x128xi32, #tpu.memory_space<vmem>> -> memref<1x128xi32, #tpu.memory_space<vmem>>
        %dma_wait3A_40 = tpu.memref_squeeze %dma_wait3A_39 : memref<1x128xi32, #tpu.memory_space<vmem>> -> memref<128xi32, #tpu.memory_space<vmem>>
        %dma_wait3A_41 = arith.constant 0 : i32
        %dma_wait3A_42 = arith.constant 0 : i32
        %dma_wait3A_43 = tpu.memref_slice %arg11[%dma_wait3A_41, %dma_wait3A_42] : memref<10240x64xf32, #tpu.memory_space<vmem_shared>> -> memref<10240x64xf32, #tpu.memory_space<vmem_shared>>
        tpu.wait_indirect_dma semaphore(%run_scoped3A : memref<!tpu.dma_semaphore, #tpu.memory_space<semaphore_mem>>) src(%arg9 : memref<128x64xf32, #tpu.memory_space<vmem>>) dst(%dma_wait3A_43 : memref<10240x64xf32, #tpu.memory_space<vmem_shared>>)
        tpu.yield
      }) : () -> ()
    }
    %scan3A_15 = arith.constant 79 : i32
    %barrier3A_16 = arith.constant 0 : index
    tpu.barrier barrier_id(%barrier3A_16)
    %mul3A_17 = arith.constant 640 : i32
    %mul3A_18 = arith.muli %arg1, %mul3A_17 : i32
    %mul3A_19 = arith.constant 640 : i32
    %mul3A_20 = arith.muli %arg1, %mul3A_19 : i32
    "tpu.region"() ({
      %run_scoped3A = tpu.sem_alloc : memref<!tpu.dma_semaphore, #tpu.memory_space<semaphore_mem>>
      %dma_start3A = arith.constant 0 : i32
      %dma_start3A_21 = tpu.memref_slice %arg6[%arg0, %mul3A_20, %dma_start3A] : memref<2x10240x64xf32, #tpu.memory_space<hbm>> -> memref<1x640x64xf32, #tpu.memory_space<hbm>>
      %dma_start3A_22 = tpu.memref_squeeze %dma_start3A_21 : memref<1x640x64xf32, #tpu.memory_space<hbm>> -> memref<640x64xf32, #tpu.memory_space<hbm>>
      %dma_start3A_23 = arith.constant 0 : i32
      %dma_start3A_24 = tpu.memref_slice %arg11[%mul3A_18, %dma_start3A_23] : memref<10240x64xf32, #tpu.memory_space<vmem_shared>> -> memref<640x64xf32, #tpu.memory_space<vmem_shared>>
      tpu.enqueue_dma source(%dma_start3A_24 : memref<640x64xf32, #tpu.memory_space<vmem_shared>>) target(%dma_start3A_22 : memref<640x64xf32, #tpu.memory_space<hbm>>) target_semaphore(%run_scoped3A : memref<!tpu.dma_semaphore, #tpu.memory_space<semaphore_mem>>)
      %dma_wait3A = arith.constant 0 : i32
      %dma_wait3A_25 = tpu.memref_slice %arg6[%arg0, %mul3A_20, %dma_wait3A] : memref<2x10240x64xf32, #tpu.memory_space<hbm>> -> memref<1x640x64xf32, #tpu.memory_space<hbm>>
      %dma_wait3A_26 = tpu.memref_squeeze %dma_wait3A_25 : memref<1x640x64xf32, #tpu.memory_space<hbm>> -> memref<640x64xf32, #tpu.memory_space<hbm>>
      %dma_wait3A_27 = arith.constant 0 : i32
      %dma_wait3A_28 = tpu.memref_slice %arg11[%mul3A_18, %dma_wait3A_27] : memref<10240x64xf32, #tpu.memory_space<vmem_shared>> -> memref<640x64xf32, #tpu.memory_space<vmem_shared>>
      tpu.wait_dma2 semaphore(%run_scoped3A : memref<!tpu.dma_semaphore, #tpu.memory_space<semaphore_mem>>) src(%dma_wait3A_28 : memref<640x64xf32, #tpu.memory_space<vmem_shared>>) dst(%dma_wait3A_26 : memref<640x64xf32, #tpu.memory_space<hbm>>)
      tpu.yield
    }) : () -> ()
    return
  }
}

#map = affine_map<(d0, d1) -> (0, 0)>
#map1 = affine_map<(d0, d1) -> (0, 0, 0)>
module attributes {stable_mosaic.version = 14 : i64} {
  func.func @_hop_sc(%arg0: i32, %arg1: i32, %arg2: memref<10240x64xf32, #tpu.memory_space<hbm>>, %arg3: memref<32x79x128xi32, #tpu.memory_space<hbm>>, %arg4: memref<32x79x128xi32, #tpu.memory_space<hbm>>, %arg5: memref<640x64xf32, #tpu.memory_space<hbm>>, %arg6: memref<2x10240x64xf32, #tpu.memory_space<hbm>>, %arg7: memref<79x128xi32, #tpu.memory_space<vmem>>, %arg8: memref<79x128xi32, #tpu.memory_space<vmem>>, %arg9: memref<128x64xf32, #tpu.memory_space<vmem>>, %arg10: memref<10240x64xf32, #tpu.memory_space<vmem_shared>>, %arg11: memref<10240x64xf32, #tpu.memory_space<vmem_shared>>, %arg12: memref<!tpu.dma_semaphore, #tpu.memory_space<semaphore_mem>>) attributes {dimension_semantics = [#tpu.dimension_semantics<core_parallel>, #tpu.dimension_semantics<subcore_parallel>], iteration_bounds = array<i64: 2, 16>, scalar_prefetch = 0 : i64, scratch_operands = 6 : i64, tpu.core_type = #tpu.core_type<sc_vector_subcore>, window_params = [{transform_indices = #map}, {transform_indices = #map1}, {transform_indices = #map1}, {transform_indices = #map}, {transform_indices = #map1}]} {
    %mul3A = arith.constant 16 : i32
    %mul3A_0 = arith.muli %arg0, %mul3A : i32
    %add3A = arith.addi %mul3A_0, %arg1 : i32
    "tpu.region"() ({
      %run_scoped3A = tpu.sem_alloc : memref<!tpu.dma_semaphore, #tpu.memory_space<semaphore_mem>>
      %dma_start3A = arith.constant 0 : i32
      %dma_start3A_21 = arith.constant 0 : i32
      %dma_start3A_22 = tpu.memref_slice %arg3[%add3A, %dma_start3A, %dma_start3A_21] : memref<32x79x128xi32, #tpu.memory_space<hbm>> -> memref<1x79x128xi32, #tpu.memory_space<hbm>>
      %dma_start3A_23 = tpu.memref_squeeze %dma_start3A_22 : memref<1x79x128xi32, #tpu.memory_space<hbm>> -> memref<79x128xi32, #tpu.memory_space<hbm>>
      %dma_start3A_24 = arith.constant 0 : i32
      %dma_start3A_25 = arith.constant 0 : i32
      %dma_start3A_26 = tpu.memref_slice %arg3[%add3A, %dma_start3A_24, %dma_start3A_25] : memref<32x79x128xi32, #tpu.memory_space<hbm>> -> memref<1x79x128xi32, #tpu.memory_space<hbm>>
      %dma_start3A_27 = tpu.memref_squeeze %dma_start3A_26 : memref<1x79x128xi32, #tpu.memory_space<hbm>> -> memref<79x128xi32, #tpu.memory_space<hbm>>
      tpu.enqueue_dma source(%dma_start3A_27 : memref<79x128xi32, #tpu.memory_space<hbm>>) target(%arg7 : memref<79x128xi32, #tpu.memory_space<vmem>>) target_semaphore(%run_scoped3A : memref<!tpu.dma_semaphore, #tpu.memory_space<semaphore_mem>>)
      %dma_wait3A = arith.constant 0 : i32
      %dma_wait3A_28 = arith.constant 0 : i32
      %dma_wait3A_29 = tpu.memref_slice %arg3[%add3A, %dma_wait3A, %dma_wait3A_28] : memref<32x79x128xi32, #tpu.memory_space<hbm>> -> memref<1x79x128xi32, #tpu.memory_space<hbm>>
      %dma_wait3A_30 = tpu.memref_squeeze %dma_wait3A_29 : memref<1x79x128xi32, #tpu.memory_space<hbm>> -> memref<79x128xi32, #tpu.memory_space<hbm>>
      %dma_wait3A_31 = arith.constant 0 : i32
      %dma_wait3A_32 = arith.constant 0 : i32
      %dma_wait3A_33 = tpu.memref_slice %arg3[%add3A, %dma_wait3A_31, %dma_wait3A_32] : memref<32x79x128xi32, #tpu.memory_space<hbm>> -> memref<1x79x128xi32, #tpu.memory_space<hbm>>
      %dma_wait3A_34 = tpu.memref_squeeze %dma_wait3A_33 : memref<1x79x128xi32, #tpu.memory_space<hbm>> -> memref<79x128xi32, #tpu.memory_space<hbm>>
      tpu.wait_dma2 semaphore(%run_scoped3A : memref<!tpu.dma_semaphore, #tpu.memory_space<semaphore_mem>>) src(%dma_wait3A_34 : memref<79x128xi32, #tpu.memory_space<hbm>>) dst(%arg7 : memref<79x128xi32, #tpu.memory_space<vmem>>)
      tpu.yield
    }) : () -> ()
    "tpu.region"() ({
      %run_scoped3A = tpu.sem_alloc : memref<!tpu.dma_semaphore, #tpu.memory_space<semaphore_mem>>
      %dma_start3A = arith.constant 0 : i32
      %dma_start3A_21 = arith.constant 0 : i32
      %dma_start3A_22 = tpu.memref_slice %arg4[%add3A, %dma_start3A, %dma_start3A_21] : memref<32x79x128xi32, #tpu.memory_space<hbm>> -> memref<1x79x128xi32, #tpu.memory_space<hbm>>
      %dma_start3A_23 = tpu.memref_squeeze %dma_start3A_22 : memref<1x79x128xi32, #tpu.memory_space<hbm>> -> memref<79x128xi32, #tpu.memory_space<hbm>>
      %dma_start3A_24 = arith.constant 0 : i32
      %dma_start3A_25 = arith.constant 0 : i32
      %dma_start3A_26 = tpu.memref_slice %arg4[%add3A, %dma_start3A_24, %dma_start3A_25] : memref<32x79x128xi32, #tpu.memory_space<hbm>> -> memref<1x79x128xi32, #tpu.memory_space<hbm>>
      %dma_start3A_27 = tpu.memref_squeeze %dma_start3A_26 : memref<1x79x128xi32, #tpu.memory_space<hbm>> -> memref<79x128xi32, #tpu.memory_space<hbm>>
      tpu.enqueue_dma source(%dma_start3A_27 : memref<79x128xi32, #tpu.memory_space<hbm>>) target(%arg8 : memref<79x128xi32, #tpu.memory_space<vmem>>) target_semaphore(%run_scoped3A : memref<!tpu.dma_semaphore, #tpu.memory_space<semaphore_mem>>)
      %dma_wait3A = arith.constant 0 : i32
      %dma_wait3A_28 = arith.constant 0 : i32
      %dma_wait3A_29 = tpu.memref_slice %arg4[%add3A, %dma_wait3A, %dma_wait3A_28] : memref<32x79x128xi32, #tpu.memory_space<hbm>> -> memref<1x79x128xi32, #tpu.memory_space<hbm>>
      %dma_wait3A_30 = tpu.memref_squeeze %dma_wait3A_29 : memref<1x79x128xi32, #tpu.memory_space<hbm>> -> memref<79x128xi32, #tpu.memory_space<hbm>>
      %dma_wait3A_31 = arith.constant 0 : i32
      %dma_wait3A_32 = arith.constant 0 : i32
      %dma_wait3A_33 = tpu.memref_slice %arg4[%add3A, %dma_wait3A_31, %dma_wait3A_32] : memref<32x79x128xi32, #tpu.memory_space<hbm>> -> memref<1x79x128xi32, #tpu.memory_space<hbm>>
      %dma_wait3A_34 = tpu.memref_squeeze %dma_wait3A_33 : memref<1x79x128xi32, #tpu.memory_space<hbm>> -> memref<79x128xi32, #tpu.memory_space<hbm>>
      tpu.wait_dma2 semaphore(%run_scoped3A : memref<!tpu.dma_semaphore, #tpu.memory_space<semaphore_mem>>) src(%dma_wait3A_34 : memref<79x128xi32, #tpu.memory_space<hbm>>) dst(%arg8 : memref<79x128xi32, #tpu.memory_space<vmem>>)
      tpu.yield
    }) : () -> ()
    %mul3A_1 = arith.constant 640 : i32
    %mul3A_2 = arith.muli %arg1, %mul3A_1 : i32
    %mul3A_3 = arith.constant 640 : i32
    %mul3A_4 = arith.muli %arg1, %mul3A_3 : i32
    "tpu.region"() ({
      %run_scoped3A = tpu.sem_alloc : memref<!tpu.dma_semaphore, #tpu.memory_space<semaphore_mem>>
      %dma_start3A = arith.constant 0 : i32
      %dma_start3A_21 = tpu.memref_slice %arg10[%mul3A_4, %dma_start3A] : memref<10240x64xf32, #tpu.memory_space<vmem_shared>> -> memref<640x64xf32, #tpu.memory_space<vmem_shared>>
      %dma_start3A_22 = arith.constant 0 : i32
      %dma_start3A_23 = tpu.memref_slice %arg2[%mul3A_2, %dma_start3A_22] : memref<10240x64xf32, #tpu.memory_space<hbm>> -> memref<640x64xf32, #tpu.memory_space<hbm>>
      tpu.enqueue_dma source(%dma_start3A_23 : memref<640x64xf32, #tpu.memory_space<hbm>>) target(%dma_start3A_21 : memref<640x64xf32, #tpu.memory_space<vmem_shared>>) target_semaphore(%run_scoped3A : memref<!tpu.dma_semaphore, #tpu.memory_space<semaphore_mem>>)
      %dma_wait3A = arith.constant 0 : i32
      %dma_wait3A_24 = tpu.memref_slice %arg10[%mul3A_4, %dma_wait3A] : memref<10240x64xf32, #tpu.memory_space<vmem_shared>> -> memref<640x64xf32, #tpu.memory_space<vmem_shared>>
      %dma_wait3A_25 = arith.constant 0 : i32
      %dma_wait3A_26 = tpu.memref_slice %arg2[%mul3A_2, %dma_wait3A_25] : memref<10240x64xf32, #tpu.memory_space<hbm>> -> memref<640x64xf32, #tpu.memory_space<hbm>>
      tpu.wait_dma2 semaphore(%run_scoped3A : memref<!tpu.dma_semaphore, #tpu.memory_space<semaphore_mem>>) src(%dma_wait3A_26 : memref<640x64xf32, #tpu.memory_space<hbm>>) dst(%dma_wait3A_24 : memref<640x64xf32, #tpu.memory_space<vmem_shared>>)
      tpu.yield
    }) : () -> ()
    %eq3A = arith.constant 0 : i32
    %eq3A_5 = arith.cmpi eq, %arg0, %eq3A : i32
    %convert_element_type3A = arith.extui %eq3A_5 : i1 to i32
    %cond3A = arith.constant 0 : i32
    %cond3A_6 = arith.cmpi ne, %convert_element_type3A, %cond3A : i32
    scf.if %cond3A_6 {
      %mul3A_21 = arith.constant 640 : i32
      %mul3A_22 = arith.muli %arg1, %mul3A_21 : i32
      %mul3A_23 = arith.constant 640 : i32
      %mul3A_24 = arith.muli %arg1, %mul3A_23 : i32
      "tpu.region"() ({
        %run_scoped3A = tpu.sem_alloc : memref<!tpu.dma_semaphore, #tpu.memory_space<semaphore_mem>>
        %dma_start3A = arith.constant 0 : i32
        %dma_start3A_25 = tpu.memref_slice %arg11[%mul3A_24, %dma_start3A] : memref<10240x64xf32, #tpu.memory_space<vmem_shared>> -> memref<640x64xf32, #tpu.memory_space<vmem_shared>>
        %dma_start3A_26 = arith.constant 0 : i32
        %dma_start3A_27 = tpu.memref_slice %arg2[%mul3A_22, %dma_start3A_26] : memref<10240x64xf32, #tpu.memory_space<hbm>> -> memref<640x64xf32, #tpu.memory_space<hbm>>
        tpu.enqueue_dma source(%dma_start3A_27 : memref<640x64xf32, #tpu.memory_space<hbm>>) target(%dma_start3A_25 : memref<640x64xf32, #tpu.memory_space<vmem_shared>>) target_semaphore(%run_scoped3A : memref<!tpu.dma_semaphore, #tpu.memory_space<semaphore_mem>>)
        %dma_wait3A = arith.constant 0 : i32
        %dma_wait3A_28 = tpu.memref_slice %arg11[%mul3A_24, %dma_wait3A] : memref<10240x64xf32, #tpu.memory_space<vmem_shared>> -> memref<640x64xf32, #tpu.memory_space<vmem_shared>>
        %dma_wait3A_29 = arith.constant 0 : i32
        %dma_wait3A_30 = tpu.memref_slice %arg2[%mul3A_22, %dma_wait3A_29] : memref<10240x64xf32, #tpu.memory_space<hbm>> -> memref<640x64xf32, #tpu.memory_space<hbm>>
        tpu.wait_dma2 semaphore(%run_scoped3A : memref<!tpu.dma_semaphore, #tpu.memory_space<semaphore_mem>>) src(%dma_wait3A_30 : memref<640x64xf32, #tpu.memory_space<hbm>>) dst(%dma_wait3A_28 : memref<640x64xf32, #tpu.memory_space<vmem_shared>>)
        tpu.yield
      }) : () -> ()
    } else {
    }
    %ne3A = arith.constant 0 : i32
    %ne3A_7 = arith.cmpi ne, %arg0, %ne3A : i32
    %convert_element_type3A_8 = arith.extui %ne3A_7 : i1 to i32
    %cond3A_9 = arith.constant 0 : i32
    %cond3A_10 = arith.cmpi ne, %convert_element_type3A_8, %cond3A_9 : i32
    scf.if %cond3A_10 {
      %mul3A_21 = arith.constant 640 : i32
      %mul3A_22 = arith.muli %arg1, %mul3A_21 : i32
      "tpu.region"() ({
        %run_scoped3A = tpu.sem_alloc : memref<!tpu.dma_semaphore, #tpu.memory_space<semaphore_mem>>
        %dma_start3A = arith.constant 0 : i32
        %dma_start3A_23 = tpu.memref_slice %arg11[%mul3A_22, %dma_start3A] : memref<10240x64xf32, #tpu.memory_space<vmem_shared>> -> memref<640x64xf32, #tpu.memory_space<vmem_shared>>
        tpu.enqueue_dma source(%arg5 : memref<640x64xf32, #tpu.memory_space<hbm>>) target(%dma_start3A_23 : memref<640x64xf32, #tpu.memory_space<vmem_shared>>) target_semaphore(%run_scoped3A : memref<!tpu.dma_semaphore, #tpu.memory_space<semaphore_mem>>)
        %dma_wait3A = arith.constant 0 : i32
        %dma_wait3A_24 = tpu.memref_slice %arg11[%mul3A_22, %dma_wait3A] : memref<10240x64xf32, #tpu.memory_space<vmem_shared>> -> memref<640x64xf32, #tpu.memory_space<vmem_shared>>
        tpu.wait_dma2 semaphore(%run_scoped3A : memref<!tpu.dma_semaphore, #tpu.memory_space<semaphore_mem>>) src(%arg5 : memref<640x64xf32, #tpu.memory_space<hbm>>) dst(%dma_wait3A_24 : memref<640x64xf32, #tpu.memory_space<vmem_shared>>)
        tpu.yield
      }) : () -> ()
    } else {
    }
    %barrier3A = arith.constant 0 : index
    tpu.barrier barrier_id(%barrier3A)
    %scan3A = arith.constant 0 : i32
    %scan3A_11 = arith.constant 0 : i32
    %scan3A_12 = arith.constant 79 : i32
    %scan3A_13 = arith.addi %scan3A_11, %scan3A_12 : i32
    %scan3A_14 = arith.constant 1 : i32
    scf.for %scan3A_21 = %scan3A_11 to %scan3A_13 step %scan3A_14  : i32 {
      %dma_start3A = arith.constant 0 : i32
      %dma_start3A_22 = tpu.memref_slice %arg7[%scan3A_21, %dma_start3A] : memref<79x128xi32, #tpu.memory_space<vmem>> -> memref<1x128xi32, #tpu.memory_space<vmem>>
      %dma_start3A_23 = tpu.memref_squeeze %dma_start3A_22 : memref<1x128xi32, #tpu.memory_space<vmem>> -> memref<128xi32, #tpu.memory_space<vmem>>
      %dma_start3A_24 = arith.constant 0 : i32
      %dma_start3A_25 = arith.constant 0 : i32
      %dma_start3A_26 = tpu.memref_slice %arg10[%dma_start3A_24, %dma_start3A_25] : memref<10240x64xf32, #tpu.memory_space<vmem_shared>> -> memref<10240x64xf32, #tpu.memory_space<vmem_shared>>
      tpu.enqueue_indirect_dma source(%dma_start3A_26 : memref<10240x64xf32, #tpu.memory_space<vmem_shared>>) target(%arg9 : memref<128x64xf32, #tpu.memory_space<vmem>>) offsets(%dma_start3A_23 : memref<128xi32, #tpu.memory_space<vmem>>) semaphore(%arg12 : memref<!tpu.dma_semaphore, #tpu.memory_space<semaphore_mem>>)
      %dma_wait3A = arith.constant 0 : i32
      %dma_wait3A_27 = tpu.memref_slice %arg7[%scan3A_21, %dma_wait3A] : memref<79x128xi32, #tpu.memory_space<vmem>> -> memref<1x128xi32, #tpu.memory_space<vmem>>
      %dma_wait3A_28 = tpu.memref_squeeze %dma_wait3A_27 : memref<1x128xi32, #tpu.memory_space<vmem>> -> memref<128xi32, #tpu.memory_space<vmem>>
      %dma_wait3A_29 = arith.constant 0 : i32
      %dma_wait3A_30 = arith.constant 0 : i32
      %dma_wait3A_31 = tpu.memref_slice %arg10[%dma_wait3A_29, %dma_wait3A_30] : memref<10240x64xf32, #tpu.memory_space<vmem_shared>> -> memref<10240x64xf32, #tpu.memory_space<vmem_shared>>
      tpu.wait_indirect_dma semaphore(%arg12 : memref<!tpu.dma_semaphore, #tpu.memory_space<semaphore_mem>>) src(%dma_wait3A_31 : memref<10240x64xf32, #tpu.memory_space<vmem_shared>>) dst(%arg9 : memref<128x64xf32, #tpu.memory_space<vmem>>)
      "tpu.region"() ({
        %run_scoped3A = tpu.sem_alloc : memref<!tpu.dma_semaphore, #tpu.memory_space<semaphore_mem>>
        %dma_start3A_32 = arith.constant 0 : i32
        %dma_start3A_33 = tpu.memref_slice %arg8[%scan3A_21, %dma_start3A_32] : memref<79x128xi32, #tpu.memory_space<vmem>> -> memref<1x128xi32, #tpu.memory_space<vmem>>
        %dma_start3A_34 = tpu.memref_squeeze %dma_start3A_33 : memref<1x128xi32, #tpu.memory_space<vmem>> -> memref<128xi32, #tpu.memory_space<vmem>>
        %dma_start3A_35 = arith.constant 0 : i32
        %dma_start3A_36 = arith.constant 0 : i32
        %dma_start3A_37 = tpu.memref_slice %arg11[%dma_start3A_35, %dma_start3A_36] : memref<10240x64xf32, #tpu.memory_space<vmem_shared>> -> memref<10240x64xf32, #tpu.memory_space<vmem_shared>>
        tpu.enqueue_indirect_dma source(%arg9 : memref<128x64xf32, #tpu.memory_space<vmem>>) target(%dma_start3A_37 : memref<10240x64xf32, #tpu.memory_space<vmem_shared>>) offsets(%dma_start3A_34 : memref<128xi32, #tpu.memory_space<vmem>>) semaphore(%run_scoped3A : memref<!tpu.dma_semaphore, #tpu.memory_space<semaphore_mem>>) {add = true}
        %dma_wait3A_38 = arith.constant 0 : i32
        %dma_wait3A_39 = tpu.memref_slice %arg8[%scan3A_21, %dma_wait3A_38] : memref<79x128xi32, #tpu.memory_space<vmem>> -> memref<1x128xi32, #tpu.memory_space<vmem>>
        %dma_wait3A_40 = tpu.memref_squeeze %dma_wait3A_39 : memref<1x128xi32, #tpu.memory_space<vmem>> -> memref<128xi32, #tpu.memory_space<vmem>>
        %dma_wait3A_41 = arith.constant 0 : i32
        %dma_wait3A_42 = arith.constant 0 : i32
        %dma_wait3A_43 = tpu.memref_slice %arg11[%dma_wait3A_41, %dma_wait3A_42] : memref<10240x64xf32, #tpu.memory_space<vmem_shared>> -> memref<10240x64xf32, #tpu.memory_space<vmem_shared>>
        tpu.wait_indirect_dma semaphore(%run_scoped3A : memref<!tpu.dma_semaphore, #tpu.memory_space<semaphore_mem>>) src(%arg9 : memref<128x64xf32, #tpu.memory_space<vmem>>) dst(%dma_wait3A_43 : memref<10240x64xf32, #tpu.memory_space<vmem_shared>>)
        tpu.yield
      }) : () -> ()
    }
    %scan3A_15 = arith.constant 79 : i32
    %barrier3A_16 = arith.constant 0 : index
    tpu.barrier barrier_id(%barrier3A_16)
    %mul3A_17 = arith.constant 640 : i32
    %mul3A_18 = arith.muli %arg1, %mul3A_17 : i32
    %mul3A_19 = arith.constant 640 : i32
    %mul3A_20 = arith.muli %arg1, %mul3A_19 : i32
    "tpu.region"() ({
      %run_scoped3A = tpu.sem_alloc : memref<!tpu.dma_semaphore, #tpu.memory_space<semaphore_mem>>
      %dma_start3A = arith.constant 0 : i32
      %dma_start3A_21 = tpu.memref_slice %arg6[%arg0, %mul3A_20, %dma_start3A] : memref<2x10240x64xf32, #tpu.memory_space<hbm>> -> memref<1x640x64xf32, #tpu.memory_space<hbm>>
      %dma_start3A_22 = tpu.memref_squeeze %dma_start3A_21 : memref<1x640x64xf32, #tpu.memory_space<hbm>> -> memref<640x64xf32, #tpu.memory_space<hbm>>
      %dma_start3A_23 = arith.constant 0 : i32
      %dma_start3A_24 = tpu.memref_slice %arg11[%mul3A_18, %dma_start3A_23] : memref<10240x64xf32, #tpu.memory_space<vmem_shared>> -> memref<640x64xf32, #tpu.memory_space<vmem_shared>>
      tpu.enqueue_dma source(%dma_start3A_24 : memref<640x64xf32, #tpu.memory_space<vmem_shared>>) target(%dma_start3A_22 : memref<640x64xf32, #tpu.memory_space<hbm>>) target_semaphore(%run_scoped3A : memref<!tpu.dma_semaphore, #tpu.memory_space<semaphore_mem>>)
      %dma_wait3A = arith.constant 0 : i32
      %dma_wait3A_25 = tpu.memref_slice %arg6[%arg0, %mul3A_20, %dma_wait3A] : memref<2x10240x64xf32, #tpu.memory_space<hbm>> -> memref<1x640x64xf32, #tpu.memory_space<hbm>>
      %dma_wait3A_26 = tpu.memref_squeeze %dma_wait3A_25 : memref<1x640x64xf32, #tpu.memory_space<hbm>> -> memref<640x64xf32, #tpu.memory_space<hbm>>
      %dma_wait3A_27 = arith.constant 0 : i32
      %dma_wait3A_28 = tpu.memref_slice %arg11[%mul3A_18, %dma_wait3A_27] : memref<10240x64xf32, #tpu.memory_space<vmem_shared>> -> memref<640x64xf32, #tpu.memory_space<vmem_shared>>
      tpu.wait_dma2 semaphore(%run_scoped3A : memref<!tpu.dma_semaphore, #tpu.memory_space<semaphore_mem>>) src(%dma_wait3A_28 : memref<640x64xf32, #tpu.memory_space<vmem_shared>>) dst(%dma_wait3A_26 : memref<640x64xf32, #tpu.memory_space<hbm>>)
      tpu.yield
    }) : () -> ()
    return
  }
}

module attributes {stable_mosaic.version = 14 : i64} {
  func.func @body(%arg0: i32, %arg1: memref<256x128xf32, #tpu.memory_space<vmem>>, %arg2: memref<128x256xf32, #tpu.memory_space<vmem>>, %arg3: memref<1x256xf32, #tpu.memory_space<vmem>>, %arg4: memref<256x64xf32, #tpu.memory_space<vmem>>, %arg5: memref<1x64xf32, #tpu.memory_space<vmem>>, %arg6: memref<256x64xf32, #tpu.memory_space<vmem>>) attributes {dimension_semantics = [#tpu.dimension_semantics<arbitrary>], iteration_bounds = array<i64: 40>, scalar_prefetch = 0 : i64, scratch_operands = 0 : i64, tpu.core_type = #tpu.core_type<tc>, window_params = [{transform_indices = @transform_0, window_bounds = array<i64: 256, 128>}, {pipeline_mode = #tpu.pipeline_mode<synchronous>, transform_indices = @transform_1, window_bounds = array<i64: 128, 256>}, {pipeline_mode = #tpu.pipeline_mode<synchronous>, transform_indices = @transform_2, window_bounds = array<i64: 1, 256>}, {pipeline_mode = #tpu.pipeline_mode<synchronous>, transform_indices = @transform_3, window_bounds = array<i64: 256, 64>}, {pipeline_mode = #tpu.pipeline_mode<synchronous>, transform_indices = @transform_4, window_bounds = array<i64: 1, 64>}, {transform_indices = @transform_5, window_bounds = array<i64: 256, 64>}]} {
    %get3A = arith.constant 0 : index
    %get3A_0 = arith.constant 0 : index
    %get3A_1 = vector.load %arg1[%get3A, %get3A_0] : memref<256x128xf32, #tpu.memory_space<vmem>>, vector<256x128xf32>
    %get3A_2 = arith.constant 0 : index
    %get3A_3 = arith.constant 0 : index
    %get3A_4 = vector.load %arg2[%get3A_2, %get3A_3] : memref<128x256xf32, #tpu.memory_space<vmem>>, vector<128x256xf32>
    %dot_general3A = arith.constant dense<0.000000e+00> : vector<256x256xf32>
    %dot_general3A_5 = tpu.matmul %get3A_1, %get3A_4, %dot_general3A {dimension_numbers = #tpu.dot_dimension_numbers<[1], [0], [0], [1], [0, 0, 1, 1], [], []>, transpose_lhs_hint = false} : vector<256x128xf32>, vector<128x256xf32>, vector<256x256xf32> -> vector<256x256xf32>
    %get3A_6 = arith.constant 0 : index
    %get3A_7 = arith.constant 0 : index
    %get3A_8 = vector.load %arg3[%get3A_6, %get3A_7] : memref<1x256xf32, #tpu.memory_space<vmem>>, vector<1x256xf32>
    %add3A = vector.broadcast %get3A_8 : vector<1x256xf32> to vector<256x256xf32>
    %add3A_9 = arith.addf %dot_general3A_5, %add3A : vector<256x256xf32>
    %max3A = arith.constant 0.000000e+00 : f32
    %max3A_10 = vector.broadcast %max3A : f32 to vector<256x256xf32>
    %max3A_11 = arith.maximumf %add3A_9, %max3A_10 : vector<256x256xf32>
    %get3A_12 = arith.constant 0 : index
    %get3A_13 = arith.constant 0 : index
    %get3A_14 = vector.load %arg4[%get3A_12, %get3A_13] : memref<256x64xf32, #tpu.memory_space<vmem>>, vector<256x64xf32>
    %dot_general3A_15 = arith.constant dense<0.000000e+00> : vector<256x64xf32>
    %dot_general3A_16 = tpu.matmul %max3A_11, %get3A_14, %dot_general3A_15 {dimension_numbers = #tpu.dot_dimension_numbers<[1], [0], [0], [1], [0, 0, 1, 1], [], []>, transpose_lhs_hint = false} : vector<256x256xf32>, vector<256x64xf32>, vector<256x64xf32> -> vector<256x64xf32>
    %get3A_17 = arith.constant 0 : index
    %get3A_18 = arith.constant 0 : index
    %get3A_19 = vector.load %arg5[%get3A_17, %get3A_18] : memref<1x64xf32, #tpu.memory_space<vmem>>, vector<1x64xf32>
    %add3A_20 = vector.broadcast %get3A_19 : vector<1x64xf32> to vector<256x64xf32>
    %add3A_21 = arith.addf %dot_general3A_16, %add3A_20 : vector<256x64xf32>
    %swap3A = arith.constant 0 : index
    %swap3A_22 = arith.constant 0 : index
    %swap3A_23 = vector.load %arg6[%swap3A, %swap3A_22] : memref<256x64xf32, #tpu.memory_space<vmem>>, vector<256x64xf32>
    tpu.vector_store %arg6[%swap3A, %swap3A_22], %add3A_21 {strides = array<i32>} : memref<256x64xf32, #tpu.memory_space<vmem>>, vector<256x64xf32>,
    return
  }
  func.func @transform_0(%arg0: i32) -> (i32, i32) {
    %c0_i32 = arith.constant 0 : i32
    %c0_i32_0 = arith.constant 0 : i32
    return %arg0, %c0_i32 : i32, i32
  }
  func.func @transform_1(%arg0: i32) -> (i32, i32) {
    %c0_i32 = arith.constant 0 : i32
    %c0_i32_0 = arith.constant 0 : i32
    %c0_i32_1 = arith.constant 0 : i32
    return %c0_i32, %c0_i32_0 : i32, i32
  }
  func.func @transform_2(%arg0: i32) -> (i32, i32) {
    %c0_i32 = arith.constant 0 : i32
    %c0_i32_0 = arith.constant 0 : i32
    %c0_i32_1 = arith.constant 0 : i32
    return %c0_i32, %c0_i32_0 : i32, i32
  }
  func.func @transform_3(%arg0: i32) -> (i32, i32) {
    %c0_i32 = arith.constant 0 : i32
    %c0_i32_0 = arith.constant 0 : i32
    %c0_i32_1 = arith.constant 0 : i32
    return %c0_i32, %c0_i32_0 : i32, i32
  }
  func.func @transform_4(%arg0: i32) -> (i32, i32) {
    %c0_i32 = arith.constant 0 : i32
    %c0_i32_0 = arith.constant 0 : i32
    %c0_i32_1 = arith.constant 0 : i32
    return %c0_i32, %c0_i32_0 : i32, i32
  }
  func.func @transform_5(%arg0: i32) -> (i32, i32) {
    %c0_i32 = arith.constant 0 : i32
    %c0_i32_0 = arith.constant 0 : i32
    return %arg0, %c0_i32 : i32, i32
  }
}

module attributes {stable_mosaic.version = 14 : i64} {
  func.func @body(%arg0: i32, %arg1: memref<2x256x16xf32, #tpu.memory_space<vmem>>, %arg2: memref<256x64xf32, #tpu.memory_space<vmem>>, %arg3: memref<256x64xf32, #tpu.memory_space<vmem>>, %arg4: memref<256x64xf32, #tpu.memory_space<vmem>>, %arg5: memref<256x64xf32, #tpu.memory_space<vmem>>, %arg6: memref<256x64xf32, #tpu.memory_space<vmem>>) attributes {dimension_semantics = [#tpu.dimension_semantics<arbitrary>], iteration_bounds = array<i64: 40>, scalar_prefetch = 0 : i64, scratch_operands = 0 : i64, tpu.core_type = #tpu.core_type<tc>, window_params = [{transform_indices = @transform_0, window_bounds = array<i64: 2, 256, 16>}, {transform_indices = @transform_1, window_bounds = array<i64: 256, 64>}, {transform_indices = @transform_2, window_bounds = array<i64: 256, 64>}, {transform_indices = @transform_3, window_bounds = array<i64: 256, 64>}, {transform_indices = @transform_4, window_bounds = array<i64: 256, 64>}, {transform_indices = @transform_5, window_bounds = array<i64: 256, 64>}]} {
    %get3A = arith.constant 0 : index
    %get3A_0 = arith.constant 0 : index
    %get3A_1 = arith.constant 0 : index
    %get3A_2 = vector.load %arg1[%get3A, %get3A_0, %get3A_1] : memref<2x256x16xf32, #tpu.memory_space<vmem>>, vector<1x256x1xf32>
    %get3A_3 = vector.shape_cast %get3A_2 : vector<1x256x1xf32> to vector<256x1xf32>
    %get3A_4 = arith.constant 1 : index
    %get3A_5 = arith.constant 0 : index
    %get3A_6 = arith.constant 0 : index
    %get3A_7 = vector.load %arg1[%get3A_4, %get3A_5, %get3A_6] : memref<2x256x16xf32, #tpu.memory_space<vmem>>, vector<1x256x1xf32>
    %get3A_8 = vector.shape_cast %get3A_7 : vector<1x256x1xf32> to vector<256x1xf32>
    %add3A = arith.addf %get3A_3, %get3A_8 : vector<256x1xf32>
    %add3A_9 = arith.constant 1.000000e+00 : f32
    %add3A_10 = vector.broadcast %add3A_9 : f32 to vector<256x1xf32>
    %add3A_11 = arith.addf %add3A, %add3A_10 : vector<256x1xf32>
    %rsqrt3A = math.rsqrt %add3A_11 : vector<256x1xf32>
    %get3A_12 = arith.constant 0 : index
    %get3A_13 = arith.constant 0 : index
    %get3A_14 = vector.load %arg2[%get3A_12, %get3A_13] : memref<256x64xf32, #tpu.memory_space<vmem>>, vector<256x64xf32>
    %mul3A = vector.broadcast %rsqrt3A : vector<256x1xf32> to vector<256x64xf32>
    %mul3A_15 = arith.mulf %mul3A, %get3A_14 : vector<256x64xf32>
    %swap3A = arith.constant 0 : index
    %swap3A_16 = arith.constant 0 : index
    %swap3A_17 = vector.load %arg3[%swap3A, %swap3A_16] : memref<256x64xf32, #tpu.memory_space<vmem>>, vector<256x64xf32>
    tpu.vector_store %arg3[%swap3A, %swap3A_16], %mul3A_15 {strides = array<i32>} : memref<256x64xf32, #tpu.memory_space<vmem>>, vector<256x64xf32>,
    %div3A = arith.constant 0.899999976 : f32
    %div3A_18 = vector.broadcast %div3A : f32 to vector<256x1xf32>
    %div3A_19 = arith.divf %div3A_18, %add3A_11 : vector<256x1xf32>
    %broadcast_in_dim3A = vector.shape_cast %div3A_19 : vector<256x1xf32> to vector<256x1xf32>
    %broadcast_in_dim3A_20 = vector.broadcast %broadcast_in_dim3A : vector<256x1xf32> to vector<256x64xf32>
    %swap3A_21 = arith.constant 0 : index
    %swap3A_22 = arith.constant 0 : index
    %swap3A_23 = vector.load %arg4[%swap3A_21, %swap3A_22] : memref<256x64xf32, #tpu.memory_space<vmem>>, vector<256x64xf32>
    tpu.vector_store %arg4[%swap3A_21, %swap3A_22], %broadcast_in_dim3A_20 {strides = array<i32>} : memref<256x64xf32, #tpu.memory_space<vmem>>, vector<256x64xf32>,
    %mul3A_24 = arith.constant 1.000000e-01 : f32
    %mul3A_25 = vector.broadcast %mul3A_24 : f32 to vector<256x64xf32>
    %mul3A_26 = arith.mulf %mul3A_25, %mul3A_15 : vector<256x64xf32>
    %swap3A_27 = arith.constant 0 : index
    %swap3A_28 = arith.constant 0 : index
    %swap3A_29 = vector.load %arg5[%swap3A_27, %swap3A_28] : memref<256x64xf32, #tpu.memory_space<vmem>>, vector<256x64xf32>
    tpu.vector_store %arg5[%swap3A_27, %swap3A_28], %mul3A_26 {strides = array<i32>} : memref<256x64xf32, #tpu.memory_space<vmem>>, vector<256x64xf32>,
    %sqrt3A = math.sqrt %add3A_11 : vector<256x1xf32>
    %broadcast_in_dim3A_30 = vector.shape_cast %sqrt3A : vector<256x1xf32> to vector<256x1xf32>
    %broadcast_in_dim3A_31 = vector.broadcast %broadcast_in_dim3A_30 : vector<256x1xf32> to vector<256x64xf32>
    %swap3A_32 = arith.constant 0 : index
    %swap3A_33 = arith.constant 0 : index
    %swap3A_34 = vector.load %arg6[%swap3A_32, %swap3A_33] : memref<256x64xf32, #tpu.memory_space<vmem>>, vector<256x64xf32>
    tpu.vector_store %arg6[%swap3A_32, %swap3A_33], %broadcast_in_dim3A_31 {strides = array<i32>} : memref<256x64xf32, #tpu.memory_space<vmem>>, vector<256x64xf32>,
    return
  }
  func.func @transform_0(%arg0: i32) -> (i32, i32, i32) {
    %c0_i32 = arith.constant 0 : i32
    %c0_i32_0 = arith.constant 0 : i32
    %c0_i32_1 = arith.constant 0 : i32
    return %c0_i32, %arg0, %c0_i32_0 : i32, i32, i32
  }
  func.func @transform_1(%arg0: i32) -> (i32, i32) {
    %c0_i32 = arith.constant 0 : i32
    %c0_i32_0 = arith.constant 0 : i32
    return %arg0, %c0_i32 : i32, i32
  }
  func.func @transform_2(%arg0: i32) -> (i32, i32) {
    %c0_i32 = arith.constant 0 : i32
    %c0_i32_0 = arith.constant 0 : i32
    return %arg0, %c0_i32 : i32, i32
  }
  func.func @transform_3(%arg0: i32) -> (i32, i32) {
    %c0_i32 = arith.constant 0 : i32
    %c0_i32_0 = arith.constant 0 : i32
    return %arg0, %c0_i32 : i32, i32
  }
  func.func @transform_4(%arg0: i32) -> (i32, i32) {
    %c0_i32 = arith.constant 0 : i32
    %c0_i32_0 = arith.constant 0 : i32
    return %arg0, %c0_i32 : i32, i32
  }
  func.func @transform_5(%arg0: i32) -> (i32, i32) {
    %c0_i32 = arith.constant 0 : i32
    %c0_i32_0 = arith.constant 0 : i32
    return %arg0, %c0_i32 : i32, i32
  }
}

module attributes {stable_mosaic.version = 14 : i64} {
  func.func @body(%arg0: i32, %arg1: memref<2x256x64xf32, #tpu.memory_space<vmem>>, %arg2: memref<256x64xf32, #tpu.memory_space<vmem>>, %arg3: memref<256x64xf32, #tpu.memory_space<vmem>>, %arg4: memref<256x64xf32, #tpu.memory_space<vmem>>) attributes {dimension_semantics = [#tpu.dimension_semantics<arbitrary>], iteration_bounds = array<i64: 40>, scalar_prefetch = 0 : i64, scratch_operands = 0 : i64, tpu.core_type = #tpu.core_type<tc>, window_params = [{transform_indices = @transform_0, window_bounds = array<i64: 2, 256, 64>}, {transform_indices = @transform_1, window_bounds = array<i64: 256, 64>}, {transform_indices = @transform_2, window_bounds = array<i64: 256, 64>}, {transform_indices = @transform_3, window_bounds = array<i64: 256, 64>}]} {
    %get3A = arith.constant 0 : index
    %get3A_0 = arith.constant 0 : index
    %get3A_1 = vector.load %arg2[%get3A, %get3A_0] : memref<256x64xf32, #tpu.memory_space<vmem>>, vector<256x64xf32>
    %get3A_2 = arith.constant 0 : index
    %get3A_3 = arith.constant 0 : index
    %get3A_4 = arith.constant 0 : index
    %get3A_5 = vector.load %arg1[%get3A_2, %get3A_3, %get3A_4] : memref<2x256x64xf32, #tpu.memory_space<vmem>>, vector<1x256x64xf32>
    %get3A_6 = vector.shape_cast %get3A_5 : vector<1x256x64xf32> to vector<256x64xf32>
    %get3A_7 = arith.constant 1 : index
    %get3A_8 = arith.constant 0 : index
    %get3A_9 = arith.constant 0 : index
    %get3A_10 = vector.load %arg1[%get3A_7, %get3A_8, %get3A_9] : memref<2x256x64xf32, #tpu.memory_space<vmem>>, vector<1x256x64xf32>
    %get3A_11 = vector.shape_cast %get3A_10 : vector<1x256x64xf32> to vector<256x64xf32>
    %add3A = arith.addf %get3A_6, %get3A_11 : vector<256x64xf32>
    %mul3A = arith.mulf %get3A_1, %add3A : vector<256x64xf32>
    %get3A_12 = arith.constant 0 : index
    %get3A_13 = arith.constant 0 : index
    %get3A_14 = vector.load %arg3[%get3A_12, %get3A_13] : memref<256x64xf32, #tpu.memory_space<vmem>>, vector<256x64xf32>
    %add3A_15 = arith.addf %mul3A, %get3A_14 : vector<256x64xf32>
    %swap3A = arith.constant 0 : index
    %swap3A_16 = arith.constant 0 : index
    %swap3A_17 = vector.load %arg4[%swap3A, %swap3A_16] : memref<256x64xf32, #tpu.memory_space<vmem>>, vector<256x64xf32>
    tpu.vector_store %arg4[%swap3A, %swap3A_16], %add3A_15 {strides = array<i32>} : memref<256x64xf32, #tpu.memory_space<vmem>>, vector<256x64xf32>,
    return
  }
  func.func @transform_0(%arg0: i32) -> (i32, i32, i32) {
    %c0_i32 = arith.constant 0 : i32
    %c0_i32_0 = arith.constant 0 : i32
    %c0_i32_1 = arith.constant 0 : i32
    return %c0_i32, %arg0, %c0_i32_0 : i32, i32, i32
  }
  func.func @transform_1(%arg0: i32) -> (i32, i32) {
    %c0_i32 = arith.constant 0 : i32
    %c0_i32_0 = arith.constant 0 : i32
    return %arg0, %c0_i32 : i32, i32
  }
  func.func @transform_2(%arg0: i32) -> (i32, i32) {
    %c0_i32 = arith.constant 0 : i32
    %c0_i32_0 = arith.constant 0 : i32
    return %arg0, %c0_i32 : i32, i32
  }
  func.func @transform_3(%arg0: i32) -> (i32, i32) {
    %c0_i32 = arith.constant 0 : i32
    %c0_i32_0 = arith.constant 0 : i32
    return %arg0, %c0_i32 : i32, i32
  }
}

module attributes {stable_mosaic.version = 14 : i64} {
  func.func @body(%arg0: i32, %arg1: memref<2x256x64xf32, #tpu.memory_space<vmem>>, %arg2: memref<256x64xf32, #tpu.memory_space<vmem>>, %arg3: memref<256x64xf32, #tpu.memory_space<vmem>>, %arg4: memref<256x64xf32, #tpu.memory_space<vmem>>, %arg5: memref<256x64xf32, #tpu.memory_space<vmem>>) attributes {dimension_semantics = [#tpu.dimension_semantics<arbitrary>], iteration_bounds = array<i64: 40>, scalar_prefetch = 0 : i64, scratch_operands = 0 : i64, tpu.core_type = #tpu.core_type<tc>, window_params = [{transform_indices = @transform_0, window_bounds = array<i64: 2, 256, 64>}, {transform_indices = @transform_1, window_bounds = array<i64: 256, 64>}, {transform_indices = @transform_2, window_bounds = array<i64: 256, 64>}, {transform_indices = @transform_3, window_bounds = array<i64: 256, 64>}, {transform_indices = @transform_4, window_bounds = array<i64: 256, 64>}]} {
    %get3A = arith.constant 0 : index
    %get3A_0 = arith.constant 0 : index
    %get3A_1 = vector.load %arg2[%get3A, %get3A_0] : memref<256x64xf32, #tpu.memory_space<vmem>>, vector<256x64xf32>
    %get3A_2 = arith.constant 0 : index
    %get3A_3 = arith.constant 0 : index
    %get3A_4 = arith.constant 0 : index
    %get3A_5 = vector.load %arg1[%get3A_2, %get3A_3, %get3A_4] : memref<2x256x64xf32, #tpu.memory_space<vmem>>, vector<1x256x64xf32>
    %get3A_6 = vector.shape_cast %get3A_5 : vector<1x256x64xf32> to vector<256x64xf32>
    %get3A_7 = arith.constant 1 : index
    %get3A_8 = arith.constant 0 : index
    %get3A_9 = arith.constant 0 : index
    %get3A_10 = vector.load %arg1[%get3A_7, %get3A_8, %get3A_9] : memref<2x256x64xf32, #tpu.memory_space<vmem>>, vector<1x256x64xf32>
    %get3A_11 = vector.shape_cast %get3A_10 : vector<1x256x64xf32> to vector<256x64xf32>
    %add3A = arith.addf %get3A_6, %get3A_11 : vector<256x64xf32>
    %mul3A = arith.mulf %get3A_1, %add3A : vector<256x64xf32>
    %get3A_12 = arith.constant 0 : index
    %get3A_13 = arith.constant 0 : index
    %get3A_14 = vector.load %arg3[%get3A_12, %get3A_13] : memref<256x64xf32, #tpu.memory_space<vmem>>, vector<256x64xf32>
    %add3A_15 = arith.addf %mul3A, %get3A_14 : vector<256x64xf32>
    %get3A_16 = arith.constant 0 : index
    %get3A_17 = arith.constant 0 : index
    %get3A_18 = vector.load %arg4[%get3A_16, %get3A_17] : memref<256x64xf32, #tpu.memory_space<vmem>>, vector<256x64xf32>
    %mul3A_19 = arith.mulf %get3A_18, %add3A_15 : vector<256x64xf32>
    %swap3A = arith.constant 0 : index
    %swap3A_20 = arith.constant 0 : index
    %swap3A_21 = vector.load %arg5[%swap3A, %swap3A_20] : memref<256x64xf32, #tpu.memory_space<vmem>>, vector<256x64xf32>
    tpu.vector_store %arg5[%swap3A, %swap3A_20], %mul3A_19 {strides = array<i32>} : memref<256x64xf32, #tpu.memory_space<vmem>>, vector<256x64xf32>,
    return
  }
  func.func @transform_0(%arg0: i32) -> (i32, i32, i32) {
    %c0_i32 = arith.constant 0 : i32
    %c0_i32_0 = arith.constant 0 : i32
    %c0_i32_1 = arith.constant 0 : i32
    return %c0_i32, %arg0, %c0_i32_0 : i32, i32, i32
  }
  func.func @transform_1(%arg0: i32) -> (i32, i32) {
    %c0_i32 = arith.constant 0 : i32
    %c0_i32_0 = arith.constant 0 : i32
    return %arg0, %c0_i32 : i32, i32
  }
  func.func @transform_2(%arg0: i32) -> (i32, i32) {
    %c0_i32 = arith.constant 0 : i32
    %c0_i32_0 = arith.constant 0 : i32
    return %arg0, %c0_i32 : i32, i32
  }
  func.func @transform_3(%arg0: i32) -> (i32, i32) {
    %c0_i32 = arith.constant 0 : i32
    %c0_i32_0 = arith.constant 0 : i32
    return %arg0, %c0_i32 : i32, i32
  }
  func.func @transform_4(%arg0: i32) -> (i32, i32) {
    %c0_i32 = arith.constant 0 : i32
    %c0_i32_0 = arith.constant 0 : i32
    return %arg0, %c0_i32 : i32, i32
  }
}

</mosaic_0001>

<sc_bundles>
// kernel: kernel.25.cloned.1.call-start
scs
__scs_entry_jumppad:
0x0: {  	(pc) =	sbr.rel $0x88, $3  }
0x1: {  	(tag) =	ssettag $0x0;
	lr =	simm.s32 $0x1  }
0x2: {  	[smem:$0x3F9B] =	sst lr;
	_ =	strace $0xD0000000  }
0x3: {  	_ = 	snop  }
0x4: {  	_ = 	snop  }
0x5: {  	_ = 	snop  }
0x6: {  	_ = 	snop  }
0x7: {  	_ = 	snop  }
__scs_overlays_trampoline_lowered:
0x8: {  	[smem:$0x3FAA] =	sst s0  }
0x9: {  	[smem:$0x3FAB] =	sst s1  }
0xa: {  	[smem:$0x3FAC] =	sst s2  }
0xb: {  	[smem:$0x3FAD] =	sst s3  }
0xc: {  	[smem:$0x3FAE] =	sst s4  }
0xd: {  	[smem:$0x3FAF] =	sst s5  }
0xe: {  	[smem:$0x3FB0] =	sst s6  }
0xf: {  	[smem:$0x3FB1] =	sst s7  }
0x10: {  	[smem:$0x3FB2] =	sst s8  }
0x11: {  	[smem:$0x3FB3] =	sst s9;
	s0 =	simm.s32 @!p0 $0x0  }
0x12: {  	s1 =	sld [smem:$0x3F99];
	s0 =	simm.s32 @p0 $0x1  }
0x13: {  	[smem:$0x3FB4] =	sst s0;
	s0 =	simm.s32 @!p1 $0x0  }
0x14: {  	s2 =	sld [smem:$0x3F98];
	s0 =	simm.s32 @p1 $0x1  }
0x15: {  	[smem:$0x3FB5] =	sst s0;
	s0 =	simm.s32 @!p2 $0x0  }
0x16: {  	s3 =	sld [smem:$0x3FDB];
	s0 =	simm.s32 @p2 $0x1  }
0x17: {  	s4 =	simm.s32 $0x1BF5;
	[smem:$0x3FB7] =	sst s0  }
0x18: {  	s0 =	sld [smem:$0x3F9A];
	_ =	swait.ge [sflag:s4], $0x0  }
0x19: {  	s7 =	sld [smem:$0x3F9B]  }
0x1a: {  	s8 =	sadd.s32 $0xFFFFE003, lr  }
0x1b: {  	s9 =	sadd.s32 $0xFFFFFEF7, lr;
	s5 =	simm.s32 $0xFFFFFFFF;
	p2 =	slt.u32 s8, $0xFFFFF086  }
0x1c: {  	p1 =	slt.u32 s9, $0xF7A;
	s5 =	simm.s32 @!p2 $0x0  }
0x1d: {  	s5 =	simm.s32 @p1 $0x1;
	p0 =	seq.s32 s7, s2  }
0x1e: {  	s7 =	smul.u32 @!p0 $0xF7A, s2;
	p2 =	seq.s32 @!p0 s5, $0x0  }
0x1f: {  	s9 =	smul.u32 $0xF7A, s1;
	s8 =	simm.s32 @!p0 $0x1BF5;
	p2 =	por !p2, p0  }
0x20: {  	[sflag:s8] =	ssyncset.s32 @!p0 $0xFFFFF086;
	s6 =	sadd.s32 @!p0 s3, s7;
	s7 =	simm.s32 @!p0 $0x108  }
0x21: {  	s3 =	sadd.s32 s3, s9;
	s6 =	sadd.s32 @!p0 $0x88, s6;
	s7 =	simm.s32 @p2 $0x1082  }
0x22: {  	[simem:s7], [sflag:s8] =	dma.local @!p0 [hbm:s6], $0xF7A  }
0x23: {  	s9 =	sor.u32 $0xD0000000, s2;
	s6 =	simm.s32 $0x108;
	_ =	swait.ge @!p0 [sflag:s8], $0x0  }
0x24: {  	s3 =	sadd.s32 $0x88, s3;
	s6 =	simm.s32 @!p1 $0x1082;
	[sflag:s4] =	ssyncset.s32 $0xFFFFF086  }
0x25: {  	[simem:s6], [sflag:s4] =	dma.local [hbm:s3], $0xF7A  }
0x26: {  	[smem:$0x3F9B] =	sst s1;
	(tag) =	ssettag s2;
	_ =	strace s9  }
0x27: {  	s1 =	sld [smem:$0x3FAB]  }
0x28: {  	s2 =	sld [smem:$0x3FAC]  }
0x29: {  	s4 =	sld [smem:$0x3FAE]  }
0x2a: {  	p0 =	seq.s32 s5, $0x0;
	s5 =	sld [smem:$0x3FAF]  }
0x2b: {  	s6 =	sld [smem:$0x3FB0]  }
0x2c: {  	s7 =	sld [smem:$0x3FB1]  }
0x2d: {  	s3 =	simm.s32 $0x108;
	s8 =	sld [smem:$0x3FB2]  }
0x2e: {  	s3 =	simm.s32 @!p0 $0x1082;
	s9 =	sld [smem:$0x3FB3]  }
0x2f: {  	lr =	sadd.s32 s0, s3;
	s0 =	sld [smem:$0x3FAA]  }
0x30: {  	s3 =	sld [smem:$0x3FAD]  }
0x31: {  	[smem:$0x3FB6] =	sst s10  }
0x32: {  	s10 =	sld [smem:$0x3FB4];
	_ =	sdelay $0x3  }
0x33: {  	p0 =	seq.s32 s10, $0x1;
	s10 =	sld [smem:$0x3FB6];
	_ =	sdelay $0x3  }
0x34: {  	[smem:$0x3FB6] =	sst s10  }
0x35: {  	s10 =	sld [smem:$0x3FB5];
	_ =	sdelay $0x3  }
0x36: {  	p1 =	seq.s32 s10, $0x1;
	s10 =	sld [smem:$0x3FB6];
	_ =	sdelay $0x3  }
0x37: {  	[smem:$0x3FB6] =	sst s10  }
0x38: {  	s10 =	sld [smem:$0x3FB7]  }
0x39: {  	_ = 	snop;
	(pc) =	sbr.ind lr, $3  }
0x3a: {  	_ = 	snop  }
0x3b: {  	_ = 	snop  }
0x3c: {  	p2 =	seq.s32 s10, $0x1;
	s10 =	sld [smem:$0x3FB6]  }
0x3d: {  	_ =	shalt  }
0x3e: {  	_ =	shalt  }
0x3f: {  	_ =	shalt  }
0x40: {  	_ =	shalt  }
0x41: {  	_ =	shalt  }
0x42: {  	_ =	shalt  }
0x43: {  	_ =	shalt  }
0x44: {  	_ =	shalt  }
0x45: {  	_ =	shalt  }
0x46: {  	_ =	shalt  }
0x47: {  	_ =	shalt  }
0x48: {  	_ =	shalt  }
0x49: {  	_ =	shalt  }
0x4a: {  	_ =	shalt  }
0x4b: {  	_ =	shalt  }
0x4c: {  	_ =	shalt  }
0x4d: {  	_ =	shalt  }
0x4e: {  	_ =	shalt  }
0x4f: {  	_ =	shalt  }
0x50: {  	_ =	shalt  }
0x51: {  	_ =	shalt  }
0x52: {  	_ =	shalt  }
0x53: {  	_ =	shalt  }
0x54: {  	_ =	shalt  }
0x55: {  	_ =	shalt  }
0x56: {  	_ =	shalt  }
0x57: {  	_ =	shalt  }
0x58: {  	_ =	shalt  }
0x59: {  	_ =	shalt  }
0x5a: {  	_ =	shalt  }
0x5b: {  	_ =	shalt  }
0x5c: {  	_ =	shalt  }
0x5d: {  	_ =	shalt  }
0x5e: {  	_ =	shalt  }
0x5f: {  	_ =	shalt  }
0x60: {  	_ =	shalt  }
0x61: {  	_ =	shalt  }
0x62: {  	_ =	shalt  }
0x63: {  	_ =	shalt  }
0x64: {  	_ =	shalt  }
0x65: {  	_ =	shalt  }
0x66: {  	_ =	shalt  }
0x67: {  	_ =	shalt  }
0x68: {  	_ =	shalt  }
0x69: {  	_ =	shalt  }
0x6a: {  	_ =	shalt  }
0x6b: {  	_ =	shalt  }
0x6c: {  	_ =	shalt  }
0x6d: {  	_ =	shalt  }
0x6e: {  	_ =	shalt  }
0x6f: {  	_ =	shalt  }
0x70: {  	_ =	shalt  }
0x71: {  	_ =	shalt  }
0x72: {  	_ =	shalt  }
0x73: {  	_ =	shalt  }
0x74: {  	_ =	shalt  }
0x75: {  	_ =	shalt  }
0x76: {  	_ =	shalt  }
0x77: {  	_ =	shalt  }
0x78: {  	_ =	shalt  }
0x79: {  	_ =	shalt  }
0x7a: {  	_ =	shalt  }
0x7b: {  	_ =	shalt  }
0x7c: {  	_ =	shalt  }
0x7d: {  	_ =	shalt  }
0x7e: {  	_ =	shalt  }
0x7f: {  	_ =	shalt  }
0x80: {  	_ =	shalt  }
0x81: {  	_ =	shalt  }
0x82: {  	_ =	shalt  }
0x83: {  	_ =	shalt  }
0x84: {  	_ =	shalt  }
0x85: {  	_ =	shalt  }
0x86: {  	_ =	shalt  }
0x87: {  	_ =	shalt  }
.Lfunc_end0:
.L_simem_size_0:
called_computation_lowered:
.L_overlay_start_0:
0x88: {  	s2 =	sld [smem:$0x3FD9]  }
0x89: {  	s3 =	sld [smem:$0x3FFE];
	_ =	sdelay $0x1  }
0x8a: {  	s1 =	srdreg.scid  }
0x8b: {  	s0 =	sand.u32 $0x1, s1  }
0x8c: {  	s17 =	sshll.u32 s0, $0xA;
	s2 =	sadd.s32 s3, s2  }
0x8d: {  	s2 =	sadd.s32 s2, s17  }
0x8e: {  	[smem:$0x3FC2] =	sst s2  }
0x8f: {  	_ = 	snop  }
0x90: {  	s2 =	sld [smem:$0x3FD0];
	(tm) =	ssettm $0x1  }
0x91: {  	s18 =	sld [smem:$0x3FFB];
	_ =	sdelay $0x3  }
0x92: {  	_ =	strace s18  }
0x93: {  	s3 =	sld [smem:$0x3FFC];
	_ =	sdelay $0x3  }
0x94: {  	_ =	strace s3  }
0x95: {  	s3 =	sld [smem:$0x3FFD];
	_ =	sdelay $0x3  }
0x96: {  	_ =	strace s3  }
0x97: {  	_ =	strace $0x8FFFFFFF  }
0x98: {  	s19 =	sld [smem:$0x3FDB];
	_ =	sdelay $0x1  }
0x99: {  	s4 =	simm.s32 $_scs_section_size  }
0x9a: {  	s5 =	simm.s32 $_size__tile_overlayer_lowered;
	s6 =	simm.s32 $_tile_overlayer_lowered  }
0x9b: {  	s22 =	simm.s32 $0x1BFF;
	s21 =	sshll.u32 s6, $0x1;
	s3 =	sadd.s32 s4, s19  }
0x9c: {  	s7 =	simm.s32 $0x0;
	s20 =	sshll.u32 s5, $0x1;
	s5 =	sadd.s32 s21, s3  }
0x9d: {  	[timem:s7], [sflag:s22] =	dma.local [hbm:s5], s20  }
0x9e: {  	_ =	swait.ge [sflag:s22], s20  }
0x9f: {  	s4 =	ssub.s32 $0x0, s20;
	[sflag:s22] =	ssyncset.done $0x0  }
0xa0: {  	[sflag:s22] =	ssyncadd.s32 s4;
	_ =	sdelay $0x1  }
0xa1: {  	s23 =	simm.s32 $0x1B8B  }
0xa2: {  	_ =	swait.ge [sflag:s23], $0x1  }
0xa3: {  	[sflag:s23] =	ssyncset.done $0x0  }
0xa4: {  	s25 =	simm.s32 $0x1B8E;
	s24 =	sld [smem:$0x3FFE];
	[sflag:s23] =	ssyncadd.s32 $0xFFFFFFFF  }
0xa5: {  	s26 =	simm.s32 $execute0_lowered;
	[smem:$0x3FD2] =	sst s25  }
0xa6: {  	s5 =	sshll.u32 s26, $0x1;
	_ =	strace $0x80000046;
	[dreg:$0x1] =	wrdreg $0xFFFFFFFF  }
0xa7: {  	s28 =	simm.s32 $_size_execute0_lowered;
	s3 =	sadd.s32 s3, s5;
	[dreg:$0x0] =	wrdreg $0x0  }
0xa8: {  	s5 =	sshll.u32 s28, $0x1;
	[dreg:$0x2] =	wrdreg s3  }
0xa9: {  	[dreg:$0x3] =	wrdreg s5  }
0xaa: {  	[dreg:$0x4] =	wrdreg $0xC0  }
0xab: {  	_ =	task [dreg:s7], $0x5FFFF  }
0xac: {  	[dreg:$0x1] =	wrdreg $0xFFFFFFFF  }
0xad: {  	[dreg:$0x0] =	wrdreg $0x60  }
0xae: {  	[dreg:$0x2] =	wrdreg s24  }
0xaf: {  	[dreg:$0x3] =	wrdreg s2  }
0xb0: {  	[dreg:$0x4] =	wrdreg $0x2F800  }
0xb1: {  	[dreg:$0x5] =	wrdreg $0x9  }
0xb2: {  	_ =	task.clear_ibuf [dreg:s7], $0x6FFFF;
	_ =	strace $0x90000046  }
0xb3: {  	s29 =	simm.s32 $0x9;
	_ =	strace $0x80000048  }
0xb4: {  	_ =	swait.ge [sflag:s29], $0x1  }
0xb5: {  	[sflag:s29] =	ssyncadd.s32 $0xFFFFFFFF  }
0xb6: {  	_ =	strace $0x90000048  }
0xb7: {  	_ =	sfence  }
0xb8: {  	s30 =	sld [smem:$0x0];
	_ =	sdelay $0x2  }
0xb9: {  	s31 =	sshll.u32 s1, $0xD;
	s1 =	sshrl.u32 s1, $0x2  }
0xba: {  	s3 =	sand.u32 $0x4000, s31;
	s1 =	sadd.s32 s1, s30  }
0xbb: {  	s0 =	sor.u32 s3, s0;
	s1 =	sshll.u32 s1, $0x11  }
0xbc: {  	s0 =	sor.u32 s1, s0  }
0xbd: {  	s0 =	sadd.s32 $0x8F2B, s0  }
0xbe: {  	[sflag:s0] =	ssyncadd.remote.s32 $0x1  }
0xbf: {  	_ =	sfence.sel $0xFFFF  }
0xc0: {  	[dreg:$0x0] =	wrdreg $0xFFFFFFFF;
	(pc) =	sbr.abs _section_cstart, $3  }
0xc1: {  	[dreg:$0x1] =	wrdreg $0xFFFFFFFF  }
0xc2: {  	_ =	task.clear_ibuf [dreg:s7], $0x2FFFF;
	_ =	strace $0x9FFFFFFF  }
0xc3: {  	(tm) =	ssettm $0x7FFFFFFF  }
tec
execute0_lowered:
.L_overlay_start_1:
0x0: {  	(tag) =	ssettag $0x1  }
0x1: {  	s5 =	rddreg [dreg:$0x0]  }
0x2: {  	s7 =	rddreg [dreg:$0x1]  }
0x3: {  	s0 =	srdreg.scid;
	s2 =	rddreg [dreg:$0x2]  }
0x4: {  	s3 =	simm.s32 $0x0;
	s13 =	simm.s32 $0x80;
	s14 =	simm.s32 $0x0  }
0x5: {  	s4 =	sand.u32 $0x1, s0;
	s0 =	stileid.u32;
	[smem:$0x7FF] =	sst s3  }
0x6: {  	s1 =	sshll.u32 s4, $0x4;
	s8 =	smul.u32 $0x2800, s0;
	s9 =	ssub.s32 $0x2, s4  }
0x7: {  	s10 =	smul.u32 $0x28000, s4;
	s4 =	sadd.s32 $0xE600, s5;
	s31 =	sshll.u32 s0, $0x6  }
0x8: {  	s6 =	sor.u32 s0, s1;
	s1 =	rddreg [dreg:$0x3];
	s11 =	sshrl.u32 s9, $0x1  }
0x9: {  	_ =	strace $0x80000047;
	s6 =	smul.u32 $0x4F0, s6;
	s9 =	ssub.s32 s9, s11  }
0xa: {  	s10 =	sadd.s32 s8, s10;
	s12 =	sadd.s32 s8, s2;
	s11 =	sor.u32 $0x1C01, s31  }
0xb: {  	s30 =	sshrl.u32 s10, $0x3;
	s8 =	smax.u32 s9, $0x1;
	s9 =	simm.s32 $0x1  }
0xc: {  	s10 =	simm.s32 $0x2780;
	s12 =	sshrl.u32 s12, $0x3;
	s6 =	sadd.s32 s6, s5  }
0xd: {  	s5 =	sadd.s32 $0xE000, s5;
	s7 =	sadd.s32 s7, s30;
	s6 =	sadd.s32 $0x4200, s6  }
.LBB2_1:
0xe: {  	[tilespmem:s3], [sflag:$0x1] =	stream.linear.gather [hbm4b:s6+s3], $0x2780, $0x38;
	[tilespmem:$0x5780] =	vst v63  }
0xf: {  	_ =	swait.ge [sflag:s9], $0x2780  }
0x10: {  	[sflag:s9] =	ssyncset.done $0x0  }
0x11: {  	[sflag:s9] =	ssyncadd.s32 $0xFFFFD880  }
0x12: {  	[tilespmem:s10], [sflag:$0x1] =	stream.linear.gather [hbm4b:s4+s3], $0x800, $0x38;
	[tilespmem:$0x5780] =	vst v63  }
0x13: {  	_ =	swait.ge [sflag:s9], $0x800  }
0x14: {  	[sflag:s9] =	ssyncset.done $0x0  }
0x15: {  	[sflag:s9] =	ssyncadd.s32 $0xFFFFF800  }
0x16: {  	[spmem:s12], [sflag:s11] =	dma.local [hbm:s5], $0x500  }
0x17: {  	_ =	swait.ge [sflag:s9], $0x500  }
0x18: {  	[sflag:s9] =	ssyncset.done $0x0  }
0x19: {  	[sflag:s9] =	ssyncadd.s32 $0xFFFFFB00  }
0x1a: {  	s15 =	simm.s32 $0x0;
	[bflag:$0x0] =	sbarrier.arrive $0xFFFF  }
0x1b: {  	[spmem:s2] =	stream.indirect.scatter.add.f32 [tilespmem:s10], [sflag:$0x1], $0x10, s15, s13, $0xb8;
	[tilespmem:$0x5780] =	vst v63  }
0x1c: {  	_ =	swait.ge [sflag:s9], $0x800  }
0x1d: {  	s15 =	simm.s32 $0x200;
	[sflag:s9] =	ssyncset.done $0x0  }
.LBB2_2:
0x1e: {  	s16 =	sshra.s32 s15, $0x2;
	[sflag:s9] =	ssyncadd.s32 $0xFFFFF800;
	p0 =	sne.s32 s15, $0x9C00  }
0x1f: {  	[spmem:s2] =	stream.indirect.scatter.add.f32 [tilespmem:s10], [sflag:$0x1], $0x10, s16, s13, $0xb8;
	[tilespmem:$0x5780] =	vst v63  }
.Ltmp0:
0x20: {  	_ = 	snop;
	(pc) =	sbr.rel @p0 .LBB2_2-.Ltmp0, $4  }
0x21: {  	_ = 	snop  }
0x22: {  	s15 =	sadd.s32 $0x200, s15  }
0x23: {  	_ =	swait.ge [sflag:s9], $0x800  }
0x24: {  	[sflag:s9] =	ssyncset.done $0x0  }
0x25: {  	s14 =	sadd.s32 $0x1, s14  }
0x26: {  	[sflag:s9] =	ssyncadd.s32 $0xFFFFF800;
	p0 =	sne.s32 s14, s8  }
.Ltmp1:
0x27: {  	[bflag:$0x0] =	sbarrier.arrive $0xFFFF;
	(pc) =	sbr.rel @p0 .LBB2_1-.Ltmp1, $4  }
0x28: {  	[hbm:s7], [sflag:s11] =	dma.local [spmem:s12], $0x500  }
0x29: {  	_ =	swait.ge [sflag:s9], $0x500  }
0x2a: {  	[sflag:s9] =	ssyncset.done $0x0  }
0x2b: {  	[sflag:s9] =	ssyncadd.s32 $0xFFFFFB00  }
0x2c: {  	_ =	sfence.sel $0x180000  }
0x2d: {  	[bflag:$0x0] =	sbarrier.arrive $0xFFFF  }
0x2e: {  	p0 =	sne.s32 s0, $0x0;
	_ =	strace $0x90000047  }
0x2f: {  	s0 =	sadd.s32 @!p0 $0x100000, s1;
	[bflag:$0x2] =	sbarrier.arrive $0xFFFF  }
0x30: {  	[sflag:s0] =	ssyncadd.tile.s32 @!p0 $0x1;
	_ =	shalt  }
.Lfunc_end2:
_tile_overlayer_lowered:
.L_overlay_start_2:
0x31: {  	(tag) =	ssettag $0x2  }
0x32: {  	s0 =	rddreg [dreg:$0x0];
	s2 =	stileid.u32  }
0x33: {  	s1 =	rddreg [dreg:$0x1];
	p0 =	sne.s32 s2, $0x0  }
0x34: {  	s3 =	rddreg [dreg:$0x2];
	[bflag:$0x3] =	sbarrier.arrive $0xFFFF;
	s2 =	simm.s32 @!p0 $0x1C01  }
0x35: {  	[timem:s3], [sflag:s2] =	dma.local @!p0 [hbm:s0], s1  }
0x36: {  	s0 =	simm.s32 @!p0 $0x1  }
0x37: {  	_ =	swait.ge @!p0 [sflag:s0], s1  }
0x38: {  	s1 =	ssub.s32 @!p0 $0x0, s1;
	[sflag:s0] =	ssyncset.done @!p0 $0x0  }
0x39: {  	[sflag:s0] =	ssyncadd.s32 @!p0 s1  }
0x3a: {  	[bflag:$0x3] =	sbarrier.arrive $0xFFFF  }
0x3b: {  	_ =	shalt  }

// kernel: kernel.28.cloned.1.call-start
scs
__scs_entry_jumppad:
0x0: {  	(pc) =	sbr.rel $0x88, $3  }
0x1: {  	(tag) =	ssettag $0x0;
	lr =	simm.s32 $0x1  }
0x2: {  	[smem:$0x3F9B] =	sst lr;
	_ =	strace $0xD0000000  }
0x3: {  	_ = 	snop  }
0x4: {  	_ = 	snop  }
0x5: {  	_ = 	snop  }
0x6: {  	_ = 	snop  }
0x7: {  	_ = 	snop  }
__scs_overlays_trampoline_lowered:
0x8: {  	[smem:$0x3FAA] =	sst s0  }
0x9: {  	[smem:$0x3FAB] =	sst s1  }
0xa: {  	[smem:$0x3FAC] =	sst s2  }
0xb: {  	[smem:$0x3FAD] =	sst s3  }
0xc: {  	[smem:$0x3FAE] =	sst s4  }
0xd: {  	[smem:$0x3FAF] =	sst s5  }
0xe: {  	[smem:$0x3FB0] =	sst s6  }
0xf: {  	[smem:$0x3FB1] =	sst s7  }
0x10: {  	[smem:$0x3FB2] =	sst s8  }
0x11: {  	[smem:$0x3FB3] =	sst s9;
	s0 =	simm.s32 @!p0 $0x0  }
0x12: {  	s1 =	sld [smem:$0x3F99];
	s0 =	simm.s32 @p0 $0x1  }
0x13: {  	[smem:$0x3FB4] =	sst s0;
	s0 =	simm.s32 @!p1 $0x0  }
0x14: {  	s2 =	sld [smem:$0x3F98];
	s0 =	simm.s32 @p1 $0x1  }
0x15: {  	[smem:$0x3FB5] =	sst s0;
	s0 =	simm.s32 @!p2 $0x0  }
0x16: {  	s3 =	sld [smem:$0x3FDB];
	s0 =	simm.s32 @p2 $0x1  }
0x17: {  	s4 =	simm.s32 $0x1BF5;
	[smem:$0x3FB7] =	sst s0  }
0x18: {  	s0 =	sld [smem:$0x3F9A];
	_ =	swait.ge [sflag:s4], $0x0  }
0x19: {  	s7 =	sld [smem:$0x3F9B]  }
0x1a: {  	s8 =	sadd.s32 $0xFFFFE003, lr  }
0x1b: {  	s9 =	sadd.s32 $0xFFFFFEF7, lr;
	s5 =	simm.s32 $0xFFFFFFFF;
	p2 =	slt.u32 s8, $0xFFFFF086  }
0x1c: {  	p1 =	slt.u32 s9, $0xF7A;
	s5 =	simm.s32 @!p2 $0x0  }
0x1d: {  	s5 =	simm.s32 @p1 $0x1;
	p0 =	seq.s32 s7, s2  }
0x1e: {  	s7 =	smul.u32 @!p0 $0xF7A, s2;
	p2 =	seq.s32 @!p0 s5, $0x0  }
0x1f: {  	s9 =	smul.u32 $0xF7A, s1;
	s8 =	simm.s32 @!p0 $0x1BF5;
	p2 =	por !p2, p0  }
0x20: {  	[sflag:s8] =	ssyncset.s32 @!p0 $0xFFFFF086;
	s6 =	sadd.s32 @!p0 s3, s7;
	s7 =	simm.s32 @!p0 $0x108  }
0x21: {  	s3 =	sadd.s32 s3, s9;
	s6 =	sadd.s32 @!p0 $0x88, s6;
	s7 =	simm.s32 @p2 $0x1082  }
0x22: {  	[simem:s7], [sflag:s8] =	dma.local @!p0 [hbm:s6], $0xF7A  }
0x23: {  	s9 =	sor.u32 $0xD0000000, s2;
	s6 =	simm.s32 $0x108;
	_ =	swait.ge @!p0 [sflag:s8], $0x0  }
0x24: {  	s3 =	sadd.s32 $0x88, s3;
	s6 =	simm.s32 @!p1 $0x1082;
	[sflag:s4] =	ssyncset.s32 $0xFFFFF086  }
0x25: {  	[simem:s6], [sflag:s4] =	dma.local [hbm:s3], $0xF7A  }
0x26: {  	[smem:$0x3F9B] =	sst s1;
	(tag) =	ssettag s2;
	_ =	strace s9  }
0x27: {  	s1 =	sld [smem:$0x3FAB]  }
0x28: {  	s2 =	sld [smem:$0x3FAC]  }
0x29: {  	s4 =	sld [smem:$0x3FAE]  }
0x2a: {  	p0 =	seq.s32 s5, $0x0;
	s5 =	sld [smem:$0x3FAF]  }
0x2b: {  	s6 =	sld [smem:$0x3FB0]  }
0x2c: {  	s7 =	sld [smem:$0x3FB1]  }
0x2d: {  	s3 =	simm.s32 $0x108;
	s8 =	sld [smem:$0x3FB2]  }
0x2e: {  	s3 =	simm.s32 @!p0 $0x1082;
	s9 =	sld [smem:$0x3FB3]  }
0x2f: {  	lr =	sadd.s32 s0, s3;
	s0 =	sld [smem:$0x3FAA]  }
0x30: {  	s3 =	sld [smem:$0x3FAD]  }
0x31: {  	[smem:$0x3FB6] =	sst s10  }
0x32: {  	s10 =	sld [smem:$0x3FB4];
	_ =	sdelay $0x3  }
0x33: {  	p0 =	seq.s32 s10, $0x1;
	s10 =	sld [smem:$0x3FB6];
	_ =	sdelay $0x3  }
0x34: {  	[smem:$0x3FB6] =	sst s10  }
0x35: {  	s10 =	sld [smem:$0x3FB5];
	_ =	sdelay $0x3  }
0x36: {  	p1 =	seq.s32 s10, $0x1;
	s10 =	sld [smem:$0x3FB6];
	_ =	sdelay $0x3  }
0x37: {  	[smem:$0x3FB6] =	sst s10  }
0x38: {  	s10 =	sld [smem:$0x3FB7]  }
0x39: {  	_ = 	snop;
	(pc) =	sbr.ind lr, $3  }
0x3a: {  	_ = 	snop  }
0x3b: {  	_ = 	snop  }
0x3c: {  	p2 =	seq.s32 s10, $0x1;
	s10 =	sld [smem:$0x3FB6]  }
0x3d: {  	_ =	shalt  }
0x3e: {  	_ =	shalt  }
0x3f: {  	_ =	shalt  }
0x40: {  	_ =	shalt  }
0x41: {  	_ =	shalt  }
0x42: {  	_ =	shalt  }
0x43: {  	_ =	shalt  }
0x44: {  	_ =	shalt  }
0x45: {  	_ =	shalt  }
0x46: {  	_ =	shalt  }
0x47: {  	_ =	shalt  }
0x48: {  	_ =	shalt  }
0x49: {  	_ =	shalt  }
0x4a: {  	_ =	shalt  }
0x4b: {  	_ =	shalt  }
0x4c: {  	_ =	shalt  }
0x4d: {  	_ =	shalt  }
0x4e: {  	_ =	shalt  }
0x4f: {  	_ =	shalt  }
0x50: {  	_ =	shalt  }
0x51: {  	_ =	shalt  }
0x52: {  	_ =	shalt  }
0x53: {  	_ =	shalt  }
0x54: {  	_ =	shalt  }
0x55: {  	_ =	shalt  }
0x56: {  	_ =	shalt  }
0x57: {  	_ =	shalt  }
0x58: {  	_ =	shalt  }
0x59: {  	_ =	shalt  }
0x5a: {  	_ =	shalt  }
0x5b: {  	_ =	shalt  }
0x5c: {  	_ =	shalt  }
0x5d: {  	_ =	shalt  }
0x5e: {  	_ =	shalt  }
0x5f: {  	_ =	shalt  }
0x60: {  	_ =	shalt  }
0x61: {  	_ =	shalt  }
0x62: {  	_ =	shalt  }
0x63: {  	_ =	shalt  }
0x64: {  	_ =	shalt  }
0x65: {  	_ =	shalt  }
0x66: {  	_ =	shalt  }
0x67: {  	_ =	shalt  }
0x68: {  	_ =	shalt  }
0x69: {  	_ =	shalt  }
0x6a: {  	_ =	shalt  }
0x6b: {  	_ =	shalt  }
0x6c: {  	_ =	shalt  }
0x6d: {  	_ =	shalt  }
0x6e: {  	_ =	shalt  }
0x6f: {  	_ =	shalt  }
0x70: {  	_ =	shalt  }
0x71: {  	_ =	shalt  }
0x72: {  	_ =	shalt  }
0x73: {  	_ =	shalt  }
0x74: {  	_ =	shalt  }
0x75: {  	_ =	shalt  }
0x76: {  	_ =	shalt  }
0x77: {  	_ =	shalt  }
0x78: {  	_ =	shalt  }
0x79: {  	_ =	shalt  }
0x7a: {  	_ =	shalt  }
0x7b: {  	_ =	shalt  }
0x7c: {  	_ =	shalt  }
0x7d: {  	_ =	shalt  }
0x7e: {  	_ =	shalt  }
0x7f: {  	_ =	shalt  }
0x80: {  	_ =	shalt  }
0x81: {  	_ =	shalt  }
0x82: {  	_ =	shalt  }
0x83: {  	_ =	shalt  }
0x84: {  	_ =	shalt  }
0x85: {  	_ =	shalt  }
0x86: {  	_ =	shalt  }
0x87: {  	_ =	shalt  }
.Lfunc_end0:
.L_simem_size_0:
called_computation.1_lowered:
.L_overlay_start_0:
0x88: {  	s2 =	sld [smem:$0x3FD9]  }
0x89: {  	s3 =	sld [smem:$0x3FFE];
	_ =	sdelay $0x1  }
0x8a: {  	s1 =	srdreg.scid  }
0x8b: {  	s0 =	sand.u32 $0x1, s1  }
0x8c: {  	s17 =	sshll.u32 s0, $0xA;
	s2 =	sadd.s32 s3, s2  }
0x8d: {  	s2 =	sadd.s32 s2, s17  }
0x8e: {  	[smem:$0x3FC2] =	sst s2  }
0x8f: {  	_ = 	snop  }
0x90: {  	s2 =	sld [smem:$0x3FD0];
	(tm) =	ssettm $0x1  }
0x91: {  	s18 =	sld [smem:$0x3FFB];
	_ =	sdelay $0x3  }
0x92: {  	_ =	strace s18  }
0x93: {  	s3 =	sld [smem:$0x3FFC];
	_ =	sdelay $0x3  }
0x94: {  	_ =	strace s3  }
0x95: {  	s3 =	sld [smem:$0x3FFD];
	_ =	sdelay $0x3  }
0x96: {  	_ =	strace s3  }
0x97: {  	_ =	strace $0x8FFFFFFF  }
0x98: {  	s19 =	sld [smem:$0x3FDB];
	_ =	sdelay $0x1  }
0x99: {  	s4 =	simm.s32 $_scs_section_size  }
0x9a: {  	s5 =	simm.s32 $_size__tile_overlayer_lowered;
	s6 =	simm.s32 $_tile_overlayer_lowered  }
0x9b: {  	s22 =	simm.s32 $0x1BFF;
	s21 =	sshll.u32 s6, $0x1;
	s3 =	sadd.s32 s4, s19  }
0x9c: {  	s7 =	simm.s32 $0x0;
	s20 =	sshll.u32 s5, $0x1;
	s5 =	sadd.s32 s21, s3  }
0x9d: {  	[timem:s7], [sflag:s22] =	dma.local [hbm:s5], s20  }
0x9e: {  	_ =	swait.ge [sflag:s22], s20  }
0x9f: {  	s4 =	ssub.s32 $0x0, s20;
	[sflag:s22] =	ssyncset.done $0x0  }
0xa0: {  	[sflag:s22] =	ssyncadd.s32 s4;
	_ =	sdelay $0x1  }
0xa1: {  	s23 =	simm.s32 $0x1B8B  }
0xa2: {  	_ =	swait.ge [sflag:s23], $0x1  }
0xa3: {  	[sflag:s23] =	ssyncset.done $0x0  }
0xa4: {  	s25 =	simm.s32 $0x1B8E;
	s24 =	sld [smem:$0x3FFE];
	[sflag:s23] =	ssyncadd.s32 $0xFFFFFFFF  }
0xa5: {  	s26 =	simm.s32 $execute0_lowered;
	[smem:$0x3FD2] =	sst s25  }
0xa6: {  	s5 =	sshll.u32 s26, $0x1;
	_ =	strace $0x80000049;
	[dreg:$0x1] =	wrdreg $0xFFFFFFFF  }
0xa7: {  	s28 =	simm.s32 $_size_execute0_lowered;
	s3 =	sadd.s32 s3, s5;
	[dreg:$0x0] =	wrdreg $0x0  }
0xa8: {  	s5 =	sshll.u32 s28, $0x1;
	[dreg:$0x2] =	wrdreg s3  }
0xa9: {  	[dreg:$0x3] =	wrdreg s5  }
0xaa: {  	[dreg:$0x4] =	wrdreg $0xC0  }
0xab: {  	_ =	task [dreg:s7], $0x5FFFF  }
0xac: {  	[dreg:$0x1] =	wrdreg $0xFFFFFFFF  }
0xad: {  	[dreg:$0x0] =	wrdreg $0x60  }
0xae: {  	[dreg:$0x2] =	wrdreg s24  }
0xaf: {  	[dreg:$0x3] =	wrdreg s2  }
0xb0: {  	[dreg:$0x4] =	wrdreg $0x6F000  }
0xb1: {  	[dreg:$0x5] =	wrdreg $0x10F000  }
0xb2: {  	[dreg:$0x6] =	wrdreg $0x9  }
0xb3: {  	_ =	task.clear_ibuf [dreg:s7], $0x7FFFF;
	_ =	strace $0x90000049  }
0xb4: {  	s29 =	simm.s32 $0x9;
	_ =	strace $0x8000004B  }
0xb5: {  	_ =	swait.ge [sflag:s29], $0x1  }
0xb6: {  	[sflag:s29] =	ssyncadd.s32 $0xFFFFFFFF  }
0xb7: {  	_ =	strace $0x9000004B  }
0xb8: {  	_ =	sfence  }
0xb9: {  	s30 =	sld [smem:$0x0];
	_ =	sdelay $0x2  }
0xba: {  	s31 =	sshll.u32 s1, $0xD;
	s1 =	sshrl.u32 s1, $0x2  }
0xbb: {  	s3 =	sand.u32 $0x4000, s31;
	s1 =	sadd.s32 s1, s30  }
0xbc: {  	s0 =	sor.u32 s3, s0;
	s1 =	sshll.u32 s1, $0x11  }
0xbd: {  	s0 =	sor.u32 s1, s0  }
0xbe: {  	s0 =	sadd.s32 $0x8F2B, s0  }
0xbf: {  	[sflag:s0] =	ssyncadd.remote.s32 $0x1  }
0xc0: {  	_ =	sfence.sel $0xFFFF  }
0xc1: {  	[dreg:$0x0] =	wrdreg $0xFFFFFFFF;
	(pc) =	sbr.abs _section_cstart, $3  }
0xc2: {  	[dreg:$0x1] =	wrdreg $0xFFFFFFFF  }
0xc3: {  	_ =	task.clear_ibuf [dreg:s7], $0x2FFFF;
	_ =	strace $0x9FFFFFFF  }
0xc4: {  	(tm) =	ssettm $0x7FFFFFFF  }
0xc5: {  	_ =	shalt  }
tec
execute0_lowered:
.L_overlay_start_1:
0x0: {  	(tag) =	ssettag $0x1  }
0x1: {  	s6 =	rddreg [dreg:$0x0]  }
0x2: {  	s1 =	rddreg [dreg:$0x1]  }
0x3: {  	s3 =	rddreg [dreg:$0x2]  }
0x4: {  	s4 =	rddreg [dreg:$0x3];
	s5 =	srdreg.scid  }
0x5: {  	s0 =	rddreg [dreg:$0x4];
	s2 =	stileid.u32;
	s17 =	simm.s32 $0x4F00  }
0x6: {  	s18 =	simm.s32 $0x1;
	s19 =	simm.s32 $0x0;
	s11 =	sand.u32 $0x1, s5  }
0x7: {  	s5 =	simm.s32 $0x0;
	s9 =	smul.u32 $0xA000, s2;
	s31 =	sshll.u32 s2, $0x6  }
0x8: {  	s7 =	sshll.u32 s11, $0x4;
	[smem:$0x7FF] =	sst s5;
	s8 =	smul.u32 $0xA0000, s11  }
0x9: {  	s12 =	ssub.s32 $0x2, s11;
	p0 =	seq.s32 s11, $0x0;
	s11 =	simm.s32 $0x2  }
0xa: {  	s7 =	sor.u32 s2, s7;
	_ =	strace $0x8000004A;
	s10 =	sshrl.u32 s9, $0x3  }
0xb: {  	s13 =	sshrl.u32 s12, $0x1;
	s15 =	sadd.s32 s9, s3;
	s16 =	sadd.s32 s9, s4  }
0xc: {  	s7 =	smul.u32 $0x4F0, s7;
	s10 =	sadd.s32 s10, s6;
	s8 =	sadd.s32 s9, s8  }
0xd: {  	s12 =	ssub.s32 s12, s13;
	s13 =	sor.u32 $0x1C02, s31;
	s8 =	sshrl.u32 s8, $0x3  }
0xe: {  	s7 =	sadd.s32 s7, s6;
	s14 =	sadd.s32 s8, s6;
	s8 =	sadd.s32 $0x40600, s10  }
0xf: {  	s10 =	smax.u32 s12, $0x1;
	s12 =	simm.s32 $0x2780;
	s6 =	sadd.s32 $0xE800, s7  }
0x10: {  	s7 =	sadd.s32 $0x4200, s7;
	s9 =	sadd.s32 $0x54600, s14;
	s14 =	sshrl.u32 s15, $0x3  }
0x11: {  	s1 =	smov.u32 @p0 s8;
	s15 =	sshrl.u32 s16, $0x3;
	s16 =	simm.s32 $0x80  }
.LBB2_1:
0x12: {  	[tilespmem:s5], [sflag:$0x2] =	stream.linear.gather [hbm4b:s6+s5], $0x2780, $0x38;
	[tilespmem:$0x1AF00] =	vst v63  }
0x13: {  	_ =	swait.ge [sflag:s11], $0x2780  }
0x14: {  	[sflag:s11] =	ssyncset.done $0x0  }
0x15: {  	[sflag:s11] =	ssyncadd.s32 $0xFFFFD880  }
0x16: {  	[tilespmem:s12], [sflag:$0x2] =	stream.linear.gather [hbm4b:s7+s5], $0x2780, $0x38;
	[tilespmem:$0x1AF00] =	vst v63  }
0x17: {  	_ =	swait.ge [sflag:s11], $0x2780  }
0x18: {  	[sflag:s11] =	ssyncset.done $0x0  }
0x19: {  	[sflag:s11] =	ssyncadd.s32 $0xFFFFD880  }
0x1a: {  	[spmem:s14], [sflag:s13] =	dma.local [hbm:s8], $0x1400  }
0x1b: {  	_ =	swait.ge [sflag:s11], $0x1400  }
0x1c: {  	[sflag:s11] =	ssyncset.done $0x0  }
0x1d: {  	[sflag:s11] =	ssyncadd.s32 $0xFFFFEC00  }
0x1e: {  	[spmem:s15], [sflag:s13] =	dma.local [hbm:s1], $0x1400  }
0x1f: {  	_ =	swait.ge [sflag:s11], $0x1400  }
0x20: {  	[sflag:s11] =	ssyncset.done $0x0  }
0x21: {  	[sflag:s11] =	ssyncadd.s32 $0xFFFFEC00  }
0x22: {  	s20 =	simm.s32 $0x0;
	[bflag:$0x0] =	sbarrier.arrive $0xFFFF  }
0x23: {  	[tilespmem:s17], [sflag:$0x1] =	stream.indirect.gather [spmem:s3], $0x40, s20, s16, $0xb8;
	[tilespmem:$0x1AF00] =	vst v63  }
0x24: {  	_ =	swait.ge [sflag:s18], $0x2000  }
0x25: {  	[sflag:s18] =	ssyncset.done $0x0  }
0x26: {  	s31 =	simm.s32 $0x2780;
	[sflag:s18] =	ssyncadd.s32 $0xFFFFE000  }
0x27: {  	[spmem:s4] =	stream.indirect.scatter.add.f32 [tilespmem:s17], [sflag:$0x2], $0x40, s31, s16, $0xb8;
	[tilespmem:$0x1AF00] =	vst v63  }
0x28: {  	_ =	swait.ge [sflag:s11], $0x2000  }
0x29: {  	s21 =	simm.s32 $0x400;
	s20 =	simm.s32 $0x200;
	[sflag:s11] =	ssyncset.done $0x0  }
.LBB2_2:
0x2a: {  	s22 =	sshra.s32 s20, $0x2  }
0x2b: {  	[sflag:s11] =	ssyncadd.s32 $0xFFFFE000;
	s20 =	smov.u32 s21;
	s23 =	sadd.s32 $0x200, s21  }
0x2c: {  	[tilespmem:s17], [sflag:$0x1] =	stream.indirect.gather [spmem:s3], $0x40, s22, s16, $0xb8;
	[tilespmem:$0x1AF00] =	vst v63  }
0x2d: {  	p0 =	sne.s32 s21, $0x9C00;
	_ =	swait.ge [sflag:s18], $0x2000  }
.Ltmp0:
0x2e: {  	[sflag:s18] =	ssyncset.done $0x0;
	(pc) =	sbr.rel @p0 .LBB2_2-.Ltmp0, $4  }
0x2f: {  	s21 =	sadd.s32 $0x2780, s22;
	[sflag:s18] =	ssyncadd.s32 $0xFFFFE000  }
0x30: {  	[spmem:s4] =	stream.indirect.scatter.add.f32 [tilespmem:s17], [sflag:$0x2], $0x40, s21, s16, $0xb8;
	[tilespmem:$0x1AF00] =	vst v63  }
0x31: {  	_ =	swait.ge [sflag:s11], $0x2000  }
0x32: {  	s21 =	smov.u32 s23;
	[sflag:s11] =	ssyncset.done $0x0  }
0x33: {  	s20 =	sshra.s32 s20, $0x2;
	[sflag:s11] =	ssyncadd.s32 $0xFFFFE000  }
0x34: {  	[tilespmem:s17], [sflag:$0x1] =	stream.indirect.gather [spmem:s3], $0x40, s20, s16, $0xb8;
	[tilespmem:$0x1AF00] =	vst v63  }
0x35: {  	_ =	swait.ge [sflag:s18], $0x2000  }
0x36: {  	[sflag:s18] =	ssyncset.done $0x0  }
0x37: {  	s20 =	sadd.s32 $0x2780, s20;
	[sflag:s18] =	ssyncadd.s32 $0xFFFFE000  }
0x38: {  	[spmem:s4] =	stream.indirect.scatter.add.f32 [tilespmem:s17], [sflag:$0x2], $0x40, s20, s16, $0xb8;
	[tilespmem:$0x1AF00] =	vst v63  }
0x39: {  	_ =	swait.ge [sflag:s11], $0x2000  }
0x3a: {  	s19 =	sadd.s32 $0x1, s19;
	[sflag:s11] =	ssyncset.done $0x0  }
0x3b: {  	p0 =	sne.s32 s19, s10;
	[sflag:s11] =	ssyncadd.s32 $0xFFFFE000  }
.Ltmp1:
0x3c: {  	[bflag:$0x0] =	sbarrier.arrive $0xFFFF;
	(pc) =	sbr.rel @p0 .LBB2_1-.Ltmp1, $4  }
0x3d: {  	[hbm:s9], [sflag:s13] =	dma.local [spmem:s15], $0x1400  }
0x3e: {  	_ =	swait.ge [sflag:s11], $0x1400  }
0x3f: {  	[sflag:s11] =	ssyncset.done $0x0  }
0x40: {  	[sflag:s11] =	ssyncadd.s32 $0xFFFFEC00  }
0x41: {  	_ =	sfence.sel $0x180000  }
0x42: {  	[bflag:$0x0] =	sbarrier.arrive $0xFFFF  }
0x43: {  	p0 =	sne.s32 s2, $0x0;
	_ =	strace $0x9000004A  }
0x44: {  	s0 =	sadd.s32 @!p0 $0x100000, s0;
	[bflag:$0x2] =	sbarrier.arrive $0xFFFF  }
0x45: {  	[sflag:s0] =	ssyncadd.tile.s32 @!p0 $0x1;
	_ =	shalt  }
.Lfunc_end2:
_tile_overlayer_lowered:
.L_overlay_start_2:
0x46: {  	(tag) =	ssettag $0x2  }
0x47: {  	s0 =	rddreg [dreg:$0x0];
	s2 =	stileid.u32  }
0x48: {  	s1 =	rddreg [dreg:$0x1];
	p0 =	sne.s32 s2, $0x0  }
0x49: {  	s3 =	rddreg [dreg:$0x2];
	[bflag:$0x3] =	sbarrier.arrive $0xFFFF;
	s2 =	simm.s32 @!p0 $0x1C02  }
0x4a: {  	[timem:s3], [sflag:s2] =	dma.local @!p0 [hbm:s0], s1  }
0x4b: {  	s0 =	simm.s32 @!p0 $0x2  }
0x4c: {  	_ =	swait.ge @!p0 [sflag:s0], s1  }
0x4d: {  	s1 =	ssub.s32 @!p0 $0x0, s1;
	[sflag:s0] =	ssyncset.done @!p0 $0x0  }
0x4e: {  	[sflag:s0] =	ssyncadd.s32 @!p0 s1  }
0x4f: {  	[bflag:$0x3] =	sbarrier.arrive $0xFFFF  }
0x50: {  	_ =	shalt  }

// kernel: kernel.31.cloned.1.call-start
scs
__scs_entry_jumppad:
0x0: {  	(pc) =	sbr.rel $0x88, $3  }
0x1: {  	(tag) =	ssettag $0x0;
	lr =	simm.s32 $0x1  }
0x2: {  	[smem:$0x3F9B] =	sst lr;
	_ =	strace $0xD0000000  }
0x3: {  	_ = 	snop  }
0x4: {  	_ = 	snop  }
0x5: {  	_ = 	snop  }
0x6: {  	_ = 	snop  }
0x7: {  	_ = 	snop  }
__scs_overlays_trampoline_lowered:
0x8: {  	[smem:$0x3FAA] =	sst s0  }
0x9: {  	[smem:$0x3FAB] =	sst s1  }
0xa: {  	[smem:$0x3FAC] =	sst s2  }
0xb: {  	[smem:$0x3FAD] =	sst s3  }
0xc: {  	[smem:$0x3FAE] =	sst s4  }
0xd: {  	[smem:$0x3FAF] =	sst s5  }
0xe: {  	[smem:$0x3FB0] =	sst s6  }
0xf: {  	[smem:$0x3FB1] =	sst s7  }
0x10: {  	[smem:$0x3FB2] =	sst s8  }
0x11: {  	[smem:$0x3FB3] =	sst s9;
	s0 =	simm.s32 @!p0 $0x0  }
0x12: {  	s1 =	sld [smem:$0x3F99];
	s0 =	simm.s32 @p0 $0x1  }
0x13: {  	[smem:$0x3FB4] =	sst s0;
	s0 =	simm.s32 @!p1 $0x0  }
0x14: {  	s2 =	sld [smem:$0x3F98];
	s0 =	simm.s32 @p1 $0x1  }
0x15: {  	[smem:$0x3FB5] =	sst s0;
	s0 =	simm.s32 @!p2 $0x0  }
0x16: {  	s3 =	sld [smem:$0x3FDB];
	s0 =	simm.s32 @p2 $0x1  }
0x17: {  	s4 =	simm.s32 $0x1BF5;
	[smem:$0x3FB7] =	sst s0  }
0x18: {  	s0 =	sld [smem:$0x3F9A];
	_ =	swait.ge [sflag:s4], $0x0  }
0x19: {  	s7 =	sld [smem:$0x3F9B]  }
0x1a: {  	s8 =	sadd.s32 $0xFFFFE003, lr  }
0x1b: {  	s9 =	sadd.s32 $0xFFFFFEF7, lr;
	s5 =	simm.s32 $0xFFFFFFFF;
	p2 =	slt.u32 s8, $0xFFFFF086  }
0x1c: {  	p1 =	slt.u32 s9, $0xF7A;
	s5 =	simm.s32 @!p2 $0x0  }
0x1d: {  	s5 =	simm.s32 @p1 $0x1;
	p0 =	seq.s32 s7, s2  }
0x1e: {  	s7 =	smul.u32 @!p0 $0xF7A, s2;
	p2 =	seq.s32 @!p0 s5, $0x0  }
0x1f: {  	s9 =	smul.u32 $0xF7A, s1;
	s8 =	simm.s32 @!p0 $0x1BF5;
	p2 =	por !p2, p0  }
0x20: {  	[sflag:s8] =	ssyncset.s32 @!p0 $0xFFFFF086;
	s6 =	sadd.s32 @!p0 s3, s7;
	s7 =	simm.s32 @!p0 $0x108  }
0x21: {  	s3 =	sadd.s32 s3, s9;
	s6 =	sadd.s32 @!p0 $0x88, s6;
	s7 =	simm.s32 @p2 $0x1082  }
0x22: {  	[simem:s7], [sflag:s8] =	dma.local @!p0 [hbm:s6], $0xF7A  }
0x23: {  	s9 =	sor.u32 $0xD0000000, s2;
	s6 =	simm.s32 $0x108;
	_ =	swait.ge @!p0 [sflag:s8], $0x0  }
0x24: {  	s3 =	sadd.s32 $0x88, s3;
	s6 =	simm.s32 @!p1 $0x1082;
	[sflag:s4] =	ssyncset.s32 $0xFFFFF086  }
0x25: {  	[simem:s6], [sflag:s4] =	dma.local [hbm:s3], $0xF7A  }
0x26: {  	[smem:$0x3F9B] =	sst s1;
	(tag) =	ssettag s2;
	_ =	strace s9  }
0x27: {  	s1 =	sld [smem:$0x3FAB]  }
0x28: {  	s2 =	sld [smem:$0x3FAC]  }
0x29: {  	s4 =	sld [smem:$0x3FAE]  }
0x2a: {  	p0 =	seq.s32 s5, $0x0;
	s5 =	sld [smem:$0x3FAF]  }
0x2b: {  	s6 =	sld [smem:$0x3FB0]  }
0x2c: {  	s7 =	sld [smem:$0x3FB1]  }
0x2d: {  	s3 =	simm.s32 $0x108;
	s8 =	sld [smem:$0x3FB2]  }
0x2e: {  	s3 =	simm.s32 @!p0 $0x1082;
	s9 =	sld [smem:$0x3FB3]  }
0x2f: {  	lr =	sadd.s32 s0, s3;
	s0 =	sld [smem:$0x3FAA]  }
0x30: {  	s3 =	sld [smem:$0x3FAD]  }
0x31: {  	[smem:$0x3FB6] =	sst s10  }
0x32: {  	s10 =	sld [smem:$0x3FB4];
	_ =	sdelay $0x3  }
0x33: {  	p0 =	seq.s32 s10, $0x1;
	s10 =	sld [smem:$0x3FB6];
	_ =	sdelay $0x3  }
0x34: {  	[smem:$0x3FB6] =	sst s10  }
0x35: {  	s10 =	sld [smem:$0x3FB5];
	_ =	sdelay $0x3  }
0x36: {  	p1 =	seq.s32 s10, $0x1;
	s10 =	sld [smem:$0x3FB6];
	_ =	sdelay $0x3  }
0x37: {  	[smem:$0x3FB6] =	sst s10  }
0x38: {  	s10 =	sld [smem:$0x3FB7]  }
0x39: {  	_ = 	snop;
	(pc) =	sbr.ind lr, $3  }
0x3a: {  	_ = 	snop  }
0x3b: {  	_ = 	snop  }
0x3c: {  	p2 =	seq.s32 s10, $0x1;
	s10 =	sld [smem:$0x3FB6]  }
0x3d: {  	_ =	shalt  }
0x3e: {  	_ =	shalt  }
0x3f: {  	_ =	shalt  }
0x40: {  	_ =	shalt  }
0x41: {  	_ =	shalt  }
0x42: {  	_ =	shalt  }
0x43: {  	_ =	shalt  }
0x44: {  	_ =	shalt  }
0x45: {  	_ =	shalt  }
0x46: {  	_ =	shalt  }
0x47: {  	_ =	shalt  }
0x48: {  	_ =	shalt  }
0x49: {  	_ =	shalt  }
0x4a: {  	_ =	shalt  }
0x4b: {  	_ =	shalt  }
0x4c: {  	_ =	shalt  }
0x4d: {  	_ =	shalt  }
0x4e: {  	_ =	shalt  }
0x4f: {  	_ =	shalt  }
0x50: {  	_ =	shalt  }
0x51: {  	_ =	shalt  }
0x52: {  	_ =	shalt  }
0x53: {  	_ =	shalt  }
0x54: {  	_ =	shalt  }
0x55: {  	_ =	shalt  }
0x56: {  	_ =	shalt  }
0x57: {  	_ =	shalt  }
0x58: {  	_ =	shalt  }
0x59: {  	_ =	shalt  }
0x5a: {  	_ =	shalt  }
0x5b: {  	_ =	shalt  }
0x5c: {  	_ =	shalt  }
0x5d: {  	_ =	shalt  }
0x5e: {  	_ =	shalt  }
0x5f: {  	_ =	shalt  }
0x60: {  	_ =	shalt  }
0x61: {  	_ =	shalt  }
0x62: {  	_ =	shalt  }
0x63: {  	_ =	shalt  }
0x64: {  	_ =	shalt  }
0x65: {  	_ =	shalt  }
0x66: {  	_ =	shalt  }
0x67: {  	_ =	shalt  }
0x68: {  	_ =	shalt  }
0x69: {  	_ =	shalt  }
0x6a: {  	_ =	shalt  }
0x6b: {  	_ =	shalt  }
0x6c: {  	_ =	shalt  }
0x6d: {  	_ =	shalt  }
0x6e: {  	_ =	shalt  }
0x6f: {  	_ =	shalt  }
0x70: {  	_ =	shalt  }
0x71: {  	_ =	shalt  }
0x72: {  	_ =	shalt  }
0x73: {  	_ =	shalt  }
0x74: {  	_ =	shalt  }
0x75: {  	_ =	shalt  }
0x76: {  	_ =	shalt  }
0x77: {  	_ =	shalt  }
0x78: {  	_ =	shalt  }
0x79: {  	_ =	shalt  }
0x7a: {  	_ =	shalt  }
0x7b: {  	_ =	shalt  }
0x7c: {  	_ =	shalt  }
0x7d: {  	_ =	shalt  }
0x7e: {  	_ =	shalt  }
0x7f: {  	_ =	shalt  }
0x80: {  	_ =	shalt  }
0x81: {  	_ =	shalt  }
0x82: {  	_ =	shalt  }
0x83: {  	_ =	shalt  }
0x84: {  	_ =	shalt  }
0x85: {  	_ =	shalt  }
0x86: {  	_ =	shalt  }
0x87: {  	_ =	shalt  }
.Lfunc_end0:
.L_simem_size_0:
called_computation.2_lowered:
.L_overlay_start_0:
0x88: {  	s2 =	sld [smem:$0x3FD9]  }
0x89: {  	s3 =	sld [smem:$0x3FFE];
	_ =	sdelay $0x1  }
0x8a: {  	s1 =	srdreg.scid  }
0x8b: {  	s0 =	sand.u32 $0x1, s1  }
0x8c: {  	s17 =	sshll.u32 s0, $0xA;
	s2 =	sadd.s32 s3, s2  }
0x8d: {  	s2 =	sadd.s32 s2, s17  }
0x8e: {  	[smem:$0x3FC2] =	sst s2  }
0x8f: {  	_ = 	snop  }
0x90: {  	s2 =	sld [smem:$0x3FD0];
	(tm) =	ssettm $0x1  }
0x91: {  	s18 =	sld [smem:$0x3FFB];
	_ =	sdelay $0x3  }
0x92: {  	_ =	strace s18  }
0x93: {  	s3 =	sld [smem:$0x3FFC];
	_ =	sdelay $0x3  }
0x94: {  	_ =	strace s3  }
0x95: {  	s3 =	sld [smem:$0x3FFD];
	_ =	sdelay $0x3  }
0x96: {  	_ =	strace s3  }
0x97: {  	_ =	strace $0x8FFFFFFF  }
0x98: {  	s19 =	sld [smem:$0x3FDB];
	_ =	sdelay $0x1  }
0x99: {  	s4 =	simm.s32 $_scs_section_size  }
0x9a: {  	s5 =	simm.s32 $_size__tile_overlayer_lowered;
	s6 =	simm.s32 $_tile_overlayer_lowered  }
0x9b: {  	s22 =	simm.s32 $0x1BFF;
	s21 =	sshll.u32 s6, $0x1;
	s3 =	sadd.s32 s4, s19  }
0x9c: {  	s7 =	simm.s32 $0x0;
	s20 =	sshll.u32 s5, $0x1;
	s5 =	sadd.s32 s21, s3  }
0x9d: {  	[timem:s7], [sflag:s22] =	dma.local [hbm:s5], s20  }
0x9e: {  	_ =	swait.ge [sflag:s22], s20  }
0x9f: {  	s4 =	ssub.s32 $0x0, s20;
	[sflag:s22] =	ssyncset.done $0x0  }
0xa0: {  	[sflag:s22] =	ssyncadd.s32 s4;
	_ =	sdelay $0x1  }
0xa1: {  	s23 =	simm.s32 $0x1B8B  }
0xa2: {  	_ =	swait.ge [sflag:s23], $0x1  }
0xa3: {  	[sflag:s23] =	ssyncset.done $0x0  }
0xa4: {  	s25 =	simm.s32 $0x1B8E;
	s24 =	sld [smem:$0x3FFE];
	[sflag:s23] =	ssyncadd.s32 $0xFFFFFFFF  }
0xa5: {  	s26 =	simm.s32 $execute0_lowered;
	[smem:$0x3FD2] =	sst s25  }
0xa6: {  	s5 =	sshll.u32 s26, $0x1;
	_ =	strace $0x8000004C;
	[dreg:$0x1] =	wrdreg $0xFFFFFFFF  }
0xa7: {  	s28 =	simm.s32 $_size_execute0_lowered;
	s3 =	sadd.s32 s3, s5;
	[dreg:$0x0] =	wrdreg $0x0  }
0xa8: {  	s5 =	sshll.u32 s28, $0x1;
	[dreg:$0x2] =	wrdreg s3  }
0xa9: {  	[dreg:$0x3] =	wrdreg s5  }
0xaa: {  	[dreg:$0x4] =	wrdreg $0xC0  }
0xab: {  	_ =	task [dreg:s7], $0x5FFFF  }
0xac: {  	[dreg:$0x1] =	wrdreg $0xFFFFFFFF  }
0xad: {  	[dreg:$0x0] =	wrdreg $0x60  }
0xae: {  	[dreg:$0x2] =	wrdreg s24  }
0xaf: {  	[dreg:$0x3] =	wrdreg s2  }
0xb0: {  	[dreg:$0x4] =	wrdreg $0x6F000  }
0xb1: {  	[dreg:$0x5] =	wrdreg $0x10F000  }
0xb2: {  	[dreg:$0x6] =	wrdreg $0x9  }
0xb3: {  	_ =	task.clear_ibuf [dreg:s7], $0x7FFFF;
	_ =	strace $0x9000004C  }
0xb4: {  	s29 =	simm.s32 $0x9;
	_ =	strace $0x8000004E  }
0xb5: {  	_ =	swait.ge [sflag:s29], $0x1  }
0xb6: {  	[sflag:s29] =	ssyncadd.s32 $0xFFFFFFFF  }
0xb7: {  	_ =	strace $0x9000004E  }
0xb8: {  	_ =	sfence  }
0xb9: {  	s30 =	sld [smem:$0x0];
	_ =	sdelay $0x2  }
0xba: {  	s31 =	sshll.u32 s1, $0xD;
	s1 =	sshrl.u32 s1, $0x2  }
0xbb: {  	s3 =	sand.u32 $0x4000, s31;
	s1 =	sadd.s32 s1, s30  }
0xbc: {  	s0 =	sor.u32 s3, s0;
	s1 =	sshll.u32 s1, $0x11  }
0xbd: {  	s0 =	sor.u32 s1, s0  }
0xbe: {  	s0 =	sadd.s32 $0x8F2B, s0  }
0xbf: {  	[sflag:s0] =	ssyncadd.remote.s32 $0x1  }
0xc0: {  	_ =	sfence.sel $0xFFFF  }
0xc1: {  	[dreg:$0x0] =	wrdreg $0xFFFFFFFF;
	(pc) =	sbr.abs _section_cstart, $3  }
0xc2: {  	[dreg:$0x1] =	wrdreg $0xFFFFFFFF  }
0xc3: {  	_ =	task.clear_ibuf [dreg:s7], $0x2FFFF;
	_ =	strace $0x9FFFFFFF  }
0xc4: {  	(tm) =	ssettm $0x7FFFFFFF  }
0xc5: {  	_ =	shalt  }
tec
execute0_lowered:
.L_overlay_start_1:
0x0: {  	(tag) =	ssettag $0x1  }
0x1: {  	s6 =	rddreg [dreg:$0x0]  }
0x2: {  	s1 =	rddreg [dreg:$0x1]  }
0x3: {  	s3 =	rddreg [dreg:$0x2]  }
0x4: {  	s4 =	rddreg [dreg:$0x3];
	s5 =	srdreg.scid  }
0x5: {  	s0 =	rddreg [dreg:$0x4];
	s2 =	stileid.u32;
	s17 =	simm.s32 $0x4F00  }
0x6: {  	s18 =	simm.s32 $0x1;
	s19 =	simm.s32 $0x0;
	s11 =	sand.u32 $0x1, s5  }
0x7: {  	s5 =	simm.s32 $0x0;
	s9 =	smul.u32 $0xA000, s2;
	s31 =	sshll.u32 s2, $0x6  }
0x8: {  	s7 =	sshll.u32 s11, $0x4;
	[smem:$0x7FF] =	sst s5;
	s8 =	smul.u32 $0xA0000, s11  }
0x9: {  	s12 =	ssub.s32 $0x2, s11;
	p0 =	seq.s32 s11, $0x0;
	s11 =	simm.s32 $0x2  }
0xa: {  	s7 =	sor.u32 s2, s7;
	_ =	strace $0x8000004D;
	s10 =	sshrl.u32 s9, $0x3  }
0xb: {  	s13 =	sshrl.u32 s12, $0x1;
	s15 =	sadd.s32 s9, s3;
	s16 =	sadd.s32 s9, s4  }
0xc: {  	s7 =	smul.u32 $0x4F0, s7;
	s10 =	sadd.s32 s10, s6;
	s8 =	sadd.s32 s9, s8  }
0xd: {  	s12 =	ssub.s32 s12, s13;
	s13 =	sor.u32 $0x1C02, s31;
	s8 =	sshrl.u32 s8, $0x3  }
0xe: {  	s7 =	sadd.s32 s7, s6;
	s14 =	sadd.s32 s8, s6;
	s8 =	sadd.s32 $0x40600, s10  }
0xf: {  	s10 =	smax.u32 s12, $0x1;
	s12 =	simm.s32 $0x2780;
	s6 =	sadd.s32 $0xE800, s7  }
0x10: {  	s7 =	sadd.s32 $0x4200, s7;
	s9 =	sadd.s32 $0x54600, s14;
	s14 =	sshrl.u32 s15, $0x3  }
0x11: {  	s1 =	smov.u32 @p0 s8;
	s15 =	sshrl.u32 s16, $0x3;
	s16 =	simm.s32 $0x80  }
.LBB2_1:
0x12: {  	[tilespmem:s5], [sflag:$0x2] =	stream.linear.gather [hbm4b:s6+s5], $0x2780, $0x38;
	[tilespmem:$0x1AF00] =	vst v63  }
0x13: {  	_ =	swait.ge [sflag:s11], $0x2780  }
0x14: {  	[sflag:s11] =	ssyncset.done $0x0  }
0x15: {  	[sflag:s11] =	ssyncadd.s32 $0xFFFFD880  }
0x16: {  	[tilespmem:s12], [sflag:$0x2] =	stream.linear.gather [hbm4b:s7+s5], $0x2780, $0x38;
	[tilespmem:$0x1AF00] =	vst v63  }
0x17: {  	_ =	swait.ge [sflag:s11], $0x2780  }
0x18: {  	[sflag:s11] =	ssyncset.done $0x0  }
0x19: {  	[sflag:s11] =	ssyncadd.s32 $0xFFFFD880  }
0x1a: {  	[spmem:s14], [sflag:s13] =	dma.local [hbm:s8], $0x1400  }
0x1b: {  	_ =	swait.ge [sflag:s11], $0x1400  }
0x1c: {  	[sflag:s11] =	ssyncset.done $0x0  }
0x1d: {  	[sflag:s11] =	ssyncadd.s32 $0xFFFFEC00  }
0x1e: {  	[spmem:s15], [sflag:s13] =	dma.local [hbm:s1], $0x1400  }
0x1f: {  	_ =	swait.ge [sflag:s11], $0x1400  }
0x20: {  	[sflag:s11] =	ssyncset.done $0x0  }
0x21: {  	[sflag:s11] =	ssyncadd.s32 $0xFFFFEC00  }
0x22: {  	s20 =	simm.s32 $0x0;
	[bflag:$0x0] =	sbarrier.arrive $0xFFFF  }
0x23: {  	[tilespmem:s17], [sflag:$0x1] =	stream.indirect.gather [spmem:s3], $0x40, s20, s16, $0xb8;
	[tilespmem:$0x1AF00] =	vst v63  }
0x24: {  	_ =	swait.ge [sflag:s18], $0x2000  }
0x25: {  	[sflag:s18] =	ssyncset.done $0x0  }
0x26: {  	s31 =	simm.s32 $0x2780;
	[sflag:s18] =	ssyncadd.s32 $0xFFFFE000  }
0x27: {  	[spmem:s4] =	stream.indirect.scatter.add.f32 [tilespmem:s17], [sflag:$0x2], $0x40, s31, s16, $0xb8;
	[tilespmem:$0x1AF00] =	vst v63  }
0x28: {  	_ =	swait.ge [sflag:s11], $0x2000  }
0x29: {  	s21 =	simm.s32 $0x400;
	s20 =	simm.s32 $0x200;
	[sflag:s11] =	ssyncset.done $0x0  }
.LBB2_2:
0x2a: {  	s22 =	sshra.s32 s20, $0x2  }
0x2b: {  	[sflag:s11] =	ssyncadd.s32 $0xFFFFE000;
	s20 =	smov.u32 s21;
	s23 =	sadd.s32 $0x200, s21  }
0x2c: {  	[tilespmem:s17], [sflag:$0x1] =	stream.indirect.gather [spmem:s3], $0x40, s22, s16, $0xb8;
	[tilespmem:$0x1AF00] =	vst v63  }
0x2d: {  	p0 =	sne.s32 s21, $0x9C00;
	_ =	swait.ge [sflag:s18], $0x2000  }
.Ltmp0:
0x2e: {  	[sflag:s18] =	ssyncset.done $0x0;
	(pc) =	sbr.rel @p0 .LBB2_2-.Ltmp0, $4  }
0x2f: {  	s21 =	sadd.s32 $0x2780, s22;
	[sflag:s18] =	ssyncadd.s32 $0xFFFFE000  }
0x30: {  	[spmem:s4] =	stream.indirect.scatter.add.f32 [tilespmem:s17], [sflag:$0x2], $0x40, s21, s16, $0xb8;
	[tilespmem:$0x1AF00] =	vst v63  }
0x31: {  	_ =	swait.ge [sflag:s11], $0x2000  }
0x32: {  	s21 =	smov.u32 s23;
	[sflag:s11] =	ssyncset.done $0x0  }
0x33: {  	s20 =	sshra.s32 s20, $0x2;
	[sflag:s11] =	ssyncadd.s32 $0xFFFFE000  }
0x34: {  	[tilespmem:s17], [sflag:$0x1] =	stream.indirect.gather [spmem:s3], $0x40, s20, s16, $0xb8;
	[tilespmem:$0x1AF00] =	vst v63  }
0x35: {  	_ =	swait.ge [sflag:s18], $0x2000  }
0x36: {  	[sflag:s18] =	ssyncset.done $0x0  }
0x37: {  	s20 =	sadd.s32 $0x2780, s20;
	[sflag:s18] =	ssyncadd.s32 $0xFFFFE000  }
0x38: {  	[spmem:s4] =	stream.indirect.scatter.add.f32 [tilespmem:s17], [sflag:$0x2], $0x40, s20, s16, $0xb8;
	[tilespmem:$0x1AF00] =	vst v63  }
0x39: {  	_ =	swait.ge [sflag:s11], $0x2000  }
0x3a: {  	s19 =	sadd.s32 $0x1, s19;
	[sflag:s11] =	ssyncset.done $0x0  }
0x3b: {  	p0 =	sne.s32 s19, s10;
	[sflag:s11] =	ssyncadd.s32 $0xFFFFE000  }
.Ltmp1:
0x3c: {  	[bflag:$0x0] =	sbarrier.arrive $0xFFFF;
	(pc) =	sbr.rel @p0 .LBB2_1-.Ltmp1, $4  }
0x3d: {  	[hbm:s9], [sflag:s13] =	dma.local [spmem:s15], $0x1400  }
0x3e: {  	_ =	swait.ge [sflag:s11], $0x1400  }
0x3f: {  	[sflag:s11] =	ssyncset.done $0x0  }
0x40: {  	[sflag:s11] =	ssyncadd.s32 $0xFFFFEC00  }
0x41: {  	_ =	sfence.sel $0x180000  }
0x42: {  	[bflag:$0x0] =	sbarrier.arrive $0xFFFF  }
0x43: {  	p0 =	sne.s32 s2, $0x0;
	_ =	strace $0x9000004D  }
0x44: {  	s0 =	sadd.s32 @!p0 $0x100000, s0;
	[bflag:$0x2] =	sbarrier.arrive $0xFFFF  }
0x45: {  	[sflag:s0] =	ssyncadd.tile.s32 @!p0 $0x1;
	_ =	shalt  }
.Lfunc_end2:
_tile_overlayer_lowered:
.L_overlay_start_2:
0x46: {  	(tag) =	ssettag $0x2  }
0x47: {  	s0 =	rddreg [dreg:$0x0];
	s2 =	stileid.u32  }
0x48: {  	s1 =	rddreg [dreg:$0x1];
	p0 =	sne.s32 s2, $0x0  }
0x49: {  	s3 =	rddreg [dreg:$0x2];
	[bflag:$0x3] =	sbarrier.arrive $0xFFFF;
	s2 =	simm.s32 @!p0 $0x1C02  }
0x4a: {  	[timem:s3], [sflag:s2] =	dma.local @!p0 [hbm:s0], s1  }
0x4b: {  	s0 =	simm.s32 @!p0 $0x2  }
0x4c: {  	_ =	swait.ge @!p0 [sflag:s0], s1  }
0x4d: {  	s1 =	ssub.s32 @!p0 $0x0, s1;
	[sflag:s0] =	ssyncset.done @!p0 $0x0  }
0x4e: {  	[sflag:s0] =	ssyncadd.s32 @!p0 s1  }
0x4f: {  	[bflag:$0x3] =	sbarrier.arrive $0xFFFF  }
0x50: {  	_ =	shalt  }

// kernel: kernel.34.cloned.1.call-start
scs
__scs_entry_jumppad:
0x0: {  	(pc) =	sbr.rel $0x88, $3  }
0x1: {  	(tag) =	ssettag $0x0;
	lr =	simm.s32 $0x1  }
0x2: {  	[smem:$0x3F9B] =	sst lr;
	_ =	strace $0xD0000000  }
0x3: {  	_ = 	snop  }
0x4: {  	_ = 	snop  }
0x5: {  	_ = 	snop  }
0x6: {  	_ = 	snop  }
0x7: {  	_ = 	snop  }
__scs_overlays_trampoline_lowered:
0x8: {  	[smem:$0x3FAA] =	sst s0  }
0x9: {  	[smem:$0x3FAB] =	sst s1  }
0xa: {  	[smem:$0x3FAC] =	sst s2  }
0xb: {  	[smem:$0x3FAD] =	sst s3  }
0xc: {  	[smem:$0x3FAE] =	sst s4  }
0xd: {  	[smem:$0x3FAF] =	sst s5  }
0xe: {  	[smem:$0x3FB0] =	sst s6  }
0xf: {  	[smem:$0x3FB1] =	sst s7  }
0x10: {  	[smem:$0x3FB2] =	sst s8  }
0x11: {  	[smem:$0x3FB3] =	sst s9;
	s0 =	simm.s32 @!p0 $0x0  }
0x12: {  	s1 =	sld [smem:$0x3F99];
	s0 =	simm.s32 @p0 $0x1  }
0x13: {  	[smem:$0x3FB4] =	sst s0;
	s0 =	simm.s32 @!p1 $0x0  }
0x14: {  	s2 =	sld [smem:$0x3F98];
	s0 =	simm.s32 @p1 $0x1  }
0x15: {  	[smem:$0x3FB5] =	sst s0;
	s0 =	simm.s32 @!p2 $0x0  }
0x16: {  	s3 =	sld [smem:$0x3FDB];
	s0 =	simm.s32 @p2 $0x1  }
0x17: {  	s4 =	simm.s32 $0x1BF5;
	[smem:$0x3FB7] =	sst s0  }
0x18: {  	s0 =	sld [smem:$0x3F9A];
	_ =	swait.ge [sflag:s4], $0x0  }
0x19: {  	s7 =	sld [smem:$0x3F9B]  }
0x1a: {  	s8 =	sadd.s32 $0xFFFFE003, lr  }
0x1b: {  	s9 =	sadd.s32 $0xFFFFFEF7, lr;
	s5 =	simm.s32 $0xFFFFFFFF;
	p2 =	slt.u32 s8, $0xFFFFF086  }
0x1c: {  	p1 =	slt.u32 s9, $0xF7A;
	s5 =	simm.s32 @!p2 $0x0  }
0x1d: {  	s5 =	simm.s32 @p1 $0x1;
	p0 =	seq.s32 s7, s2  }
0x1e: {  	s7 =	smul.u32 @!p0 $0xF7A, s2;
	p2 =	seq.s32 @!p0 s5, $0x0  }
0x1f: {  	s9 =	smul.u32 $0xF7A, s1;
	s8 =	simm.s32 @!p0 $0x1BF5;
	p2 =	por !p2, p0  }
0x20: {  	[sflag:s8] =	ssyncset.s32 @!p0 $0xFFFFF086;
	s6 =	sadd.s32 @!p0 s3, s7;
	s7 =	simm.s32 @!p0 $0x108  }
0x21: {  	s3 =	sadd.s32 s3, s9;
	s6 =	sadd.s32 @!p0 $0x88, s6;
	s7 =	simm.s32 @p2 $0x1082  }
0x22: {  	[simem:s7], [sflag:s8] =	dma.local @!p0 [hbm:s6], $0xF7A  }
0x23: {  	s9 =	sor.u32 $0xD0000000, s2;
	s6 =	simm.s32 $0x108;
	_ =	swait.ge @!p0 [sflag:s8], $0x0  }
0x24: {  	s3 =	sadd.s32 $0x88, s3;
	s6 =	simm.s32 @!p1 $0x1082;
	[sflag:s4] =	ssyncset.s32 $0xFFFFF086  }
0x25: {  	[simem:s6], [sflag:s4] =	dma.local [hbm:s3], $0xF7A  }
0x26: {  	[smem:$0x3F9B] =	sst s1;
	(tag) =	ssettag s2;
	_ =	strace s9  }
0x27: {  	s1 =	sld [smem:$0x3FAB]  }
0x28: {  	s2 =	sld [smem:$0x3FAC]  }
0x29: {  	s4 =	sld [smem:$0x3FAE]  }
0x2a: {  	p0 =	seq.s32 s5, $0x0;
	s5 =	sld [smem:$0x3FAF]  }
0x2b: {  	s6 =	sld [smem:$0x3FB0]  }
0x2c: {  	s7 =	sld [smem:$0x3FB1]  }
0x2d: {  	s3 =	simm.s32 $0x108;
	s8 =	sld [smem:$0x3FB2]  }
0x2e: {  	s3 =	simm.s32 @!p0 $0x1082;
	s9 =	sld [smem:$0x3FB3]  }
0x2f: {  	lr =	sadd.s32 s0, s3;
	s0 =	sld [smem:$0x3FAA]  }
0x30: {  	s3 =	sld [smem:$0x3FAD]  }
0x31: {  	[smem:$0x3FB6] =	sst s10  }
0x32: {  	s10 =	sld [smem:$0x3FB4];
	_ =	sdelay $0x3  }
0x33: {  	p0 =	seq.s32 s10, $0x1;
	s10 =	sld [smem:$0x3FB6];
	_ =	sdelay $0x3  }
0x34: {  	[smem:$0x3FB6] =	sst s10  }
0x35: {  	s10 =	sld [smem:$0x3FB5];
	_ =	sdelay $0x3  }
0x36: {  	p1 =	seq.s32 s10, $0x1;
	s10 =	sld [smem:$0x3FB6];
	_ =	sdelay $0x3  }
0x37: {  	[smem:$0x3FB6] =	sst s10  }
0x38: {  	s10 =	sld [smem:$0x3FB7]  }
0x39: {  	_ = 	snop;
	(pc) =	sbr.ind lr, $3  }
0x3a: {  	_ = 	snop  }
0x3b: {  	_ = 	snop  }
0x3c: {  	p2 =	seq.s32 s10, $0x1;
	s10 =	sld [smem:$0x3FB6]  }
0x3d: {  	_ =	shalt  }
0x3e: {  	_ =	shalt  }
0x3f: {  	_ =	shalt  }
0x40: {  	_ =	shalt  }
0x41: {  	_ =	shalt  }
0x42: {  	_ =	shalt  }
0x43: {  	_ =	shalt  }
0x44: {  	_ =	shalt  }
0x45: {  	_ =	shalt  }
0x46: {  	_ =	shalt  }
0x47: {  	_ =	shalt  }
0x48: {  	_ =	shalt  }
0x49: {  	_ =	shalt  }
0x4a: {  	_ =	shalt  }
0x4b: {  	_ =	shalt  }
0x4c: {  	_ =	shalt  }
0x4d: {  	_ =	shalt  }
0x4e: {  	_ =	shalt  }
0x4f: {  	_ =	shalt  }
0x50: {  	_ =	shalt  }
0x51: {  	_ =	shalt  }
0x52: {  	_ =	shalt  }
0x53: {  	_ =	shalt  }
0x54: {  	_ =	shalt  }
0x55: {  	_ =	shalt  }
0x56: {  	_ =	shalt  }
0x57: {  	_ =	shalt  }
0x58: {  	_ =	shalt  }
0x59: {  	_ =	shalt  }
0x5a: {  	_ =	shalt  }
0x5b: {  	_ =	shalt  }
0x5c: {  	_ =	shalt  }
0x5d: {  	_ =	shalt  }
0x5e: {  	_ =	shalt  }
0x5f: {  	_ =	shalt  }
0x60: {  	_ =	shalt  }
0x61: {  	_ =	shalt  }
0x62: {  	_ =	shalt  }
0x63: {  	_ =	shalt  }
0x64: {  	_ =	shalt  }
0x65: {  	_ =	shalt  }
0x66: {  	_ =	shalt  }
0x67: {  	_ =	shalt  }
0x68: {  	_ =	shalt  }
0x69: {  	_ =	shalt  }
0x6a: {  	_ =	shalt  }
0x6b: {  	_ =	shalt  }
0x6c: {  	_ =	shalt  }
0x6d: {  	_ =	shalt  }
0x6e: {  	_ =	shalt  }
0x6f: {  	_ =	shalt  }
0x70: {  	_ =	shalt  }
0x71: {  	_ =	shalt  }
0x72: {  	_ =	shalt  }
0x73: {  	_ =	shalt  }
0x74: {  	_ =	shalt  }
0x75: {  	_ =	shalt  }
0x76: {  	_ =	shalt  }
0x77: {  	_ =	shalt  }
0x78: {  	_ =	shalt  }
0x79: {  	_ =	shalt  }
0x7a: {  	_ =	shalt  }
0x7b: {  	_ =	shalt  }
0x7c: {  	_ =	shalt  }
0x7d: {  	_ =	shalt  }
0x7e: {  	_ =	shalt  }
0x7f: {  	_ =	shalt  }
0x80: {  	_ =	shalt  }
0x81: {  	_ =	shalt  }
0x82: {  	_ =	shalt  }
0x83: {  	_ =	shalt  }
0x84: {  	_ =	shalt  }
0x85: {  	_ =	shalt  }
0x86: {  	_ =	shalt  }
0x87: {  	_ =	shalt  }
.Lfunc_end0:
.L_simem_size_0:
called_computation.3_lowered:
.L_overlay_start_0:
0x88: {  	s2 =	sld [smem:$0x3FD9]  }
0x89: {  	s3 =	sld [smem:$0x3FFE];
	_ =	sdelay $0x1  }
0x8a: {  	s1 =	srdreg.scid  }
0x8b: {  	s0 =	sand.u32 $0x1, s1  }
0x8c: {  	s17 =	sshll.u32 s0, $0xA;
	s2 =	sadd.s32 s3, s2  }
0x8d: {  	s2 =	sadd.s32 s2, s17  }
0x8e: {  	[smem:$0x3FC2] =	sst s2  }
0x8f: {  	_ = 	snop  }
0x90: {  	s2 =	sld [smem:$0x3FD0];
	(tm) =	ssettm $0x1  }
0x91: {  	s18 =	sld [smem:$0x3FFB];
	_ =	sdelay $0x3  }
0x92: {  	_ =	strace s18  }
0x93: {  	s3 =	sld [smem:$0x3FFC];
	_ =	sdelay $0x3  }
0x94: {  	_ =	strace s3  }
0x95: {  	s3 =	sld [smem:$0x3FFD];
	_ =	sdelay $0x3  }
0x96: {  	_ =	strace s3  }
0x97: {  	_ =	strace $0x8FFFFFFF  }
0x98: {  	s19 =	sld [smem:$0x3FDB];
	_ =	sdelay $0x1  }
0x99: {  	s4 =	simm.s32 $_scs_section_size  }
0x9a: {  	s5 =	simm.s32 $_size__tile_overlayer_lowered;
	s6 =	simm.s32 $_tile_overlayer_lowered  }
0x9b: {  	s22 =	simm.s32 $0x1BFF;
	s21 =	sshll.u32 s6, $0x1;
	s3 =	sadd.s32 s4, s19  }
0x9c: {  	s7 =	simm.s32 $0x0;
	s20 =	sshll.u32 s5, $0x1;
	s5 =	sadd.s32 s21, s3  }
0x9d: {  	[timem:s7], [sflag:s22] =	dma.local [hbm:s5], s20  }
0x9e: {  	_ =	swait.ge [sflag:s22], s20  }
0x9f: {  	s4 =	ssub.s32 $0x0, s20;
	[sflag:s22] =	ssyncset.done $0x0  }
0xa0: {  	[sflag:s22] =	ssyncadd.s32 s4;
	_ =	sdelay $0x1  }
0xa1: {  	s23 =	simm.s32 $0x1B8B  }
0xa2: {  	_ =	swait.ge [sflag:s23], $0x1  }
0xa3: {  	[sflag:s23] =	ssyncset.done $0x0  }
0xa4: {  	s25 =	simm.s32 $0x1B8E;
	s24 =	sld [smem:$0x3FFE];
	[sflag:s23] =	ssyncadd.s32 $0xFFFFFFFF  }
0xa5: {  	s26 =	simm.s32 $execute0_lowered;
	[smem:$0x3FD2] =	sst s25  }
0xa6: {  	s5 =	sshll.u32 s26, $0x1;
	_ =	strace $0x8000004F;
	[dreg:$0x1] =	wrdreg $0xFFFFFFFF  }
0xa7: {  	s28 =	simm.s32 $_size_execute0_lowered;
	s3 =	sadd.s32 s3, s5;
	[dreg:$0x0] =	wrdreg $0x0  }
0xa8: {  	s5 =	sshll.u32 s28, $0x1;
	[dreg:$0x2] =	wrdreg s3  }
0xa9: {  	[dreg:$0x3] =	wrdreg s5  }
0xaa: {  	[dreg:$0x4] =	wrdreg $0xC0  }
0xab: {  	_ =	task [dreg:s7], $0x5FFFF  }
0xac: {  	[dreg:$0x1] =	wrdreg $0xFFFFFFFF  }
0xad: {  	[dreg:$0x0] =	wrdreg $0x60  }
0xae: {  	[dreg:$0x2] =	wrdreg s24  }
0xaf: {  	[dreg:$0x3] =	wrdreg s2  }
0xb0: {  	[dreg:$0x4] =	wrdreg $0x6F000  }
0xb1: {  	[dreg:$0x5] =	wrdreg $0x10F000  }
0xb2: {  	[dreg:$0x6] =	wrdreg $0x9  }
0xb3: {  	_ =	task.clear_ibuf [dreg:s7], $0x7FFFF;
	_ =	strace $0x9000004F  }
0xb4: {  	s29 =	simm.s32 $0x9;
	_ =	strace $0x80000051  }
0xb5: {  	_ =	swait.ge [sflag:s29], $0x1  }
0xb6: {  	[sflag:s29] =	ssyncadd.s32 $0xFFFFFFFF  }
0xb7: {  	_ =	strace $0x90000051  }
0xb8: {  	_ =	sfence  }
0xb9: {  	s30 =	sld [smem:$0x0];
	_ =	sdelay $0x2  }
0xba: {  	s31 =	sshll.u32 s1, $0xD;
	s1 =	sshrl.u32 s1, $0x2  }
0xbb: {  	s3 =	sand.u32 $0x4000, s31;
	s1 =	sadd.s32 s1, s30  }
0xbc: {  	s0 =	sor.u32 s3, s0;
	s1 =	sshll.u32 s1, $0x11  }
0xbd: {  	s0 =	sor.u32 s1, s0  }
0xbe: {  	s0 =	sadd.s32 $0x8F2B, s0  }
0xbf: {  	[sflag:s0] =	ssyncadd.remote.s32 $0x1  }
0xc0: {  	_ =	sfence.sel $0xFFFF  }
0xc1: {  	[dreg:$0x0] =	wrdreg $0xFFFFFFFF;
	(pc) =	sbr.abs _section_cstart, $3  }
0xc2: {  	[dreg:$0x1] =	wrdreg $0xFFFFFFFF  }
0xc3: {  	_ =	task.clear_ibuf [dreg:s7], $0x2FFFF;
	_ =	strace $0x9FFFFFFF  }
0xc4: {  	(tm) =	ssettm $0x7FFFFFFF  }
0xc5: {  	_ =	shalt  }
tec
execute0_lowered:
.L_overlay_start_1:
0x0: {  	(tag) =	ssettag $0x1  }
0x1: {  	s6 =	rddreg [dreg:$0x0]  }
0x2: {  	s1 =	rddreg [dreg:$0x1]  }
0x3: {  	s3 =	rddreg [dreg:$0x2]  }
0x4: {  	s4 =	rddreg [dreg:$0x3];
	s5 =	srdreg.scid  }
0x5: {  	s0 =	rddreg [dreg:$0x4];
	s2 =	stileid.u32;
	s17 =	simm.s32 $0x4F00  }
0x6: {  	s18 =	simm.s32 $0x1;
	s19 =	simm.s32 $0x0;
	s11 =	sand.u32 $0x1, s5  }
0x7: {  	s5 =	simm.s32 $0x0;
	s9 =	smul.u32 $0xA000, s2;
	s31 =	sshll.u32 s2, $0x6  }
0x8: {  	s7 =	sshll.u32 s11, $0x4;
	[smem:$0x7FF] =	sst s5;
	s8 =	smul.u32 $0xA0000, s11  }
0x9: {  	s12 =	ssub.s32 $0x2, s11;
	p0 =	seq.s32 s11, $0x0;
	s11 =	simm.s32 $0x2  }
0xa: {  	s7 =	sor.u32 s2, s7;
	_ =	strace $0x80000050;
	s10 =	sshrl.u32 s9, $0x3  }
0xb: {  	s13 =	sshrl.u32 s12, $0x1;
	s15 =	sadd.s32 s9, s3;
	s16 =	sadd.s32 s9, s4  }
0xc: {  	s7 =	smul.u32 $0x4F0, s7;
	s10 =	sadd.s32 s10, s6;
	s8 =	sadd.s32 s9, s8  }
0xd: {  	s12 =	ssub.s32 s12, s13;
	s13 =	sor.u32 $0x1C02, s31;
	s8 =	sshrl.u32 s8, $0x3  }
0xe: {  	s7 =	sadd.s32 s7, s6;
	s14 =	sadd.s32 s8, s6;
	s8 =	sadd.s32 $0x40600, s10  }
0xf: {  	s10 =	smax.u32 s12, $0x1;
	s12 =	simm.s32 $0x2780;
	s6 =	sadd.s32 $0xE800, s7  }
0x10: {  	s7 =	sadd.s32 $0x4200, s7;
	s9 =	sadd.s32 $0x54600, s14;
	s14 =	sshrl.u32 s15, $0x3  }
0x11: {  	s1 =	smov.u32 @p0 s8;
	s15 =	sshrl.u32 s16, $0x3;
	s16 =	simm.s32 $0x80  }
.LBB2_1:
0x12: {  	[tilespmem:s5], [sflag:$0x2] =	stream.linear.gather [hbm4b:s6+s5], $0x2780, $0x38;
	[tilespmem:$0x1AF00] =	vst v63  }
0x13: {  	_ =	swait.ge [sflag:s11], $0x2780  }
0x14: {  	[sflag:s11] =	ssyncset.done $0x0  }
0x15: {  	[sflag:s11] =	ssyncadd.s32 $0xFFFFD880  }
0x16: {  	[tilespmem:s12], [sflag:$0x2] =	stream.linear.gather [hbm4b:s7+s5], $0x2780, $0x38;
	[tilespmem:$0x1AF00] =	vst v63  }
0x17: {  	_ =	swait.ge [sflag:s11], $0x2780  }
0x18: {  	[sflag:s11] =	ssyncset.done $0x0  }
0x19: {  	[sflag:s11] =	ssyncadd.s32 $0xFFFFD880  }
0x1a: {  	[spmem:s14], [sflag:s13] =	dma.local [hbm:s8], $0x1400  }
0x1b: {  	_ =	swait.ge [sflag:s11], $0x1400  }
0x1c: {  	[sflag:s11] =	ssyncset.done $0x0  }
0x1d: {  	[sflag:s11] =	ssyncadd.s32 $0xFFFFEC00  }
0x1e: {  	[spmem:s15], [sflag:s13] =	dma.local [hbm:s1], $0x1400  }
0x1f: {  	_ =	swait.ge [sflag:s11], $0x1400  }
0x20: {  	[sflag:s11] =	ssyncset.done $0x0  }
0x21: {  	[sflag:s11] =	ssyncadd.s32 $0xFFFFEC00  }
0x22: {  	s20 =	simm.s32 $0x0;
	[bflag:$0x0] =	sbarrier.arrive $0xFFFF  }
0x23: {  	[tilespmem:s17], [sflag:$0x1] =	stream.indirect.gather [spmem:s3], $0x40, s20, s16, $0xb8;
	[tilespmem:$0x1AF00] =	vst v63  }
0x24: {  	_ =	swait.ge [sflag:s18], $0x2000  }
0x25: {  	[sflag:s18] =	ssyncset.done $0x0  }
0x26: {  	s31 =	simm.s32 $0x2780;
	[sflag:s18] =	ssyncadd.s32 $0xFFFFE000  }
0x27: {  	[spmem:s4] =	stream.indirect.scatter.add.f32 [tilespmem:s17], [sflag:$0x2], $0x40, s31, s16, $0xb8;
	[tilespmem:$0x1AF00] =	vst v63  }
0x28: {  	_ =	swait.ge [sflag:s11], $0x2000  }
0x29: {  	s21 =	simm.s32 $0x400;
	s20 =	simm.s32 $0x200;
	[sflag:s11] =	ssyncset.done $0x0  }
.LBB2_2:
0x2a: {  	s22 =	sshra.s32 s20, $0x2  }
0x2b: {  	[sflag:s11] =	ssyncadd.s32 $0xFFFFE000;
	s20 =	smov.u32 s21;
	s23 =	sadd.s32 $0x200, s21  }
0x2c: {  	[tilespmem:s17], [sflag:$0x1] =	stream.indirect.gather [spmem:s3], $0x40, s22, s16, $0xb8;
	[tilespmem:$0x1AF00] =	vst v63  }
0x2d: {  	p0 =	sne.s32 s21, $0x9C00;
	_ =	swait.ge [sflag:s18], $0x2000  }
.Ltmp0:
0x2e: {  	[sflag:s18] =	ssyncset.done $0x0;
	(pc) =	sbr.rel @p0 .LBB2_2-.Ltmp0, $4  }
0x2f: {  	s21 =	sadd.s32 $0x2780, s22;
	[sflag:s18] =	ssyncadd.s32 $0xFFFFE000  }
0x30: {  	[spmem:s4] =	stream.indirect.scatter.add.f32 [tilespmem:s17], [sflag:$0x2], $0x40, s21, s16, $0xb8;
	[tilespmem:$0x1AF00] =	vst v63  }
0x31: {  	_ =	swait.ge [sflag:s11], $0x2000  }
0x32: {  	s21 =	smov.u32 s23;
	[sflag:s11] =	ssyncset.done $0x0  }
0x33: {  	s20 =	sshra.s32 s20, $0x2;
	[sflag:s11] =	ssyncadd.s32 $0xFFFFE000  }
0x34: {  	[tilespmem:s17], [sflag:$0x1] =	stream.indirect.gather [spmem:s3], $0x40, s20, s16, $0xb8;
	[tilespmem:$0x1AF00] =	vst v63  }
0x35: {  	_ =	swait.ge [sflag:s18], $0x2000  }
0x36: {  	[sflag:s18] =	ssyncset.done $0x0  }
0x37: {  	s20 =	sadd.s32 $0x2780, s20;
	[sflag:s18] =	ssyncadd.s32 $0xFFFFE000  }
0x38: {  	[spmem:s4] =	stream.indirect.scatter.add.f32 [tilespmem:s17], [sflag:$0x2], $0x40, s20, s16, $0xb8;
	[tilespmem:$0x1AF00] =	vst v63  }
0x39: {  	_ =	swait.ge [sflag:s11], $0x2000  }
0x3a: {  	s19 =	sadd.s32 $0x1, s19;
	[sflag:s11] =	ssyncset.done $0x0  }
0x3b: {  	p0 =	sne.s32 s19, s10;
	[sflag:s11] =	ssyncadd.s32 $0xFFFFE000  }
.Ltmp1:
0x3c: {  	[bflag:$0x0] =	sbarrier.arrive $0xFFFF;
	(pc) =	sbr.rel @p0 .LBB2_1-.Ltmp1, $4  }
0x3d: {  	[hbm:s9], [sflag:s13] =	dma.local [spmem:s15], $0x1400  }
0x3e: {  	_ =	swait.ge [sflag:s11], $0x1400  }
0x3f: {  	[sflag:s11] =	ssyncset.done $0x0  }
0x40: {  	[sflag:s11] =	ssyncadd.s32 $0xFFFFEC00  }
0x41: {  	_ =	sfence.sel $0x180000  }
0x42: {  	[bflag:$0x0] =	sbarrier.arrive $0xFFFF  }
0x43: {  	p0 =	sne.s32 s2, $0x0;
	_ =	strace $0x90000050  }
0x44: {  	s0 =	sadd.s32 @!p0 $0x100000, s0;
	[bflag:$0x2] =	sbarrier.arrive $0xFFFF  }
0x45: {  	[sflag:s0] =	ssyncadd.tile.s32 @!p0 $0x1;
	_ =	shalt  }
.Lfunc_end2:
_tile_overlayer_lowered:
.L_overlay_start_2:
0x46: {  	(tag) =	ssettag $0x2  }
0x47: {  	s0 =	rddreg [dreg:$0x0];
	s2 =	stileid.u32  }
0x48: {  	s1 =	rddreg [dreg:$0x1];
	p0 =	sne.s32 s2, $0x0  }
0x49: {  	s3 =	rddreg [dreg:$0x2];
	[bflag:$0x3] =	sbarrier.arrive $0xFFFF;
	s2 =	simm.s32 @!p0 $0x1C02  }
0x4a: {  	[timem:s3], [sflag:s2] =	dma.local @!p0 [hbm:s0], s1  }
0x4b: {  	s0 =	simm.s32 @!p0 $0x2  }
0x4c: {  	_ =	swait.ge @!p0 [sflag:s0], s1  }
0x4d: {  	s1 =	ssub.s32 @!p0 $0x0, s1;
	[sflag:s0] =	ssyncset.done @!p0 $0x0  }
0x4e: {  	[sflag:s0] =	ssyncadd.s32 @!p0 s1  }
0x4f: {  	[bflag:$0x3] =	sbarrier.arrive $0xFFFF  }
0x50: {  	_ =	shalt  }

// kernel: kernel.37.cloned.1.call-start
scs
__scs_entry_jumppad:
0x0: {  	(pc) =	sbr.rel $0x88, $3  }
0x1: {  	(tag) =	ssettag $0x0;
	lr =	simm.s32 $0x1  }
0x2: {  	[smem:$0x3F9B] =	sst lr;
	_ =	strace $0xD0000000  }
0x3: {  	_ = 	snop  }
0x4: {  	_ = 	snop  }
0x5: {  	_ = 	snop  }
0x6: {  	_ = 	snop  }
0x7: {  	_ = 	snop  }
__scs_overlays_trampoline_lowered:
0x8: {  	[smem:$0x3FAA] =	sst s0  }
0x9: {  	[smem:$0x3FAB] =	sst s1  }
0xa: {  	[smem:$0x3FAC] =	sst s2  }
0xb: {  	[smem:$0x3FAD] =	sst s3  }
0xc: {  	[smem:$0x3FAE] =	sst s4  }
0xd: {  	[smem:$0x3FAF] =	sst s5  }
0xe: {  	[smem:$0x3FB0] =	sst s6  }
0xf: {  	[smem:$0x3FB1] =	sst s7  }
0x10: {  	[smem:$0x3FB2] =	sst s8  }
0x11: {  	[smem:$0x3FB3] =	sst s9;
	s0 =	simm.s32 @!p0 $0x0  }
0x12: {  	s1 =	sld [smem:$0x3F99];
	s0 =	simm.s32 @p0 $0x1  }
0x13: {  	[smem:$0x3FB4] =	sst s0;
	s0 =	simm.s32 @!p1 $0x0  }
0x14: {  	s2 =	sld [smem:$0x3F98];
	s0 =	simm.s32 @p1 $0x1  }
0x15: {  	[smem:$0x3FB5] =	sst s0;
	s0 =	simm.s32 @!p2 $0x0  }
0x16: {  	s3 =	sld [smem:$0x3FDB];
	s0 =	simm.s32 @p2 $0x1  }
0x17: {  	s4 =	simm.s32 $0x1BF5;
	[smem:$0x3FB7] =	sst s0  }
0x18: {  	s0 =	sld [smem:$0x3F9A];
	_ =	swait.ge [sflag:s4], $0x0  }
0x19: {  	s7 =	sld [smem:$0x3F9B]  }
0x1a: {  	s8 =	sadd.s32 $0xFFFFE003, lr  }
0x1b: {  	s9 =	sadd.s32 $0xFFFFFEF7, lr;
	s5 =	simm.s32 $0xFFFFFFFF;
	p2 =	slt.u32 s8, $0xFFFFF086  }
0x1c: {  	p1 =	slt.u32 s9, $0xF7A;
	s5 =	simm.s32 @!p2 $0x0  }
0x1d: {  	s5 =	simm.s32 @p1 $0x1;
	p0 =	seq.s32 s7, s2  }
0x1e: {  	s7 =	smul.u32 @!p0 $0xF7A, s2;
	p2 =	seq.s32 @!p0 s5, $0x0  }
0x1f: {  	s9 =	smul.u32 $0xF7A, s1;
	s8 =	simm.s32 @!p0 $0x1BF5;
	p2 =	por !p2, p0  }
0x20: {  	[sflag:s8] =	ssyncset.s32 @!p0 $0xFFFFF086;
	s6 =	sadd.s32 @!p0 s3, s7;
	s7 =	simm.s32 @!p0 $0x108  }
0x21: {  	s3 =	sadd.s32 s3, s9;
	s6 =	sadd.s32 @!p0 $0x88, s6;
	s7 =	simm.s32 @p2 $0x1082  }
0x22: {  	[simem:s7], [sflag:s8] =	dma.local @!p0 [hbm:s6], $0xF7A  }
0x23: {  	s9 =	sor.u32 $0xD0000000, s2;
	s6 =	simm.s32 $0x108;
	_ =	swait.ge @!p0 [sflag:s8], $0x0  }
0x24: {  	s3 =	sadd.s32 $0x88, s3;
	s6 =	simm.s32 @!p1 $0x1082;
	[sflag:s4] =	ssyncset.s32 $0xFFFFF086  }
0x25: {  	[simem:s6], [sflag:s4] =	dma.local [hbm:s3], $0xF7A  }
0x26: {  	[smem:$0x3F9B] =	sst s1;
	(tag) =	ssettag s2;
	_ =	strace s9  }
0x27: {  	s1 =	sld [smem:$0x3FAB]  }
0x28: {  	s2 =	sld [smem:$0x3FAC]  }
0x29: {  	s4 =	sld [smem:$0x3FAE]  }
0x2a: {  	p0 =	seq.s32 s5, $0x0;
	s5 =	sld [smem:$0x3FAF]  }
0x2b: {  	s6 =	sld [smem:$0x3FB0]  }
0x2c: {  	s7 =	sld [smem:$0x3FB1]  }
0x2d: {  	s3 =	simm.s32 $0x108;
	s8 =	sld [smem:$0x3FB2]  }
0x2e: {  	s3 =	simm.s32 @!p0 $0x1082;
	s9 =	sld [smem:$0x3FB3]  }
0x2f: {  	lr =	sadd.s32 s0, s3;
	s0 =	sld [smem:$0x3FAA]  }
0x30: {  	s3 =	sld [smem:$0x3FAD]  }
0x31: {  	[smem:$0x3FB6] =	sst s10  }
0x32: {  	s10 =	sld [smem:$0x3FB4];
	_ =	sdelay $0x3  }
0x33: {  	p0 =	seq.s32 s10, $0x1;
	s10 =	sld [smem:$0x3FB6];
	_ =	sdelay $0x3  }
0x34: {  	[smem:$0x3FB6] =	sst s10  }
0x35: {  	s10 =	sld [smem:$0x3FB5];
	_ =	sdelay $0x3  }
0x36: {  	p1 =	seq.s32 s10, $0x1;
	s10 =	sld [smem:$0x3FB6];
	_ =	sdelay $0x3  }
0x37: {  	[smem:$0x3FB6] =	sst s10  }
0x38: {  	s10 =	sld [smem:$0x3FB7]  }
0x39: {  	_ = 	snop;
	(pc) =	sbr.ind lr, $3  }
0x3a: {  	_ = 	snop  }
0x3b: {  	_ = 	snop  }
0x3c: {  	p2 =	seq.s32 s10, $0x1;
	s10 =	sld [smem:$0x3FB6]  }
0x3d: {  	_ =	shalt  }
0x3e: {  	_ =	shalt  }
0x3f: {  	_ =	shalt  }
0x40: {  	_ =	shalt  }
0x41: {  	_ =	shalt  }
0x42: {  	_ =	shalt  }
0x43: {  	_ =	shalt  }
0x44: {  	_ =	shalt  }
0x45: {  	_ =	shalt  }
0x46: {  	_ =	shalt  }
0x47: {  	_ =	shalt  }
0x48: {  	_ =	shalt  }
0x49: {  	_ =	shalt  }
0x4a: {  	_ =	shalt  }
0x4b: {  	_ =	shalt  }
0x4c: {  	_ =	shalt  }
0x4d: {  	_ =	shalt  }
0x4e: {  	_ =	shalt  }
0x4f: {  	_ =	shalt  }
0x50: {  	_ =	shalt  }
0x51: {  	_ =	shalt  }
0x52: {  	_ =	shalt  }
0x53: {  	_ =	shalt  }
0x54: {  	_ =	shalt  }
0x55: {  	_ =	shalt  }
0x56: {  	_ =	shalt  }
0x57: {  	_ =	shalt  }
0x58: {  	_ =	shalt  }
0x59: {  	_ =	shalt  }
0x5a: {  	_ =	shalt  }
0x5b: {  	_ =	shalt  }
0x5c: {  	_ =	shalt  }
0x5d: {  	_ =	shalt  }
0x5e: {  	_ =	shalt  }
0x5f: {  	_ =	shalt  }
0x60: {  	_ =	shalt  }
0x61: {  	_ =	shalt  }
0x62: {  	_ =	shalt  }
0x63: {  	_ =	shalt  }
0x64: {  	_ =	shalt  }
0x65: {  	_ =	shalt  }
0x66: {  	_ =	shalt  }
0x67: {  	_ =	shalt  }
0x68: {  	_ =	shalt  }
0x69: {  	_ =	shalt  }
0x6a: {  	_ =	shalt  }
0x6b: {  	_ =	shalt  }
0x6c: {  	_ =	shalt  }
0x6d: {  	_ =	shalt  }
0x6e: {  	_ =	shalt  }
0x6f: {  	_ =	shalt  }
0x70: {  	_ =	shalt  }
0x71: {  	_ =	shalt  }
0x72: {  	_ =	shalt  }
0x73: {  	_ =	shalt  }
0x74: {  	_ =	shalt  }
0x75: {  	_ =	shalt  }
0x76: {  	_ =	shalt  }
0x77: {  	_ =	shalt  }
0x78: {  	_ =	shalt  }
0x79: {  	_ =	shalt  }
0x7a: {  	_ =	shalt  }
0x7b: {  	_ =	shalt  }
0x7c: {  	_ =	shalt  }
0x7d: {  	_ =	shalt  }
0x7e: {  	_ =	shalt  }
0x7f: {  	_ =	shalt  }
0x80: {  	_ =	shalt  }
0x81: {  	_ =	shalt  }
0x82: {  	_ =	shalt  }
0x83: {  	_ =	shalt  }
0x84: {  	_ =	shalt  }
0x85: {  	_ =	shalt  }
0x86: {  	_ =	shalt  }
0x87: {  	_ =	shalt  }
.Lfunc_end0:
.L_simem_size_0:
called_computation.4_lowered:
.L_overlay_start_0:
0x88: {  	s2 =	sld [smem:$0x3FD9]  }
0x89: {  	s3 =	sld [smem:$0x3FFE];
	_ =	sdelay $0x1  }
0x8a: {  	s1 =	srdreg.scid  }
0x8b: {  	s0 =	sand.u32 $0x1, s1  }
0x8c: {  	s17 =	sshll.u32 s0, $0xA;
	s2 =	sadd.s32 s3, s2  }
0x8d: {  	s2 =	sadd.s32 s2, s17  }
0x8e: {  	[smem:$0x3FC2] =	sst s2  }
0x8f: {  	_ = 	snop  }
0x90: {  	s2 =	sld [smem:$0x3FD0];
	(tm) =	ssettm $0x1  }
0x91: {  	s18 =	sld [smem:$0x3FFB];
	_ =	sdelay $0x3  }
0x92: {  	_ =	strace s18  }
0x93: {  	s3 =	sld [smem:$0x3FFC];
	_ =	sdelay $0x3  }
0x94: {  	_ =	strace s3  }
0x95: {  	s3 =	sld [smem:$0x3FFD];
	_ =	sdelay $0x3  }
0x96: {  	_ =	strace s3  }
0x97: {  	_ =	strace $0x8FFFFFFF  }
0x98: {  	s19 =	sld [smem:$0x3FDB];
	_ =	sdelay $0x1  }
0x99: {  	s4 =	simm.s32 $_scs_section_size  }
0x9a: {  	s5 =	simm.s32 $_size__tile_overlayer_lowered;
	s6 =	simm.s32 $_tile_overlayer_lowered  }
0x9b: {  	s22 =	simm.s32 $0x1BFF;
	s21 =	sshll.u32 s6, $0x1;
	s3 =	sadd.s32 s4, s19  }
0x9c: {  	s7 =	simm.s32 $0x0;
	s20 =	sshll.u32 s5, $0x1;
	s5 =	sadd.s32 s21, s3  }
0x9d: {  	[timem:s7], [sflag:s22] =	dma.local [hbm:s5], s20  }
0x9e: {  	_ =	swait.ge [sflag:s22], s20  }
0x9f: {  	s4 =	ssub.s32 $0x0, s20;
	[sflag:s22] =	ssyncset.done $0x0  }
0xa0: {  	[sflag:s22] =	ssyncadd.s32 s4;
	_ =	sdelay $0x1  }
0xa1: {  	s23 =	simm.s32 $0x1B8B  }
0xa2: {  	_ =	swait.ge [sflag:s23], $0x1  }
0xa3: {  	[sflag:s23] =	ssyncset.done $0x0  }
0xa4: {  	s25 =	simm.s32 $0x1B8E;
	s24 =	sld [smem:$0x3FFE];
	[sflag:s23] =	ssyncadd.s32 $0xFFFFFFFF  }
0xa5: {  	s26 =	simm.s32 $execute0_lowered;
	[smem:$0x3FD2] =	sst s25  }
0xa6: {  	s5 =	sshll.u32 s26, $0x1;
	_ =	strace $0x80000052;
	[dreg:$0x1] =	wrdreg $0xFFFFFFFF  }
0xa7: {  	s28 =	simm.s32 $_size_execute0_lowered;
	s3 =	sadd.s32 s3, s5;
	[dreg:$0x0] =	wrdreg $0x0  }
0xa8: {  	s5 =	sshll.u32 s28, $0x1;
	[dreg:$0x2] =	wrdreg s3  }
0xa9: {  	[dreg:$0x3] =	wrdreg s5  }
0xaa: {  	[dreg:$0x4] =	wrdreg $0xC0  }
0xab: {  	_ =	task [dreg:s7], $0x5FFFF  }
0xac: {  	[dreg:$0x1] =	wrdreg $0xFFFFFFFF  }
0xad: {  	[dreg:$0x0] =	wrdreg $0x60  }
0xae: {  	[dreg:$0x2] =	wrdreg s24  }
0xaf: {  	[dreg:$0x3] =	wrdreg s2  }
0xb0: {  	[dreg:$0x4] =	wrdreg $0x6F000  }
0xb1: {  	[dreg:$0x5] =	wrdreg $0x10F000  }
0xb2: {  	[dreg:$0x6] =	wrdreg $0x9  }
0xb3: {  	_ =	task.clear_ibuf [dreg:s7], $0x7FFFF;
	_ =	strace $0x90000052  }
0xb4: {  	s29 =	simm.s32 $0x9;
	_ =	strace $0x80000054  }
0xb5: {  	_ =	swait.ge [sflag:s29], $0x1  }
0xb6: {  	[sflag:s29] =	ssyncadd.s32 $0xFFFFFFFF  }
0xb7: {  	_ =	strace $0x90000054  }
0xb8: {  	_ =	sfence  }
0xb9: {  	s30 =	sld [smem:$0x0];
	_ =	sdelay $0x2  }
0xba: {  	s31 =	sshll.u32 s1, $0xD;
	s1 =	sshrl.u32 s1, $0x2  }
0xbb: {  	s3 =	sand.u32 $0x4000, s31;
	s1 =	sadd.s32 s1, s30  }
0xbc: {  	s0 =	sor.u32 s3, s0;
	s1 =	sshll.u32 s1, $0x11  }
0xbd: {  	s0 =	sor.u32 s1, s0  }
0xbe: {  	s0 =	sadd.s32 $0x8F2B, s0  }
0xbf: {  	[sflag:s0] =	ssyncadd.remote.s32 $0x1  }
0xc0: {  	_ =	sfence.sel $0xFFFF  }
0xc1: {  	[dreg:$0x0] =	wrdreg $0xFFFFFFFF;
	(pc) =	sbr.abs _section_cstart, $3  }
0xc2: {  	[dreg:$0x1] =	wrdreg $0xFFFFFFFF  }
0xc3: {  	_ =	task.clear_ibuf [dreg:s7], $0x2FFFF;
	_ =	strace $0x9FFFFFFF  }
0xc4: {  	(tm) =	ssettm $0x7FFFFFFF  }
0xc5: {  	_ =	shalt  }
tec
execute0_lowered:
.L_overlay_start_1:
0x0: {  	(tag) =	ssettag $0x1  }
0x1: {  	s6 =	rddreg [dreg:$0x0]  }
0x2: {  	s1 =	rddreg [dreg:$0x1]  }
0x3: {  	s3 =	rddreg [dreg:$0x2]  }
0x4: {  	s4 =	rddreg [dreg:$0x3];
	s5 =	srdreg.scid  }
0x5: {  	s0 =	rddreg [dreg:$0x4];
	s2 =	stileid.u32;
	s17 =	simm.s32 $0x4F00  }
0x6: {  	s18 =	simm.s32 $0x1;
	s19 =	simm.s32 $0x0;
	s11 =	sand.u32 $0x1, s5  }
0x7: {  	s5 =	simm.s32 $0x0;
	s9 =	smul.u32 $0xA000, s2;
	s31 =	sshll.u32 s2, $0x6  }
0x8: {  	s7 =	sshll.u32 s11, $0x4;
	[smem:$0x7FF] =	sst s5;
	s8 =	smul.u32 $0xA0000, s11  }
0x9: {  	s12 =	ssub.s32 $0x2, s11;
	p0 =	seq.s32 s11, $0x0;
	s11 =	simm.s32 $0x2  }
0xa: {  	s7 =	sor.u32 s2, s7;
	_ =	strace $0x80000053;
	s10 =	sshrl.u32 s9, $0x3  }
0xb: {  	s13 =	sshrl.u32 s12, $0x1;
	s15 =	sadd.s32 s9, s3;
	s16 =	sadd.s32 s9, s4  }
0xc: {  	s7 =	smul.u32 $0x4F0, s7;
	s10 =	sadd.s32 s10, s6;
	s8 =	sadd.s32 s9, s8  }
0xd: {  	s12 =	ssub.s32 s12, s13;
	s13 =	sor.u32 $0x1C02, s31;
	s8 =	sshrl.u32 s8, $0x3  }
0xe: {  	s7 =	sadd.s32 s7, s6;
	s14 =	sadd.s32 s8, s6;
	s8 =	sadd.s32 $0x40600, s10  }
0xf: {  	s10 =	smax.u32 s12, $0x1;
	s12 =	simm.s32 $0x2780;
	s6 =	sadd.s32 $0xE800, s7  }
0x10: {  	s7 =	sadd.s32 $0x4200, s7;
	s9 =	sadd.s32 $0x54600, s14;
	s14 =	sshrl.u32 s15, $0x3  }
0x11: {  	s1 =	smov.u32 @p0 s8;
	s15 =	sshrl.u32 s16, $0x3;
	s16 =	simm.s32 $0x80  }
.LBB2_1:
0x12: {  	[tilespmem:s5], [sflag:$0x2] =	stream.linear.gather [hbm4b:s6+s5], $0x2780, $0x38;
	[tilespmem:$0x1AF00] =	vst v63  }
0x13: {  	_ =	swait.ge [sflag:s11], $0x2780  }
0x14: {  	[sflag:s11] =	ssyncset.done $0x0  }
0x15: {  	[sflag:s11] =	ssyncadd.s32 $0xFFFFD880  }
0x16: {  	[tilespmem:s12], [sflag:$0x2] =	stream.linear.gather [hbm4b:s7+s5], $0x2780, $0x38;
	[tilespmem:$0x1AF00] =	vst v63  }
0x17: {  	_ =	swait.ge [sflag:s11], $0x2780  }
0x18: {  	[sflag:s11] =	ssyncset.done $0x0  }
0x19: {  	[sflag:s11] =	ssyncadd.s32 $0xFFFFD880  }
0x1a: {  	[spmem:s14], [sflag:s13] =	dma.local [hbm:s8], $0x1400  }
0x1b: {  	_ =	swait.ge [sflag:s11], $0x1400  }
0x1c: {  	[sflag:s11] =	ssyncset.done $0x0  }
0x1d: {  	[sflag:s11] =	ssyncadd.s32 $0xFFFFEC00  }
0x1e: {  	[spmem:s15], [sflag:s13] =	dma.local [hbm:s1], $0x1400  }
0x1f: {  	_ =	swait.ge [sflag:s11], $0x1400  }
0x20: {  	[sflag:s11] =	ssyncset.done $0x0  }
0x21: {  	[sflag:s11] =	ssyncadd.s32 $0xFFFFEC00  }
0x22: {  	s20 =	simm.s32 $0x0;
	[bflag:$0x0] =	sbarrier.arrive $0xFFFF  }
0x23: {  	[tilespmem:s17], [sflag:$0x1] =	stream.indirect.gather [spmem:s3], $0x40, s20, s16, $0xb8;
	[tilespmem:$0x1AF00] =	vst v63  }
0x24: {  	_ =	swait.ge [sflag:s18], $0x2000  }
0x25: {  	[sflag:s18] =	ssyncset.done $0x0  }
0x26: {  	s31 =	simm.s32 $0x2780;
	[sflag:s18] =	ssyncadd.s32 $0xFFFFE000  }
0x27: {  	[spmem:s4] =	stream.indirect.scatter.add.f32 [tilespmem:s17], [sflag:$0x2], $0x40, s31, s16, $0xb8;
	[tilespmem:$0x1AF00] =	vst v63  }
0x28: {  	_ =	swait.ge [sflag:s11], $0x2000  }
0x29: {  	s21 =	simm.s32 $0x400;
	s20 =	simm.s32 $0x200;
	[sflag:s11] =	ssyncset.done $0x0  }
.LBB2_2:
0x2a: {  	s22 =	sshra.s32 s20, $0x2  }
0x2b: {  	[sflag:s11] =	ssyncadd.s32 $0xFFFFE000;
	s20 =	smov.u32 s21;
	s23 =	sadd.s32 $0x200, s21  }
0x2c: {  	[tilespmem:s17], [sflag:$0x1] =	stream.indirect.gather [spmem:s3], $0x40, s22, s16, $0xb8;
	[tilespmem:$0x1AF00] =	vst v63  }
0x2d: {  	p0 =	sne.s32 s21, $0x9C00;
	_ =	swait.ge [sflag:s18], $0x2000  }
.Ltmp0:
0x2e: {  	[sflag:s18] =	ssyncset.done $0x0;
	(pc) =	sbr.rel @p0 .LBB2_2-.Ltmp0, $4  }
0x2f: {  	s21 =	sadd.s32 $0x2780, s22;
	[sflag:s18] =	ssyncadd.s32 $0xFFFFE000  }
0x30: {  	[spmem:s4] =	stream.indirect.scatter.add.f32 [tilespmem:s17], [sflag:$0x2], $0x40, s21, s16, $0xb8;
	[tilespmem:$0x1AF00] =	vst v63  }
0x31: {  	_ =	swait.ge [sflag:s11], $0x2000  }
0x32: {  	s21 =	smov.u32 s23;
	[sflag:s11] =	ssyncset.done $0x0  }
0x33: {  	s20 =	sshra.s32 s20, $0x2;
	[sflag:s11] =	ssyncadd.s32 $0xFFFFE000  }
0x34: {  	[tilespmem:s17], [sflag:$0x1] =	stream.indirect.gather [spmem:s3], $0x40, s20, s16, $0xb8;
	[tilespmem:$0x1AF00] =	vst v63  }
0x35: {  	_ =	swait.ge [sflag:s18], $0x2000  }
0x36: {  	[sflag:s18] =	ssyncset.done $0x0  }
0x37: {  	s20 =	sadd.s32 $0x2780, s20;
	[sflag:s18] =	ssyncadd.s32 $0xFFFFE000  }
0x38: {  	[spmem:s4] =	stream.indirect.scatter.add.f32 [tilespmem:s17], [sflag:$0x2], $0x40, s20, s16, $0xb8;
	[tilespmem:$0x1AF00] =	vst v63  }
0x39: {  	_ =	swait.ge [sflag:s11], $0x2000  }
0x3a: {  	s19 =	sadd.s32 $0x1, s19;
	[sflag:s11] =	ssyncset.done $0x0  }
0x3b: {  	p0 =	sne.s32 s19, s10;
	[sflag:s11] =	ssyncadd.s32 $0xFFFFE000  }
.Ltmp1:
0x3c: {  	[bflag:$0x0] =	sbarrier.arrive $0xFFFF;
	(pc) =	sbr.rel @p0 .LBB2_1-.Ltmp1, $4  }
0x3d: {  	[hbm:s9], [sflag:s13] =	dma.local [spmem:s15], $0x1400  }
0x3e: {  	_ =	swait.ge [sflag:s11], $0x1400  }
0x3f: {  	[sflag:s11] =	ssyncset.done $0x0  }
0x40: {  	[sflag:s11] =	ssyncadd.s32 $0xFFFFEC00  }
0x41: {  	_ =	sfence.sel $0x180000  }
0x42: {  	[bflag:$0x0] =	sbarrier.arrive $0xFFFF  }
0x43: {  	p0 =	sne.s32 s2, $0x0;
	_ =	strace $0x90000053  }
0x44: {  	s0 =	sadd.s32 @!p0 $0x100000, s0;
	[bflag:$0x2] =	sbarrier.arrive $0xFFFF  }
0x45: {  	[sflag:s0] =	ssyncadd.tile.s32 @!p0 $0x1;
	_ =	shalt  }
.Lfunc_end2:
_tile_overlayer_lowered:
.L_overlay_start_2:
0x46: {  	(tag) =	ssettag $0x2  }
0x47: {  	s0 =	rddreg [dreg:$0x0];
	s2 =	stileid.u32  }
0x48: {  	s1 =	rddreg [dreg:$0x1];
	p0 =	sne.s32 s2, $0x0  }
0x49: {  	s3 =	rddreg [dreg:$0x2];
	[bflag:$0x3] =	sbarrier.arrive $0xFFFF;
	s2 =	simm.s32 @!p0 $0x1C02  }
0x4a: {  	[timem:s3], [sflag:s2] =	dma.local @!p0 [hbm:s0], s1  }
0x4b: {  	s0 =	simm.s32 @!p0 $0x2  }
0x4c: {  	_ =	swait.ge @!p0 [sflag:s0], s1  }
0x4d: {  	s1 =	ssub.s32 @!p0 $0x0, s1;
	[sflag:s0] =	ssyncset.done @!p0 $0x0  }
0x4e: {  	[sflag:s0] =	ssyncadd.s32 @!p0 s1  }
0x4f: {  	[bflag:$0x3] =	sbarrier.arrive $0xFFFF  }
0x50: {  	_ =	shalt  }

// kernel: kernel.40.cloned.1.call-start
scs
__scs_entry_jumppad:
0x0: {  	(pc) =	sbr.rel $0x88, $3  }
0x1: {  	(tag) =	ssettag $0x0;
	lr =	simm.s32 $0x1  }
0x2: {  	[smem:$0x3F9B] =	sst lr;
	_ =	strace $0xD0000000  }
0x3: {  	_ = 	snop  }
0x4: {  	_ = 	snop  }
0x5: {  	_ = 	snop  }
0x6: {  	_ = 	snop  }
0x7: {  	_ = 	snop  }
__scs_overlays_trampoline_lowered:
0x8: {  	[smem:$0x3FAA] =	sst s0  }
0x9: {  	[smem:$0x3FAB] =	sst s1  }
0xa: {  	[smem:$0x3FAC] =	sst s2  }
0xb: {  	[smem:$0x3FAD] =	sst s3  }
0xc: {  	[smem:$0x3FAE] =	sst s4  }
0xd: {  	[smem:$0x3FAF] =	sst s5  }
0xe: {  	[smem:$0x3FB0] =	sst s6  }
0xf: {  	[smem:$0x3FB1] =	sst s7  }
0x10: {  	[smem:$0x3FB2] =	sst s8  }
0x11: {  	[smem:$0x3FB3] =	sst s9;
	s0 =	simm.s32 @!p0 $0x0  }
0x12: {  	s1 =	sld [smem:$0x3F99];
	s0 =	simm.s32 @p0 $0x1  }
0x13: {  	[smem:$0x3FB4] =	sst s0;
	s0 =	simm.s32 @!p1 $0x0  }
0x14: {  	s2 =	sld [smem:$0x3F98];
	s0 =	simm.s32 @p1 $0x1  }
0x15: {  	[smem:$0x3FB5] =	sst s0;
	s0 =	simm.s32 @!p2 $0x0  }
0x16: {  	s3 =	sld [smem:$0x3FDB];
	s0 =	simm.s32 @p2 $0x1  }
0x17: {  	s4 =	simm.s32 $0x1BF5;
	[smem:$0x3FB7] =	sst s0  }
0x18: {  	s0 =	sld [smem:$0x3F9A];
	_ =	swait.ge [sflag:s4], $0x0  }
0x19: {  	s7 =	sld [smem:$0x3F9B]  }
0x1a: {  	s8 =	sadd.s32 $0xFFFFE003, lr  }
0x1b: {  	s9 =	sadd.s32 $0xFFFFFEF7, lr;
	s5 =	simm.s32 $0xFFFFFFFF;
	p2 =	slt.u32 s8, $0xFFFFF086  }
0x1c: {  	p1 =	slt.u32 s9, $0xF7A;
	s5 =	simm.s32 @!p2 $0x0  }
0x1d: {  	s5 =	simm.s32 @p1 $0x1;
	p0 =	seq.s32 s7, s2  }
0x1e: {  	s7 =	smul.u32 @!p0 $0xF7A, s2;
	p2 =	seq.s32 @!p0 s5, $0x0  }
0x1f: {  	s9 =	smul.u32 $0xF7A, s1;
	s8 =	simm.s32 @!p0 $0x1BF5;
	p2 =	por !p2, p0  }
0x20: {  	[sflag:s8] =	ssyncset.s32 @!p0 $0xFFFFF086;
	s6 =	sadd.s32 @!p0 s3, s7;
	s7 =	simm.s32 @!p0 $0x108  }
0x21: {  	s3 =	sadd.s32 s3, s9;
	s6 =	sadd.s32 @!p0 $0x88, s6;
	s7 =	simm.s32 @p2 $0x1082  }
0x22: {  	[simem:s7], [sflag:s8] =	dma.local @!p0 [hbm:s6], $0xF7A  }
0x23: {  	s9 =	sor.u32 $0xD0000000, s2;
	s6 =	simm.s32 $0x108;
	_ =	swait.ge @!p0 [sflag:s8], $0x0  }
0x24: {  	s3 =	sadd.s32 $0x88, s3;
	s6 =	simm.s32 @!p1 $0x1082;
	[sflag:s4] =	ssyncset.s32 $0xFFFFF086  }
0x25: {  	[simem:s6], [sflag:s4] =	dma.local [hbm:s3], $0xF7A  }
0x26: {  	[smem:$0x3F9B] =	sst s1;
	(tag) =	ssettag s2;
	_ =	strace s9  }
0x27: {  	s1 =	sld [smem:$0x3FAB]  }
0x28: {  	s2 =	sld [smem:$0x3FAC]  }
0x29: {  	s4 =	sld [smem:$0x3FAE]  }
0x2a: {  	p0 =	seq.s32 s5, $0x0;
	s5 =	sld [smem:$0x3FAF]  }
0x2b: {  	s6 =	sld [smem:$0x3FB0]  }
0x2c: {  	s7 =	sld [smem:$0x3FB1]  }
0x2d: {  	s3 =	simm.s32 $0x108;
	s8 =	sld [smem:$0x3FB2]  }
0x2e: {  	s3 =	simm.s32 @!p0 $0x1082;
	s9 =	sld [smem:$0x3FB3]  }
0x2f: {  	lr =	sadd.s32 s0, s3;
	s0 =	sld [smem:$0x3FAA]  }
0x30: {  	s3 =	sld [smem:$0x3FAD]  }
0x31: {  	[smem:$0x3FB6] =	sst s10  }
0x32: {  	s10 =	sld [smem:$0x3FB4];
	_ =	sdelay $0x3  }
0x33: {  	p0 =	seq.s32 s10, $0x1;
	s10 =	sld [smem:$0x3FB6];
	_ =	sdelay $0x3  }
0x34: {  	[smem:$0x3FB6] =	sst s10  }
0x35: {  	s10 =	sld [smem:$0x3FB5];
	_ =	sdelay $0x3  }
0x36: {  	p1 =	seq.s32 s10, $0x1;
	s10 =	sld [smem:$0x3FB6];
	_ =	sdelay $0x3  }
0x37: {  	[smem:$0x3FB6] =	sst s10  }
0x38: {  	s10 =	sld [smem:$0x3FB7]  }
0x39: {  	_ = 	snop;
	(pc) =	sbr.ind lr, $3  }
0x3a: {  	_ = 	snop  }
0x3b: {  	_ = 	snop  }
0x3c: {  	p2 =	seq.s32 s10, $0x1;
	s10 =	sld [smem:$0x3FB6]  }
0x3d: {  	_ =	shalt  }
0x3e: {  	_ =	shalt  }
0x3f: {  	_ =	shalt  }
0x40: {  	_ =	shalt  }
0x41: {  	_ =	shalt  }
0x42: {  	_ =	shalt  }
0x43: {  	_ =	shalt  }
0x44: {  	_ =	shalt  }
0x45: {  	_ =	shalt  }
0x46: {  	_ =	shalt  }
0x47: {  	_ =	shalt  }
0x48: {  	_ =	shalt  }
0x49: {  	_ =	shalt  }
0x4a: {  	_ =	shalt  }
0x4b: {  	_ =	shalt  }
0x4c: {  	_ =	shalt  }
0x4d: {  	_ =	shalt  }
0x4e: {  	_ =	shalt  }
0x4f: {  	_ =	shalt  }
0x50: {  	_ =	shalt  }
0x51: {  	_ =	shalt  }
0x52: {  	_ =	shalt  }
0x53: {  	_ =	shalt  }
0x54: {  	_ =	shalt  }
0x55: {  	_ =	shalt  }
0x56: {  	_ =	shalt  }
0x57: {  	_ =	shalt  }
0x58: {  	_ =	shalt  }
0x59: {  	_ =	shalt  }
0x5a: {  	_ =	shalt  }
0x5b: {  	_ =	shalt  }
0x5c: {  	_ =	shalt  }
0x5d: {  	_ =	shalt  }
0x5e: {  	_ =	shalt  }
0x5f: {  	_ =	shalt  }
0x60: {  	_ =	shalt  }
0x61: {  	_ =	shalt  }
0x62: {  	_ =	shalt  }
0x63: {  	_ =	shalt  }
0x64: {  	_ =	shalt  }
0x65: {  	_ =	shalt  }
0x66: {  	_ =	shalt  }
0x67: {  	_ =	shalt  }
0x68: {  	_ =	shalt  }
0x69: {  	_ =	shalt  }
0x6a: {  	_ =	shalt  }
0x6b: {  	_ =	shalt  }
0x6c: {  	_ =	shalt  }
0x6d: {  	_ =	shalt  }
0x6e: {  	_ =	shalt  }
0x6f: {  	_ =	shalt  }
0x70: {  	_ =	shalt  }
0x71: {  	_ =	shalt  }
0x72: {  	_ =	shalt  }
0x73: {  	_ =	shalt  }
0x74: {  	_ =	shalt  }
0x75: {  	_ =	shalt  }
0x76: {  	_ =	shalt  }
0x77: {  	_ =	shalt  }
0x78: {  	_ =	shalt  }
0x79: {  	_ =	shalt  }
0x7a: {  	_ =	shalt  }
0x7b: {  	_ =	shalt  }
0x7c: {  	_ =	shalt  }
0x7d: {  	_ =	shalt  }
0x7e: {  	_ =	shalt  }
0x7f: {  	_ =	shalt  }
0x80: {  	_ =	shalt  }
0x81: {  	_ =	shalt  }
0x82: {  	_ =	shalt  }
0x83: {  	_ =	shalt  }
0x84: {  	_ =	shalt  }
0x85: {  	_ =	shalt  }
0x86: {  	_ =	shalt  }
0x87: {  	_ =	shalt  }
.Lfunc_end0:
.L_simem_size_0:
called_computation.5_lowered:
.L_overlay_start_0:
0x88: {  	s2 =	sld [smem:$0x3FD9]  }
0x89: {  	s3 =	sld [smem:$0x3FFE];
	_ =	sdelay $0x1  }
0x8a: {  	s1 =	srdreg.scid  }
0x8b: {  	s0 =	sand.u32 $0x1, s1  }
0x8c: {  	s17 =	sshll.u32 s0, $0xA;
	s2 =	sadd.s32 s3, s2  }
0x8d: {  	s2 =	sadd.s32 s2, s17  }
0x8e: {  	[smem:$0x3FC2] =	sst s2  }
0x8f: {  	_ = 	snop  }
0x90: {  	s2 =	sld [smem:$0x3FD0];
	(tm) =	ssettm $0x1  }
0x91: {  	s18 =	sld [smem:$0x3FFB];
	_ =	sdelay $0x3  }
0x92: {  	_ =	strace s18  }
0x93: {  	s3 =	sld [smem:$0x3FFC];
	_ =	sdelay $0x3  }
0x94: {  	_ =	strace s3  }
0x95: {  	s3 =	sld [smem:$0x3FFD];
	_ =	sdelay $0x3  }
0x96: {  	_ =	strace s3  }
0x97: {  	_ =	strace $0x8FFFFFFF  }
0x98: {  	s19 =	sld [smem:$0x3FDB];
	_ =	sdelay $0x1  }
0x99: {  	s4 =	simm.s32 $_scs_section_size  }
0x9a: {  	s5 =	simm.s32 $_size__tile_overlayer_lowered;
	s6 =	simm.s32 $_tile_overlayer_lowered  }
0x9b: {  	s22 =	simm.s32 $0x1BFF;
	s21 =	sshll.u32 s6, $0x1;
	s3 =	sadd.s32 s4, s19  }
0x9c: {  	s7 =	simm.s32 $0x0;
	s20 =	sshll.u32 s5, $0x1;
	s5 =	sadd.s32 s21, s3  }
0x9d: {  	[timem:s7], [sflag:s22] =	dma.local [hbm:s5], s20  }
0x9e: {  	_ =	swait.ge [sflag:s22], s20  }
0x9f: {  	s4 =	ssub.s32 $0x0, s20;
	[sflag:s22] =	ssyncset.done $0x0  }
0xa0: {  	[sflag:s22] =	ssyncadd.s32 s4;
	_ =	sdelay $0x1  }
0xa1: {  	s23 =	simm.s32 $0x1B8B  }
0xa2: {  	_ =	swait.ge [sflag:s23], $0x1  }
0xa3: {  	[sflag:s23] =	ssyncset.done $0x0  }
0xa4: {  	s25 =	simm.s32 $0x1B8E;
	s24 =	sld [smem:$0x3FFE];
	[sflag:s23] =	ssyncadd.s32 $0xFFFFFFFF  }
0xa5: {  	s26 =	simm.s32 $execute0_lowered;
	[smem:$0x3FD2] =	sst s25  }
0xa6: {  	s5 =	sshll.u32 s26, $0x1;
	_ =	strace $0x80000055;
	[dreg:$0x1] =	wrdreg $0xFFFFFFFF  }
0xa7: {  	s28 =	simm.s32 $_size_execute0_lowered;
	s3 =	sadd.s32 s3, s5;
	[dreg:$0x0] =	wrdreg $0x0  }
0xa8: {  	s5 =	sshll.u32 s28, $0x1;
	[dreg:$0x2] =	wrdreg s3  }
0xa9: {  	[dreg:$0x3] =	wrdreg s5  }
0xaa: {  	[dreg:$0x4] =	wrdreg $0xC0  }
0xab: {  	_ =	task [dreg:s7], $0x5FFFF  }
0xac: {  	[dreg:$0x1] =	wrdreg $0xFFFFFFFF  }
0xad: {  	[dreg:$0x0] =	wrdreg $0x60  }
0xae: {  	[dreg:$0x2] =	wrdreg s24  }
0xaf: {  	[dreg:$0x3] =	wrdreg s2  }
0xb0: {  	[dreg:$0x4] =	wrdreg $0x6F000  }
0xb1: {  	[dreg:$0x5] =	wrdreg $0x10F000  }
0xb2: {  	[dreg:$0x6] =	wrdreg $0x9  }
0xb3: {  	_ =	task.clear_ibuf [dreg:s7], $0x7FFFF;
	_ =	strace $0x90000055  }
0xb4: {  	s29 =	simm.s32 $0x9;
	_ =	strace $0x80000057  }
0xb5: {  	_ =	swait.ge [sflag:s29], $0x1  }
0xb6: {  	[sflag:s29] =	ssyncadd.s32 $0xFFFFFFFF  }
0xb7: {  	_ =	strace $0x90000057  }
0xb8: {  	_ =	sfence  }
0xb9: {  	s30 =	sld [smem:$0x0];
	_ =	sdelay $0x2  }
0xba: {  	s31 =	sshll.u32 s1, $0xD;
	s1 =	sshrl.u32 s1, $0x2  }
0xbb: {  	s3 =	sand.u32 $0x4000, s31;
	s1 =	sadd.s32 s1, s30  }
0xbc: {  	s0 =	sor.u32 s3, s0;
	s1 =	sshll.u32 s1, $0x11  }
0xbd: {  	s0 =	sor.u32 s1, s0  }
0xbe: {  	s0 =	sadd.s32 $0x8F2B, s0  }
0xbf: {  	[sflag:s0] =	ssyncadd.remote.s32 $0x1  }
0xc0: {  	_ =	sfence.sel $0xFFFF  }
0xc1: {  	[dreg:$0x0] =	wrdreg $0xFFFFFFFF;
	(pc) =	sbr.abs _section_cstart, $3  }
0xc2: {  	[dreg:$0x1] =	wrdreg $0xFFFFFFFF  }
0xc3: {  	_ =	task.clear_ibuf [dreg:s7], $0x2FFFF;
	_ =	strace $0x9FFFFFFF  }
0xc4: {  	(tm) =	ssettm $0x7FFFFFFF  }
0xc5: {  	_ =	shalt  }
tec
execute0_lowered:
.L_overlay_start_1:
0x0: {  	(tag) =	ssettag $0x1  }
0x1: {  	s6 =	rddreg [dreg:$0x0]  }
0x2: {  	s1 =	rddreg [dreg:$0x1]  }
0x3: {  	s3 =	rddreg [dreg:$0x2]  }
0x4: {  	s4 =	rddreg [dreg:$0x3];
	s5 =	srdreg.scid  }
0x5: {  	s0 =	rddreg [dreg:$0x4];
	s2 =	stileid.u32;
	s17 =	simm.s32 $0x4F00  }
0x6: {  	s18 =	simm.s32 $0x1;
	s19 =	simm.s32 $0x0;
	s11 =	sand.u32 $0x1, s5  }
0x7: {  	s5 =	simm.s32 $0x0;
	s9 =	smul.u32 $0xA000, s2;
	s31 =	sshll.u32 s2, $0x6  }
0x8: {  	s7 =	sshll.u32 s11, $0x4;
	[smem:$0x7FF] =	sst s5;
	s8 =	smul.u32 $0xA0000, s11  }
0x9: {  	s12 =	ssub.s32 $0x2, s11;
	p0 =	seq.s32 s11, $0x0;
	s11 =	simm.s32 $0x2  }
0xa: {  	s7 =	sor.u32 s2, s7;
	_ =	strace $0x80000056;
	s10 =	sshrl.u32 s9, $0x3  }
0xb: {  	s13 =	sshrl.u32 s12, $0x1;
	s15 =	sadd.s32 s9, s3;
	s16 =	sadd.s32 s9, s4  }
0xc: {  	s7 =	smul.u32 $0x4F0, s7;
	s10 =	sadd.s32 s10, s6;
	s8 =	sadd.s32 s9, s8  }
0xd: {  	s12 =	ssub.s32 s12, s13;
	s13 =	sor.u32 $0x1C02, s31;
	s8 =	sshrl.u32 s8, $0x3  }
0xe: {  	s7 =	sadd.s32 s7, s6;
	s14 =	sadd.s32 s8, s6;
	s8 =	sadd.s32 $0x40600, s10  }
0xf: {  	s10 =	smax.u32 s12, $0x1;
	s12 =	simm.s32 $0x2780;
	s6 =	sadd.s32 $0xE800, s7  }
0x10: {  	s7 =	sadd.s32 $0x4200, s7;
	s9 =	sadd.s32 $0x54600, s14;
	s14 =	sshrl.u32 s15, $0x3  }
0x11: {  	s1 =	smov.u32 @p0 s8;
	s15 =	sshrl.u32 s16, $0x3;
	s16 =	simm.s32 $0x80  }
.LBB2_1:
0x12: {  	[tilespmem:s5], [sflag:$0x2] =	stream.linear.gather [hbm4b:s6+s5], $0x2780, $0x38;
	[tilespmem:$0x1AF00] =	vst v63  }
0x13: {  	_ =	swait.ge [sflag:s11], $0x2780  }
0x14: {  	[sflag:s11] =	ssyncset.done $0x0  }
0x15: {  	[sflag:s11] =	ssyncadd.s32 $0xFFFFD880  }
0x16: {  	[tilespmem:s12], [sflag:$0x2] =	stream.linear.gather [hbm4b:s7+s5], $0x2780, $0x38;
	[tilespmem:$0x1AF00] =	vst v63  }
0x17: {  	_ =	swait.ge [sflag:s11], $0x2780  }
0x18: {  	[sflag:s11] =	ssyncset.done $0x0  }
0x19: {  	[sflag:s11] =	ssyncadd.s32 $0xFFFFD880  }
0x1a: {  	[spmem:s14], [sflag:s13] =	dma.local [hbm:s8], $0x1400  }
0x1b: {  	_ =	swait.ge [sflag:s11], $0x1400  }
0x1c: {  	[sflag:s11] =	ssyncset.done $0x0  }
0x1d: {  	[sflag:s11] =	ssyncadd.s32 $0xFFFFEC00  }
0x1e: {  	[spmem:s15], [sflag:s13] =	dma.local [hbm:s1], $0x1400  }
0x1f: {  	_ =	swait.ge [sflag:s11], $0x1400  }
0x20: {  	[sflag:s11] =	ssyncset.done $0x0  }
0x21: {  	[sflag:s11] =	ssyncadd.s32 $0xFFFFEC00  }
0x22: {  	s20 =	simm.s32 $0x0;
	[bflag:$0x0] =	sbarrier.arrive $0xFFFF  }
0x23: {  	[tilespmem:s17], [sflag:$0x1] =	stream.indirect.gather [spmem:s3], $0x40, s20, s16, $0xb8;
	[tilespmem:$0x1AF00] =	vst v63  }
0x24: {  	_ =	swait.ge [sflag:s18], $0x2000  }
0x25: {  	[sflag:s18] =	ssyncset.done $0x0  }
0x26: {  	s31 =	simm.s32 $0x2780;
	[sflag:s18] =	ssyncadd.s32 $0xFFFFE000  }
0x27: {  	[spmem:s4] =	stream.indirect.scatter.add.f32 [tilespmem:s17], [sflag:$0x2], $0x40, s31, s16, $0xb8;
	[tilespmem:$0x1AF00] =	vst v63  }
0x28: {  	_ =	swait.ge [sflag:s11], $0x2000  }
0x29: {  	s21 =	simm.s32 $0x400;
	s20 =	simm.s32 $0x200;
	[sflag:s11] =	ssyncset.done $0x0  }
.LBB2_2:
0x2a: {  	s22 =	sshra.s32 s20, $0x2  }
0x2b: {  	[sflag:s11] =	ssyncadd.s32 $0xFFFFE000;
	s20 =	smov.u32 s21;
	s23 =	sadd.s32 $0x200, s21  }
0x2c: {  	[tilespmem:s17], [sflag:$0x1] =	stream.indirect.gather [spmem:s3], $0x40, s22, s16, $0xb8;
	[tilespmem:$0x1AF00] =	vst v63  }
0x2d: {  	p0 =	sne.s32 s21, $0x9C00;
	_ =	swait.ge [sflag:s18], $0x2000  }
.Ltmp0:
0x2e: {  	[sflag:s18] =	ssyncset.done $0x0;
	(pc) =	sbr.rel @p0 .LBB2_2-.Ltmp0, $4  }
0x2f: {  	s21 =	sadd.s32 $0x2780, s22;
	[sflag:s18] =	ssyncadd.s32 $0xFFFFE000  }
0x30: {  	[spmem:s4] =	stream.indirect.scatter.add.f32 [tilespmem:s17], [sflag:$0x2], $0x40, s21, s16, $0xb8;
	[tilespmem:$0x1AF00] =	vst v63  }
0x31: {  	_ =	swait.ge [sflag:s11], $0x2000  }
0x32: {  	s21 =	smov.u32 s23;
	[sflag:s11] =	ssyncset.done $0x0  }
0x33: {  	s20 =	sshra.s32 s20, $0x2;
	[sflag:s11] =	ssyncadd.s32 $0xFFFFE000  }
0x34: {  	[tilespmem:s17], [sflag:$0x1] =	stream.indirect.gather [spmem:s3], $0x40, s20, s16, $0xb8;
	[tilespmem:$0x1AF00] =	vst v63  }
0x35: {  	_ =	swait.ge [sflag:s18], $0x2000  }
0x36: {  	[sflag:s18] =	ssyncset.done $0x0  }
0x37: {  	s20 =	sadd.s32 $0x2780, s20;
	[sflag:s18] =	ssyncadd.s32 $0xFFFFE000  }
0x38: {  	[spmem:s4] =	stream.indirect.scatter.add.f32 [tilespmem:s17], [sflag:$0x2], $0x40, s20, s16, $0xb8;
	[tilespmem:$0x1AF00] =	vst v63  }
0x39: {  	_ =	swait.ge [sflag:s11], $0x2000  }
0x3a: {  	s19 =	sadd.s32 $0x1, s19;
	[sflag:s11] =	ssyncset.done $0x0  }
0x3b: {  	p0 =	sne.s32 s19, s10;
	[sflag:s11] =	ssyncadd.s32 $0xFFFFE000  }
.Ltmp1:
0x3c: {  	[bflag:$0x0] =	sbarrier.arrive $0xFFFF;
	(pc) =	sbr.rel @p0 .LBB2_1-.Ltmp1, $4  }
0x3d: {  	[hbm:s9], [sflag:s13] =	dma.local [spmem:s15], $0x1400  }
0x3e: {  	_ =	swait.ge [sflag:s11], $0x1400  }
0x3f: {  	[sflag:s11] =	ssyncset.done $0x0  }
0x40: {  	[sflag:s11] =	ssyncadd.s32 $0xFFFFEC00  }
0x41: {  	_ =	sfence.sel $0x180000  }
0x42: {  	[bflag:$0x0] =	sbarrier.arrive $0xFFFF  }
0x43: {  	p0 =	sne.s32 s2, $0x0;
	_ =	strace $0x90000056  }
0x44: {  	s0 =	sadd.s32 @!p0 $0x100000, s0;
	[bflag:$0x2] =	sbarrier.arrive $0xFFFF  }
0x45: {  	[sflag:s0] =	ssyncadd.tile.s32 @!p0 $0x1;
	_ =	shalt  }
.Lfunc_end2:
_tile_overlayer_lowered:
.L_overlay_start_2:
0x46: {  	(tag) =	ssettag $0x2  }
0x47: {  	s0 =	rddreg [dreg:$0x0];
	s2 =	stileid.u32  }
0x48: {  	s1 =	rddreg [dreg:$0x1];
	p0 =	sne.s32 s2, $0x0  }
0x49: {  	s3 =	rddreg [dreg:$0x2];
	[bflag:$0x3] =	sbarrier.arrive $0xFFFF;
	s2 =	simm.s32 @!p0 $0x1C02  }
0x4a: {  	[timem:s3], [sflag:s2] =	dma.local @!p0 [hbm:s0], s1  }
0x4b: {  	s0 =	simm.s32 @!p0 $0x2  }
0x4c: {  	_ =	swait.ge @!p0 [sflag:s0], s1  }
0x4d: {  	s1 =	ssub.s32 @!p0 $0x0, s1;
	[sflag:s0] =	ssyncset.done @!p0 $0x0  }
0x4e: {  	[sflag:s0] =	ssyncadd.s32 @!p0 s1  }
0x4f: {  	[bflag:$0x3] =	sbarrier.arrive $0xFFFF  }
0x50: {  	_ =	shalt  }

// kernel: kernel.43.cloned.1.call-start
scs
__scs_entry_jumppad:
0x0: {  	(pc) =	sbr.rel $0x88, $3  }
0x1: {  	(tag) =	ssettag $0x0;
	lr =	simm.s32 $0x1  }
0x2: {  	[smem:$0x3F9B] =	sst lr;
	_ =	strace $0xD0000000  }
0x3: {  	_ = 	snop  }
0x4: {  	_ = 	snop  }
0x5: {  	_ = 	snop  }
0x6: {  	_ = 	snop  }
0x7: {  	_ = 	snop  }
__scs_overlays_trampoline_lowered:
0x8: {  	[smem:$0x3FAA] =	sst s0  }
0x9: {  	[smem:$0x3FAB] =	sst s1  }
0xa: {  	[smem:$0x3FAC] =	sst s2  }
0xb: {  	[smem:$0x3FAD] =	sst s3  }
0xc: {  	[smem:$0x3FAE] =	sst s4  }
0xd: {  	[smem:$0x3FAF] =	sst s5  }
0xe: {  	[smem:$0x3FB0] =	sst s6  }
0xf: {  	[smem:$0x3FB1] =	sst s7  }
0x10: {  	[smem:$0x3FB2] =	sst s8  }
0x11: {  	[smem:$0x3FB3] =	sst s9;
	s0 =	simm.s32 @!p0 $0x0  }
0x12: {  	s1 =	sld [smem:$0x3F99];
	s0 =	simm.s32 @p0 $0x1  }
0x13: {  	[smem:$0x3FB4] =	sst s0;
	s0 =	simm.s32 @!p1 $0x0  }
0x14: {  	s2 =	sld [smem:$0x3F98];
	s0 =	simm.s32 @p1 $0x1  }
0x15: {  	[smem:$0x3FB5] =	sst s0;
	s0 =	simm.s32 @!p2 $0x0  }
0x16: {  	s3 =	sld [smem:$0x3FDB];
	s0 =	simm.s32 @p2 $0x1  }
0x17: {  	s4 =	simm.s32 $0x1BF5;
	[smem:$0x3FB7] =	sst s0  }
0x18: {  	s0 =	sld [smem:$0x3F9A];
	_ =	swait.ge [sflag:s4], $0x0  }
0x19: {  	s7 =	sld [smem:$0x3F9B]  }
0x1a: {  	s8 =	sadd.s32 $0xFFFFE003, lr  }
0x1b: {  	s9 =	sadd.s32 $0xFFFFFEF7, lr;
	s5 =	simm.s32 $0xFFFFFFFF;
	p2 =	slt.u32 s8, $0xFFFFF086  }
0x1c: {  	p1 =	slt.u32 s9, $0xF7A;
	s5 =	simm.s32 @!p2 $0x0  }
0x1d: {  	s5 =	simm.s32 @p1 $0x1;
	p0 =	seq.s32 s7, s2  }
0x1e: {  	s7 =	smul.u32 @!p0 $0xF7A, s2;
	p2 =	seq.s32 @!p0 s5, $0x0  }
0x1f: {  	s9 =	smul.u32 $0xF7A, s1;
	s8 =	simm.s32 @!p0 $0x1BF5;
	p2 =	por !p2, p0  }
0x20: {  	[sflag:s8] =	ssyncset.s32 @!p0 $0xFFFFF086;
	s6 =	sadd.s32 @!p0 s3, s7;
	s7 =	simm.s32 @!p0 $0x108  }
0x21: {  	s3 =	sadd.s32 s3, s9;
	s6 =	sadd.s32 @!p0 $0x88, s6;
	s7 =	simm.s32 @p2 $0x1082  }
0x22: {  	[simem:s7], [sflag:s8] =	dma.local @!p0 [hbm:s6], $0xF7A  }
0x23: {  	s9 =	sor.u32 $0xD0000000, s2;
	s6 =	simm.s32 $0x108;
	_ =	swait.ge @!p0 [sflag:s8], $0x0  }
0x24: {  	s3 =	sadd.s32 $0x88, s3;
	s6 =	simm.s32 @!p1 $0x1082;
	[sflag:s4] =	ssyncset.s32 $0xFFFFF086  }
0x25: {  	[simem:s6], [sflag:s4] =	dma.local [hbm:s3], $0xF7A  }
0x26: {  	[smem:$0x3F9B] =	sst s1;
	(tag) =	ssettag s2;
	_ =	strace s9  }
0x27: {  	s1 =	sld [smem:$0x3FAB]  }
0x28: {  	s2 =	sld [smem:$0x3FAC]  }
0x29: {  	s4 =	sld [smem:$0x3FAE]  }
0x2a: {  	p0 =	seq.s32 s5, $0x0;
	s5 =	sld [smem:$0x3FAF]  }
0x2b: {  	s6 =	sld [smem:$0x3FB0]  }
0x2c: {  	s7 =	sld [smem:$0x3FB1]  }
0x2d: {  	s3 =	simm.s32 $0x108;
	s8 =	sld [smem:$0x3FB2]  }
0x2e: {  	s3 =	simm.s32 @!p0 $0x1082;
	s9 =	sld [smem:$0x3FB3]  }
0x2f: {  	lr =	sadd.s32 s0, s3;
	s0 =	sld [smem:$0x3FAA]  }
0x30: {  	s3 =	sld [smem:$0x3FAD]  }
0x31: {  	[smem:$0x3FB6] =	sst s10  }
0x32: {  	s10 =	sld [smem:$0x3FB4];
	_ =	sdelay $0x3  }
0x33: {  	p0 =	seq.s32 s10, $0x1;
	s10 =	sld [smem:$0x3FB6];
	_ =	sdelay $0x3  }
0x34: {  	[smem:$0x3FB6] =	sst s10  }
0x35: {  	s10 =	sld [smem:$0x3FB5];
	_ =	sdelay $0x3  }
0x36: {  	p1 =	seq.s32 s10, $0x1;
	s10 =	sld [smem:$0x3FB6];
	_ =	sdelay $0x3  }
0x37: {  	[smem:$0x3FB6] =	sst s10  }
0x38: {  	s10 =	sld [smem:$0x3FB7]  }
0x39: {  	_ = 	snop;
	(pc) =	sbr.ind lr, $3  }
0x3a: {  	_ = 	snop  }
0x3b: {  	_ = 	snop  }
0x3c: {  	p2 =	seq.s32 s10, $0x1;
	s10 =	sld [smem:$0x3FB6]  }
0x3d: {  	_ =	shalt  }
0x3e: {  	_ =	shalt  }
0x3f: {  	_ =	shalt  }
0x40: {  	_ =	shalt  }
0x41: {  	_ =	shalt  }
0x42: {  	_ =	shalt  }
0x43: {  	_ =	shalt  }
0x44: {  	_ =	shalt  }
0x45: {  	_ =	shalt  }
0x46: {  	_ =	shalt  }
0x47: {  	_ =	shalt  }
0x48: {  	_ =	shalt  }
0x49: {  	_ =	shalt  }
0x4a: {  	_ =	shalt  }
0x4b: {  	_ =	shalt  }
0x4c: {  	_ =	shalt  }
0x4d: {  	_ =	shalt  }
0x4e: {  	_ =	shalt  }
0x4f: {  	_ =	shalt  }
0x50: {  	_ =	shalt  }
0x51: {  	_ =	shalt  }
0x52: {  	_ =	shalt  }
0x53: {  	_ =	shalt  }
0x54: {  	_ =	shalt  }
0x55: {  	_ =	shalt  }
0x56: {  	_ =	shalt  }
0x57: {  	_ =	shalt  }
0x58: {  	_ =	shalt  }
0x59: {  	_ =	shalt  }
0x5a: {  	_ =	shalt  }
0x5b: {  	_ =	shalt  }
0x5c: {  	_ =	shalt  }
0x5d: {  	_ =	shalt  }
0x5e: {  	_ =	shalt  }
0x5f: {  	_ =	shalt  }
0x60: {  	_ =	shalt  }
0x61: {  	_ =	shalt  }
0x62: {  	_ =	shalt  }
0x63: {  	_ =	shalt  }
0x64: {  	_ =	shalt  }
0x65: {  	_ =	shalt  }
0x66: {  	_ =	shalt  }
0x67: {  	_ =	shalt  }
0x68: {  	_ =	shalt  }
0x69: {  	_ =	shalt  }
0x6a: {  	_ =	shalt  }
0x6b: {  	_ =	shalt  }
0x6c: {  	_ =	shalt  }
0x6d: {  	_ =	shalt  }
0x6e: {  	_ =	shalt  }
0x6f: {  	_ =	shalt  }
0x70: {  	_ =	shalt  }
0x71: {  	_ =	shalt  }
0x72: {  	_ =	shalt  }
0x73: {  	_ =	shalt  }
0x74: {  	_ =	shalt  }
0x75: {  	_ =	shalt  }
0x76: {  	_ =	shalt  }
0x77: {  	_ =	shalt  }
0x78: {  	_ =	shalt  }
0x79: {  	_ =	shalt  }
0x7a: {  	_ =	shalt  }
0x7b: {  	_ =	shalt  }
0x7c: {  	_ =	shalt  }
0x7d: {  	_ =	shalt  }
0x7e: {  	_ =	shalt  }
0x7f: {  	_ =	shalt  }
0x80: {  	_ =	shalt  }
0x81: {  	_ =	shalt  }
0x82: {  	_ =	shalt  }
0x83: {  	_ =	shalt  }
0x84: {  	_ =	shalt  }
0x85: {  	_ =	shalt  }
0x86: {  	_ =	shalt  }
0x87: {  	_ =	shalt  }
.Lfunc_end0:
.L_simem_size_0:
called_computation.6_lowered:
.L_overlay_start_0:
0x88: {  	s2 =	sld [smem:$0x3FD9]  }
0x89: {  	s3 =	sld [smem:$0x3FFE];
	_ =	sdelay $0x1  }
0x8a: {  	s1 =	srdreg.scid  }
0x8b: {  	s0 =	sand.u32 $0x1, s1  }
0x8c: {  	s17 =	sshll.u32 s0, $0xA;
	s2 =	sadd.s32 s3, s2  }
0x8d: {  	s2 =	sadd.s32 s2, s17  }
0x8e: {  	[smem:$0x3FC2] =	sst s2  }
0x8f: {  	_ = 	snop  }
0x90: {  	s2 =	sld [smem:$0x3FD0];
	(tm) =	ssettm $0x1  }
0x91: {  	s18 =	sld [smem:$0x3FFB];
	_ =	sdelay $0x3  }
0x92: {  	_ =	strace s18  }
0x93: {  	s3 =	sld [smem:$0x3FFC];
	_ =	sdelay $0x3  }
0x94: {  	_ =	strace s3  }
0x95: {  	s3 =	sld [smem:$0x3FFD];
	_ =	sdelay $0x3  }
0x96: {  	_ =	strace s3  }
0x97: {  	_ =	strace $0x8FFFFFFF  }
0x98: {  	s19 =	sld [smem:$0x3FDB];
	_ =	sdelay $0x1  }
0x99: {  	s4 =	simm.s32 $_scs_section_size  }
0x9a: {  	s5 =	simm.s32 $_size__tile_overlayer_lowered;
	s6 =	simm.s32 $_tile_overlayer_lowered  }
0x9b: {  	s22 =	simm.s32 $0x1BFF;
	s21 =	sshll.u32 s6, $0x1;
	s3 =	sadd.s32 s4, s19  }
0x9c: {  	s7 =	simm.s32 $0x0;
	s20 =	sshll.u32 s5, $0x1;
	s5 =	sadd.s32 s21, s3  }
0x9d: {  	[timem:s7], [sflag:s22] =	dma.local [hbm:s5], s20  }
0x9e: {  	_ =	swait.ge [sflag:s22], s20  }
0x9f: {  	s4 =	ssub.s32 $0x0, s20;
	[sflag:s22] =	ssyncset.done $0x0  }
0xa0: {  	[sflag:s22] =	ssyncadd.s32 s4;
	_ =	sdelay $0x1  }
0xa1: {  	s23 =	simm.s32 $0x1B8B  }
0xa2: {  	_ =	swait.ge [sflag:s23], $0x1  }
0xa3: {  	[sflag:s23] =	ssyncset.done $0x0  }
0xa4: {  	s25 =	simm.s32 $0x1B8E;
	s24 =	sld [smem:$0x3FFE];
	[sflag:s23] =	ssyncadd.s32 $0xFFFFFFFF  }
0xa5: {  	s26 =	simm.s32 $execute0_lowered;
	[smem:$0x3FD2] =	sst s25  }
0xa6: {  	s5 =	sshll.u32 s26, $0x1;
	_ =	strace $0x80000058;
	[dreg:$0x1] =	wrdreg $0xFFFFFFFF  }
0xa7: {  	s28 =	simm.s32 $_size_execute0_lowered;
	s3 =	sadd.s32 s3, s5;
	[dreg:$0x0] =	wrdreg $0x0  }
0xa8: {  	s5 =	sshll.u32 s28, $0x1;
	[dreg:$0x2] =	wrdreg s3  }
0xa9: {  	[dreg:$0x3] =	wrdreg s5  }
0xaa: {  	[dreg:$0x4] =	wrdreg $0xC0  }
0xab: {  	_ =	task [dreg:s7], $0x5FFFF  }
0xac: {  	[dreg:$0x1] =	wrdreg $0xFFFFFFFF  }
0xad: {  	[dreg:$0x0] =	wrdreg $0x60  }
0xae: {  	[dreg:$0x2] =	wrdreg s24  }
0xaf: {  	[dreg:$0x3] =	wrdreg s2  }
0xb0: {  	[dreg:$0x4] =	wrdreg $0x6F000  }
0xb1: {  	[dreg:$0x5] =	wrdreg $0x10F000  }
0xb2: {  	[dreg:$0x6] =	wrdreg $0x9  }
0xb3: {  	_ =	task.clear_ibuf [dreg:s7], $0x7FFFF;
	_ =	strace $0x90000058  }
0xb4: {  	s29 =	simm.s32 $0x9;
	_ =	strace $0x8000005A  }
0xb5: {  	_ =	swait.ge [sflag:s29], $0x1  }
0xb6: {  	[sflag:s29] =	ssyncadd.s32 $0xFFFFFFFF  }
0xb7: {  	_ =	strace $0x9000005A  }
0xb8: {  	_ =	sfence  }
0xb9: {  	s30 =	sld [smem:$0x0];
	_ =	sdelay $0x2  }
0xba: {  	s31 =	sshll.u32 s1, $0xD;
	s1 =	sshrl.u32 s1, $0x2  }
0xbb: {  	s3 =	sand.u32 $0x4000, s31;
	s1 =	sadd.s32 s1, s30  }
0xbc: {  	s0 =	sor.u32 s3, s0;
	s1 =	sshll.u32 s1, $0x11  }
0xbd: {  	s0 =	sor.u32 s1, s0  }
0xbe: {  	s0 =	sadd.s32 $0x8F2B, s0  }
0xbf: {  	[sflag:s0] =	ssyncadd.remote.s32 $0x1  }
0xc0: {  	_ =	sfence.sel $0xFFFF  }
0xc1: {  	[dreg:$0x0] =	wrdreg $0xFFFFFFFF;
	(pc) =	sbr.abs _section_cstart, $3  }
0xc2: {  	[dreg:$0x1] =	wrdreg $0xFFFFFFFF  }
0xc3: {  	_ =	task.clear_ibuf [dreg:s7], $0x2FFFF;
	_ =	strace $0x9FFFFFFF  }
0xc4: {  	(tm) =	ssettm $0x7FFFFFFF  }
0xc5: {  	_ =	shalt  }
tec
execute0_lowered:
.L_overlay_start_1:
0x0: {  	(tag) =	ssettag $0x1  }
0x1: {  	s6 =	rddreg [dreg:$0x0]  }
0x2: {  	s1 =	rddreg [dreg:$0x1]  }
0x3: {  	s3 =	rddreg [dreg:$0x2]  }
0x4: {  	s4 =	rddreg [dreg:$0x3];
	s5 =	srdreg.scid  }
0x5: {  	s0 =	rddreg [dreg:$0x4];
	s2 =	stileid.u32;
	s17 =	simm.s32 $0x4F00  }
0x6: {  	s18 =	simm.s32 $0x1;
	s19 =	simm.s32 $0x0;
	s11 =	sand.u32 $0x1, s5  }
0x7: {  	s5 =	simm.s32 $0x0;
	s9 =	smul.u32 $0xA000, s2;
	s31 =	sshll.u32 s2, $0x6  }
0x8: {  	s7 =	sshll.u32 s11, $0x4;
	[smem:$0x7FF] =	sst s5;
	s8 =	smul.u32 $0xA0000, s11  }
0x9: {  	s12 =	ssub.s32 $0x2, s11;
	p0 =	seq.s32 s11, $0x0;
	s11 =	simm.s32 $0x2  }
0xa: {  	s7 =	sor.u32 s2, s7;
	_ =	strace $0x80000059;
	s10 =	sshrl.u32 s9, $0x3  }
0xb: {  	s13 =	sshrl.u32 s12, $0x1;
	s15 =	sadd.s32 s9, s3;
	s16 =	sadd.s32 s9, s4  }
0xc: {  	s7 =	smul.u32 $0x4F0, s7;
	s10 =	sadd.s32 s10, s6;
	s8 =	sadd.s32 s9, s8  }
0xd: {  	s12 =	ssub.s32 s12, s13;
	s13 =	sor.u32 $0x1C02, s31;
	s8 =	sshrl.u32 s8, $0x3  }
0xe: {  	s7 =	sadd.s32 s7, s6;
	s14 =	sadd.s32 s8, s6;
	s8 =	sadd.s32 $0x40600, s10  }
0xf: {  	s10 =	smax.u32 s12, $0x1;
	s12 =	simm.s32 $0x2780;
	s6 =	sadd.s32 $0xE800, s7  }
0x10: {  	s7 =	sadd.s32 $0x4200, s7;
	s9 =	sadd.s32 $0x54600, s14;
	s14 =	sshrl.u32 s15, $0x3  }
0x11: {  	s1 =	smov.u32 @p0 s8;
	s15 =	sshrl.u32 s16, $0x3;
	s16 =	simm.s32 $0x80  }
.LBB2_1:
0x12: {  	[tilespmem:s5], [sflag:$0x2] =	stream.linear.gather [hbm4b:s6+s5], $0x2780, $0x38;
	[tilespmem:$0x1AF00] =	vst v63  }
0x13: {  	_ =	swait.ge [sflag:s11], $0x2780  }
0x14: {  	[sflag:s11] =	ssyncset.done $0x0  }
0x15: {  	[sflag:s11] =	ssyncadd.s32 $0xFFFFD880  }
0x16: {  	[tilespmem:s12], [sflag:$0x2] =	stream.linear.gather [hbm4b:s7+s5], $0x2780, $0x38;
	[tilespmem:$0x1AF00] =	vst v63  }
0x17: {  	_ =	swait.ge [sflag:s11], $0x2780  }
0x18: {  	[sflag:s11] =	ssyncset.done $0x0  }
0x19: {  	[sflag:s11] =	ssyncadd.s32 $0xFFFFD880  }
0x1a: {  	[spmem:s14], [sflag:s13] =	dma.local [hbm:s8], $0x1400  }
0x1b: {  	_ =	swait.ge [sflag:s11], $0x1400  }
0x1c: {  	[sflag:s11] =	ssyncset.done $0x0  }
0x1d: {  	[sflag:s11] =	ssyncadd.s32 $0xFFFFEC00  }
0x1e: {  	[spmem:s15], [sflag:s13] =	dma.local [hbm:s1], $0x1400  }
0x1f: {  	_ =	swait.ge [sflag:s11], $0x1400  }
0x20: {  	[sflag:s11] =	ssyncset.done $0x0  }
0x21: {  	[sflag:s11] =	ssyncadd.s32 $0xFFFFEC00  }
0x22: {  	s20 =	simm.s32 $0x0;
	[bflag:$0x0] =	sbarrier.arrive $0xFFFF  }
0x23: {  	[tilespmem:s17], [sflag:$0x1] =	stream.indirect.gather [spmem:s3], $0x40, s20, s16, $0xb8;
	[tilespmem:$0x1AF00] =	vst v63  }
0x24: {  	_ =	swait.ge [sflag:s18], $0x2000  }
0x25: {  	[sflag:s18] =	ssyncset.done $0x0  }
0x26: {  	s31 =	simm.s32 $0x2780;
	[sflag:s18] =	ssyncadd.s32 $0xFFFFE000  }
0x27: {  	[spmem:s4] =	stream.indirect.scatter.add.f32 [tilespmem:s17], [sflag:$0x2], $0x40, s31, s16, $0xb8;
	[tilespmem:$0x1AF00] =	vst v63  }
0x28: {  	_ =	swait.ge [sflag:s11], $0x2000  }
0x29: {  	s21 =	simm.s32 $0x400;
	s20 =	simm.s32 $0x200;
	[sflag:s11] =	ssyncset.done $0x0  }
.LBB2_2:
0x2a: {  	s22 =	sshra.s32 s20, $0x2  }
0x2b: {  	[sflag:s11] =	ssyncadd.s32 $0xFFFFE000;
	s20 =	smov.u32 s21;
	s23 =	sadd.s32 $0x200, s21  }
0x2c: {  	[tilespmem:s17], [sflag:$0x1] =	stream.indirect.gather [spmem:s3], $0x40, s22, s16, $0xb8;
	[tilespmem:$0x1AF00] =	vst v63  }
0x2d: {  	p0 =	sne.s32 s21, $0x9C00;
	_ =	swait.ge [sflag:s18], $0x2000  }
.Ltmp0:
0x2e: {  	[sflag:s18] =	ssyncset.done $0x0;
	(pc) =	sbr.rel @p0 .LBB2_2-.Ltmp0, $4  }
0x2f: {  	s21 =	sadd.s32 $0x2780, s22;
	[sflag:s18] =	ssyncadd.s32 $0xFFFFE000  }
0x30: {  	[spmem:s4] =	stream.indirect.scatter.add.f32 [tilespmem:s17], [sflag:$0x2], $0x40, s21, s16, $0xb8;
	[tilespmem:$0x1AF00] =	vst v63  }
0x31: {  	_ =	swait.ge [sflag:s11], $0x2000  }
0x32: {  	s21 =	smov.u32 s23;
	[sflag:s11] =	ssyncset.done $0x0  }
0x33: {  	s20 =	sshra.s32 s20, $0x2;
	[sflag:s11] =	ssyncadd.s32 $0xFFFFE000  }
0x34: {  	[tilespmem:s17], [sflag:$0x1] =	stream.indirect.gather [spmem:s3], $0x40, s20, s16, $0xb8;
	[tilespmem:$0x1AF00] =	vst v63  }
0x35: {  	_ =	swait.ge [sflag:s18], $0x2000  }
0x36: {  	[sflag:s18] =	ssyncset.done $0x0  }
0x37: {  	s20 =	sadd.s32 $0x2780, s20;
	[sflag:s18] =	ssyncadd.s32 $0xFFFFE000  }
0x38: {  	[spmem:s4] =	stream.indirect.scatter.add.f32 [tilespmem:s17], [sflag:$0x2], $0x40, s20, s16, $0xb8;
	[tilespmem:$0x1AF00] =	vst v63  }
0x39: {  	_ =	swait.ge [sflag:s11], $0x2000  }
0x3a: {  	s19 =	sadd.s32 $0x1, s19;
	[sflag:s11] =	ssyncset.done $0x0  }
0x3b: {  	p0 =	sne.s32 s19, s10;
	[sflag:s11] =	ssyncadd.s32 $0xFFFFE000  }
.Ltmp1:
0x3c: {  	[bflag:$0x0] =	sbarrier.arrive $0xFFFF;
	(pc) =	sbr.rel @p0 .LBB2_1-.Ltmp1, $4  }
0x3d: {  	[hbm:s9], [sflag:s13] =	dma.local [spmem:s15], $0x1400  }
0x3e: {  	_ =	swait.ge [sflag:s11], $0x1400  }
0x3f: {  	[sflag:s11] =	ssyncset.done $0x0  }
0x40: {  	[sflag:s11] =	ssyncadd.s32 $0xFFFFEC00  }
0x41: {  	_ =	sfence.sel $0x180000  }
0x42: {  	[bflag:$0x0] =	sbarrier.arrive $0xFFFF  }
0x43: {  	p0 =	sne.s32 s2, $0x0;
	_ =	strace $0x90000059  }
0x44: {  	s0 =	sadd.s32 @!p0 $0x100000, s0;
	[bflag:$0x2] =	sbarrier.arrive $0xFFFF  }
0x45: {  	[sflag:s0] =	ssyncadd.tile.s32 @!p0 $0x1;
	_ =	shalt  }
.Lfunc_end2:
_tile_overlayer_lowered:
.L_overlay_start_2:
0x46: {  	(tag) =	ssettag $0x2  }
0x47: {  	s0 =	rddreg [dreg:$0x0];
	s2 =	stileid.u32  }
0x48: {  	s1 =	rddreg [dreg:$0x1];
	p0 =	sne.s32 s2, $0x0  }
0x49: {  	s3 =	rddreg [dreg:$0x2];
	[bflag:$0x3] =	sbarrier.arrive $0xFFFF;
	s2 =	simm.s32 @!p0 $0x1C02  }
0x4a: {  	[timem:s3], [sflag:s2] =	dma.local @!p0 [hbm:s0], s1  }
0x4b: {  	s0 =	simm.s32 @!p0 $0x2  }
0x4c: {  	_ =	swait.ge @!p0 [sflag:s0], s1  }
0x4d: {  	s1 =	ssub.s32 @!p0 $0x0, s1;
	[sflag:s0] =	ssyncset.done @!p0 $0x0  }
0x4e: {  	[sflag:s0] =	ssyncadd.s32 @!p0 s1  }
0x4f: {  	[bflag:$0x3] =	sbarrier.arrive $0xFFFF  }
0x50: {  	_ =	shalt  }

// kernel: kernel.46.cloned.1.call-start
scs
__scs_entry_jumppad:
0x0: {  	(pc) =	sbr.rel $0x88, $3  }
0x1: {  	(tag) =	ssettag $0x0;
	lr =	simm.s32 $0x1  }
0x2: {  	[smem:$0x3F9B] =	sst lr;
	_ =	strace $0xD0000000  }
0x3: {  	_ = 	snop  }
0x4: {  	_ = 	snop  }
0x5: {  	_ = 	snop  }
0x6: {  	_ = 	snop  }
0x7: {  	_ = 	snop  }
__scs_overlays_trampoline_lowered:
0x8: {  	[smem:$0x3FAA] =	sst s0  }
0x9: {  	[smem:$0x3FAB] =	sst s1  }
0xa: {  	[smem:$0x3FAC] =	sst s2  }
0xb: {  	[smem:$0x3FAD] =	sst s3  }
0xc: {  	[smem:$0x3FAE] =	sst s4  }
0xd: {  	[smem:$0x3FAF] =	sst s5  }
0xe: {  	[smem:$0x3FB0] =	sst s6  }
0xf: {  	[smem:$0x3FB1] =	sst s7  }
0x10: {  	[smem:$0x3FB2] =	sst s8  }
0x11: {  	[smem:$0x3FB3] =	sst s9;
	s0 =	simm.s32 @!p0 $0x0  }
0x12: {  	s1 =	sld [smem:$0x3F99];
	s0 =	simm.s32 @p0 $0x1  }
0x13: {  	[smem:$0x3FB4] =	sst s0;
	s0 =	simm.s32 @!p1 $0x0  }
0x14: {  	s2 =	sld [smem:$0x3F98];
	s0 =	simm.s32 @p1 $0x1  }
0x15: {  	[smem:$0x3FB5] =	sst s0;
	s0 =	simm.s32 @!p2 $0x0  }
0x16: {  	s3 =	sld [smem:$0x3FDB];
	s0 =	simm.s32 @p2 $0x1  }
0x17: {  	s4 =	simm.s32 $0x1BF5;
	[smem:$0x3FB7] =	sst s0  }
0x18: {  	s0 =	sld [smem:$0x3F9A];
	_ =	swait.ge [sflag:s4], $0x0  }
0x19: {  	s7 =	sld [smem:$0x3F9B]  }
0x1a: {  	s8 =	sadd.s32 $0xFFFFE003, lr  }
0x1b: {  	s9 =	sadd.s32 $0xFFFFFEF7, lr;
	s5 =	simm.s32 $0xFFFFFFFF;
	p2 =	slt.u32 s8, $0xFFFFF086  }
0x1c: {  	p1 =	slt.u32 s9, $0xF7A;
	s5 =	simm.s32 @!p2 $0x0  }
0x1d: {  	s5 =	simm.s32 @p1 $0x1;
	p0 =	seq.s32 s7, s2  }
0x1e: {  	s7 =	smul.u32 @!p0 $0xF7A, s2;
	p2 =	seq.s32 @!p0 s5, $0x0  }
0x1f: {  	s9 =	smul.u32 $0xF7A, s1;
	s8 =	simm.s32 @!p0 $0x1BF5;
	p2 =	por !p2, p0  }
0x20: {  	[sflag:s8] =	ssyncset.s32 @!p0 $0xFFFFF086;
	s6 =	sadd.s32 @!p0 s3, s7;
	s7 =	simm.s32 @!p0 $0x108  }
0x21: {  	s3 =	sadd.s32 s3, s9;
	s6 =	sadd.s32 @!p0 $0x88, s6;
	s7 =	simm.s32 @p2 $0x1082  }
0x22: {  	[simem:s7], [sflag:s8] =	dma.local @!p0 [hbm:s6], $0xF7A  }
0x23: {  	s9 =	sor.u32 $0xD0000000, s2;
	s6 =	simm.s32 $0x108;
	_ =	swait.ge @!p0 [sflag:s8], $0x0  }
0x24: {  	s3 =	sadd.s32 $0x88, s3;
	s6 =	simm.s32 @!p1 $0x1082;
	[sflag:s4] =	ssyncset.s32 $0xFFFFF086  }
0x25: {  	[simem:s6], [sflag:s4] =	dma.local [hbm:s3], $0xF7A  }
0x26: {  	[smem:$0x3F9B] =	sst s1;
	(tag) =	ssettag s2;
	_ =	strace s9  }
0x27: {  	s1 =	sld [smem:$0x3FAB]  }
0x28: {  	s2 =	sld [smem:$0x3FAC]  }
0x29: {  	s4 =	sld [smem:$0x3FAE]  }
0x2a: {  	p0 =	seq.s32 s5, $0x0;
	s5 =	sld [smem:$0x3FAF]  }
0x2b: {  	s6 =	sld [smem:$0x3FB0]  }
0x2c: {  	s7 =	sld [smem:$0x3FB1]  }
0x2d: {  	s3 =	simm.s32 $0x108;
	s8 =	sld [smem:$0x3FB2]  }
0x2e: {  	s3 =	simm.s32 @!p0 $0x1082;
	s9 =	sld [smem:$0x3FB3]  }
0x2f: {  	lr =	sadd.s32 s0, s3;
	s0 =	sld [smem:$0x3FAA]  }
0x30: {  	s3 =	sld [smem:$0x3FAD]  }
0x31: {  	[smem:$0x3FB6] =	sst s10  }
0x32: {  	s10 =	sld [smem:$0x3FB4];
	_ =	sdelay $0x3  }
0x33: {  	p0 =	seq.s32 s10, $0x1;
	s10 =	sld [smem:$0x3FB6];
	_ =	sdelay $0x3  }
0x34: {  	[smem:$0x3FB6] =	sst s10  }
0x35: {  	s10 =	sld [smem:$0x3FB5];
	_ =	sdelay $0x3  }
0x36: {  	p1 =	seq.s32 s10, $0x1;
	s10 =	sld [smem:$0x3FB6];
	_ =	sdelay $0x3  }
0x37: {  	[smem:$0x3FB6] =	sst s10  }
0x38: {  	s10 =	sld [smem:$0x3FB7]  }
0x39: {  	_ = 	snop;
	(pc) =	sbr.ind lr, $3  }
0x3a: {  	_ = 	snop  }
0x3b: {  	_ = 	snop  }
0x3c: {  	p2 =	seq.s32 s10, $0x1;
	s10 =	sld [smem:$0x3FB6]  }
0x3d: {  	_ =	shalt  }
0x3e: {  	_ =	shalt  }
0x3f: {  	_ =	shalt  }
0x40: {  	_ =	shalt  }
0x41: {  	_ =	shalt  }
0x42: {  	_ =	shalt  }
0x43: {  	_ =	shalt  }
0x44: {  	_ =	shalt  }
0x45: {  	_ =	shalt  }
0x46: {  	_ =	shalt  }
0x47: {  	_ =	shalt  }
0x48: {  	_ =	shalt  }
0x49: {  	_ =	shalt  }
0x4a: {  	_ =	shalt  }
0x4b: {  	_ =	shalt  }
0x4c: {  	_ =	shalt  }
0x4d: {  	_ =	shalt  }
0x4e: {  	_ =	shalt  }
0x4f: {  	_ =	shalt  }
0x50: {  	_ =	shalt  }
0x51: {  	_ =	shalt  }
0x52: {  	_ =	shalt  }
0x53: {  	_ =	shalt  }
0x54: {  	_ =	shalt  }
0x55: {  	_ =	shalt  }
0x56: {  	_ =	shalt  }
0x57: {  	_ =	shalt  }
0x58: {  	_ =	shalt  }
0x59: {  	_ =	shalt  }
0x5a: {  	_ =	shalt  }
0x5b: {  	_ =	shalt  }
0x5c: {  	_ =	shalt  }
0x5d: {  	_ =	shalt  }
0x5e: {  	_ =	shalt  }
0x5f: {  	_ =	shalt  }
0x60: {  	_ =	shalt  }
0x61: {  	_ =	shalt  }
0x62: {  	_ =	shalt  }
0x63: {  	_ =	shalt  }
0x64: {  	_ =	shalt  }
0x65: {  	_ =	shalt  }
0x66: {  	_ =	shalt  }
0x67: {  	_ =	shalt  }
0x68: {  	_ =	shalt  }
0x69: {  	_ =	shalt  }
0x6a: {  	_ =	shalt  }
0x6b: {  	_ =	shalt  }
0x6c: {  	_ =	shalt  }
0x6d: {  	_ =	shalt  }
0x6e: {  	_ =	shalt  }
0x6f: {  	_ =	shalt  }
0x70: {  	_ =	shalt  }
0x71: {  	_ =	shalt  }
0x72: {  	_ =	shalt  }
0x73: {  	_ =	shalt  }
0x74: {  	_ =	shalt  }
0x75: {  	_ =	shalt  }
0x76: {  	_ =	shalt  }
0x77: {  	_ =	shalt  }
0x78: {  	_ =	shalt  }
0x79: {  	_ =	shalt  }
0x7a: {  	_ =	shalt  }
0x7b: {  	_ =	shalt  }
0x7c: {  	_ =	shalt  }
0x7d: {  	_ =	shalt  }
0x7e: {  	_ =	shalt  }
0x7f: {  	_ =	shalt  }
0x80: {  	_ =	shalt  }
0x81: {  	_ =	shalt  }
0x82: {  	_ =	shalt  }
0x83: {  	_ =	shalt  }
0x84: {  	_ =	shalt  }
0x85: {  	_ =	shalt  }
0x86: {  	_ =	shalt  }
0x87: {  	_ =	shalt  }
.Lfunc_end0:
.L_simem_size_0:
called_computation.7_lowered:
.L_overlay_start_0:
0x88: {  	s2 =	sld [smem:$0x3FD9]  }
0x89: {  	s3 =	sld [smem:$0x3FFE];
	_ =	sdelay $0x1  }
0x8a: {  	s1 =	srdreg.scid  }
0x8b: {  	s0 =	sand.u32 $0x1, s1  }
0x8c: {  	s17 =	sshll.u32 s0, $0xA;
	s2 =	sadd.s32 s3, s2  }
0x8d: {  	s2 =	sadd.s32 s2, s17  }
0x8e: {  	[smem:$0x3FC2] =	sst s2  }
0x8f: {  	_ = 	snop  }
0x90: {  	s2 =	sld [smem:$0x3FD0];
	(tm) =	ssettm $0x1  }
0x91: {  	s18 =	sld [smem:$0x3FFB];
	_ =	sdelay $0x3  }
0x92: {  	_ =	strace s18  }
0x93: {  	s3 =	sld [smem:$0x3FFC];
	_ =	sdelay $0x3  }
0x94: {  	_ =	strace s3  }
0x95: {  	s3 =	sld [smem:$0x3FFD];
	_ =	sdelay $0x3  }
0x96: {  	_ =	strace s3  }
0x97: {  	_ =	strace $0x8FFFFFFF  }
0x98: {  	s19 =	sld [smem:$0x3FDB];
	_ =	sdelay $0x1  }
0x99: {  	s4 =	simm.s32 $_scs_section_size  }
0x9a: {  	s5 =	simm.s32 $_size__tile_overlayer_lowered;
	s6 =	simm.s32 $_tile_overlayer_lowered  }
0x9b: {  	s22 =	simm.s32 $0x1BFF;
	s21 =	sshll.u32 s6, $0x1;
	s3 =	sadd.s32 s4, s19  }
0x9c: {  	s7 =	simm.s32 $0x0;
	s20 =	sshll.u32 s5, $0x1;
	s5 =	sadd.s32 s21, s3  }
0x9d: {  	[timem:s7], [sflag:s22] =	dma.local [hbm:s5], s20  }
0x9e: {  	_ =	swait.ge [sflag:s22], s20  }
0x9f: {  	s4 =	ssub.s32 $0x0, s20;
	[sflag:s22] =	ssyncset.done $0x0  }
0xa0: {  	[sflag:s22] =	ssyncadd.s32 s4;
	_ =	sdelay $0x1  }
0xa1: {  	s23 =	simm.s32 $0x1B8B  }
0xa2: {  	_ =	swait.ge [sflag:s23], $0x1  }
0xa3: {  	[sflag:s23] =	ssyncset.done $0x0  }
0xa4: {  	s25 =	simm.s32 $0x1B8E;
	s24 =	sld [smem:$0x3FFE];
	[sflag:s23] =	ssyncadd.s32 $0xFFFFFFFF  }
0xa5: {  	s26 =	simm.s32 $execute0_lowered;
	[smem:$0x3FD2] =	sst s25  }
0xa6: {  	s5 =	sshll.u32 s26, $0x1;
	_ =	strace $0x8000005B;
	[dreg:$0x1] =	wrdreg $0xFFFFFFFF  }
0xa7: {  	s28 =	simm.s32 $_size_execute0_lowered;
	s3 =	sadd.s32 s3, s5;
	[dreg:$0x0] =	wrdreg $0x0  }
0xa8: {  	s5 =	sshll.u32 s28, $0x1;
	[dreg:$0x2] =	wrdreg s3  }
0xa9: {  	[dreg:$0x3] =	wrdreg s5  }
0xaa: {  	[dreg:$0x4] =	wrdreg $0xC0  }
0xab: {  	_ =	task [dreg:s7], $0x5FFFF  }
0xac: {  	[dreg:$0x1] =	wrdreg $0xFFFFFFFF  }
0xad: {  	[dreg:$0x0] =	wrdreg $0x60  }
0xae: {  	[dreg:$0x2] =	wrdreg s24  }
0xaf: {  	[dreg:$0x3] =	wrdreg s2  }
0xb0: {  	[dreg:$0x4] =	wrdreg $0x6F000  }
0xb1: {  	[dreg:$0x5] =	wrdreg $0x10F000  }
0xb2: {  	[dreg:$0x6] =	wrdreg $0x9  }
0xb3: {  	_ =	task.clear_ibuf [dreg:s7], $0x7FFFF;
	_ =	strace $0x9000005B  }
0xb4: {  	s29 =	simm.s32 $0x9;
	_ =	strace $0x8000005D  }
0xb5: {  	_ =	swait.ge [sflag:s29], $0x1  }
0xb6: {  	[sflag:s29] =	ssyncadd.s32 $0xFFFFFFFF  }
0xb7: {  	_ =	strace $0x9000005D  }
0xb8: {  	_ =	sfence  }
0xb9: {  	s30 =	sld [smem:$0x0];
	_ =	sdelay $0x2  }
0xba: {  	s31 =	sshll.u32 s1, $0xD;
	s1 =	sshrl.u32 s1, $0x2  }
0xbb: {  	s3 =	sand.u32 $0x4000, s31;
	s1 =	sadd.s32 s1, s30  }
0xbc: {  	s0 =	sor.u32 s3, s0;
	s1 =	sshll.u32 s1, $0x11  }
0xbd: {  	s0 =	sor.u32 s1, s0  }
0xbe: {  	s0 =	sadd.s32 $0x8F2B, s0  }
0xbf: {  	[sflag:s0] =	ssyncadd.remote.s32 $0x1  }
0xc0: {  	_ =	sfence.sel $0xFFFF  }
0xc1: {  	[dreg:$0x0] =	wrdreg $0xFFFFFFFF;
	(pc) =	sbr.abs _section_cstart, $3  }
0xc2: {  	[dreg:$0x1] =	wrdreg $0xFFFFFFFF  }
0xc3: {  	_ =	task.clear_ibuf [dreg:s7], $0x2FFFF;
	_ =	strace $0x9FFFFFFF  }
0xc4: {  	(tm) =	ssettm $0x7FFFFFFF  }
0xc5: {  	_ =	shalt  }
tec
execute0_lowered:
.L_overlay_start_1:
0x0: {  	(tag) =	ssettag $0x1  }
0x1: {  	s6 =	rddreg [dreg:$0x0]  }
0x2: {  	s1 =	rddreg [dreg:$0x1]  }
0x3: {  	s3 =	rddreg [dreg:$0x2]  }
0x4: {  	s4 =	rddreg [dreg:$0x3];
	s5 =	srdreg.scid  }
0x5: {  	s0 =	rddreg [dreg:$0x4];
	s2 =	stileid.u32;
	s17 =	simm.s32 $0x4F00  }
0x6: {  	s18 =	simm.s32 $0x1;
	s19 =	simm.s32 $0x0;
	s11 =	sand.u32 $0x1, s5  }
0x7: {  	s5 =	simm.s32 $0x0;
	s9 =	smul.u32 $0xA000, s2;
	s31 =	sshll.u32 s2, $0x6  }
0x8: {  	s7 =	sshll.u32 s11, $0x4;
	[smem:$0x7FF] =	sst s5;
	s8 =	smul.u32 $0xA0000, s11  }
0x9: {  	s12 =	ssub.s32 $0x2, s11;
	p0 =	seq.s32 s11, $0x0;
	s11 =	simm.s32 $0x2  }
0xa: {  	s7 =	sor.u32 s2, s7;
	_ =	strace $0x8000005C;
	s10 =	sshrl.u32 s9, $0x3  }
0xb: {  	s13 =	sshrl.u32 s12, $0x1;
	s15 =	sadd.s32 s9, s3;
	s16 =	sadd.s32 s9, s4  }
0xc: {  	s7 =	smul.u32 $0x4F0, s7;
	s10 =	sadd.s32 s10, s6;
	s8 =	sadd.s32 s9, s8  }
0xd: {  	s12 =	ssub.s32 s12, s13;
	s13 =	sor.u32 $0x1C02, s31;
	s8 =	sshrl.u32 s8, $0x3  }
0xe: {  	s7 =	sadd.s32 s7, s6;
	s14 =	sadd.s32 s8, s6;
	s8 =	sadd.s32 $0x40600, s10  }
0xf: {  	s10 =	smax.u32 s12, $0x1;
	s12 =	simm.s32 $0x2780;
	s6 =	sadd.s32 $0xE800, s7  }
0x10: {  	s7 =	sadd.s32 $0x4200, s7;
	s9 =	sadd.s32 $0x54600, s14;
	s14 =	sshrl.u32 s15, $0x3  }
0x11: {  	s1 =	smov.u32 @p0 s8;
	s15 =	sshrl.u32 s16, $0x3;
	s16 =	simm.s32 $0x80  }
.LBB2_1:
0x12: {  	[tilespmem:s5], [sflag:$0x2] =	stream.linear.gather [hbm4b:s6+s5], $0x2780, $0x38;
	[tilespmem:$0x1AF00] =	vst v63  }
0x13: {  	_ =	swait.ge [sflag:s11], $0x2780  }
0x14: {  	[sflag:s11] =	ssyncset.done $0x0  }
0x15: {  	[sflag:s11] =	ssyncadd.s32 $0xFFFFD880  }
0x16: {  	[tilespmem:s12], [sflag:$0x2] =	stream.linear.gather [hbm4b:s7+s5], $0x2780, $0x38;
	[tilespmem:$0x1AF00] =	vst v63  }
0x17: {  	_ =	swait.ge [sflag:s11], $0x2780  }
0x18: {  	[sflag:s11] =	ssyncset.done $0x0  }
0x19: {  	[sflag:s11] =	ssyncadd.s32 $0xFFFFD880  }
0x1a: {  	[spmem:s14], [sflag:s13] =	dma.local [hbm:s8], $0x1400  }
0x1b: {  	_ =	swait.ge [sflag:s11], $0x1400  }
0x1c: {  	[sflag:s11] =	ssyncset.done $0x0  }
0x1d: {  	[sflag:s11] =	ssyncadd.s32 $0xFFFFEC00  }
0x1e: {  	[spmem:s15], [sflag:s13] =	dma.local [hbm:s1], $0x1400  }
0x1f: {  	_ =	swait.ge [sflag:s11], $0x1400  }
0x20: {  	[sflag:s11] =	ssyncset.done $0x0  }
0x21: {  	[sflag:s11] =	ssyncadd.s32 $0xFFFFEC00  }
0x22: {  	s20 =	simm.s32 $0x0;
	[bflag:$0x0] =	sbarrier.arrive $0xFFFF  }
0x23: {  	[tilespmem:s17], [sflag:$0x1] =	stream.indirect.gather [spmem:s3], $0x40, s20, s16, $0xb8;
	[tilespmem:$0x1AF00] =	vst v63  }
0x24: {  	_ =	swait.ge [sflag:s18], $0x2000  }
0x25: {  	[sflag:s18] =	ssyncset.done $0x0  }
0x26: {  	s31 =	simm.s32 $0x2780;
	[sflag:s18] =	ssyncadd.s32 $0xFFFFE000  }
0x27: {  	[spmem:s4] =	stream.indirect.scatter.add.f32 [tilespmem:s17], [sflag:$0x2], $0x40, s31, s16, $0xb8;
	[tilespmem:$0x1AF00] =	vst v63  }
0x28: {  	_ =	swait.ge [sflag:s11], $0x2000  }
0x29: {  	s21 =	simm.s32 $0x400;
	s20 =	simm.s32 $0x200;
	[sflag:s11] =	ssyncset.done $0x0  }
.LBB2_2:
0x2a: {  	s22 =	sshra.s32 s20, $0x2  }
0x2b: {  	[sflag:s11] =	ssyncadd.s32 $0xFFFFE000;
	s20 =	smov.u32 s21;
	s23 =	sadd.s32 $0x200, s21  }
0x2c: {  	[tilespmem:s17], [sflag:$0x1] =	stream.indirect.gather [spmem:s3], $0x40, s22, s16, $0xb8;
	[tilespmem:$0x1AF00] =	vst v63  }
0x2d: {  	p0 =	sne.s32 s21, $0x9C00;
	_ =	swait.ge [sflag:s18], $0x2000  }
.Ltmp0:
0x2e: {  	[sflag:s18] =	ssyncset.done $0x0;
	(pc) =	sbr.rel @p0 .LBB2_2-.Ltmp0, $4  }
0x2f: {  	s21 =	sadd.s32 $0x2780, s22;
	[sflag:s18] =	ssyncadd.s32 $0xFFFFE000  }
0x30: {  	[spmem:s4] =	stream.indirect.scatter.add.f32 [tilespmem:s17], [sflag:$0x2], $0x40, s21, s16, $0xb8;
	[tilespmem:$0x1AF00] =	vst v63  }
0x31: {  	_ =	swait.ge [sflag:s11], $0x2000  }
0x32: {  	s21 =	smov.u32 s23;
	[sflag:s11] =	ssyncset.done $0x0  }
0x33: {  	s20 =	sshra.s32 s20, $0x2;
	[sflag:s11] =	ssyncadd.s32 $0xFFFFE000  }
0x34: {  	[tilespmem:s17], [sflag:$0x1] =	stream.indirect.gather [spmem:s3], $0x40, s20, s16, $0xb8;
	[tilespmem:$0x1AF00] =	vst v63  }
0x35: {  	_ =	swait.ge [sflag:s18], $0x2000  }
0x36: {  	[sflag:s18] =	ssyncset.done $0x0  }
0x37: {  	s20 =	sadd.s32 $0x2780, s20;
	[sflag:s18] =	ssyncadd.s32 $0xFFFFE000  }
0x38: {  	[spmem:s4] =	stream.indirect.scatter.add.f32 [tilespmem:s17], [sflag:$0x2], $0x40, s20, s16, $0xb8;
	[tilespmem:$0x1AF00] =	vst v63  }
0x39: {  	_ =	swait.ge [sflag:s11], $0x2000  }
0x3a: {  	s19 =	sadd.s32 $0x1, s19;
	[sflag:s11] =	ssyncset.done $0x0  }
0x3b: {  	p0 =	sne.s32 s19, s10;
	[sflag:s11] =	ssyncadd.s32 $0xFFFFE000  }
.Ltmp1:
0x3c: {  	[bflag:$0x0] =	sbarrier.arrive $0xFFFF;
	(pc) =	sbr.rel @p0 .LBB2_1-.Ltmp1, $4  }
0x3d: {  	[hbm:s9], [sflag:s13] =	dma.local [spmem:s15], $0x1400  }
0x3e: {  	_ =	swait.ge [sflag:s11], $0x1400  }
0x3f: {  	[sflag:s11] =	ssyncset.done $0x0  }
0x40: {  	[sflag:s11] =	ssyncadd.s32 $0xFFFFEC00  }
0x41: {  	_ =	sfence.sel $0x180000  }
0x42: {  	[bflag:$0x0] =	sbarrier.arrive $0xFFFF  }
0x43: {  	p0 =	sne.s32 s2, $0x0;
	_ =	strace $0x9000005C  }
0x44: {  	s0 =	sadd.s32 @!p0 $0x100000, s0;
	[bflag:$0x2] =	sbarrier.arrive $0xFFFF  }
0x45: {  	[sflag:s0] =	ssyncadd.tile.s32 @!p0 $0x1;
	_ =	shalt  }
.Lfunc_end2:
_tile_overlayer_lowered:
.L_overlay_start_2:
0x46: {  	(tag) =	ssettag $0x2  }
0x47: {  	s0 =	rddreg [dreg:$0x0];
	s2 =	stileid.u32  }
0x48: {  	s1 =	rddreg [dreg:$0x1];
	p0 =	sne.s32 s2, $0x0  }
0x49: {  	s3 =	rddreg [dreg:$0x2];
	[bflag:$0x3] =	sbarrier.arrive $0xFFFF;
	s2 =	simm.s32 @!p0 $0x1C02  }
0x4a: {  	[timem:s3], [sflag:s2] =	dma.local @!p0 [hbm:s0], s1  }
0x4b: {  	s0 =	simm.s32 @!p0 $0x2  }
0x4c: {  	_ =	swait.ge @!p0 [sflag:s0], s1  }
0x4d: {  	s1 =	ssub.s32 @!p0 $0x0, s1;
	[sflag:s0] =	ssyncset.done @!p0 $0x0  }
0x4e: {  	[sflag:s0] =	ssyncadd.s32 @!p0 s1  }
0x4f: {  	[bflag:$0x3] =	sbarrier.arrive $0xFFFF  }
0x50: {  	_ =	shalt  }

// kernel: kernel.49.cloned.1.call-start
scs
__scs_entry_jumppad:
0x0: {  	(pc) =	sbr.rel $0x88, $3  }
0x1: {  	(tag) =	ssettag $0x0;
	lr =	simm.s32 $0x1  }
0x2: {  	[smem:$0x3F9B] =	sst lr;
	_ =	strace $0xD0000000  }
0x3: {  	_ = 	snop  }
0x4: {  	_ = 	snop  }
0x5: {  	_ = 	snop  }
0x6: {  	_ = 	snop  }
0x7: {  	_ = 	snop  }
__scs_overlays_trampoline_lowered:
0x8: {  	[smem:$0x3FAA] =	sst s0  }
0x9: {  	[smem:$0x3FAB] =	sst s1  }
0xa: {  	[smem:$0x3FAC] =	sst s2  }
0xb: {  	[smem:$0x3FAD] =	sst s3  }
0xc: {  	[smem:$0x3FAE] =	sst s4  }
0xd: {  	[smem:$0x3FAF] =	sst s5  }
0xe: {  	[smem:$0x3FB0] =	sst s6  }
0xf: {  	[smem:$0x3FB1] =	sst s7  }
0x10: {  	[smem:$0x3FB2] =	sst s8  }
0x11: {  	[smem:$0x3FB3] =	sst s9;
	s0 =	simm.s32 @!p0 $0x0  }
0x12: {  	s1 =	sld [smem:$0x3F99];
	s0 =	simm.s32 @p0 $0x1  }
0x13: {  	[smem:$0x3FB4] =	sst s0;
	s0 =	simm.s32 @!p1 $0x0  }
0x14: {  	s2 =	sld [smem:$0x3F98];
	s0 =	simm.s32 @p1 $0x1  }
0x15: {  	[smem:$0x3FB5] =	sst s0;
	s0 =	simm.s32 @!p2 $0x0  }
0x16: {  	s3 =	sld [smem:$0x3FDB];
	s0 =	simm.s32 @p2 $0x1  }
0x17: {  	s4 =	simm.s32 $0x1BF5;
	[smem:$0x3FB7] =	sst s0  }
0x18: {  	s0 =	sld [smem:$0x3F9A];
	_ =	swait.ge [sflag:s4], $0x0  }
0x19: {  	s7 =	sld [smem:$0x3F9B]  }
0x1a: {  	s8 =	sadd.s32 $0xFFFFE003, lr  }
0x1b: {  	s9 =	sadd.s32 $0xFFFFFEF7, lr;
	s5 =	simm.s32 $0xFFFFFFFF;
	p2 =	slt.u32 s8, $0xFFFFF086  }
0x1c: {  	p1 =	slt.u32 s9, $0xF7A;
	s5 =	simm.s32 @!p2 $0x0  }
0x1d: {  	s5 =	simm.s32 @p1 $0x1;
	p0 =	seq.s32 s7, s2  }
0x1e: {  	s7 =	smul.u32 @!p0 $0xF7A, s2;
	p2 =	seq.s32 @!p0 s5, $0x0  }
0x1f: {  	s9 =	smul.u32 $0xF7A, s1;
	s8 =	simm.s32 @!p0 $0x1BF5;
	p2 =	por !p2, p0  }
0x20: {  	[sflag:s8] =	ssyncset.s32 @!p0 $0xFFFFF086;
	s6 =	sadd.s32 @!p0 s3, s7;
	s7 =	simm.s32 @!p0 $0x108  }
0x21: {  	s3 =	sadd.s32 s3, s9;
	s6 =	sadd.s32 @!p0 $0x88, s6;
	s7 =	simm.s32 @p2 $0x1082  }
0x22: {  	[simem:s7], [sflag:s8] =	dma.local @!p0 [hbm:s6], $0xF7A  }
0x23: {  	s9 =	sor.u32 $0xD0000000, s2;
	s6 =	simm.s32 $0x108;
	_ =	swait.ge @!p0 [sflag:s8], $0x0  }
0x24: {  	s3 =	sadd.s32 $0x88, s3;
	s6 =	simm.s32 @!p1 $0x1082;
	[sflag:s4] =	ssyncset.s32 $0xFFFFF086  }
0x25: {  	[simem:s6], [sflag:s4] =	dma.local [hbm:s3], $0xF7A  }
0x26: {  	[smem:$0x3F9B] =	sst s1;
	(tag) =	ssettag s2;
	_ =	strace s9  }
0x27: {  	s1 =	sld [smem:$0x3FAB]  }
0x28: {  	s2 =	sld [smem:$0x3FAC]  }
0x29: {  	s4 =	sld [smem:$0x3FAE]  }
0x2a: {  	p0 =	seq.s32 s5, $0x0;
	s5 =	sld [smem:$0x3FAF]  }
0x2b: {  	s6 =	sld [smem:$0x3FB0]  }
0x2c: {  	s7 =	sld [smem:$0x3FB1]  }
0x2d: {  	s3 =	simm.s32 $0x108;
	s8 =	sld [smem:$0x3FB2]  }
0x2e: {  	s3 =	simm.s32 @!p0 $0x1082;
	s9 =	sld [smem:$0x3FB3]  }
0x2f: {  	lr =	sadd.s32 s0, s3;
	s0 =	sld [smem:$0x3FAA]  }
0x30: {  	s3 =	sld [smem:$0x3FAD]  }
0x31: {  	[smem:$0x3FB6] =	sst s10  }
0x32: {  	s10 =	sld [smem:$0x3FB4];
	_ =	sdelay $0x3  }
0x33: {  	p0 =	seq.s32 s10, $0x1;
	s10 =	sld [smem:$0x3FB6];
	_ =	sdelay $0x3  }
0x34: {  	[smem:$0x3FB6] =	sst s10  }
0x35: {  	s10 =	sld [smem:$0x3FB5];
	_ =	sdelay $0x3  }
0x36: {  	p1 =	seq.s32 s10, $0x1;
	s10 =	sld [smem:$0x3FB6];
	_ =	sdelay $0x3  }
0x37: {  	[smem:$0x3FB6] =	sst s10  }
0x38: {  	s10 =	sld [smem:$0x3FB7]  }
0x39: {  	_ = 	snop;
	(pc) =	sbr.ind lr, $3  }
0x3a: {  	_ = 	snop  }
0x3b: {  	_ = 	snop  }
0x3c: {  	p2 =	seq.s32 s10, $0x1;
	s10 =	sld [smem:$0x3FB6]  }
0x3d: {  	_ =	shalt  }
0x3e: {  	_ =	shalt  }
0x3f: {  	_ =	shalt  }
0x40: {  	_ =	shalt  }
0x41: {  	_ =	shalt  }
0x42: {  	_ =	shalt  }
0x43: {  	_ =	shalt  }
0x44: {  	_ =	shalt  }
0x45: {  	_ =	shalt  }
0x46: {  	_ =	shalt  }
0x47: {  	_ =	shalt  }
0x48: {  	_ =	shalt  }
0x49: {  	_ =	shalt  }
0x4a: {  	_ =	shalt  }
0x4b: {  	_ =	shalt  }
0x4c: {  	_ =	shalt  }
0x4d: {  	_ =	shalt  }
0x4e: {  	_ =	shalt  }
0x4f: {  	_ =	shalt  }
0x50: {  	_ =	shalt  }
0x51: {  	_ =	shalt  }
0x52: {  	_ =	shalt  }
0x53: {  	_ =	shalt  }
0x54: {  	_ =	shalt  }
0x55: {  	_ =	shalt  }
0x56: {  	_ =	shalt  }
0x57: {  	_ =	shalt  }
0x58: {  	_ =	shalt  }
0x59: {  	_ =	shalt  }
0x5a: {  	_ =	shalt  }
0x5b: {  	_ =	shalt  }
0x5c: {  	_ =	shalt  }
0x5d: {  	_ =	shalt  }
0x5e: {  	_ =	shalt  }
0x5f: {  	_ =	shalt  }
0x60: {  	_ =	shalt  }
0x61: {  	_ =	shalt  }
0x62: {  	_ =	shalt  }
0x63: {  	_ =	shalt  }
0x64: {  	_ =	shalt  }
0x65: {  	_ =	shalt  }
0x66: {  	_ =	shalt  }
0x67: {  	_ =	shalt  }
0x68: {  	_ =	shalt  }
0x69: {  	_ =	shalt  }
0x6a: {  	_ =	shalt  }
0x6b: {  	_ =	shalt  }
0x6c: {  	_ =	shalt  }
0x6d: {  	_ =	shalt  }
0x6e: {  	_ =	shalt  }
0x6f: {  	_ =	shalt  }
0x70: {  	_ =	shalt  }
0x71: {  	_ =	shalt  }
0x72: {  	_ =	shalt  }
0x73: {  	_ =	shalt  }
0x74: {  	_ =	shalt  }
0x75: {  	_ =	shalt  }
0x76: {  	_ =	shalt  }
0x77: {  	_ =	shalt  }
0x78: {  	_ =	shalt  }
0x79: {  	_ =	shalt  }
0x7a: {  	_ =	shalt  }
0x7b: {  	_ =	shalt  }
0x7c: {  	_ =	shalt  }
0x7d: {  	_ =	shalt  }
0x7e: {  	_ =	shalt  }
0x7f: {  	_ =	shalt  }
0x80: {  	_ =	shalt  }
0x81: {  	_ =	shalt  }
0x82: {  	_ =	shalt  }
0x83: {  	_ =	shalt  }
0x84: {  	_ =	shalt  }
0x85: {  	_ =	shalt  }
0x86: {  	_ =	shalt  }
0x87: {  	_ =	shalt  }
.Lfunc_end0:
.L_simem_size_0:
called_computation.8_lowered:
.L_overlay_start_0:
0x88: {  	s2 =	sld [smem:$0x3FD9]  }
0x89: {  	s3 =	sld [smem:$0x3FFE];
	_ =	sdelay $0x1  }
0x8a: {  	s1 =	srdreg.scid  }
0x8b: {  	s0 =	sand.u32 $0x1, s1  }
0x8c: {  	s17 =	sshll.u32 s0, $0xA;
	s2 =	sadd.s32 s3, s2  }
0x8d: {  	s2 =	sadd.s32 s2, s17  }
0x8e: {  	[smem:$0x3FC2] =	sst s2  }
0x8f: {  	_ = 	snop  }
0x90: {  	s2 =	sld [smem:$0x3FD0];
	(tm) =	ssettm $0x1  }
0x91: {  	s18 =	sld [smem:$0x3FFB];
	_ =	sdelay $0x3  }
0x92: {  	_ =	strace s18  }
0x93: {  	s3 =	sld [smem:$0x3FFC];
	_ =	sdelay $0x3  }
0x94: {  	_ =	strace s3  }
0x95: {  	s3 =	sld [smem:$0x3FFD];
	_ =	sdelay $0x3  }
0x96: {  	_ =	strace s3  }
0x97: {  	_ =	strace $0x8FFFFFFF  }
0x98: {  	s19 =	sld [smem:$0x3FDB];
	_ =	sdelay $0x1  }
0x99: {  	s4 =	simm.s32 $_scs_section_size  }
0x9a: {  	s5 =	simm.s32 $_size__tile_overlayer_lowered;
	s6 =	simm.s32 $_tile_overlayer_lowered  }
0x9b: {  	s22 =	simm.s32 $0x1BFF;
	s21 =	sshll.u32 s6, $0x1;
	s3 =	sadd.s32 s4, s19  }
0x9c: {  	s7 =	simm.s32 $0x0;
	s20 =	sshll.u32 s5, $0x1;
	s5 =	sadd.s32 s21, s3  }
0x9d: {  	[timem:s7], [sflag:s22] =	dma.local [hbm:s5], s20  }
0x9e: {  	_ =	swait.ge [sflag:s22], s20  }
0x9f: {  	s4 =	ssub.s32 $0x0, s20;
	[sflag:s22] =	ssyncset.done $0x0  }
0xa0: {  	[sflag:s22] =	ssyncadd.s32 s4;
	_ =	sdelay $0x1  }
0xa1: {  	s23 =	simm.s32 $0x1B8B  }
0xa2: {  	_ =	swait.ge [sflag:s23], $0x1  }
0xa3: {  	[sflag:s23] =	ssyncset.done $0x0  }
0xa4: {  	s25 =	simm.s32 $0x1B8E;
	s24 =	sld [smem:$0x3FFE];
	[sflag:s23] =	ssyncadd.s32 $0xFFFFFFFF  }
0xa5: {  	s26 =	simm.s32 $execute0_lowered;
	[smem:$0x3FD2] =	sst s25  }
0xa6: {  	s5 =	sshll.u32 s26, $0x1;
	_ =	strace $0x8000005E;
	[dreg:$0x1] =	wrdreg $0xFFFFFFFF  }
0xa7: {  	s28 =	simm.s32 $_size_execute0_lowered;
	s3 =	sadd.s32 s3, s5;
	[dreg:$0x0] =	wrdreg $0x0  }
0xa8: {  	s5 =	sshll.u32 s28, $0x1;
	[dreg:$0x2] =	wrdreg s3  }
0xa9: {  	[dreg:$0x3] =	wrdreg s5  }
0xaa: {  	[dreg:$0x4] =	wrdreg $0xC0  }
0xab: {  	_ =	task [dreg:s7], $0x5FFFF  }
0xac: {  	[dreg:$0x1] =	wrdreg $0xFFFFFFFF  }
0xad: {  	[dreg:$0x0] =	wrdreg $0x60  }
0xae: {  	[dreg:$0x2] =	wrdreg s24  }
0xaf: {  	[dreg:$0x3] =	wrdreg s2  }
0xb0: {  	[dreg:$0x4] =	wrdreg $0x6F000  }
0xb1: {  	[dreg:$0x5] =	wrdreg $0x10F000  }
0xb2: {  	[dreg:$0x6] =	wrdreg $0x9  }
0xb3: {  	_ =	task.clear_ibuf [dreg:s7], $0x7FFFF;
	_ =	strace $0x9000005E  }
0xb4: {  	s29 =	simm.s32 $0x9;
	_ =	strace $0x80000060  }
0xb5: {  	_ =	swait.ge [sflag:s29], $0x1  }
0xb6: {  	[sflag:s29] =	ssyncadd.s32 $0xFFFFFFFF  }
0xb7: {  	_ =	strace $0x90000060  }
0xb8: {  	_ =	sfence  }
0xb9: {  	s30 =	sld [smem:$0x0];
	_ =	sdelay $0x2  }
0xba: {  	s31 =	sshll.u32 s1, $0xD;
	s1 =	sshrl.u32 s1, $0x2  }
0xbb: {  	s3 =	sand.u32 $0x4000, s31;
	s1 =	sadd.s32 s1, s30  }
0xbc: {  	s0 =	sor.u32 s3, s0;
	s1 =	sshll.u32 s1, $0x11  }
0xbd: {  	s0 =	sor.u32 s1, s0  }
0xbe: {  	s0 =	sadd.s32 $0x8F2B, s0  }
0xbf: {  	[sflag:s0] =	ssyncadd.remote.s32 $0x1  }
0xc0: {  	_ =	sfence.sel $0xFFFF  }
0xc1: {  	[dreg:$0x0] =	wrdreg $0xFFFFFFFF;
	(pc) =	sbr.abs _section_cstart, $3  }
0xc2: {  	[dreg:$0x1] =	wrdreg $0xFFFFFFFF  }
0xc3: {  	_ =	task.clear_ibuf [dreg:s7], $0x2FFFF;
	_ =	strace $0x9FFFFFFF  }
0xc4: {  	(tm) =	ssettm $0x7FFFFFFF  }
0xc5: {  	_ =	shalt  }
tec
execute0_lowered:
.L_overlay_start_1:
0x0: {  	(tag) =	ssettag $0x1  }
0x1: {  	s6 =	rddreg [dreg:$0x0]  }
0x2: {  	s1 =	rddreg [dreg:$0x1]  }
0x3: {  	s3 =	rddreg [dreg:$0x2]  }
0x4: {  	s4 =	rddreg [dreg:$0x3];
	s5 =	srdreg.scid  }
0x5: {  	s0 =	rddreg [dreg:$0x4];
	s2 =	stileid.u32;
	s17 =	simm.s32 $0x4F00  }
0x6: {  	s18 =	simm.s32 $0x1;
	s19 =	simm.s32 $0x0;
	s11 =	sand.u32 $0x1, s5  }
0x7: {  	s5 =	simm.s32 $0x0;
	s9 =	smul.u32 $0xA000, s2;
	s31 =	sshll.u32 s2, $0x6  }
0x8: {  	s7 =	sshll.u32 s11, $0x4;
	[smem:$0x7FF] =	sst s5;
	s8 =	smul.u32 $0xA0000, s11  }
0x9: {  	s12 =	ssub.s32 $0x2, s11;
	p0 =	seq.s32 s11, $0x0;
	s11 =	simm.s32 $0x2  }
0xa: {  	s7 =	sor.u32 s2, s7;
	_ =	strace $0x8000005F;
	s10 =	sshrl.u32 s9, $0x3  }
0xb: {  	s13 =	sshrl.u32 s12, $0x1;
	s15 =	sadd.s32 s9, s3;
	s16 =	sadd.s32 s9, s4  }
0xc: {  	s7 =	smul.u32 $0x4F0, s7;
	s10 =	sadd.s32 s10, s6;
	s8 =	sadd.s32 s9, s8  }
0xd: {  	s12 =	ssub.s32 s12, s13;
	s13 =	sor.u32 $0x1C02, s31;
	s8 =	sshrl.u32 s8, $0x3  }
0xe: {  	s7 =	sadd.s32 s7, s6;
	s14 =	sadd.s32 s8, s6;
	s8 =	sadd.s32 $0x40600, s10  }
0xf: {  	s10 =	smax.u32 s12, $0x1;
	s12 =	simm.s32 $0x2780;
	s6 =	sadd.s32 $0xE800, s7  }
0x10: {  	s7 =	sadd.s32 $0x4200, s7;
	s9 =	sadd.s32 $0x54600, s14;
	s14 =	sshrl.u32 s15, $0x3  }
0x11: {  	s1 =	smov.u32 @p0 s8;
	s15 =	sshrl.u32 s16, $0x3;
	s16 =	simm.s32 $0x80  }
.LBB2_1:
0x12: {  	[tilespmem:s5], [sflag:$0x2] =	stream.linear.gather [hbm4b:s6+s5], $0x2780, $0x38;
	[tilespmem:$0x1AF00] =	vst v63  }
0x13: {  	_ =	swait.ge [sflag:s11], $0x2780  }
0x14: {  	[sflag:s11] =	ssyncset.done $0x0  }
0x15: {  	[sflag:s11] =	ssyncadd.s32 $0xFFFFD880  }
0x16: {  	[tilespmem:s12], [sflag:$0x2] =	stream.linear.gather [hbm4b:s7+s5], $0x2780, $0x38;
	[tilespmem:$0x1AF00] =	vst v63  }
0x17: {  	_ =	swait.ge [sflag:s11], $0x2780  }
0x18: {  	[sflag:s11] =	ssyncset.done $0x0  }
0x19: {  	[sflag:s11] =	ssyncadd.s32 $0xFFFFD880  }
0x1a: {  	[spmem:s14], [sflag:s13] =	dma.local [hbm:s8], $0x1400  }
0x1b: {  	_ =	swait.ge [sflag:s11], $0x1400  }
0x1c: {  	[sflag:s11] =	ssyncset.done $0x0  }
0x1d: {  	[sflag:s11] =	ssyncadd.s32 $0xFFFFEC00  }
0x1e: {  	[spmem:s15], [sflag:s13] =	dma.local [hbm:s1], $0x1400  }
0x1f: {  	_ =	swait.ge [sflag:s11], $0x1400  }
0x20: {  	[sflag:s11] =	ssyncset.done $0x0  }
0x21: {  	[sflag:s11] =	ssyncadd.s32 $0xFFFFEC00  }
0x22: {  	s20 =	simm.s32 $0x0;
	[bflag:$0x0] =	sbarrier.arrive $0xFFFF  }
0x23: {  	[tilespmem:s17], [sflag:$0x1] =	stream.indirect.gather [spmem:s3], $0x40, s20, s16, $0xb8;
	[tilespmem:$0x1AF00] =	vst v63  }
0x24: {  	_ =	swait.ge [sflag:s18], $0x2000  }
0x25: {  	[sflag:s18] =	ssyncset.done $0x0  }
0x26: {  	s31 =	simm.s32 $0x2780;
	[sflag:s18] =	ssyncadd.s32 $0xFFFFE000  }
0x27: {  	[spmem:s4] =	stream.indirect.scatter.add.f32 [tilespmem:s17], [sflag:$0x2], $0x40, s31, s16, $0xb8;
	[tilespmem:$0x1AF00] =	vst v63  }
0x28: {  	_ =	swait.ge [sflag:s11], $0x2000  }
0x29: {  	s21 =	simm.s32 $0x400;
	s20 =	simm.s32 $0x200;
	[sflag:s11] =	ssyncset.done $0x0  }
.LBB2_2:
0x2a: {  	s22 =	sshra.s32 s20, $0x2  }
0x2b: {  	[sflag:s11] =	ssyncadd.s32 $0xFFFFE000;
	s20 =	smov.u32 s21;
	s23 =	sadd.s32 $0x200, s21  }
0x2c: {  	[tilespmem:s17], [sflag:$0x1] =	stream.indirect.gather [spmem:s3], $0x40, s22, s16, $0xb8;
	[tilespmem:$0x1AF00] =	vst v63  }
0x2d: {  	p0 =	sne.s32 s21, $0x9C00;
	_ =	swait.ge [sflag:s18], $0x2000  }
.Ltmp0:
0x2e: {  	[sflag:s18] =	ssyncset.done $0x0;
	(pc) =	sbr.rel @p0 .LBB2_2-.Ltmp0, $4  }
0x2f: {  	s21 =	sadd.s32 $0x2780, s22;
	[sflag:s18] =	ssyncadd.s32 $0xFFFFE000  }
0x30: {  	[spmem:s4] =	stream.indirect.scatter.add.f32 [tilespmem:s17], [sflag:$0x2], $0x40, s21, s16, $0xb8;
	[tilespmem:$0x1AF00] =	vst v63  }
0x31: {  	_ =	swait.ge [sflag:s11], $0x2000  }
0x32: {  	s21 =	smov.u32 s23;
	[sflag:s11] =	ssyncset.done $0x0  }
0x33: {  	s20 =	sshra.s32 s20, $0x2;
	[sflag:s11] =	ssyncadd.s32 $0xFFFFE000  }
0x34: {  	[tilespmem:s17], [sflag:$0x1] =	stream.indirect.gather [spmem:s3], $0x40, s20, s16, $0xb8;
	[tilespmem:$0x1AF00] =	vst v63  }
0x35: {  	_ =	swait.ge [sflag:s18], $0x2000  }
0x36: {  	[sflag:s18] =	ssyncset.done $0x0  }
0x37: {  	s20 =	sadd.s32 $0x2780, s20;
	[sflag:s18] =	ssyncadd.s32 $0xFFFFE000  }
0x38: {  	[spmem:s4] =	stream.indirect.scatter.add.f32 [tilespmem:s17], [sflag:$0x2], $0x40, s20, s16, $0xb8;
	[tilespmem:$0x1AF00] =	vst v63  }
0x39: {  	_ =	swait.ge [sflag:s11], $0x2000  }
0x3a: {  	s19 =	sadd.s32 $0x1, s19;
	[sflag:s11] =	ssyncset.done $0x0  }
0x3b: {  	p0 =	sne.s32 s19, s10;
	[sflag:s11] =	ssyncadd.s32 $0xFFFFE000  }
.Ltmp1:
0x3c: {  	[bflag:$0x0] =	sbarrier.arrive $0xFFFF;
	(pc) =	sbr.rel @p0 .LBB2_1-.Ltmp1, $4  }
0x3d: {  	[hbm:s9], [sflag:s13] =	dma.local [spmem:s15], $0x1400  }
0x3e: {  	_ =	swait.ge [sflag:s11], $0x1400  }
0x3f: {  	[sflag:s11] =	ssyncset.done $0x0  }
0x40: {  	[sflag:s11] =	ssyncadd.s32 $0xFFFFEC00  }
0x41: {  	_ =	sfence.sel $0x180000  }
0x42: {  	[bflag:$0x0] =	sbarrier.arrive $0xFFFF  }
0x43: {  	p0 =	sne.s32 s2, $0x0;
	_ =	strace $0x9000005F  }
0x44: {  	s0 =	sadd.s32 @!p0 $0x100000, s0;
	[bflag:$0x2] =	sbarrier.arrive $0xFFFF  }
0x45: {  	[sflag:s0] =	ssyncadd.tile.s32 @!p0 $0x1;
	_ =	shalt  }
.Lfunc_end2:
_tile_overlayer_lowered:
.L_overlay_start_2:
0x46: {  	(tag) =	ssettag $0x2  }
0x47: {  	s0 =	rddreg [dreg:$0x0];
	s2 =	stileid.u32  }
0x48: {  	s1 =	rddreg [dreg:$0x1];
	p0 =	sne.s32 s2, $0x0  }
0x49: {  	s3 =	rddreg [dreg:$0x2];
	[bflag:$0x3] =	sbarrier.arrive $0xFFFF;
	s2 =	simm.s32 @!p0 $0x1C02  }
0x4a: {  	[timem:s3], [sflag:s2] =	dma.local @!p0 [hbm:s0], s1  }
0x4b: {  	s0 =	simm.s32 @!p0 $0x2  }
0x4c: {  	_ =	swait.ge @!p0 [sflag:s0], s1  }
0x4d: {  	s1 =	ssub.s32 @!p0 $0x0, s1;
	[sflag:s0] =	ssyncset.done @!p0 $0x0  }
0x4e: {  	[sflag:s0] =	ssyncadd.s32 @!p0 s1  }
0x4f: {  	[bflag:$0x3] =	sbarrier.arrive $0xFFFF  }
0x50: {  	_ =	shalt  }

// kernel: kernel.52.cloned.1.call-start
scs
__scs_entry_jumppad:
0x0: {  	(pc) =	sbr.rel $0x88, $3  }
0x1: {  	(tag) =	ssettag $0x0;
	lr =	simm.s32 $0x1  }
0x2: {  	[smem:$0x3F9B] =	sst lr;
	_ =	strace $0xD0000000  }
0x3: {  	_ = 	snop  }
0x4: {  	_ = 	snop  }
0x5: {  	_ = 	snop  }
0x6: {  	_ = 	snop  }
0x7: {  	_ = 	snop  }
__scs_overlays_trampoline_lowered:
0x8: {  	[smem:$0x3FAA] =	sst s0  }
0x9: {  	[smem:$0x3FAB] =	sst s1  }
0xa: {  	[smem:$0x3FAC] =	sst s2  }
0xb: {  	[smem:$0x3FAD] =	sst s3  }
0xc: {  	[smem:$0x3FAE] =	sst s4  }
0xd: {  	[smem:$0x3FAF] =	sst s5  }
0xe: {  	[smem:$0x3FB0] =	sst s6  }
0xf: {  	[smem:$0x3FB1] =	sst s7  }
0x10: {  	[smem:$0x3FB2] =	sst s8  }
0x11: {  	[smem:$0x3FB3] =	sst s9;
	s0 =	simm.s32 @!p0 $0x0  }
0x12: {  	s1 =	sld [smem:$0x3F99];
	s0 =	simm.s32 @p0 $0x1  }
0x13: {  	[smem:$0x3FB4] =	sst s0;
	s0 =	simm.s32 @!p1 $0x0  }
0x14: {  	s2 =	sld [smem:$0x3F98];
	s0 =	simm.s32 @p1 $0x1  }
0x15: {  	[smem:$0x3FB5] =	sst s0;
	s0 =	simm.s32 @!p2 $0x0  }
0x16: {  	s3 =	sld [smem:$0x3FDB];
	s0 =	simm.s32 @p2 $0x1  }
0x17: {  	s4 =	simm.s32 $0x1BF5;
	[smem:$0x3FB7] =	sst s0  }
0x18: {  	s0 =	sld [smem:$0x3F9A];
	_ =	swait.ge [sflag:s4], $0x0  }
0x19: {  	s7 =	sld [smem:$0x3F9B]  }
0x1a: {  	s8 =	sadd.s32 $0xFFFFE003, lr  }
0x1b: {  	s9 =	sadd.s32 $0xFFFFFEF7, lr;
	s5 =	simm.s32 $0xFFFFFFFF;
	p2 =	slt.u32 s8, $0xFFFFF086  }
0x1c: {  	p1 =	slt.u32 s9, $0xF7A;
	s5 =	simm.s32 @!p2 $0x0  }
0x1d: {  	s5 =	simm.s32 @p1 $0x1;
	p0 =	seq.s32 s7, s2  }
0x1e: {  	s7 =	smul.u32 @!p0 $0xF7A, s2;
	p2 =	seq.s32 @!p0 s5, $0x0  }
0x1f: {  	s9 =	smul.u32 $0xF7A, s1;
	s8 =	simm.s32 @!p0 $0x1BF5;
	p2 =	por !p2, p0  }
0x20: {  	[sflag:s8] =	ssyncset.s32 @!p0 $0xFFFFF086;
	s6 =	sadd.s32 @!p0 s3, s7;
	s7 =	simm.s32 @!p0 $0x108  }
0x21: {  	s3 =	sadd.s32 s3, s9;
	s6 =	sadd.s32 @!p0 $0x88, s6;
	s7 =	simm.s32 @p2 $0x1082  }
0x22: {  	[simem:s7], [sflag:s8] =	dma.local @!p0 [hbm:s6], $0xF7A  }
0x23: {  	s9 =	sor.u32 $0xD0000000, s2;
	s6 =	simm.s32 $0x108;
	_ =	swait.ge @!p0 [sflag:s8], $0x0  }
0x24: {  	s3 =	sadd.s32 $0x88, s3;
	s6 =	simm.s32 @!p1 $0x1082;
	[sflag:s4] =	ssyncset.s32 $0xFFFFF086  }
0x25: {  	[simem:s6], [sflag:s4] =	dma.local [hbm:s3], $0xF7A  }
0x26: {  	[smem:$0x3F9B] =	sst s1;
	(tag) =	ssettag s2;
	_ =	strace s9  }
0x27: {  	s1 =	sld [smem:$0x3FAB]  }
0x28: {  	s2 =	sld [smem:$0x3FAC]  }
0x29: {  	s4 =	sld [smem:$0x3FAE]  }
0x2a: {  	p0 =	seq.s32 s5, $0x0;
	s5 =	sld [smem:$0x3FAF]  }
0x2b: {  	s6 =	sld [smem:$0x3FB0]  }
0x2c: {  	s7 =	sld [smem:$0x3FB1]  }
0x2d: {  	s3 =	simm.s32 $0x108;
	s8 =	sld [smem:$0x3FB2]  }
0x2e: {  	s3 =	simm.s32 @!p0 $0x1082;
	s9 =	sld [smem:$0x3FB3]  }
0x2f: {  	lr =	sadd.s32 s0, s3;
	s0 =	sld [smem:$0x3FAA]  }
0x30: {  	s3 =	sld [smem:$0x3FAD]  }
0x31: {  	[smem:$0x3FB6] =	sst s10  }
0x32: {  	s10 =	sld [smem:$0x3FB4];
	_ =	sdelay $0x3  }
0x33: {  	p0 =	seq.s32 s10, $0x1;
	s10 =	sld [smem:$0x3FB6];
	_ =	sdelay $0x3  }
0x34: {  	[smem:$0x3FB6] =	sst s10  }
0x35: {  	s10 =	sld [smem:$0x3FB5];
	_ =	sdelay $0x3  }
0x36: {  	p1 =	seq.s32 s10, $0x1;
	s10 =	sld [smem:$0x3FB6];
	_ =	sdelay $0x3  }
0x37: {  	[smem:$0x3FB6] =	sst s10  }
0x38: {  	s10 =	sld [smem:$0x3FB7]  }
0x39: {  	_ = 	snop;
	(pc) =	sbr.ind lr, $3  }
0x3a: {  	_ = 	snop  }
0x3b: {  	_ = 	snop  }
0x3c: {  	p2 =	seq.s32 s10, $0x1;
	s10 =	sld [smem:$0x3FB6]  }
0x3d: {  	_ =	shalt  }
0x3e: {  	_ =	shalt  }
0x3f: {  	_ =	shalt  }
0x40: {  	_ =	shalt  }
0x41: {  	_ =	shalt  }
0x42: {  	_ =	shalt  }
0x43: {  	_ =	shalt  }
0x44: {  	_ =	shalt  }
0x45: {  	_ =	shalt  }
0x46: {  	_ =	shalt  }
0x47: {  	_ =	shalt  }
0x48: {  	_ =	shalt  }
0x49: {  	_ =	shalt  }
0x4a: {  	_ =	shalt  }
0x4b: {  	_ =	shalt  }
0x4c: {  	_ =	shalt  }
0x4d: {  	_ =	shalt  }
0x4e: {  	_ =	shalt  }
0x4f: {  	_ =	shalt  }
0x50: {  	_ =	shalt  }
0x51: {  	_ =	shalt  }
0x52: {  	_ =	shalt  }
0x53: {  	_ =	shalt  }
0x54: {  	_ =	shalt  }
0x55: {  	_ =	shalt  }
0x56: {  	_ =	shalt  }
0x57: {  	_ =	shalt  }
0x58: {  	_ =	shalt  }
0x59: {  	_ =	shalt  }
0x5a: {  	_ =	shalt  }
0x5b: {  	_ =	shalt  }
0x5c: {  	_ =	shalt  }
0x5d: {  	_ =	shalt  }
0x5e: {  	_ =	shalt  }
0x5f: {  	_ =	shalt  }
0x60: {  	_ =	shalt  }
0x61: {  	_ =	shalt  }
0x62: {  	_ =	shalt  }
0x63: {  	_ =	shalt  }
0x64: {  	_ =	shalt  }
0x65: {  	_ =	shalt  }
0x66: {  	_ =	shalt  }
0x67: {  	_ =	shalt  }
0x68: {  	_ =	shalt  }
0x69: {  	_ =	shalt  }
0x6a: {  	_ =	shalt  }
0x6b: {  	_ =	shalt  }
0x6c: {  	_ =	shalt  }
0x6d: {  	_ =	shalt  }
0x6e: {  	_ =	shalt  }
0x6f: {  	_ =	shalt  }
0x70: {  	_ =	shalt  }
0x71: {  	_ =	shalt  }
0x72: {  	_ =	shalt  }
0x73: {  	_ =	shalt  }
0x74: {  	_ =	shalt  }
0x75: {  	_ =	shalt  }
0x76: {  	_ =	shalt  }
0x77: {  	_ =	shalt  }
0x78: {  	_ =	shalt  }
0x79: {  	_ =	shalt  }
0x7a: {  	_ =	shalt  }
0x7b: {  	_ =	shalt  }
0x7c: {  	_ =	shalt  }
0x7d: {  	_ =	shalt  }
0x7e: {  	_ =	shalt  }
0x7f: {  	_ =	shalt  }
0x80: {  	_ =	shalt  }
0x81: {  	_ =	shalt  }
0x82: {  	_ =	shalt  }
0x83: {  	_ =	shalt  }
0x84: {  	_ =	shalt  }
0x85: {  	_ =	shalt  }
0x86: {  	_ =	shalt  }
0x87: {  	_ =	shalt  }
.Lfunc_end0:
.L_simem_size_0:
called_computation.9_lowered:
.L_overlay_start_0:
0x88: {  	s2 =	sld [smem:$0x3FD9]  }
0x89: {  	s3 =	sld [smem:$0x3FFE];
	_ =	sdelay $0x1  }
0x8a: {  	s1 =	srdreg.scid  }
0x8b: {  	s0 =	sand.u32 $0x1, s1  }
0x8c: {  	s17 =	sshll.u32 s0, $0xA;
	s2 =	sadd.s32 s3, s2  }
0x8d: {  	s2 =	sadd.s32 s2, s17  }
0x8e: {  	[smem:$0x3FC2] =	sst s2  }
0x8f: {  	_ = 	snop  }
0x90: {  	s2 =	sld [smem:$0x3FD0];
	(tm) =	ssettm $0x1  }
0x91: {  	s18 =	sld [smem:$0x3FFB];
	_ =	sdelay $0x3  }
0x92: {  	_ =	strace s18  }
0x93: {  	s3 =	sld [smem:$0x3FFC];
	_ =	sdelay $0x3  }
0x94: {  	_ =	strace s3  }
0x95: {  	s3 =	sld [smem:$0x3FFD];
	_ =	sdelay $0x3  }
0x96: {  	_ =	strace s3  }
0x97: {  	_ =	strace $0x8FFFFFFF  }
0x98: {  	s19 =	sld [smem:$0x3FDB];
	_ =	sdelay $0x1  }
0x99: {  	s4 =	simm.s32 $_scs_section_size  }
0x9a: {  	s5 =	simm.s32 $_size__tile_overlayer_lowered;
	s6 =	simm.s32 $_tile_overlayer_lowered  }
0x9b: {  	s22 =	simm.s32 $0x1BFF;
	s21 =	sshll.u32 s6, $0x1;
	s3 =	sadd.s32 s4, s19  }
0x9c: {  	s7 =	simm.s32 $0x0;
	s20 =	sshll.u32 s5, $0x1;
	s5 =	sadd.s32 s21, s3  }
0x9d: {  	[timem:s7], [sflag:s22] =	dma.local [hbm:s5], s20  }
0x9e: {  	_ =	swait.ge [sflag:s22], s20  }
0x9f: {  	s4 =	ssub.s32 $0x0, s20;
	[sflag:s22] =	ssyncset.done $0x0  }
0xa0: {  	[sflag:s22] =	ssyncadd.s32 s4;
	_ =	sdelay $0x1  }
0xa1: {  	s23 =	simm.s32 $0x1B8B  }
0xa2: {  	_ =	swait.ge [sflag:s23], $0x1  }
0xa3: {  	[sflag:s23] =	ssyncset.done $0x0  }
0xa4: {  	s25 =	simm.s32 $0x1B8E;
	s24 =	sld [smem:$0x3FFE];
	[sflag:s23] =	ssyncadd.s32 $0xFFFFFFFF  }
0xa5: {  	s26 =	simm.s32 $execute0_lowered;
	[smem:$0x3FD2] =	sst s25  }
0xa6: {  	s5 =	sshll.u32 s26, $0x1;
	_ =	strace $0x80000061;
	[dreg:$0x1] =	wrdreg $0xFFFFFFFF  }
0xa7: {  	s28 =	simm.s32 $_size_execute0_lowered;
	s3 =	sadd.s32 s3, s5;
	[dreg:$0x0] =	wrdreg $0x0  }
0xa8: {  	s5 =	sshll.u32 s28, $0x1;
	[dreg:$0x2] =	wrdreg s3  }
0xa9: {  	[dreg:$0x3] =	wrdreg s5  }
0xaa: {  	[dreg:$0x4] =	wrdreg $0xC0  }
0xab: {  	_ =	task [dreg:s7], $0x5FFFF  }
0xac: {  	[dreg:$0x1] =	wrdreg $0xFFFFFFFF  }
0xad: {  	[dreg:$0x0] =	wrdreg $0x60  }
0xae: {  	[dreg:$0x2] =	wrdreg s24  }
0xaf: {  	[dreg:$0x3] =	wrdreg s2  }
0xb0: {  	[dreg:$0x4] =	wrdreg $0x6F000  }
0xb1: {  	[dreg:$0x5] =	wrdreg $0x10F000  }
0xb2: {  	[dreg:$0x6] =	wrdreg $0x9  }
0xb3: {  	_ =	task.clear_ibuf [dreg:s7], $0x7FFFF;
	_ =	strace $0x90000061  }
0xb4: {  	s29 =	simm.s32 $0x9;
	_ =	strace $0x80000063  }
0xb5: {  	_ =	swait.ge [sflag:s29], $0x1  }
0xb6: {  	[sflag:s29] =	ssyncadd.s32 $0xFFFFFFFF  }
0xb7: {  	_ =	strace $0x90000063  }
0xb8: {  	_ =	sfence  }
0xb9: {  	s30 =	sld [smem:$0x0];
	_ =	sdelay $0x2  }
0xba: {  	s31 =	sshll.u32 s1, $0xD;
	s1 =	sshrl.u32 s1, $0x2  }
0xbb: {  	s3 =	sand.u32 $0x4000, s31;
	s1 =	sadd.s32 s1, s30  }
0xbc: {  	s0 =	sor.u32 s3, s0;
	s1 =	sshll.u32 s1, $0x11  }
0xbd: {  	s0 =	sor.u32 s1, s0  }
0xbe: {  	s0 =	sadd.s32 $0x8F2B, s0  }
0xbf: {  	[sflag:s0] =	ssyncadd.remote.s32 $0x1  }
0xc0: {  	_ =	sfence.sel $0xFFFF  }
0xc1: {  	[dreg:$0x0] =	wrdreg $0xFFFFFFFF;
	(pc) =	sbr.abs _section_cstart, $3  }
0xc2: {  	[dreg:$0x1] =	wrdreg $0xFFFFFFFF  }
0xc3: {  	_ =	task.clear_ibuf [dreg:s7], $0x2FFFF;
	_ =	strace $0x9FFFFFFF  }
0xc4: {  	(tm) =	ssettm $0x7FFFFFFF  }
0xc5: {  	_ =	shalt  }
tec
execute0_lowered:
.L_overlay_start_1:
0x0: {  	(tag) =	ssettag $0x1  }
0x1: {  	s6 =	rddreg [dreg:$0x0]  }
0x2: {  	s1 =	rddreg [dreg:$0x1]  }
0x3: {  	s3 =	rddreg [dreg:$0x2]  }
0x4: {  	s4 =	rddreg [dreg:$0x3];
	s5 =	srdreg.scid  }
0x5: {  	s0 =	rddreg [dreg:$0x4];
	s2 =	stileid.u32;
	s17 =	simm.s32 $0x4F00  }
0x6: {  	s18 =	simm.s32 $0x1;
	s19 =	simm.s32 $0x0;
	s11 =	sand.u32 $0x1, s5  }
0x7: {  	s5 =	simm.s32 $0x0;
	s9 =	smul.u32 $0xA000, s2;
	s31 =	sshll.u32 s2, $0x6  }
0x8: {  	s7 =	sshll.u32 s11, $0x4;
	[smem:$0x7FF] =	sst s5;
	s8 =	smul.u32 $0xA0000, s11  }
0x9: {  	s12 =	ssub.s32 $0x2, s11;
	p0 =	seq.s32 s11, $0x0;
	s11 =	simm.s32 $0x2  }
0xa: {  	s7 =	sor.u32 s2, s7;
	_ =	strace $0x80000062;
	s10 =	sshrl.u32 s9, $0x3  }
0xb: {  	s13 =	sshrl.u32 s12, $0x1;
	s15 =	sadd.s32 s9, s3;
	s16 =	sadd.s32 s9, s4  }
0xc: {  	s7 =	smul.u32 $0x4F0, s7;
	s10 =	sadd.s32 s10, s6;
	s8 =	sadd.s32 s9, s8  }
0xd: {  	s12 =	ssub.s32 s12, s13;
	s13 =	sor.u32 $0x1C02, s31;
	s8 =	sshrl.u32 s8, $0x3  }
0xe: {  	s7 =	sadd.s32 s7, s6;
	s14 =	sadd.s32 s8, s6;
	s8 =	sadd.s32 $0x40600, s10  }
0xf: {  	s10 =	smax.u32 s12, $0x1;
	s12 =	simm.s32 $0x2780;
	s6 =	sadd.s32 $0xE800, s7  }
0x10: {  	s7 =	sadd.s32 $0x4200, s7;
	s9 =	sadd.s32 $0x54600, s14;
	s14 =	sshrl.u32 s15, $0x3  }
0x11: {  	s1 =	smov.u32 @p0 s8;
	s15 =	sshrl.u32 s16, $0x3;
	s16 =	simm.s32 $0x80  }
.LBB2_1:
0x12: {  	[tilespmem:s5], [sflag:$0x2] =	stream.linear.gather [hbm4b:s6+s5], $0x2780, $0x38;
	[tilespmem:$0x1AF00] =	vst v63  }
0x13: {  	_ =	swait.ge [sflag:s11], $0x2780  }
0x14: {  	[sflag:s11] =	ssyncset.done $0x0  }
0x15: {  	[sflag:s11] =	ssyncadd.s32 $0xFFFFD880  }
0x16: {  	[tilespmem:s12], [sflag:$0x2] =	stream.linear.gather [hbm4b:s7+s5], $0x2780, $0x38;
	[tilespmem:$0x1AF00] =	vst v63  }
0x17: {  	_ =	swait.ge [sflag:s11], $0x2780  }
0x18: {  	[sflag:s11] =	ssyncset.done $0x0  }
0x19: {  	[sflag:s11] =	ssyncadd.s32 $0xFFFFD880  }
0x1a: {  	[spmem:s14], [sflag:s13] =	dma.local [hbm:s8], $0x1400  }
0x1b: {  	_ =	swait.ge [sflag:s11], $0x1400  }
0x1c: {  	[sflag:s11] =	ssyncset.done $0x0  }
0x1d: {  	[sflag:s11] =	ssyncadd.s32 $0xFFFFEC00  }
0x1e: {  	[spmem:s15], [sflag:s13] =	dma.local [hbm:s1], $0x1400  }
0x1f: {  	_ =	swait.ge [sflag:s11], $0x1400  }
0x20: {  	[sflag:s11] =	ssyncset.done $0x0  }
0x21: {  	[sflag:s11] =	ssyncadd.s32 $0xFFFFEC00  }
0x22: {  	s20 =	simm.s32 $0x0;
	[bflag:$0x0] =	sbarrier.arrive $0xFFFF  }
0x23: {  	[tilespmem:s17], [sflag:$0x1] =	stream.indirect.gather [spmem:s3], $0x40, s20, s16, $0xb8;
	[tilespmem:$0x1AF00] =	vst v63  }
0x24: {  	_ =	swait.ge [sflag:s18], $0x2000  }
0x25: {  	[sflag:s18] =	ssyncset.done $0x0  }
0x26: {  	s31 =	simm.s32 $0x2780;
	[sflag:s18] =	ssyncadd.s32 $0xFFFFE000  }
0x27: {  	[spmem:s4] =	stream.indirect.scatter.add.f32 [tilespmem:s17], [sflag:$0x2], $0x40, s31, s16, $0xb8;
	[tilespmem:$0x1AF00] =	vst v63  }
0x28: {  	_ =	swait.ge [sflag:s11], $0x2000  }
0x29: {  	s21 =	simm.s32 $0x400;
	s20 =	simm.s32 $0x200;
	[sflag:s11] =	ssyncset.done $0x0  }
.LBB2_2:
0x2a: {  	s22 =	sshra.s32 s20, $0x2  }
0x2b: {  	[sflag:s11] =	ssyncadd.s32 $0xFFFFE000;
	s20 =	smov.u32 s21;
	s23 =	sadd.s32 $0x200, s21  }
0x2c: {  	[tilespmem:s17], [sflag:$0x1] =	stream.indirect.gather [spmem:s3], $0x40, s22, s16, $0xb8;
	[tilespmem:$0x1AF00] =	vst v63  }
0x2d: {  	p0 =	sne.s32 s21, $0x9C00;
	_ =	swait.ge [sflag:s18], $0x2000  }
.Ltmp0:
0x2e: {  	[sflag:s18] =	ssyncset.done $0x0;
	(pc) =	sbr.rel @p0 .LBB2_2-.Ltmp0, $4  }
0x2f: {  	s21 =	sadd.s32 $0x2780, s22;
	[sflag:s18] =	ssyncadd.s32 $0xFFFFE000  }
0x30: {  	[spmem:s4] =	stream.indirect.scatter.add.f32 [tilespmem:s17], [sflag:$0x2], $0x40, s21, s16, $0xb8;
	[tilespmem:$0x1AF00] =	vst v63  }
0x31: {  	_ =	swait.ge [sflag:s11], $0x2000  }
0x32: {  	s21 =	smov.u32 s23;
	[sflag:s11] =	ssyncset.done $0x0  }
0x33: {  	s20 =	sshra.s32 s20, $0x2;
	[sflag:s11] =	ssyncadd.s32 $0xFFFFE000  }
0x34: {  	[tilespmem:s17], [sflag:$0x1] =	stream.indirect.gather [spmem:s3], $0x40, s20, s16, $0xb8;
	[tilespmem:$0x1AF00] =	vst v63  }
0x35: {  	_ =	swait.ge [sflag:s18], $0x2000  }
0x36: {  	[sflag:s18] =	ssyncset.done $0x0  }
0x37: {  	s20 =	sadd.s32 $0x2780, s20;
	[sflag:s18] =	ssyncadd.s32 $0xFFFFE000  }
0x38: {  	[spmem:s4] =	stream.indirect.scatter.add.f32 [tilespmem:s17], [sflag:$0x2], $0x40, s20, s16, $0xb8;
	[tilespmem:$0x1AF00] =	vst v63  }
0x39: {  	_ =	swait.ge [sflag:s11], $0x2000  }
0x3a: {  	s19 =	sadd.s32 $0x1, s19;
	[sflag:s11] =	ssyncset.done $0x0  }
0x3b: {  	p0 =	sne.s32 s19, s10;
	[sflag:s11] =	ssyncadd.s32 $0xFFFFE000  }
.Ltmp1:
0x3c: {  	[bflag:$0x0] =	sbarrier.arrive $0xFFFF;
	(pc) =	sbr.rel @p0 .LBB2_1-.Ltmp1, $4  }
0x3d: {  	[hbm:s9], [sflag:s13] =	dma.local [spmem:s15], $0x1400  }
0x3e: {  	_ =	swait.ge [sflag:s11], $0x1400  }
0x3f: {  	[sflag:s11] =	ssyncset.done $0x0  }
0x40: {  	[sflag:s11] =	ssyncadd.s32 $0xFFFFEC00  }
0x41: {  	_ =	sfence.sel $0x180000  }
0x42: {  	[bflag:$0x0] =	sbarrier.arrive $0xFFFF  }
0x43: {  	p0 =	sne.s32 s2, $0x0;
	_ =	strace $0x90000062  }
0x44: {  	s0 =	sadd.s32 @!p0 $0x100000, s0;
	[bflag:$0x2] =	sbarrier.arrive $0xFFFF  }
0x45: {  	[sflag:s0] =	ssyncadd.tile.s32 @!p0 $0x1;
	_ =	shalt  }
.Lfunc_end2:
_tile_overlayer_lowered:
.L_overlay_start_2:
0x46: {  	(tag) =	ssettag $0x2  }
0x47: {  	s0 =	rddreg [dreg:$0x0];
	s2 =	stileid.u32  }
0x48: {  	s1 =	rddreg [dreg:$0x1];
	p0 =	sne.s32 s2, $0x0  }
0x49: {  	s3 =	rddreg [dreg:$0x2];
	[bflag:$0x3] =	sbarrier.arrive $0xFFFF;
	s2 =	simm.s32 @!p0 $0x1C02  }
0x4a: {  	[timem:s3], [sflag:s2] =	dma.local @!p0 [hbm:s0], s1  }
0x4b: {  	s0 =	simm.s32 @!p0 $0x2  }
0x4c: {  	_ =	swait.ge @!p0 [sflag:s0], s1  }
0x4d: {  	s1 =	ssub.s32 @!p0 $0x0, s1;
	[sflag:s0] =	ssyncset.done @!p0 $0x0  }
0x4e: {  	[sflag:s0] =	ssyncadd.s32 @!p0 s1  }
0x4f: {  	[bflag:$0x3] =	sbarrier.arrive $0xFFFF  }
0x50: {  	_ =	shalt  }

// kernel: kernel.55.cloned.1.call-start
scs
__scs_entry_jumppad:
0x0: {  	(pc) =	sbr.rel $0x88, $3  }
0x1: {  	(tag) =	ssettag $0x0;
	lr =	simm.s32 $0x1  }
0x2: {  	[smem:$0x3F9B] =	sst lr;
	_ =	strace $0xD0000000  }
0x3: {  	_ = 	snop  }
0x4: {  	_ = 	snop  }
0x5: {  	_ = 	snop  }
0x6: {  	_ = 	snop  }
0x7: {  	_ = 	snop  }
__scs_overlays_trampoline_lowered:
0x8: {  	[smem:$0x3FAA] =	sst s0  }
0x9: {  	[smem:$0x3FAB] =	sst s1  }
0xa: {  	[smem:$0x3FAC] =	sst s2  }
0xb: {  	[smem:$0x3FAD] =	sst s3  }
0xc: {  	[smem:$0x3FAE] =	sst s4  }
0xd: {  	[smem:$0x3FAF] =	sst s5  }
0xe: {  	[smem:$0x3FB0] =	sst s6  }
0xf: {  	[smem:$0x3FB1] =	sst s7  }
0x10: {  	[smem:$0x3FB2] =	sst s8  }
0x11: {  	[smem:$0x3FB3] =	sst s9;
	s0 =	simm.s32 @!p0 $0x0  }
0x12: {  	s1 =	sld [smem:$0x3F99];
	s0 =	simm.s32 @p0 $0x1  }
0x13: {  	[smem:$0x3FB4] =	sst s0;
	s0 =	simm.s32 @!p1 $0x0  }
0x14: {  	s2 =	sld [smem:$0x3F98];
	s0 =	simm.s32 @p1 $0x1  }
0x15: {  	[smem:$0x3FB5] =	sst s0;
	s0 =	simm.s32 @!p2 $0x0  }
0x16: {  	s3 =	sld [smem:$0x3FDB];
	s0 =	simm.s32 @p2 $0x1  }
0x17: {  	s4 =	simm.s32 $0x1BF5;
	[smem:$0x3FB7] =	sst s0  }
0x18: {  	s0 =	sld [smem:$0x3F9A];
	_ =	swait.ge [sflag:s4], $0x0  }
0x19: {  	s7 =	sld [smem:$0x3F9B]  }
0x1a: {  	s8 =	sadd.s32 $0xFFFFE003, lr  }
0x1b: {  	s9 =	sadd.s32 $0xFFFFFEF7, lr;
	s5 =	simm.s32 $0xFFFFFFFF;
	p2 =	slt.u32 s8, $0xFFFFF086  }
0x1c: {  	p1 =	slt.u32 s9, $0xF7A;
	s5 =	simm.s32 @!p2 $0x0  }
0x1d: {  	s5 =	simm.s32 @p1 $0x1;
	p0 =	seq.s32 s7, s2  }
0x1e: {  	s7 =	smul.u32 @!p0 $0xF7A, s2;
	p2 =	seq.s32 @!p0 s5, $0x0  }
0x1f: {  	s9 =	smul.u32 $0xF7A, s1;
	s8 =	simm.s32 @!p0 $0x1BF5;
	p2 =	por !p2, p0  }
0x20: {  	[sflag:s8] =	ssyncset.s32 @!p0 $0xFFFFF086;
	s6 =	sadd.s32 @!p0 s3, s7;
	s7 =	simm.s32 @!p0 $0x108  }
0x21: {  	s3 =	sadd.s32 s3, s9;
	s6 =	sadd.s32 @!p0 $0x88, s6;
	s7 =	simm.s32 @p2 $0x1082  }
0x22: {  	[simem:s7], [sflag:s8] =	dma.local @!p0 [hbm:s6], $0xF7A  }
0x23: {  	s9 =	sor.u32 $0xD0000000, s2;
	s6 =	simm.s32 $0x108;
	_ =	swait.ge @!p0 [sflag:s8], $0x0  }
0x24: {  	s3 =	sadd.s32 $0x88, s3;
	s6 =	simm.s32 @!p1 $0x1082;
	[sflag:s4] =	ssyncset.s32 $0xFFFFF086  }
0x25: {  	[simem:s6], [sflag:s4] =	dma.local [hbm:s3], $0xF7A  }
0x26: {  	[smem:$0x3F9B] =	sst s1;
	(tag) =	ssettag s2;
	_ =	strace s9  }
0x27: {  	s1 =	sld [smem:$0x3FAB]  }
0x28: {  	s2 =	sld [smem:$0x3FAC]  }
0x29: {  	s4 =	sld [smem:$0x3FAE]  }
0x2a: {  	p0 =	seq.s32 s5, $0x0;
	s5 =	sld [smem:$0x3FAF]  }
0x2b: {  	s6 =	sld [smem:$0x3FB0]  }
0x2c: {  	s7 =	sld [smem:$0x3FB1]  }
0x2d: {  	s3 =	simm.s32 $0x108;
	s8 =	sld [smem:$0x3FB2]  }
0x2e: {  	s3 =	simm.s32 @!p0 $0x1082;
	s9 =	sld [smem:$0x3FB3]  }
0x2f: {  	lr =	sadd.s32 s0, s3;
	s0 =	sld [smem:$0x3FAA]  }
0x30: {  	s3 =	sld [smem:$0x3FAD]  }
0x31: {  	[smem:$0x3FB6] =	sst s10  }
0x32: {  	s10 =	sld [smem:$0x3FB4];
	_ =	sdelay $0x3  }
0x33: {  	p0 =	seq.s32 s10, $0x1;
	s10 =	sld [smem:$0x3FB6];
	_ =	sdelay $0x3  }
0x34: {  	[smem:$0x3FB6] =	sst s10  }
0x35: {  	s10 =	sld [smem:$0x3FB5];
	_ =	sdelay $0x3  }
0x36: {  	p1 =	seq.s32 s10, $0x1;
	s10 =	sld [smem:$0x3FB6];
	_ =	sdelay $0x3  }
0x37: {  	[smem:$0x3FB6] =	sst s10  }
0x38: {  	s10 =	sld [smem:$0x3FB7]  }
0x39: {  	_ = 	snop;
	(pc) =	sbr.ind lr, $3  }
0x3a: {  	_ = 	snop  }
0x3b: {  	_ = 	snop  }
0x3c: {  	p2 =	seq.s32 s10, $0x1;
	s10 =	sld [smem:$0x3FB6]  }
0x3d: {  	_ =	shalt  }
0x3e: {  	_ =	shalt  }
0x3f: {  	_ =	shalt  }
0x40: {  	_ =	shalt  }
0x41: {  	_ =	shalt  }
0x42: {  	_ =	shalt  }
0x43: {  	_ =	shalt  }
0x44: {  	_ =	shalt  }
0x45: {  	_ =	shalt  }
0x46: {  	_ =	shalt  }
0x47: {  	_ =	shalt  }
0x48: {  	_ =	shalt  }
0x49: {  	_ =	shalt  }
0x4a: {  	_ =	shalt  }
0x4b: {  	_ =	shalt  }
0x4c: {  	_ =	shalt  }
0x4d: {  	_ =	shalt  }
0x4e: {  	_ =	shalt  }
0x4f: {  	_ =	shalt  }
0x50: {  	_ =	shalt  }
0x51: {  	_ =	shalt  }
0x52: {  	_ =	shalt  }
0x53: {  	_ =	shalt  }
0x54: {  	_ =	shalt  }
0x55: {  	_ =	shalt  }
0x56: {  	_ =	shalt  }
0x57: {  	_ =	shalt  }
0x58: {  	_ =	shalt  }
0x59: {  	_ =	shalt  }
0x5a: {  	_ =	shalt  }
0x5b: {  	_ =	shalt  }
0x5c: {  	_ =	shalt  }
0x5d: {  	_ =	shalt  }
0x5e: {  	_ =	shalt  }
0x5f: {  	_ =	shalt  }
0x60: {  	_ =	shalt  }
0x61: {  	_ =	shalt  }
0x62: {  	_ =	shalt  }
0x63: {  	_ =	shalt  }
0x64: {  	_ =	shalt  }
0x65: {  	_ =	shalt  }
0x66: {  	_ =	shalt  }
0x67: {  	_ =	shalt  }
0x68: {  	_ =	shalt  }
0x69: {  	_ =	shalt  }
0x6a: {  	_ =	shalt  }
0x6b: {  	_ =	shalt  }
0x6c: {  	_ =	shalt  }
0x6d: {  	_ =	shalt  }
0x6e: {  	_ =	shalt  }
0x6f: {  	_ =	shalt  }
0x70: {  	_ =	shalt  }
0x71: {  	_ =	shalt  }
0x72: {  	_ =	shalt  }
0x73: {  	_ =	shalt  }
0x74: {  	_ =	shalt  }
0x75: {  	_ =	shalt  }
0x76: {  	_ =	shalt  }
0x77: {  	_ =	shalt  }
0x78: {  	_ =	shalt  }
0x79: {  	_ =	shalt  }
0x7a: {  	_ =	shalt  }
0x7b: {  	_ =	shalt  }
0x7c: {  	_ =	shalt  }
0x7d: {  	_ =	shalt  }
0x7e: {  	_ =	shalt  }
0x7f: {  	_ =	shalt  }
0x80: {  	_ =	shalt  }
0x81: {  	_ =	shalt  }
0x82: {  	_ =	shalt  }
0x83: {  	_ =	shalt  }
0x84: {  	_ =	shalt  }
0x85: {  	_ =	shalt  }
0x86: {  	_ =	shalt  }
0x87: {  	_ =	shalt  }
.Lfunc_end0:
.L_simem_size_0:
called_computation.10_lowered:
.L_overlay_start_0:
0x88: {  	s2 =	sld [smem:$0x3FD9]  }
0x89: {  	s3 =	sld [smem:$0x3FFE];
	_ =	sdelay $0x1  }
0x8a: {  	s1 =	srdreg.scid  }
0x8b: {  	s0 =	sand.u32 $0x1, s1  }
0x8c: {  	s17 =	sshll.u32 s0, $0xA;
	s2 =	sadd.s32 s3, s2  }
0x8d: {  	s2 =	sadd.s32 s2, s17  }
0x8e: {  	[smem:$0x3FC2] =	sst s2  }
0x8f: {  	_ = 	snop  }
0x90: {  	s2 =	sld [smem:$0x3FD0];
	(tm) =	ssettm $0x1  }
0x91: {  	s18 =	sld [smem:$0x3FFB];
	_ =	sdelay $0x3  }
0x92: {  	_ =	strace s18  }
0x93: {  	s3 =	sld [smem:$0x3FFC];
	_ =	sdelay $0x3  }
0x94: {  	_ =	strace s3  }
0x95: {  	s3 =	sld [smem:$0x3FFD];
	_ =	sdelay $0x3  }
0x96: {  	_ =	strace s3  }
0x97: {  	_ =	strace $0x8FFFFFFF  }
0x98: {  	s19 =	sld [smem:$0x3FDB];
	_ =	sdelay $0x1  }
0x99: {  	s4 =	simm.s32 $_scs_section_size  }
0x9a: {  	s5 =	simm.s32 $_size__tile_overlayer_lowered;
	s6 =	simm.s32 $_tile_overlayer_lowered  }
0x9b: {  	s22 =	simm.s32 $0x1BFF;
	s21 =	sshll.u32 s6, $0x1;
	s3 =	sadd.s32 s4, s19  }
0x9c: {  	s7 =	simm.s32 $0x0;
	s20 =	sshll.u32 s5, $0x1;
	s5 =	sadd.s32 s21, s3  }
0x9d: {  	[timem:s7], [sflag:s22] =	dma.local [hbm:s5], s20  }
0x9e: {  	_ =	swait.ge [sflag:s22], s20  }
0x9f: {  	s4 =	ssub.s32 $0x0, s20;
	[sflag:s22] =	ssyncset.done $0x0  }
0xa0: {  	[sflag:s22] =	ssyncadd.s32 s4;
	_ =	sdelay $0x1  }
0xa1: {  	s23 =	simm.s32 $0x1B8B  }
0xa2: {  	_ =	swait.ge [sflag:s23], $0x1  }
0xa3: {  	[sflag:s23] =	ssyncset.done $0x0  }
0xa4: {  	s25 =	simm.s32 $0x1B8E;
	s24 =	sld [smem:$0x3FFE];
	[sflag:s23] =	ssyncadd.s32 $0xFFFFFFFF  }
0xa5: {  	s26 =	simm.s32 $execute0_lowered;
	[smem:$0x3FD2] =	sst s25  }
0xa6: {  	s5 =	sshll.u32 s26, $0x1;
	_ =	strace $0x80000064;
	[dreg:$0x1] =	wrdreg $0xFFFFFFFF  }
0xa7: {  	s28 =	simm.s32 $_size_execute0_lowered;
	s3 =	sadd.s32 s3, s5;
	[dreg:$0x0] =	wrdreg $0x0  }
0xa8: {  	s5 =	sshll.u32 s28, $0x1;
	[dreg:$0x2] =	wrdreg s3  }
0xa9: {  	[dreg:$0x3] =	wrdreg s5  }
0xaa: {  	[dreg:$0x4] =	wrdreg $0xC0  }
0xab: {  	_ =	task [dreg:s7], $0x5FFFF  }
0xac: {  	[dreg:$0x1] =	wrdreg $0xFFFFFFFF  }
0xad: {  	[dreg:$0x0] =	wrdreg $0x60  }
0xae: {  	[dreg:$0x2] =	wrdreg s24  }
0xaf: {  	[dreg:$0x3] =	wrdreg s2  }
0xb0: {  	[dreg:$0x4] =	wrdreg $0x6F000  }
0xb1: {  	[dreg:$0x5] =	wrdreg $0x10F000  }
0xb2: {  	[dreg:$0x6] =	wrdreg $0x9  }
0xb3: {  	_ =	task.clear_ibuf [dreg:s7], $0x7FFFF;
	_ =	strace $0x90000064  }
0xb4: {  	s29 =	simm.s32 $0x9;
	_ =	strace $0x80000066  }
0xb5: {  	_ =	swait.ge [sflag:s29], $0x1  }
0xb6: {  	[sflag:s29] =	ssyncadd.s32 $0xFFFFFFFF  }
0xb7: {  	_ =	strace $0x90000066  }
0xb8: {  	_ =	sfence  }
0xb9: {  	s30 =	sld [smem:$0x0];
	_ =	sdelay $0x2  }
0xba: {  	s31 =	sshll.u32 s1, $0xD;
	s1 =	sshrl.u32 s1, $0x2  }
0xbb: {  	s3 =	sand.u32 $0x4000, s31;
	s1 =	sadd.s32 s1, s30  }
0xbc: {  	s0 =	sor.u32 s3, s0;
	s1 =	sshll.u32 s1, $0x11  }
0xbd: {  	s0 =	sor.u32 s1, s0  }
0xbe: {  	s0 =	sadd.s32 $0x8F2B, s0  }
0xbf: {  	[sflag:s0] =	ssyncadd.remote.s32 $0x1  }
0xc0: {  	_ =	sfence.sel $0xFFFF  }
0xc1: {  	[dreg:$0x0] =	wrdreg $0xFFFFFFFF;
	(pc) =	sbr.abs _section_cstart, $3  }
0xc2: {  	[dreg:$0x1] =	wrdreg $0xFFFFFFFF  }
0xc3: {  	_ =	task.clear_ibuf [dreg:s7], $0x2FFFF;
	_ =	strace $0x9FFFFFFF  }
0xc4: {  	(tm) =	ssettm $0x7FFFFFFF  }
0xc5: {  	_ =	shalt  }
tec
execute0_lowered:
.L_overlay_start_1:
0x0: {  	(tag) =	ssettag $0x1  }
0x1: {  	s6 =	rddreg [dreg:$0x0]  }
0x2: {  	s1 =	rddreg [dreg:$0x1]  }
0x3: {  	s3 =	rddreg [dreg:$0x2]  }
0x4: {  	s4 =	rddreg [dreg:$0x3];
	s5 =	srdreg.scid  }
0x5: {  	s0 =	rddreg [dreg:$0x4];
	s2 =	stileid.u32;
	s17 =	simm.s32 $0x4F00  }
0x6: {  	s18 =	simm.s32 $0x1;
	s19 =	simm.s32 $0x0;
	s11 =	sand.u32 $0x1, s5  }
0x7: {  	s5 =	simm.s32 $0x0;
	s9 =	smul.u32 $0xA000, s2;
	s31 =	sshll.u32 s2, $0x6  }
0x8: {  	s7 =	sshll.u32 s11, $0x4;
	[smem:$0x7FF] =	sst s5;
	s8 =	smul.u32 $0xA0000, s11  }
0x9: {  	s12 =	ssub.s32 $0x2, s11;
	p0 =	seq.s32 s11, $0x0;
	s11 =	simm.s32 $0x2  }
0xa: {  	s7 =	sor.u32 s2, s7;
	_ =	strace $0x80000065;
	s10 =	sshrl.u32 s9, $0x3  }
0xb: {  	s13 =	sshrl.u32 s12, $0x1;
	s15 =	sadd.s32 s9, s3;
	s16 =	sadd.s32 s9, s4  }
0xc: {  	s7 =	smul.u32 $0x4F0, s7;
	s10 =	sadd.s32 s10, s6;
	s8 =	sadd.s32 s9, s8  }
0xd: {  	s12 =	ssub.s32 s12, s13;
	s13 =	sor.u32 $0x1C02, s31;
	s8 =	sshrl.u32 s8, $0x3  }
0xe: {  	s7 =	sadd.s32 s7, s6;
	s14 =	sadd.s32 s8, s6;
	s8 =	sadd.s32 $0x40600, s10  }
0xf: {  	s10 =	smax.u32 s12, $0x1;
	s12 =	simm.s32 $0x2780;
	s6 =	sadd.s32 $0xE800, s7  }
0x10: {  	s7 =	sadd.s32 $0x4200, s7;
	s9 =	sadd.s32 $0x54600, s14;
	s14 =	sshrl.u32 s15, $0x3  }
0x11: {  	s1 =	smov.u32 @p0 s8;
	s15 =	sshrl.u32 s16, $0x3;
	s16 =	simm.s32 $0x80  }
.LBB2_1:
0x12: {  	[tilespmem:s5], [sflag:$0x2] =	stream.linear.gather [hbm4b:s6+s5], $0x2780, $0x38;
	[tilespmem:$0x1AF00] =	vst v63  }
0x13: {  	_ =	swait.ge [sflag:s11], $0x2780  }
0x14: {  	[sflag:s11] =	ssyncset.done $0x0  }
0x15: {  	[sflag:s11] =	ssyncadd.s32 $0xFFFFD880  }
0x16: {  	[tilespmem:s12], [sflag:$0x2] =	stream.linear.gather [hbm4b:s7+s5], $0x2780, $0x38;
	[tilespmem:$0x1AF00] =	vst v63  }
0x17: {  	_ =	swait.ge [sflag:s11], $0x2780  }
0x18: {  	[sflag:s11] =	ssyncset.done $0x0  }
0x19: {  	[sflag:s11] =	ssyncadd.s32 $0xFFFFD880  }
0x1a: {  	[spmem:s14], [sflag:s13] =	dma.local [hbm:s8], $0x1400  }
0x1b: {  	_ =	swait.ge [sflag:s11], $0x1400  }
0x1c: {  	[sflag:s11] =	ssyncset.done $0x0  }
0x1d: {  	[sflag:s11] =	ssyncadd.s32 $0xFFFFEC00  }
0x1e: {  	[spmem:s15], [sflag:s13] =	dma.local [hbm:s1], $0x1400  }
0x1f: {  	_ =	swait.ge [sflag:s11], $0x1400  }
0x20: {  	[sflag:s11] =	ssyncset.done $0x0  }
0x21: {  	[sflag:s11] =	ssyncadd.s32 $0xFFFFEC00  }
0x22: {  	s20 =	simm.s32 $0x0;
	[bflag:$0x0] =	sbarrier.arrive $0xFFFF  }
0x23: {  	[tilespmem:s17], [sflag:$0x1] =	stream.indirect.gather [spmem:s3], $0x40, s20, s16, $0xb8;
	[tilespmem:$0x1AF00] =	vst v63  }
0x24: {  	_ =	swait.ge [sflag:s18], $0x2000  }
0x25: {  	[sflag:s18] =	ssyncset.done $0x0  }
0x26: {  	s31 =	simm.s32 $0x2780;
	[sflag:s18] =	ssyncadd.s32 $0xFFFFE000  }
0x27: {  	[spmem:s4] =	stream.indirect.scatter.add.f32 [tilespmem:s17], [sflag:$0x2], $0x40, s31, s16, $0xb8;
	[tilespmem:$0x1AF00] =	vst v63  }
0x28: {  	_ =	swait.ge [sflag:s11], $0x2000  }
0x29: {  	s21 =	simm.s32 $0x400;
	s20 =	simm.s32 $0x200;
	[sflag:s11] =	ssyncset.done $0x0  }
.LBB2_2:
0x2a: {  	s22 =	sshra.s32 s20, $0x2  }
0x2b: {  	[sflag:s11] =	ssyncadd.s32 $0xFFFFE000;
	s20 =	smov.u32 s21;
	s23 =	sadd.s32 $0x200, s21  }
0x2c: {  	[tilespmem:s17], [sflag:$0x1] =	stream.indirect.gather [spmem:s3], $0x40, s22, s16, $0xb8;
	[tilespmem:$0x1AF00] =	vst v63  }
0x2d: {  	p0 =	sne.s32 s21, $0x9C00;
	_ =	swait.ge [sflag:s18], $0x2000  }
.Ltmp0:
0x2e: {  	[sflag:s18] =	ssyncset.done $0x0;
	(pc) =	sbr.rel @p0 .LBB2_2-.Ltmp0, $4  }
0x2f: {  	s21 =	sadd.s32 $0x2780, s22;
	[sflag:s18] =	ssyncadd.s32 $0xFFFFE000  }
0x30: {  	[spmem:s4] =	stream.indirect.scatter.add.f32 [tilespmem:s17], [sflag:$0x2], $0x40, s21, s16, $0xb8;
	[tilespmem:$0x1AF00] =	vst v63  }
0x31: {  	_ =	swait.ge [sflag:s11], $0x2000  }
0x32: {  	s21 =	smov.u32 s23;
	[sflag:s11] =	ssyncset.done $0x0  }
0x33: {  	s20 =	sshra.s32 s20, $0x2;
	[sflag:s11] =	ssyncadd.s32 $0xFFFFE000  }
0x34: {  	[tilespmem:s17], [sflag:$0x1] =	stream.indirect.gather [spmem:s3], $0x40, s20, s16, $0xb8;
	[tilespmem:$0x1AF00] =	vst v63  }
0x35: {  	_ =	swait.ge [sflag:s18], $0x2000  }
0x36: {  	[sflag:s18] =	ssyncset.done $0x0  }
0x37: {  	s20 =	sadd.s32 $0x2780, s20;
	[sflag:s18] =	ssyncadd.s32 $0xFFFFE000  }
0x38: {  	[spmem:s4] =	stream.indirect.scatter.add.f32 [tilespmem:s17], [sflag:$0x2], $0x40, s20, s16, $0xb8;
	[tilespmem:$0x1AF00] =	vst v63  }
0x39: {  	_ =	swait.ge [sflag:s11], $0x2000  }
0x3a: {  	s19 =	sadd.s32 $0x1, s19;
	[sflag:s11] =	ssyncset.done $0x0  }
0x3b: {  	p0 =	sne.s32 s19, s10;
	[sflag:s11] =	ssyncadd.s32 $0xFFFFE000  }
.Ltmp1:
0x3c: {  	[bflag:$0x0] =	sbarrier.arrive $0xFFFF;
	(pc) =	sbr.rel @p0 .LBB2_1-.Ltmp1, $4  }
0x3d: {  	[hbm:s9], [sflag:s13] =	dma.local [spmem:s15], $0x1400  }
0x3e: {  	_ =	swait.ge [sflag:s11], $0x1400  }
0x3f: {  	[sflag:s11] =	ssyncset.done $0x0  }
0x40: {  	[sflag:s11] =	ssyncadd.s32 $0xFFFFEC00  }
0x41: {  	_ =	sfence.sel $0x180000  }
0x42: {  	[bflag:$0x0] =	sbarrier.arrive $0xFFFF  }
0x43: {  	p0 =	sne.s32 s2, $0x0;
	_ =	strace $0x90000065  }
0x44: {  	s0 =	sadd.s32 @!p0 $0x100000, s0;
	[bflag:$0x2] =	sbarrier.arrive $0xFFFF  }
0x45: {  	[sflag:s0] =	ssyncadd.tile.s32 @!p0 $0x1;
	_ =	shalt  }
.Lfunc_end2:
_tile_overlayer_lowered:
.L_overlay_start_2:
0x46: {  	(tag) =	ssettag $0x2  }
0x47: {  	s0 =	rddreg [dreg:$0x0];
	s2 =	stileid.u32  }
0x48: {  	s1 =	rddreg [dreg:$0x1];
	p0 =	sne.s32 s2, $0x0  }
0x49: {  	s3 =	rddreg [dreg:$0x2];
	[bflag:$0x3] =	sbarrier.arrive $0xFFFF;
	s2 =	simm.s32 @!p0 $0x1C02  }
0x4a: {  	[timem:s3], [sflag:s2] =	dma.local @!p0 [hbm:s0], s1  }
0x4b: {  	s0 =	simm.s32 @!p0 $0x2  }
0x4c: {  	_ =	swait.ge @!p0 [sflag:s0], s1  }
0x4d: {  	s1 =	ssub.s32 @!p0 $0x0, s1;
	[sflag:s0] =	ssyncset.done @!p0 $0x0  }
0x4e: {  	[sflag:s0] =	ssyncadd.s32 @!p0 s1  }
0x4f: {  	[bflag:$0x3] =	sbarrier.arrive $0xFFFF  }
0x50: {  	_ =	shalt  }

</sc_bundles>
